<compile_context>
chip_gen: v7x
topology: tpu7x:2x2x1
jax: 0.10.2.dev20260603
libtpu: 0.0.44.dev20260713+nightly
codegen_flags: <defaults>
</compile_context>

<pallas_src>
import functools

import jax
import jax.numpy as jnp
from jax import lax
from jax.experimental import pallas as pl
from jax.experimental.pallas import tpu as pltpu
from jax.experimental.pallas import tpu_sc as plsc

NC = 2
NS = 16
NW = NC * NS
NBUF = 3


def _segment_sum_sc(x, src3, dst3, zeros):
    n, d = x.shape
    _, c_chunks, b = src3.shape
    ic = 2 * NBUF
    rows_per_tile = (n // NS) // 8 * 8
    tail = n - NS * rows_per_tile
    mesh = plsc.VectorSubcoreMesh(core_axis_name="c", subcore_axis_name="s")

    @functools.partial(
        pl.kernel,
        out_type=jax.ShapeDtypeStruct((NC, n, d), jnp.float32),
        mesh=mesh,
        scratch_types=(
            [
                pltpu.VMEM((ic, b), jnp.int32),
                pltpu.VMEM((ic, b), jnp.int32),
            ]
            + [pltpu.VMEM((b, d), jnp.float32)] * NBUF
            + [pltpu.VMEM_SHARED((n, d), jnp.float32)]
            + [pltpu.SemaphoreType.DMA] * (2 * ic + 2 * NBUF)
        ),
    )
    def seg_kernel(x_hbm, src_hbm, dst_hbm, zeros_hbm, out_hbm,
                   src_ring, dst_ring, *rest):
        bufs = rest[:NBUF]
        acc_sh = rest[NBUF]
        isrc = rest[NBUF + 1:NBUF + 1 + ic]
        idst = rest[NBUF + 1 + ic:NBUF + 1 + 2 * ic]
        gsem = rest[NBUF + 1 + 2 * ic:NBUF + 1 + 2 * ic + NBUF]
        ssem = rest[NBUF + 1 + 2 * ic + NBUF:]
        cid = lax.axis_index("c")
        sid = lax.axis_index("s")
        wid = sid * NC + cid
        my_rows = pl.ds(sid * rows_per_tile, rows_per_tile)
        tail_rows = pl.ds(NS * rows_per_tile, tail)
        for t in range(ic):
            pltpu.async_copy(src_hbm.at[wid, t], src_ring.at[t], isrc[t])
        for t in range(ic - 1):
            pltpu.async_copy(dst_hbm.at[wid, t], dst_ring.at[t], idst[t])
        for s in range(2):
            pltpu.make_async_copy(
                src_hbm.at[wid, s], src_ring.at[s], isrc[s]).wait()
            pltpu.async_copy(x_hbm.at[src_ring.at[s]], bufs[s], gsem[s])
        pltpu.sync_copy(zeros_hbm.at[my_rows], acc_sh.at[my_rows])
        if tail:
            @pl.when(sid == NS - 1)
            def _zero_tail():
                pltpu.sync_copy(zeros_hbm.at[tail_rows], acc_sh.at[tail_rows])
        plsc.subcore_barrier()

        def emit_chunk(c, k):
            s = k % NBUF
            s2 = (k + 2) % NBUF
            k2 = (k + 2) % ic
            pltpu.make_async_copy(
                x_hbm.at[src_ring.at[k]], bufs[s], gsem[s]).wait()
            pltpu.make_async_copy(
                dst_hbm.at[wid, c], dst_ring.at[k], idst[k]).wait()
            pltpu.async_copy(
                bufs[s], acc_sh.at[dst_ring.at[k]], ssem[s], add=True)

            @pl.when(c >= 1)
            def _drain_prev():
                pltpu.make_async_copy(
                    bufs[s2], acc_sh.at[dst_ring.at[k]], ssem[s2]).wait()

            @pl.when(c + (ic - 1) < c_chunks)
            def _refill_dst():
                pltpu.async_copy(dst_hbm.at[wid, c + (ic - 1)],
                                 dst_ring.at[(k + ic - 1) % ic],
                                 idst[(k + ic - 1) % ic])

            @pl.when(c + ic < c_chunks)
            def _refill_src():
                pltpu.async_copy(
                    src_hbm.at[wid, c + ic], src_ring.at[k], isrc[k])

            @pl.when(c + 2 < c_chunks)
            def _refill_rows():
                pltpu.make_async_copy(
                    src_hbm.at[wid, c + 2], src_ring.at[k2], isrc[k2]).wait()
                pltpu.async_copy(x_hbm.at[src_ring.at[k2]], bufs[s2], gsem[s2])

        def body(g, carry):
            for k in range(ic):
                emit_chunk(g * ic + k, k)
            return carry

        n_groups = c_chunks // ic
        lax.fori_loop(0, n_groups, body, 0)
        for k in range(c_chunks - n_groups * ic):
            emit_chunk(n_groups * ic + k, k)
        s_last = (c_chunks - 1) % NBUF
        pltpu.make_async_copy(
            bufs[s_last], acc_sh.at[dst_ring.at[0]], ssem[s_last]).wait()
        plsc.subcore_barrier()
        pltpu.sync_copy(acc_sh.at[my_rows], out_hbm.at[cid, my_rows])
        if tail:
            @pl.when(sid == NS - 1)
            def _out_tail():
                pltpu.sync_copy(acc_sh.at[tail_rows], out_hbm.at[cid, tail_rows])

    return seg_kernel(x, src3, dst3, zeros)


def _dense_tc(partials, w, bias, relu):
    _, n, d = partials.shape
    d_out = w.shape[1]
    bn = 5000

    def body(p_ref, w_ref, b_ref, o_ref):
        a = p_ref[0] + p_ref[1]
        y = jnp.dot(a, w_ref[...], preferred_element_type=jnp.float32)
        y = y + b_ref[...]
        if relu:
            y = jnp.maximum(y, 0.0)
        o_ref[...] = y

    return pl.pallas_call(
        body,
        grid=(n // bn,),
        in_specs=[
            pl.BlockSpec((NC, bn, d), lambda i: (0, i, 0)),
            pl.BlockSpec((d, d_out), lambda i: (0, 0)),
            pl.BlockSpec((1, d_out), lambda i: (0, 0)),
        ],
        out_specs=pl.BlockSpec((bn, d_out), lambda i: (i, 0)),
        out_shape=jax.ShapeDtypeStruct((n, d_out), jnp.float32),
    )(partials, w, bias.reshape(1, -1))


def kernel(features, edge_index, W0, b0, W1, b1):
    n, d_in = features.shape
    e = edge_index.shape[1]
    e_per_w = e // NW
    b = 100
    c_chunks = e_per_w // b
    src3 = edge_index[0].reshape(NW, c_chunks, b)
    dst3 = edge_index[1].reshape(NW, c_chunks, b)
    zeros = jnp.zeros((n, d_in), jnp.float32)

    p0 = _segment_sum_sc(features, src3, dst3, zeros)
    h = _dense_tc(p0, W0, b0, relu=True)
    p1 = _segment_sum_sc(h, src3, dst3, zeros)
    return _dense_tc(p1, W1, b1, relu=False)

# --- scband reference (transcript-rebuilt; emitter-appended) ---
"""Pipeline reference for scband-gcn-minibatch-42021960024582 (READ-ONLY COPY).

The authoritative reference and input builder live on the scoring server;
editing this copy changes nothing except your own understanding.
"""

import jax, jax.numpy as jnp
import numpy as np

N = 10000
E = 320000
D_IN = 128
D_HID = 128
D_OUT = 64


def setup_inputs(seed: int = 0) -> dict:
    key = jax.random.key(seed)
    k1, k2, k3, k4, k5, k6 = jax.random.split(key, 6)
    features = jax.random.normal(k1, (N, D_IN), dtype=jnp.float32)
    edge_index = jax.random.randint(k2, (2, E), 0, N, dtype=jnp.int32)
    W0 = jax.random.normal(k3, (D_IN, D_HID), dtype=jnp.float32) * 0.05
    b0 = jnp.zeros((D_HID,), dtype=jnp.float32)
    W1 = jax.random.normal(k4, (D_HID, D_OUT), dtype=jnp.float32) * 0.05
    b1 = jnp.zeros((D_OUT,), dtype=jnp.float32)
    return {"features": features, "edge_index": edge_index, "W0": W0, "b0": b0, "W1": W1, "b1": b1}


def _graph_conv(x, src, dst, W, b):
    # DGL GraphConv with norm='none': linear transform + sum-aggregate over incoming edges + bias
    m = jnp.take(x, src, axis=0) @ W          # gather src features, transform
    agg = jnp.zeros((x.shape[0], W.shape[1]), dtype=x.dtype).at[dst].add(m)  # scatter-add to dst
    return agg + b


def reference(features, edge_index, W0, b0, W1, b1):
    src = edge_index[0]
    dst = edge_index[1]
    h = _graph_conv(features, src, dst, W0, b0)
    h = jax.nn.relu(h)  # activation on hidden layer
    # dropout p=0.0 in eval -> identity
    h = _graph_conv(h, src, dst, W1, b1)  # output layer, no activation
    return h

if __name__ == "__main__":
    import jax
    _d = setup_inputs()
    print(jax.jit(kernel)(*tuple(_d.values())))

</pallas_src>

<mosaic_0001>
#map = affine_map<(d0, d1) -> (0, 0)>
#map1 = affine_map<(d0, d1) -> (0, 0, 0)>
module attributes {stable_mosaic.version = 14 : i64} {
  func.func @seg_kernel(%arg0: i32, %arg1: i32, %arg2: memref<10000x128xf32, #tpu.memory_space<hbm>>, %arg3: memref<32x100x100xi32, #tpu.memory_space<hbm>>, %arg4: memref<32x100x100xi32, #tpu.memory_space<hbm>>, %arg5: memref<10000x128xf32, #tpu.memory_space<hbm>>, %arg6: memref<2x10000x128xf32, #tpu.memory_space<hbm>>, %arg7: memref<6x100xi32, #tpu.memory_space<vmem>>, %arg8: memref<6x100xi32, #tpu.memory_space<vmem>>, %arg9: memref<100x128xf32, #tpu.memory_space<vmem>>, %arg10: memref<100x128xf32, #tpu.memory_space<vmem>>, %arg11: memref<100x128xf32, #tpu.memory_space<vmem>>, %arg12: memref<10000x128xf32, #tpu.memory_space<vmem_shared>>, %arg13: memref<!tpu.dma_semaphore, #tpu.memory_space<semaphore_mem>>, %arg14: memref<!tpu.dma_semaphore, #tpu.memory_space<semaphore_mem>>, %arg15: memref<!tpu.dma_semaphore, #tpu.memory_space<semaphore_mem>>, %arg16: memref<!tpu.dma_semaphore, #tpu.memory_space<semaphore_mem>>, %arg17: memref<!tpu.dma_semaphore, #tpu.memory_space<semaphore_mem>>, %arg18: memref<!tpu.dma_semaphore, #tpu.memory_space<semaphore_mem>>, %arg19: memref<!tpu.dma_semaphore, #tpu.memory_space<semaphore_mem>>, %arg20: memref<!tpu.dma_semaphore, #tpu.memory_space<semaphore_mem>>, %arg21: memref<!tpu.dma_semaphore, #tpu.memory_space<semaphore_mem>>, %arg22: memref<!tpu.dma_semaphore, #tpu.memory_space<semaphore_mem>>, %arg23: memref<!tpu.dma_semaphore, #tpu.memory_space<semaphore_mem>>, %arg24: memref<!tpu.dma_semaphore, #tpu.memory_space<semaphore_mem>>, %arg25: memref<!tpu.dma_semaphore, #tpu.memory_space<semaphore_mem>>, %arg26: memref<!tpu.dma_semaphore, #tpu.memory_space<semaphore_mem>>, %arg27: memref<!tpu.dma_semaphore, #tpu.memory_space<semaphore_mem>>, %arg28: memref<!tpu.dma_semaphore, #tpu.memory_space<semaphore_mem>>, %arg29: memref<!tpu.dma_semaphore, #tpu.memory_space<semaphore_mem>>, %arg30: memref<!tpu.dma_semaphore, #tpu.memory_space<semaphore_mem>>) attributes {dimension_semantics = [#tpu.dimension_semantics<core_parallel>, #tpu.dimension_semantics<subcore_parallel>], iteration_bounds = array<i64: 2, 16>, scalar_prefetch = 0 : i64, scratch_operands = 24 : i64, tpu.core_type = #tpu.core_type<sc_vector_subcore>, window_params = [{transform_indices = #map}, {transform_indices = #map1}, {transform_indices = #map1}, {transform_indices = #map}, {transform_indices = #map1}]} {
    %mul3A = arith.constant 2 : i32
    %mul3A_0 = arith.muli %arg1, %mul3A : i32
    %add3A = arith.addi %mul3A_0, %arg0 : i32
    %mul3A_1 = arith.constant 624 : i32
    %mul3A_2 = arith.muli %arg1, %mul3A_1 : i32
    %dma_start3A = arith.constant 0 : i32
    %dma_start3A_3 = arith.constant 0 : i32
    %dma_start3A_4 = arith.constant 0 : i32
    %dma_start3A_5 = tpu.memref_slice %arg7[%dma_start3A_3, %dma_start3A_4] : memref<6x100xi32, #tpu.memory_space<vmem>> -> memref<1x100xi32, #tpu.memory_space<vmem>>
    %dma_start3A_6 = tpu.memref_squeeze %dma_start3A_5 : memref<1x100xi32, #tpu.memory_space<vmem>> -> memref<100xi32, #tpu.memory_space<vmem>>
    %dma_start3A_7 = arith.constant 0 : i32
    %dma_start3A_8 = tpu.memref_slice %arg3[%add3A, %dma_start3A, %dma_start3A_7] : memref<32x100x100xi32, #tpu.memory_space<hbm>> -> memref<1x1x100xi32, #tpu.memory_space<hbm>>
    %dma_start3A_9 = tpu.memref_squeeze %dma_start3A_8 : memref<1x1x100xi32, #tpu.memory_space<hbm>> -> memref<100xi32, #tpu.memory_space<hbm>>
    %dma_start3A_10 = arith.constant 0 : i32
    %dma_start3A_11 = tpu.memref_slice %arg7[%dma_start3A_3, %dma_start3A_10] : memref<6x100xi32, #tpu.memory_space<vmem>> -> memref<1x100xi32, #tpu.memory_space<vmem>>
    %dma_start3A_12 = tpu.memref_squeeze %dma_start3A_11 : memref<1x100xi32, #tpu.memory_space<vmem>> -> memref<100xi32, #tpu.memory_space<vmem>>
    %dma_start3A_13 = arith.constant 0 : i32
    %dma_start3A_14 = tpu.memref_slice %arg3[%add3A, %dma_start3A, %dma_start3A_13] : memref<32x100x100xi32, #tpu.memory_space<hbm>> -> memref<1x1x100xi32, #tpu.memory_space<hbm>>
    %dma_start3A_15 = tpu.memref_squeeze %dma_start3A_14 : memref<1x1x100xi32, #tpu.memory_space<hbm>> -> memref<100xi32, #tpu.memory_space<hbm>>
    tpu.enqueue_dma source(%dma_start3A_15 : memref<100xi32, #tpu.memory_space<hbm>>) target(%dma_start3A_12 : memref<100xi32, #tpu.memory_space<vmem>>) target_semaphore(%arg13 : memref<!tpu.dma_semaphore, #tpu.memory_space<semaphore_mem>>)
    %dma_start3A_16 = arith.constant 1 : i32
    %dma_start3A_17 = arith.constant 1 : i32
    %dma_start3A_18 = arith.constant 0 : i32
    %dma_start3A_19 = tpu.memref_slice %arg7[%dma_start3A_17, %dma_start3A_18] : memref<6x100xi32, #tpu.memory_space<vmem>> -> memref<1x100xi32, #tpu.memory_space<vmem>>
    %dma_start3A_20 = tpu.memref_squeeze %dma_start3A_19 : memref<1x100xi32, #tpu.memory_space<vmem>> -> memref<100xi32, #tpu.memory_space<vmem>>
    %dma_start3A_21 = arith.constant 0 : i32
    %dma_start3A_22 = tpu.memref_slice %arg3[%add3A, %dma_start3A_16, %dma_start3A_21] : memref<32x100x100xi32, #tpu.memory_space<hbm>> -> memref<1x1x100xi32, #tpu.memory_space<hbm>>
    %dma_start3A_23 = tpu.memref_squeeze %dma_start3A_22 : memref<1x1x100xi32, #tpu.memory_space<hbm>> -> memref<100xi32, #tpu.memory_space<hbm>>
    %dma_start3A_24 = arith.constant 0 : i32
    %dma_start3A_25 = tpu.memref_slice %arg7[%dma_start3A_17, %dma_start3A_24] : memref<6x100xi32, #tpu.memory_space<vmem>> -> memref<1x100xi32, #tpu.memory_space<vmem>>
    %dma_start3A_26 = tpu.memref_squeeze %dma_start3A_25 : memref<1x100xi32, #tpu.memory_space<vmem>> -> memref<100xi32, #tpu.memory_space<vmem>>
    %dma_start3A_27 = arith.constant 0 : i32
    %dma_start3A_28 = tpu.memref_slice %arg3[%add3A, %dma_start3A_16, %dma_start3A_27] : memref<32x100x100xi32, #tpu.memory_space<hbm>> -> memref<1x1x100xi32, #tpu.memory_space<hbm>>
    %dma_start3A_29 = tpu.memref_squeeze %dma_start3A_28 : memref<1x1x100xi32, #tpu.memory_space<hbm>> -> memref<100xi32, #tpu.memory_space<hbm>>
    tpu.enqueue_dma source(%dma_start3A_29 : memref<100xi32, #tpu.memory_space<hbm>>) target(%dma_start3A_26 : memref<100xi32, #tpu.memory_space<vmem>>) target_semaphore(%arg14 : memref<!tpu.dma_semaphore, #tpu.memory_space<semaphore_mem>>)
    %dma_start3A_30 = arith.constant 2 : i32
    %dma_start3A_31 = arith.constant 2 : i32
    %dma_start3A_32 = arith.constant 0 : i32
    %dma_start3A_33 = tpu.memref_slice %arg7[%dma_start3A_31, %dma_start3A_32] : memref<6x100xi32, #tpu.memory_space<vmem>> -> memref<1x100xi32, #tpu.memory_space<vmem>>
    %dma_start3A_34 = tpu.memref_squeeze %dma_start3A_33 : memref<1x100xi32, #tpu.memory_space<vmem>> -> memref<100xi32, #tpu.memory_space<vmem>>
    %dma_start3A_35 = arith.constant 0 : i32
    %dma_start3A_36 = tpu.memref_slice %arg3[%add3A, %dma_start3A_30, %dma_start3A_35] : memref<32x100x100xi32, #tpu.memory_space<hbm>> -> memref<1x1x100xi32, #tpu.memory_space<hbm>>
    %dma_start3A_37 = tpu.memref_squeeze %dma_start3A_36 : memref<1x1x100xi32, #tpu.memory_space<hbm>> -> memref<100xi32, #tpu.memory_space<hbm>>
    %dma_start3A_38 = arith.constant 0 : i32
    %dma_start3A_39 = tpu.memref_slice %arg7[%dma_start3A_31, %dma_start3A_38] : memref<6x100xi32, #tpu.memory_space<vmem>> -> memref<1x100xi32, #tpu.memory_space<vmem>>
    %dma_start3A_40 = tpu.memref_squeeze %dma_start3A_39 : memref<1x100xi32, #tpu.memory_space<vmem>> -> memref<100xi32, #tpu.memory_space<vmem>>
    %dma_start3A_41 = arith.constant 0 : i32
    %dma_start3A_42 = tpu.memref_slice %arg3[%add3A, %dma_start3A_30, %dma_start3A_41] : memref<32x100x100xi32, #tpu.memory_space<hbm>> -> memref<1x1x100xi32, #tpu.memory_space<hbm>>
    %dma_start3A_43 = tpu.memref_squeeze %dma_start3A_42 : memref<1x1x100xi32, #tpu.memory_space<hbm>> -> memref<100xi32, #tpu.memory_space<hbm>>
    tpu.enqueue_dma source(%dma_start3A_43 : memref<100xi32, #tpu.memory_space<hbm>>) target(%dma_start3A_40 : memref<100xi32, #tpu.memory_space<vmem>>) target_semaphore(%arg15 : memref<!tpu.dma_semaphore, #tpu.memory_space<semaphore_mem>>)
    %dma_start3A_44 = arith.constant 3 : i32
    %dma_start3A_45 = arith.constant 3 : i32
    %dma_start3A_46 = arith.constant 0 : i32
    %dma_start3A_47 = tpu.memref_slice %arg7[%dma_start3A_45, %dma_start3A_46] : memref<6x100xi32, #tpu.memory_space<vmem>> -> memref<1x100xi32, #tpu.memory_space<vmem>>
    %dma_start3A_48 = tpu.memref_squeeze %dma_start3A_47 : memref<1x100xi32, #tpu.memory_space<vmem>> -> memref<100xi32, #tpu.memory_space<vmem>>
    %dma_start3A_49 = arith.constant 0 : i32
    %dma_start3A_50 = tpu.memref_slice %arg3[%add3A, %dma_start3A_44, %dma_start3A_49] : memref<32x100x100xi32, #tpu.memory_space<hbm>> -> memref<1x1x100xi32, #tpu.memory_space<hbm>>
    %dma_start3A_51 = tpu.memref_squeeze %dma_start3A_50 : memref<1x1x100xi32, #tpu.memory_space<hbm>> -> memref<100xi32, #tpu.memory_space<hbm>>
    %dma_start3A_52 = arith.constant 0 : i32
    %dma_start3A_53 = tpu.memref_slice %arg7[%dma_start3A_45, %dma_start3A_52] : memref<6x100xi32, #tpu.memory_space<vmem>> -> memref<1x100xi32, #tpu.memory_space<vmem>>
    %dma_start3A_54 = tpu.memref_squeeze %dma_start3A_53 : memref<1x100xi32, #tpu.memory_space<vmem>> -> memref<100xi32, #tpu.memory_space<vmem>>
    %dma_start3A_55 = arith.constant 0 : i32
    %dma_start3A_56 = tpu.memref_slice %arg3[%add3A, %dma_start3A_44, %dma_start3A_55] : memref<32x100x100xi32, #tpu.memory_space<hbm>> -> memref<1x1x100xi32, #tpu.memory_space<hbm>>
    %dma_start3A_57 = tpu.memref_squeeze %dma_start3A_56 : memref<1x1x100xi32, #tpu.memory_space<hbm>> -> memref<100xi32, #tpu.memory_space<hbm>>
    tpu.enqueue_dma source(%dma_start3A_57 : memref<100xi32, #tpu.memory_space<hbm>>) target(%dma_start3A_54 : memref<100xi32, #tpu.memory_space<vmem>>) target_semaphore(%arg16 : memref<!tpu.dma_semaphore, #tpu.memory_space<semaphore_mem>>)
    %dma_start3A_58 = arith.constant 4 : i32
    %dma_start3A_59 = arith.constant 4 : i32
    %dma_start3A_60 = arith.constant 0 : i32
    %dma_start3A_61 = tpu.memref_slice %arg7[%dma_start3A_59, %dma_start3A_60] : memref<6x100xi32, #tpu.memory_space<vmem>> -> memref<1x100xi32, #tpu.memory_space<vmem>>
    %dma_start3A_62 = tpu.memref_squeeze %dma_start3A_61 : memref<1x100xi32, #tpu.memory_space<vmem>> -> memref<100xi32, #tpu.memory_space<vmem>>
    %dma_start3A_63 = arith.constant 0 : i32
    %dma_start3A_64 = tpu.memref_slice %arg3[%add3A, %dma_start3A_58, %dma_start3A_63] : memref<32x100x100xi32, #tpu.memory_space<hbm>> -> memref<1x1x100xi32, #tpu.memory_space<hbm>>
    %dma_start3A_65 = tpu.memref_squeeze %dma_start3A_64 : memref<1x1x100xi32, #tpu.memory_space<hbm>> -> memref<100xi32, #tpu.memory_space<hbm>>
    %dma_start3A_66 = arith.constant 0 : i32
    %dma_start3A_67 = tpu.memref_slice %arg7[%dma_start3A_59, %dma_start3A_66] : memref<6x100xi32, #tpu.memory_space<vmem>> -> memref<1x100xi32, #tpu.memory_space<vmem>>
    %dma_start3A_68 = tpu.memref_squeeze %dma_start3A_67 : memref<1x100xi32, #tpu.memory_space<vmem>> -> memref<100xi32, #tpu.memory_space<vmem>>
    %dma_start3A_69 = arith.constant 0 : i32
    %dma_start3A_70 = tpu.memref_slice %arg3[%add3A, %dma_start3A_58, %dma_start3A_69] : memref<32x100x100xi32, #tpu.memory_space<hbm>> -> memref<1x1x100xi32, #tpu.memory_space<hbm>>
    %dma_start3A_71 = tpu.memref_squeeze %dma_start3A_70 : memref<1x1x100xi32, #tpu.memory_space<hbm>> -> memref<100xi32, #tpu.memory_space<hbm>>
    tpu.enqueue_dma source(%dma_start3A_71 : memref<100xi32, #tpu.memory_space<hbm>>) target(%dma_start3A_68 : memref<100xi32, #tpu.memory_space<vmem>>) target_semaphore(%arg17 : memref<!tpu.dma_semaphore, #tpu.memory_space<semaphore_mem>>)
    %dma_start3A_72 = arith.constant 5 : i32
    %dma_start3A_73 = arith.constant 5 : i32
    %dma_start3A_74 = arith.constant 0 : i32
    %dma_start3A_75 = tpu.memref_slice %arg7[%dma_start3A_73, %dma_start3A_74] : memref<6x100xi32, #tpu.memory_space<vmem>> -> memref<1x100xi32, #tpu.memory_space<vmem>>
    %dma_start3A_76 = tpu.memref_squeeze %dma_start3A_75 : memref<1x100xi32, #tpu.memory_space<vmem>> -> memref<100xi32, #tpu.memory_space<vmem>>
    %dma_start3A_77 = arith.constant 0 : i32
    %dma_start3A_78 = tpu.memref_slice %arg3[%add3A, %dma_start3A_72, %dma_start3A_77] : memref<32x100x100xi32, #tpu.memory_space<hbm>> -> memref<1x1x100xi32, #tpu.memory_space<hbm>>
    %dma_start3A_79 = tpu.memref_squeeze %dma_start3A_78 : memref<1x1x100xi32, #tpu.memory_space<hbm>> -> memref<100xi32, #tpu.memory_space<hbm>>
    %dma_start3A_80 = arith.constant 0 : i32
    %dma_start3A_81 = tpu.memref_slice %arg7[%dma_start3A_73, %dma_start3A_80] : memref<6x100xi32, #tpu.memory_space<vmem>> -> memref<1x100xi32, #tpu.memory_space<vmem>>
    %dma_start3A_82 = tpu.memref_squeeze %dma_start3A_81 : memref<1x100xi32, #tpu.memory_space<vmem>> -> memref<100xi32, #tpu.memory_space<vmem>>
    %dma_start3A_83 = arith.constant 0 : i32
    %dma_start3A_84 = tpu.memref_slice %arg3[%add3A, %dma_start3A_72, %dma_start3A_83] : memref<32x100x100xi32, #tpu.memory_space<hbm>> -> memref<1x1x100xi32, #tpu.memory_space<hbm>>
    %dma_start3A_85 = tpu.memref_squeeze %dma_start3A_84 : memref<1x1x100xi32, #tpu.memory_space<hbm>> -> memref<100xi32, #tpu.memory_space<hbm>>
    tpu.enqueue_dma source(%dma_start3A_85 : memref<100xi32, #tpu.memory_space<hbm>>) target(%dma_start3A_82 : memref<100xi32, #tpu.memory_space<vmem>>) target_semaphore(%arg18 : memref<!tpu.dma_semaphore, #tpu.memory_space<semaphore_mem>>)
    %dma_start3A_86 = arith.constant 0 : i32
    %dma_start3A_87 = arith.constant 0 : i32
    %dma_start3A_88 = arith.constant 0 : i32
    %dma_start3A_89 = tpu.memref_slice %arg8[%dma_start3A_87, %dma_start3A_88] : memref<6x100xi32, #tpu.memory_space<vmem>> -> memref<1x100xi32, #tpu.memory_space<vmem>>
    %dma_start3A_90 = tpu.memref_squeeze %dma_start3A_89 : memref<1x100xi32, #tpu.memory_space<vmem>> -> memref<100xi32, #tpu.memory_space<vmem>>
    %dma_start3A_91 = arith.constant 0 : i32
    %dma_start3A_92 = tpu.memref_slice %arg4[%add3A, %dma_start3A_86, %dma_start3A_91] : memref<32x100x100xi32, #tpu.memory_space<hbm>> -> memref<1x1x100xi32, #tpu.memory_space<hbm>>
    %dma_start3A_93 = tpu.memref_squeeze %dma_start3A_92 : memref<1x1x100xi32, #tpu.memory_space<hbm>> -> memref<100xi32, #tpu.memory_space<hbm>>
    %dma_start3A_94 = arith.constant 0 : i32
    %dma_start3A_95 = tpu.memref_slice %arg8[%dma_start3A_87, %dma_start3A_94] : memref<6x100xi32, #tpu.memory_space<vmem>> -> memref<1x100xi32, #tpu.memory_space<vmem>>
    %dma_start3A_96 = tpu.memref_squeeze %dma_start3A_95 : memref<1x100xi32, #tpu.memory_space<vmem>> -> memref<100xi32, #tpu.memory_space<vmem>>
    %dma_start3A_97 = arith.constant 0 : i32
    %dma_start3A_98 = tpu.memref_slice %arg4[%add3A, %dma_start3A_86, %dma_start3A_97] : memref<32x100x100xi32, #tpu.memory_space<hbm>> -> memref<1x1x100xi32, #tpu.memory_space<hbm>>
    %dma_start3A_99 = tpu.memref_squeeze %dma_start3A_98 : memref<1x1x100xi32, #tpu.memory_space<hbm>> -> memref<100xi32, #tpu.memory_space<hbm>>
    tpu.enqueue_dma source(%dma_start3A_99 : memref<100xi32, #tpu.memory_space<hbm>>) target(%dma_start3A_96 : memref<100xi32, #tpu.memory_space<vmem>>) target_semaphore(%arg19 : memref<!tpu.dma_semaphore, #tpu.memory_space<semaphore_mem>>)
    %dma_start3A_100 = arith.constant 1 : i32
    %dma_start3A_101 = arith.constant 1 : i32
    %dma_start3A_102 = arith.constant 0 : i32
    %dma_start3A_103 = tpu.memref_slice %arg8[%dma_start3A_101, %dma_start3A_102] : memref<6x100xi32, #tpu.memory_space<vmem>> -> memref<1x100xi32, #tpu.memory_space<vmem>>
    %dma_start3A_104 = tpu.memref_squeeze %dma_start3A_103 : memref<1x100xi32, #tpu.memory_space<vmem>> -> memref<100xi32, #tpu.memory_space<vmem>>
    %dma_start3A_105 = arith.constant 0 : i32
    %dma_start3A_106 = tpu.memref_slice %arg4[%add3A, %dma_start3A_100, %dma_start3A_105] : memref<32x100x100xi32, #tpu.memory_space<hbm>> -> memref<1x1x100xi32, #tpu.memory_space<hbm>>
    %dma_start3A_107 = tpu.memref_squeeze %dma_start3A_106 : memref<1x1x100xi32, #tpu.memory_space<hbm>> -> memref<100xi32, #tpu.memory_space<hbm>>
    %dma_start3A_108 = arith.constant 0 : i32
    %dma_start3A_109 = tpu.memref_slice %arg8[%dma_start3A_101, %dma_start3A_108] : memref<6x100xi32, #tpu.memory_space<vmem>> -> memref<1x100xi32, #tpu.memory_space<vmem>>
    %dma_start3A_110 = tpu.memref_squeeze %dma_start3A_109 : memref<1x100xi32, #tpu.memory_space<vmem>> -> memref<100xi32, #tpu.memory_space<vmem>>
    %dma_start3A_111 = arith.constant 0 : i32
    %dma_start3A_112 = tpu.memref_slice %arg4[%add3A, %dma_start3A_100, %dma_start3A_111] : memref<32x100x100xi32, #tpu.memory_space<hbm>> -> memref<1x1x100xi32, #tpu.memory_space<hbm>>
    %dma_start3A_113 = tpu.memref_squeeze %dma_start3A_112 : memref<1x1x100xi32, #tpu.memory_space<hbm>> -> memref<100xi32, #tpu.memory_space<hbm>>
    tpu.enqueue_dma source(%dma_start3A_113 : memref<100xi32, #tpu.memory_space<hbm>>) target(%dma_start3A_110 : memref<100xi32, #tpu.memory_space<vmem>>) target_semaphore(%arg20 : memref<!tpu.dma_semaphore, #tpu.memory_space<semaphore_mem>>)
    %dma_start3A_114 = arith.constant 2 : i32
    %dma_start3A_115 = arith.constant 2 : i32
    %dma_start3A_116 = arith.constant 0 : i32
    %dma_start3A_117 = tpu.memref_slice %arg8[%dma_start3A_115, %dma_start3A_116] : memref<6x100xi32, #tpu.memory_space<vmem>> -> memref<1x100xi32, #tpu.memory_space<vmem>>
    %dma_start3A_118 = tpu.memref_squeeze %dma_start3A_117 : memref<1x100xi32, #tpu.memory_space<vmem>> -> memref<100xi32, #tpu.memory_space<vmem>>
    %dma_start3A_119 = arith.constant 0 : i32
    %dma_start3A_120 = tpu.memref_slice %arg4[%add3A, %dma_start3A_114, %dma_start3A_119] : memref<32x100x100xi32, #tpu.memory_space<hbm>> -> memref<1x1x100xi32, #tpu.memory_space<hbm>>
    %dma_start3A_121 = tpu.memref_squeeze %dma_start3A_120 : memref<1x1x100xi32, #tpu.memory_space<hbm>> -> memref<100xi32, #tpu.memory_space<hbm>>
    %dma_start3A_122 = arith.constant 0 : i32
    %dma_start3A_123 = tpu.memref_slice %arg8[%dma_start3A_115, %dma_start3A_122] : memref<6x100xi32, #tpu.memory_space<vmem>> -> memref<1x100xi32, #tpu.memory_space<vmem>>
    %dma_start3A_124 = tpu.memref_squeeze %dma_start3A_123 : memref<1x100xi32, #tpu.memory_space<vmem>> -> memref<100xi32, #tpu.memory_space<vmem>>
    %dma_start3A_125 = arith.constant 0 : i32
    %dma_start3A_126 = tpu.memref_slice %arg4[%add3A, %dma_start3A_114, %dma_start3A_125] : memref<32x100x100xi32, #tpu.memory_space<hbm>> -> memref<1x1x100xi32, #tpu.memory_space<hbm>>
    %dma_start3A_127 = tpu.memref_squeeze %dma_start3A_126 : memref<1x1x100xi32, #tpu.memory_space<hbm>> -> memref<100xi32, #tpu.memory_space<hbm>>
    tpu.enqueue_dma source(%dma_start3A_127 : memref<100xi32, #tpu.memory_space<hbm>>) target(%dma_start3A_124 : memref<100xi32, #tpu.memory_space<vmem>>) target_semaphore(%arg21 : memref<!tpu.dma_semaphore, #tpu.memory_space<semaphore_mem>>)
    %dma_start3A_128 = arith.constant 3 : i32
    %dma_start3A_129 = arith.constant 3 : i32
    %dma_start3A_130 = arith.constant 0 : i32
    %dma_start3A_131 = tpu.memref_slice %arg8[%dma_start3A_129, %dma_start3A_130] : memref<6x100xi32, #tpu.memory_space<vmem>> -> memref<1x100xi32, #tpu.memory_space<vmem>>
    %dma_start3A_132 = tpu.memref_squeeze %dma_start3A_131 : memref<1x100xi32, #tpu.memory_space<vmem>> -> memref<100xi32, #tpu.memory_space<vmem>>
    %dma_start3A_133 = arith.constant 0 : i32
    %dma_start3A_134 = tpu.memref_slice %arg4[%add3A, %dma_start3A_128, %dma_start3A_133] : memref<32x100x100xi32, #tpu.memory_space<hbm>> -> memref<1x1x100xi32, #tpu.memory_space<hbm>>
    %dma_start3A_135 = tpu.memref_squeeze %dma_start3A_134 : memref<1x1x100xi32, #tpu.memory_space<hbm>> -> memref<100xi32, #tpu.memory_space<hbm>>
    %dma_start3A_136 = arith.constant 0 : i32
    %dma_start3A_137 = tpu.memref_slice %arg8[%dma_start3A_129, %dma_start3A_136] : memref<6x100xi32, #tpu.memory_space<vmem>> -> memref<1x100xi32, #tpu.memory_space<vmem>>
    %dma_start3A_138 = tpu.memref_squeeze %dma_start3A_137 : memref<1x100xi32, #tpu.memory_space<vmem>> -> memref<100xi32, #tpu.memory_space<vmem>>
    %dma_start3A_139 = arith.constant 0 : i32
    %dma_start3A_140 = tpu.memref_slice %arg4[%add3A, %dma_start3A_128, %dma_start3A_139] : memref<32x100x100xi32, #tpu.memory_space<hbm>> -> memref<1x1x100xi32, #tpu.memory_space<hbm>>
    %dma_start3A_141 = tpu.memref_squeeze %dma_start3A_140 : memref<1x1x100xi32, #tpu.memory_space<hbm>> -> memref<100xi32, #tpu.memory_space<hbm>>
    tpu.enqueue_dma source(%dma_start3A_141 : memref<100xi32, #tpu.memory_space<hbm>>) target(%dma_start3A_138 : memref<100xi32, #tpu.memory_space<vmem>>) target_semaphore(%arg22 : memref<!tpu.dma_semaphore, #tpu.memory_space<semaphore_mem>>)
    %dma_start3A_142 = arith.constant 4 : i32
    %dma_start3A_143 = arith.constant 4 : i32
    %dma_start3A_144 = arith.constant 0 : i32
    %dma_start3A_145 = tpu.memref_slice %arg8[%dma_start3A_143, %dma_start3A_144] : memref<6x100xi32, #tpu.memory_space<vmem>> -> memref<1x100xi32, #tpu.memory_space<vmem>>
    %dma_start3A_146 = tpu.memref_squeeze %dma_start3A_145 : memref<1x100xi32, #tpu.memory_space<vmem>> -> memref<100xi32, #tpu.memory_space<vmem>>
    %dma_start3A_147 = arith.constant 0 : i32
    %dma_start3A_148 = tpu.memref_slice %arg4[%add3A, %dma_start3A_142, %dma_start3A_147] : memref<32x100x100xi32, #tpu.memory_space<hbm>> -> memref<1x1x100xi32, #tpu.memory_space<hbm>>
    %dma_start3A_149 = tpu.memref_squeeze %dma_start3A_148 : memref<1x1x100xi32, #tpu.memory_space<hbm>> -> memref<100xi32, #tpu.memory_space<hbm>>
    %dma_start3A_150 = arith.constant 0 : i32
    %dma_start3A_151 = tpu.memref_slice %arg8[%dma_start3A_143, %dma_start3A_150] : memref<6x100xi32, #tpu.memory_space<vmem>> -> memref<1x100xi32, #tpu.memory_space<vmem>>
    %dma_start3A_152 = tpu.memref_squeeze %dma_start3A_151 : memref<1x100xi32, #tpu.memory_space<vmem>> -> memref<100xi32, #tpu.memory_space<vmem>>
    %dma_start3A_153 = arith.constant 0 : i32
    %dma_start3A_154 = tpu.memref_slice %arg4[%add3A, %dma_start3A_142, %dma_start3A_153] : memref<32x100x100xi32, #tpu.memory_space<hbm>> -> memref<1x1x100xi32, #tpu.memory_space<hbm>>
    %dma_start3A_155 = tpu.memref_squeeze %dma_start3A_154 : memref<1x1x100xi32, #tpu.memory_space<hbm>> -> memref<100xi32, #tpu.memory_space<hbm>>
    tpu.enqueue_dma source(%dma_start3A_155 : memref<100xi32, #tpu.memory_space<hbm>>) target(%dma_start3A_152 : memref<100xi32, #tpu.memory_space<vmem>>) target_semaphore(%arg23 : memref<!tpu.dma_semaphore, #tpu.memory_space<semaphore_mem>>)
    %dma_wait3A = arith.constant 0 : i32
    %dma_wait3A_156 = arith.constant 0 : i32
    %dma_wait3A_157 = arith.constant 0 : i32
    %dma_wait3A_158 = tpu.memref_slice %arg7[%dma_wait3A_156, %dma_wait3A_157] : memref<6x100xi32, #tpu.memory_space<vmem>> -> memref<1x100xi32, #tpu.memory_space<vmem>>
    %dma_wait3A_159 = tpu.memref_squeeze %dma_wait3A_158 : memref<1x100xi32, #tpu.memory_space<vmem>> -> memref<100xi32, #tpu.memory_space<vmem>>
    %dma_wait3A_160 = arith.constant 0 : i32
    %dma_wait3A_161 = tpu.memref_slice %arg3[%add3A, %dma_wait3A, %dma_wait3A_160] : memref<32x100x100xi32, #tpu.memory_space<hbm>> -> memref<1x1x100xi32, #tpu.memory_space<hbm>>
    %dma_wait3A_162 = tpu.memref_squeeze %dma_wait3A_161 : memref<1x1x100xi32, #tpu.memory_space<hbm>> -> memref<100xi32, #tpu.memory_space<hbm>>
    %dma_wait3A_163 = arith.constant 0 : i32
    %dma_wait3A_164 = tpu.memref_slice %arg7[%dma_wait3A_156, %dma_wait3A_163] : memref<6x100xi32, #tpu.memory_space<vmem>> -> memref<1x100xi32, #tpu.memory_space<vmem>>
    %dma_wait3A_165 = tpu.memref_squeeze %dma_wait3A_164 : memref<1x100xi32, #tpu.memory_space<vmem>> -> memref<100xi32, #tpu.memory_space<vmem>>
    %dma_wait3A_166 = arith.constant 0 : i32
    %dma_wait3A_167 = tpu.memref_slice %arg3[%add3A, %dma_wait3A, %dma_wait3A_166] : memref<32x100x100xi32, #tpu.memory_space<hbm>> -> memref<1x1x100xi32, #tpu.memory_space<hbm>>
    %dma_wait3A_168 = tpu.memref_squeeze %dma_wait3A_167 : memref<1x1x100xi32, #tpu.memory_space<hbm>> -> memref<100xi32, #tpu.memory_space<hbm>>
    tpu.wait_dma2 semaphore(%arg13 : memref<!tpu.dma_semaphore, #tpu.memory_space<semaphore_mem>>) src(%dma_wait3A_168 : memref<100xi32, #tpu.memory_space<hbm>>) dst(%dma_wait3A_165 : memref<100xi32, #tpu.memory_space<vmem>>)
    %dma_start3A_169 = arith.constant 0 : i32
    %dma_start3A_170 = arith.constant 0 : i32
    %dma_start3A_171 = tpu.memref_slice %arg7[%dma_start3A_169, %dma_start3A_170] : memref<6x100xi32, #tpu.memory_space<vmem>> -> memref<1x100xi32, #tpu.memory_space<vmem>>
    %dma_start3A_172 = tpu.memref_squeeze %dma_start3A_171 : memref<1x100xi32, #tpu.memory_space<vmem>> -> memref<100xi32, #tpu.memory_space<vmem>>
    %dma_start3A_173 = arith.constant 0 : i32
    %dma_start3A_174 = arith.constant 0 : i32
    %dma_start3A_175 = tpu.memref_slice %arg2[%dma_start3A_173, %dma_start3A_174] : memref<10000x128xf32, #tpu.memory_space<hbm>> -> memref<10000x128xf32, #tpu.memory_space<hbm>>
    tpu.enqueue_indirect_dma source(%dma_start3A_175 : memref<10000x128xf32, #tpu.memory_space<hbm>>) target(%arg9 : memref<100x128xf32, #tpu.memory_space<vmem>>) offsets(%dma_start3A_172 : memref<100xi32, #tpu.memory_space<vmem>>) semaphore(%arg25 : memref<!tpu.dma_semaphore, #tpu.memory_space<semaphore_mem>>)
    %dma_wait3A_176 = arith.constant 1 : i32
    %dma_wait3A_177 = arith.constant 1 : i32
    %dma_wait3A_178 = arith.constant 0 : i32
    %dma_wait3A_179 = tpu.memref_slice %arg7[%dma_wait3A_177, %dma_wait3A_178] : memref<6x100xi32, #tpu.memory_space<vmem>> -> memref<1x100xi32, #tpu.memory_space<vmem>>
    %dma_wait3A_180 = tpu.memref_squeeze %dma_wait3A_179 : memref<1x100xi32, #tpu.memory_space<vmem>> -> memref<100xi32, #tpu.memory_space<vmem>>
    %dma_wait3A_181 = arith.constant 0 : i32
    %dma_wait3A_182 = tpu.memref_slice %arg3[%add3A, %dma_wait3A_176, %dma_wait3A_181] : memref<32x100x100xi32, #tpu.memory_space<hbm>> -> memref<1x1x100xi32, #tpu.memory_space<hbm>>
    %dma_wait3A_183 = tpu.memref_squeeze %dma_wait3A_182 : memref<1x1x100xi32, #tpu.memory_space<hbm>> -> memref<100xi32, #tpu.memory_space<hbm>>
    %dma_wait3A_184 = arith.constant 0 : i32
    %dma_wait3A_185 = tpu.memref_slice %arg7[%dma_wait3A_177, %dma_wait3A_184] : memref<6x100xi32, #tpu.memory_space<vmem>> -> memref<1x100xi32, #tpu.memory_space<vmem>>
    %dma_wait3A_186 = tpu.memref_squeeze %dma_wait3A_185 : memref<1x100xi32, #tpu.memory_space<vmem>> -> memref<100xi32, #tpu.memory_space<vmem>>
    %dma_wait3A_187 = arith.constant 0 : i32
    %dma_wait3A_188 = tpu.memref_slice %arg3[%add3A, %dma_wait3A_176, %dma_wait3A_187] : memref<32x100x100xi32, #tpu.memory_space<hbm>> -> memref<1x1x100xi32, #tpu.memory_space<hbm>>
    %dma_wait3A_189 = tpu.memref_squeeze %dma_wait3A_188 : memref<1x1x100xi32, #tpu.memory_space<hbm>> -> memref<100xi32, #tpu.memory_space<hbm>>
    tpu.wait_dma2 semaphore(%arg14 : memref<!tpu.dma_semaphore, #tpu.memory_space<semaphore_mem>>) src(%dma_wait3A_189 : memref<100xi32, #tpu.memory_space<hbm>>) dst(%dma_wait3A_186 : memref<100xi32, #tpu.memory_space<vmem>>)
    %dma_start3A_190 = arith.constant 1 : i32
    %dma_start3A_191 = arith.constant 0 : i32
    %dma_start3A_192 = tpu.memref_slice %arg7[%dma_start3A_190, %dma_start3A_191] : memref<6x100xi32, #tpu.memory_space<vmem>> -> memref<1x100xi32, #tpu.memory_space<vmem>>
    %dma_start3A_193 = tpu.memref_squeeze %dma_start3A_192 : memref<1x100xi32, #tpu.memory_space<vmem>> -> memref<100xi32, #tpu.memory_space<vmem>>
    %dma_start3A_194 = arith.constant 0 : i32
    %dma_start3A_195 = arith.constant 0 : i32
    %dma_start3A_196 = tpu.memref_slice %arg2[%dma_start3A_194, %dma_start3A_195] : memref<10000x128xf32, #tpu.memory_space<hbm>> -> memref<10000x128xf32, #tpu.memory_space<hbm>>
    tpu.enqueue_indirect_dma source(%dma_start3A_196 : memref<10000x128xf32, #tpu.memory_space<hbm>>) target(%arg10 : memref<100x128xf32, #tpu.memory_space<vmem>>) offsets(%dma_start3A_193 : memref<100xi32, #tpu.memory_space<vmem>>) semaphore(%arg26 : memref<!tpu.dma_semaphore, #tpu.memory_space<semaphore_mem>>)
    "tpu.region"() ({
      %run_scoped3A = tpu.sem_alloc : memref<!tpu.dma_semaphore, #tpu.memory_space<semaphore_mem>>
      %dma_start3A_399 = arith.constant 0 : i32
      %dma_start3A_400 = tpu.memref_slice %arg12[%mul3A_2, %dma_start3A_399] : memref<10000x128xf32, #tpu.memory_space<vmem_shared>> -> memref<624x128xf32, #tpu.memory_space<vmem_shared>>
      %dma_start3A_401 = arith.constant 0 : i32
      %dma_start3A_402 = tpu.memref_slice %arg5[%mul3A_2, %dma_start3A_401] : memref<10000x128xf32, #tpu.memory_space<hbm>> -> memref<624x128xf32, #tpu.memory_space<hbm>>
      tpu.enqueue_dma source(%dma_start3A_402 : memref<624x128xf32, #tpu.memory_space<hbm>>) target(%dma_start3A_400 : memref<624x128xf32, #tpu.memory_space<vmem_shared>>) target_semaphore(%run_scoped3A : memref<!tpu.dma_semaphore, #tpu.memory_space<semaphore_mem>>)
      %dma_wait3A_403 = arith.constant 0 : i32
      %dma_wait3A_404 = tpu.memref_slice %arg12[%mul3A_2, %dma_wait3A_403] : memref<10000x128xf32, #tpu.memory_space<vmem_shared>> -> memref<624x128xf32, #tpu.memory_space<vmem_shared>>
      %dma_wait3A_405 = arith.constant 0 : i32
      %dma_wait3A_406 = tpu.memref_slice %arg5[%mul3A_2, %dma_wait3A_405] : memref<10000x128xf32, #tpu.memory_space<hbm>> -> memref<624x128xf32, #tpu.memory_space<hbm>>
      tpu.wait_dma2 semaphore(%run_scoped3A : memref<!tpu.dma_semaphore, #tpu.memory_space<semaphore_mem>>) src(%dma_wait3A_406 : memref<624x128xf32, #tpu.memory_space<hbm>>) dst(%dma_wait3A_404 : memref<624x128xf32, #tpu.memory_space<vmem_shared>>)
      tpu.yield
    }) : () -> ()
    %eq3A = arith.constant 15 : i32
    %eq3A_197 = arith.cmpi eq, %arg1, %eq3A : i32
    %convert_element_type3A = arith.extui %eq3A_197 : i1 to i32
    %cond3A = arith.constant 0 : i32
    %cond3A_198 = arith.cmpi ne, %convert_element_type3A, %cond3A : i32
    scf.if %cond3A_198 {
      "tpu.region"() ({
        %run_scoped3A = tpu.sem_alloc : memref<!tpu.dma_semaphore, #tpu.memory_space<semaphore_mem>>
        %dma_start3A_399 = arith.constant 9984 : i32
        %dma_start3A_400 = arith.constant 0 : i32
        %dma_start3A_401 = tpu.memref_slice %arg12[%dma_start3A_399, %dma_start3A_400] : memref<10000x128xf32, #tpu.memory_space<vmem_shared>> -> memref<16x128xf32, #tpu.memory_space<vmem_shared>>
        %dma_start3A_402 = arith.constant 9984 : i32
        %dma_start3A_403 = arith.constant 0 : i32
        %dma_start3A_404 = tpu.memref_slice %arg5[%dma_start3A_402, %dma_start3A_403] : memref<10000x128xf32, #tpu.memory_space<hbm>> -> memref<16x128xf32, #tpu.memory_space<hbm>>
        tpu.enqueue_dma source(%dma_start3A_404 : memref<16x128xf32, #tpu.memory_space<hbm>>) target(%dma_start3A_401 : memref<16x128xf32, #tpu.memory_space<vmem_shared>>) target_semaphore(%run_scoped3A : memref<!tpu.dma_semaphore, #tpu.memory_space<semaphore_mem>>)
        %dma_wait3A_405 = arith.constant 9984 : i32
        %dma_wait3A_406 = arith.constant 0 : i32
        %dma_wait3A_407 = tpu.memref_slice %arg12[%dma_wait3A_405, %dma_wait3A_406] : memref<10000x128xf32, #tpu.memory_space<vmem_shared>> -> memref<16x128xf32, #tpu.memory_space<vmem_shared>>
        %dma_wait3A_408 = arith.constant 9984 : i32
        %dma_wait3A_409 = arith.constant 0 : i32
        %dma_wait3A_410 = tpu.memref_slice %arg5[%dma_wait3A_408, %dma_wait3A_409] : memref<10000x128xf32, #tpu.memory_space<hbm>> -> memref<16x128xf32, #tpu.memory_space<hbm>>
        tpu.wait_dma2 semaphore(%run_scoped3A : memref<!tpu.dma_semaphore, #tpu.memory_space<semaphore_mem>>) src(%dma_wait3A_410 : memref<16x128xf32, #tpu.memory_space<hbm>>) dst(%dma_wait3A_407 : memref<16x128xf32, #tpu.memory_space<vmem_shared>>)
        tpu.yield
      }) : () -> ()
    } else {
    }
    %barrier3A = arith.constant 0 : index
    tpu.barrier barrier_id(%barrier3A)
    %scan3A = arith.constant 0 : i32
    %scan3A_199 = arith.constant 0 : i32
    %scan3A_200 = arith.constant 16 : i32
    %scan3A_201 = arith.addi %scan3A_199, %scan3A_200 : i32
    %scan3A_202 = arith.constant 1 : i32
    scf.for %scan3A_399 = %scan3A_199 to %scan3A_201 step %scan3A_202  : i32 {
      %mul3A_400 = arith.constant 6 : i32
      %mul3A_401 = arith.muli %scan3A_399, %mul3A_400 : i32
      %add3A_402 = arith.constant 0 : i32
      %add3A_403 = arith.addi %mul3A_401, %add3A_402 : i32
      %dma_wait3A_404 = arith.constant 0 : i32
      %dma_wait3A_405 = arith.constant 0 : i32
      %dma_wait3A_406 = tpu.memref_slice %arg7[%dma_wait3A_404, %dma_wait3A_405] : memref<6x100xi32, #tpu.memory_space<vmem>> -> memref<1x100xi32, #tpu.memory_space<vmem>>
      %dma_wait3A_407 = tpu.memref_squeeze %dma_wait3A_406 : memref<1x100xi32, #tpu.memory_space<vmem>> -> memref<100xi32, #tpu.memory_space<vmem>>
      %dma_wait3A_408 = arith.constant 0 : i32
      %dma_wait3A_409 = arith.constant 0 : i32
      %dma_wait3A_410 = tpu.memref_slice %arg2[%dma_wait3A_408, %dma_wait3A_409] : memref<10000x128xf32, #tpu.memory_space<hbm>> -> memref<10000x128xf32, #tpu.memory_space<hbm>>
      tpu.wait_indirect_dma semaphore(%arg25 : memref<!tpu.dma_semaphore, #tpu.memory_space<semaphore_mem>>) src(%dma_wait3A_410 : memref<10000x128xf32, #tpu.memory_space<hbm>>) dst(%arg9 : memref<100x128xf32, #tpu.memory_space<vmem>>)
      %dma_wait3A_411 = arith.constant 0 : i32
      %dma_wait3A_412 = arith.constant 0 : i32
      %dma_wait3A_413 = tpu.memref_slice %arg8[%dma_wait3A_411, %dma_wait3A_412] : memref<6x100xi32, #tpu.memory_space<vmem>> -> memref<1x100xi32, #tpu.memory_space<vmem>>
      %dma_wait3A_414 = tpu.memref_squeeze %dma_wait3A_413 : memref<1x100xi32, #tpu.memory_space<vmem>> -> memref<100xi32, #tpu.memory_space<vmem>>
      %dma_wait3A_415 = arith.constant 0 : i32
      %dma_wait3A_416 = tpu.memref_slice %arg4[%add3A, %add3A_403, %dma_wait3A_415] : memref<32x100x100xi32, #tpu.memory_space<hbm>> -> memref<1x1x100xi32, #tpu.memory_space<hbm>>
      %dma_wait3A_417 = tpu.memref_squeeze %dma_wait3A_416 : memref<1x1x100xi32, #tpu.memory_space<hbm>> -> memref<100xi32, #tpu.memory_space<hbm>>
      %dma_wait3A_418 = arith.constant 0 : i32
      %dma_wait3A_419 = tpu.memref_slice %arg8[%dma_wait3A_411, %dma_wait3A_418] : memref<6x100xi32, #tpu.memory_space<vmem>> -> memref<1x100xi32, #tpu.memory_space<vmem>>
      %dma_wait3A_420 = tpu.memref_squeeze %dma_wait3A_419 : memref<1x100xi32, #tpu.memory_space<vmem>> -> memref<100xi32, #tpu.memory_space<vmem>>
      %dma_wait3A_421 = arith.constant 0 : i32
      %dma_wait3A_422 = tpu.memref_slice %arg4[%add3A, %add3A_403, %dma_wait3A_421] : memref<32x100x100xi32, #tpu.memory_space<hbm>> -> memref<1x1x100xi32, #tpu.memory_space<hbm>>
      %dma_wait3A_423 = tpu.memref_squeeze %dma_wait3A_422 : memref<1x1x100xi32, #tpu.memory_space<hbm>> -> memref<100xi32, #tpu.memory_space<hbm>>
      tpu.wait_dma2 semaphore(%arg19 : memref<!tpu.dma_semaphore, #tpu.memory_space<semaphore_mem>>) src(%dma_wait3A_423 : memref<100xi32, #tpu.memory_space<hbm>>) dst(%dma_wait3A_420 : memref<100xi32, #tpu.memory_space<vmem>>)
      %dma_start3A_424 = arith.constant 0 : i32
      %dma_start3A_425 = arith.constant 0 : i32
      %dma_start3A_426 = tpu.memref_slice %arg8[%dma_start3A_424, %dma_start3A_425] : memref<6x100xi32, #tpu.memory_space<vmem>> -> memref<1x100xi32, #tpu.memory_space<vmem>>
      %dma_start3A_427 = tpu.memref_squeeze %dma_start3A_426 : memref<1x100xi32, #tpu.memory_space<vmem>> -> memref<100xi32, #tpu.memory_space<vmem>>
      %dma_start3A_428 = arith.constant 0 : i32
      %dma_start3A_429 = arith.constant 0 : i32
      %dma_start3A_430 = tpu.memref_slice %arg12[%dma_start3A_428, %dma_start3A_429] : memref<10000x128xf32, #tpu.memory_space<vmem_shared>> -> memref<10000x128xf32, #tpu.memory_space<vmem_shared>>
      tpu.enqueue_indirect_dma source(%arg9 : memref<100x128xf32, #tpu.memory_space<vmem>>) target(%dma_start3A_430 : memref<10000x128xf32, #tpu.memory_space<vmem_shared>>) offsets(%dma_start3A_427 : memref<100xi32, #tpu.memory_space<vmem>>) semaphore(%arg28 : memref<!tpu.dma_semaphore, #tpu.memory_space<semaphore_mem>>) {add = true}
      %ge3A = arith.constant 1 : i32
      %ge3A_431 = arith.cmpi sge, %add3A_403, %ge3A : i32
      %convert_element_type3A_432 = arith.extui %ge3A_431 : i1 to i32
      %cond3A_433 = arith.constant 0 : i32
      %cond3A_434 = arith.cmpi ne, %convert_element_type3A_432, %cond3A_433 : i32
      scf.if %cond3A_434 {
        %dma_wait3A_740 = arith.constant 0 : i32
        %dma_wait3A_741 = arith.constant 0 : i32
        %dma_wait3A_742 = tpu.memref_slice %arg8[%dma_wait3A_740, %dma_wait3A_741] : memref<6x100xi32, #tpu.memory_space<vmem>> -> memref<1x100xi32, #tpu.memory_space<vmem>>
        %dma_wait3A_743 = tpu.memref_squeeze %dma_wait3A_742 : memref<1x100xi32, #tpu.memory_space<vmem>> -> memref<100xi32, #tpu.memory_space<vmem>>
        %dma_wait3A_744 = arith.constant 0 : i32
        %dma_wait3A_745 = arith.constant 0 : i32
        %dma_wait3A_746 = tpu.memref_slice %arg12[%dma_wait3A_744, %dma_wait3A_745] : memref<10000x128xf32, #tpu.memory_space<vmem_shared>> -> memref<10000x128xf32, #tpu.memory_space<vmem_shared>>
        tpu.wait_indirect_dma semaphore(%arg30 : memref<!tpu.dma_semaphore, #tpu.memory_space<semaphore_mem>>) src(%arg11 : memref<100x128xf32, #tpu.memory_space<vmem>>) dst(%dma_wait3A_746 : memref<10000x128xf32, #tpu.memory_space<vmem_shared>>)
      } else {
      }
      %add3A_435 = arith.constant 5 : i32
      %add3A_436 = arith.addi %add3A_403, %add3A_435 : i32
      %lt3A = arith.constant 100 : i32
      %lt3A_437 = arith.cmpi slt, %add3A_436, %lt3A : i32
      %convert_element_type3A_438 = arith.extui %lt3A_437 : i1 to i32
      %cond3A_439 = arith.constant 0 : i32
      %cond3A_440 = arith.cmpi ne, %convert_element_type3A_438, %cond3A_439 : i32
      scf.if %cond3A_440 {
        %add3A_740 = arith.constant 5 : i32
        %add3A_741 = arith.addi %add3A_403, %add3A_740 : i32
        %dma_start3A_742 = arith.constant 5 : i32
        %dma_start3A_743 = arith.constant 0 : i32
        %dma_start3A_744 = tpu.memref_slice %arg8[%dma_start3A_742, %dma_start3A_743] : memref<6x100xi32, #tpu.memory_space<vmem>> -> memref<1x100xi32, #tpu.memory_space<vmem>>
        %dma_start3A_745 = tpu.memref_squeeze %dma_start3A_744 : memref<1x100xi32, #tpu.memory_space<vmem>> -> memref<100xi32, #tpu.memory_space<vmem>>
        %dma_start3A_746 = arith.constant 0 : i32
        %dma_start3A_747 = tpu.memref_slice %arg4[%add3A, %add3A_741, %dma_start3A_746] : memref<32x100x100xi32, #tpu.memory_space<hbm>> -> memref<1x1x100xi32, #tpu.memory_space<hbm>>
        %dma_start3A_748 = tpu.memref_squeeze %dma_start3A_747 : memref<1x1x100xi32, #tpu.memory_space<hbm>> -> memref<100xi32, #tpu.memory_space<hbm>>
        %dma_start3A_749 = arith.constant 0 : i32
        %dma_start3A_750 = tpu.memref_slice %arg8[%dma_start3A_742, %dma_start3A_749] : memref<6x100xi32, #tpu.memory_space<vmem>> -> memref<1x100xi32, #tpu.memory_space<vmem>>
        %dma_start3A_751 = tpu.memref_squeeze %dma_start3A_750 : memref<1x100xi32, #tpu.memory_space<vmem>> -> memref<100xi32, #tpu.memory_space<vmem>>
        %dma_start3A_752 = arith.constant 0 : i32
        %dma_start3A_753 = tpu.memref_slice %arg4[%add3A, %add3A_741, %dma_start3A_752] : memref<32x100x100xi32, #tpu.memory_space<hbm>> -> memref<1x1x100xi32, #tpu.memory_space<hbm>>
        %dma_start3A_754 = tpu.memref_squeeze %dma_start3A_753 : memref<1x1x100xi32, #tpu.memory_space<hbm>> -> memref<100xi32, #tpu.memory_space<hbm>>
        tpu.enqueue_dma source(%dma_start3A_754 : memref<100xi32, #tpu.memory_space<hbm>>) target(%dma_start3A_751 : memref<100xi32, #tpu.memory_space<vmem>>) target_semaphore(%arg24 : memref<!tpu.dma_semaphore, #tpu.memory_space<semaphore_mem>>)
      } else {
      }
      %add3A_441 = arith.constant 6 : i32
      %add3A_442 = arith.addi %add3A_403, %add3A_441 : i32
      %lt3A_443 = arith.constant 100 : i32
      %lt3A_444 = arith.cmpi slt, %add3A_442, %lt3A_443 : i32
      %convert_element_type3A_445 = arith.extui %lt3A_444 : i1 to i32
      %cond3A_446 = arith.constant 0 : i32
      %cond3A_447 = arith.cmpi ne, %convert_element_type3A_445, %cond3A_446 : i32
      scf.if %cond3A_447 {
        %add3A_740 = arith.constant 6 : i32
        %add3A_741 = arith.addi %add3A_403, %add3A_740 : i32
        %dma_start3A_742 = arith.constant 0 : i32
        %dma_start3A_743 = arith.constant 0 : i32
        %dma_start3A_744 = tpu.memref_slice %arg7[%dma_start3A_742, %dma_start3A_743] : memref<6x100xi32, #tpu.memory_space<vmem>> -> memref<1x100xi32, #tpu.memory_space<vmem>>
        %dma_start3A_745 = tpu.memref_squeeze %dma_start3A_744 : memref<1x100xi32, #tpu.memory_space<vmem>> -> memref<100xi32, #tpu.memory_space<vmem>>
        %dma_start3A_746 = arith.constant 0 : i32
        %dma_start3A_747 = tpu.memref_slice %arg3[%add3A, %add3A_741, %dma_start3A_746] : memref<32x100x100xi32, #tpu.memory_space<hbm>> -> memref<1x1x100xi32, #tpu.memory_space<hbm>>
        %dma_start3A_748 = tpu.memref_squeeze %dma_start3A_747 : memref<1x1x100xi32, #tpu.memory_space<hbm>> -> memref<100xi32, #tpu.memory_space<hbm>>
        %dma_start3A_749 = arith.constant 0 : i32
        %dma_start3A_750 = tpu.memref_slice %arg7[%dma_start3A_742, %dma_start3A_749] : memref<6x100xi32, #tpu.memory_space<vmem>> -> memref<1x100xi32, #tpu.memory_space<vmem>>
        %dma_start3A_751 = tpu.memref_squeeze %dma_start3A_750 : memref<1x100xi32, #tpu.memory_space<vmem>> -> memref<100xi32, #tpu.memory_space<vmem>>
        %dma_start3A_752 = arith.constant 0 : i32
        %dma_start3A_753 = tpu.memref_slice %arg3[%add3A, %add3A_741, %dma_start3A_752] : memref<32x100x100xi32, #tpu.memory_space<hbm>> -> memref<1x1x100xi32, #tpu.memory_space<hbm>>
        %dma_start3A_754 = tpu.memref_squeeze %dma_start3A_753 : memref<1x1x100xi32, #tpu.memory_space<hbm>> -> memref<100xi32, #tpu.memory_space<hbm>>
        tpu.enqueue_dma source(%dma_start3A_754 : memref<100xi32, #tpu.memory_space<hbm>>) target(%dma_start3A_751 : memref<100xi32, #tpu.memory_space<vmem>>) target_semaphore(%arg13 : memref<!tpu.dma_semaphore, #tpu.memory_space<semaphore_mem>>)
      } else {
      }
      %add3A_448 = arith.constant 2 : i32
      %add3A_449 = arith.addi %add3A_403, %add3A_448 : i32
      %lt3A_450 = arith.constant 100 : i32
      %lt3A_451 = arith.cmpi slt, %add3A_449, %lt3A_450 : i32
      %convert_element_type3A_452 = arith.extui %lt3A_451 : i1 to i32
      %cond3A_453 = arith.constant 0 : i32
      %cond3A_454 = arith.cmpi ne, %convert_element_type3A_452, %cond3A_453 : i32
      scf.if %cond3A_454 {
        %add3A_740 = arith.constant 2 : i32
        %add3A_741 = arith.addi %add3A_403, %add3A_740 : i32
        %dma_wait3A_742 = arith.constant 2 : i32
        %dma_wait3A_743 = arith.constant 0 : i32
        %dma_wait3A_744 = tpu.memref_slice %arg7[%dma_wait3A_742, %dma_wait3A_743] : memref<6x100xi32, #tpu.memory_space<vmem>> -> memref<1x100xi32, #tpu.memory_space<vmem>>
        %dma_wait3A_745 = tpu.memref_squeeze %dma_wait3A_744 : memref<1x100xi32, #tpu.memory_space<vmem>> -> memref<100xi32, #tpu.memory_space<vmem>>
        %dma_wait3A_746 = arith.constant 0 : i32
        %dma_wait3A_747 = tpu.memref_slice %arg3[%add3A, %add3A_741, %dma_wait3A_746] : memref<32x100x100xi32, #tpu.memory_space<hbm>> -> memref<1x1x100xi32, #tpu.memory_space<hbm>>
        %dma_wait3A_748 = tpu.memref_squeeze %dma_wait3A_747 : memref<1x1x100xi32, #tpu.memory_space<hbm>> -> memref<100xi32, #tpu.memory_space<hbm>>
        %dma_wait3A_749 = arith.constant 0 : i32
        %dma_wait3A_750 = tpu.memref_slice %arg7[%dma_wait3A_742, %dma_wait3A_749] : memref<6x100xi32, #tpu.memory_space<vmem>> -> memref<1x100xi32, #tpu.memory_space<vmem>>
        %dma_wait3A_751 = tpu.memref_squeeze %dma_wait3A_750 : memref<1x100xi32, #tpu.memory_space<vmem>> -> memref<100xi32, #tpu.memory_space<vmem>>
        %dma_wait3A_752 = arith.constant 0 : i32
        %dma_wait3A_753 = tpu.memref_slice %arg3[%add3A, %add3A_741, %dma_wait3A_752] : memref<32x100x100xi32, #tpu.memory_space<hbm>> -> memref<1x1x100xi32, #tpu.memory_space<hbm>>
        %dma_wait3A_754 = tpu.memref_squeeze %dma_wait3A_753 : memref<1x1x100xi32, #tpu.memory_space<hbm>> -> memref<100xi32, #tpu.memory_space<hbm>>
        tpu.wait_dma2 semaphore(%arg15 : memref<!tpu.dma_semaphore, #tpu.memory_space<semaphore_mem>>) src(%dma_wait3A_754 : memref<100xi32, #tpu.memory_space<hbm>>) dst(%dma_wait3A_751 : memref<100xi32, #tpu.memory_space<vmem>>)
        %dma_start3A_755 = arith.constant 2 : i32
        %dma_start3A_756 = arith.constant 0 : i32
        %dma_start3A_757 = tpu.memref_slice %arg7[%dma_start3A_755, %dma_start3A_756] : memref<6x100xi32, #tpu.memory_space<vmem>> -> memref<1x100xi32, #tpu.memory_space<vmem>>
        %dma_start3A_758 = tpu.memref_squeeze %dma_start3A_757 : memref<1x100xi32, #tpu.memory_space<vmem>> -> memref<100xi32, #tpu.memory_space<vmem>>
        %dma_start3A_759 = arith.constant 0 : i32
        %dma_start3A_760 = arith.constant 0 : i32
        %dma_start3A_761 = tpu.memref_slice %arg2[%dma_start3A_759, %dma_start3A_760] : memref<10000x128xf32, #tpu.memory_space<hbm>> -> memref<10000x128xf32, #tpu.memory_space<hbm>>
        tpu.enqueue_indirect_dma source(%dma_start3A_761 : memref<10000x128xf32, #tpu.memory_space<hbm>>) target(%arg11 : memref<100x128xf32, #tpu.memory_space<vmem>>) offsets(%dma_start3A_758 : memref<100xi32, #tpu.memory_space<vmem>>) semaphore(%arg27 : memref<!tpu.dma_semaphore, #tpu.memory_space<semaphore_mem>>)
      } else {
      }
      %mul3A_455 = arith.constant 6 : i32
      %mul3A_456 = arith.muli %scan3A_399, %mul3A_455 : i32
      %add3A_457 = arith.constant 1 : i32
      %add3A_458 = arith.addi %mul3A_456, %add3A_457 : i32
      %dma_wait3A_459 = arith.constant 1 : i32
      %dma_wait3A_460 = arith.constant 0 : i32
      %dma_wait3A_461 = tpu.memref_slice %arg7[%dma_wait3A_459, %dma_wait3A_460] : memref<6x100xi32, #tpu.memory_space<vmem>> -> memref<1x100xi32, #tpu.memory_space<vmem>>
      %dma_wait3A_462 = tpu.memref_squeeze %dma_wait3A_461 : memref<1x100xi32, #tpu.memory_space<vmem>> -> memref<100xi32, #tpu.memory_space<vmem>>
      %dma_wait3A_463 = arith.constant 0 : i32
      %dma_wait3A_464 = arith.constant 0 : i32
      %dma_wait3A_465 = tpu.memref_slice %arg2[%dma_wait3A_463, %dma_wait3A_464] : memref<10000x128xf32, #tpu.memory_space<hbm>> -> memref<10000x128xf32, #tpu.memory_space<hbm>>
      tpu.wait_indirect_dma semaphore(%arg26 : memref<!tpu.dma_semaphore, #tpu.memory_space<semaphore_mem>>) src(%dma_wait3A_465 : memref<10000x128xf32, #tpu.memory_space<hbm>>) dst(%arg10 : memref<100x128xf32, #tpu.memory_space<vmem>>)
      %dma_wait3A_466 = arith.constant 1 : i32
      %dma_wait3A_467 = arith.constant 0 : i32
      %dma_wait3A_468 = tpu.memref_slice %arg8[%dma_wait3A_466, %dma_wait3A_467] : memref<6x100xi32, #tpu.memory_space<vmem>> -> memref<1x100xi32, #tpu.memory_space<vmem>>
      %dma_wait3A_469 = tpu.memref_squeeze %dma_wait3A_468 : memref<1x100xi32, #tpu.memory_space<vmem>> -> memref<100xi32, #tpu.memory_space<vmem>>
      %dma_wait3A_470 = arith.constant 0 : i32
      %dma_wait3A_471 = tpu.memref_slice %arg4[%add3A, %add3A_458, %dma_wait3A_470] : memref<32x100x100xi32, #tpu.memory_space<hbm>> -> memref<1x1x100xi32, #tpu.memory_space<hbm>>
      %dma_wait3A_472 = tpu.memref_squeeze %dma_wait3A_471 : memref<1x1x100xi32, #tpu.memory_space<hbm>> -> memref<100xi32, #tpu.memory_space<hbm>>
      %dma_wait3A_473 = arith.constant 0 : i32
      %dma_wait3A_474 = tpu.memref_slice %arg8[%dma_wait3A_466, %dma_wait3A_473] : memref<6x100xi32, #tpu.memory_space<vmem>> -> memref<1x100xi32, #tpu.memory_space<vmem>>
      %dma_wait3A_475 = tpu.memref_squeeze %dma_wait3A_474 : memref<1x100xi32, #tpu.memory_space<vmem>> -> memref<100xi32, #tpu.memory_space<vmem>>
      %dma_wait3A_476 = arith.constant 0 : i32
      %dma_wait3A_477 = tpu.memref_slice %arg4[%add3A, %add3A_458, %dma_wait3A_476] : memref<32x100x100xi32, #tpu.memory_space<hbm>> -> memref<1x1x100xi32, #tpu.memory_space<hbm>>
      %dma_wait3A_478 = tpu.memref_squeeze %dma_wait3A_477 : memref<1x1x100xi32, #tpu.memory_space<hbm>> -> memref<100xi32, #tpu.memory_space<hbm>>
      tpu.wait_dma2 semaphore(%arg20 : memref<!tpu.dma_semaphore, #tpu.memory_space<semaphore_mem>>) src(%dma_wait3A_478 : memref<100xi32, #tpu.memory_space<hbm>>) dst(%dma_wait3A_475 : memref<100xi32, #tpu.memory_space<vmem>>)
      %dma_start3A_479 = arith.constant 1 : i32
      %dma_start3A_480 = arith.constant 0 : i32
      %dma_start3A_481 = tpu.memref_slice %arg8[%dma_start3A_479, %dma_start3A_480] : memref<6x100xi32, #tpu.memory_space<vmem>> -> memref<1x100xi32, #tpu.memory_space<vmem>>
      %dma_start3A_482 = tpu.memref_squeeze %dma_start3A_481 : memref<1x100xi32, #tpu.memory_space<vmem>> -> memref<100xi32, #tpu.memory_space<vmem>>
      %dma_start3A_483 = arith.constant 0 : i32
      %dma_start3A_484 = arith.constant 0 : i32
      %dma_start3A_485 = tpu.memref_slice %arg12[%dma_start3A_483, %dma_start3A_484] : memref<10000x128xf32, #tpu.memory_space<vmem_shared>> -> memref<10000x128xf32, #tpu.memory_space<vmem_shared>>
      tpu.enqueue_indirect_dma source(%arg10 : memref<100x128xf32, #tpu.memory_space<vmem>>) target(%dma_start3A_485 : memref<10000x128xf32, #tpu.memory_space<vmem_shared>>) offsets(%dma_start3A_482 : memref<100xi32, #tpu.memory_space<vmem>>) semaphore(%arg29 : memref<!tpu.dma_semaphore, #tpu.memory_space<semaphore_mem>>) {add = true}
      %ge3A_486 = arith.constant 1 : i32
      %ge3A_487 = arith.cmpi sge, %add3A_458, %ge3A_486 : i32
      %convert_element_type3A_488 = arith.extui %ge3A_487 : i1 to i32
      %cond3A_489 = arith.constant 0 : i32
      %cond3A_490 = arith.cmpi ne, %convert_element_type3A_488, %cond3A_489 : i32
      scf.if %cond3A_490 {
        %dma_wait3A_740 = arith.constant 1 : i32
        %dma_wait3A_741 = arith.constant 0 : i32
        %dma_wait3A_742 = tpu.memref_slice %arg8[%dma_wait3A_740, %dma_wait3A_741] : memref<6x100xi32, #tpu.memory_space<vmem>> -> memref<1x100xi32, #tpu.memory_space<vmem>>
        %dma_wait3A_743 = tpu.memref_squeeze %dma_wait3A_742 : memref<1x100xi32, #tpu.memory_space<vmem>> -> memref<100xi32, #tpu.memory_space<vmem>>
        %dma_wait3A_744 = arith.constant 0 : i32
        %dma_wait3A_745 = arith.constant 0 : i32
        %dma_wait3A_746 = tpu.memref_slice %arg12[%dma_wait3A_744, %dma_wait3A_745] : memref<10000x128xf32, #tpu.memory_space<vmem_shared>> -> memref<10000x128xf32, #tpu.memory_space<vmem_shared>>
        tpu.wait_indirect_dma semaphore(%arg28 : memref<!tpu.dma_semaphore, #tpu.memory_space<semaphore_mem>>) src(%arg9 : memref<100x128xf32, #tpu.memory_space<vmem>>) dst(%dma_wait3A_746 : memref<10000x128xf32, #tpu.memory_space<vmem_shared>>)
      } else {
      }
      %add3A_491 = arith.constant 5 : i32
      %add3A_492 = arith.addi %add3A_458, %add3A_491 : i32
      %lt3A_493 = arith.constant 100 : i32
      %lt3A_494 = arith.cmpi slt, %add3A_492, %lt3A_493 : i32
      %convert_element_type3A_495 = arith.extui %lt3A_494 : i1 to i32
      %cond3A_496 = arith.constant 0 : i32
      %cond3A_497 = arith.cmpi ne, %convert_element_type3A_495, %cond3A_496 : i32
      scf.if %cond3A_497 {
        %add3A_740 = arith.constant 5 : i32
        %add3A_741 = arith.addi %add3A_458, %add3A_740 : i32
        %dma_start3A_742 = arith.constant 0 : i32
        %dma_start3A_743 = arith.constant 0 : i32
        %dma_start3A_744 = tpu.memref_slice %arg8[%dma_start3A_742, %dma_start3A_743] : memref<6x100xi32, #tpu.memory_space<vmem>> -> memref<1x100xi32, #tpu.memory_space<vmem>>
        %dma_start3A_745 = tpu.memref_squeeze %dma_start3A_744 : memref<1x100xi32, #tpu.memory_space<vmem>> -> memref<100xi32, #tpu.memory_space<vmem>>
        %dma_start3A_746 = arith.constant 0 : i32
        %dma_start3A_747 = tpu.memref_slice %arg4[%add3A, %add3A_741, %dma_start3A_746] : memref<32x100x100xi32, #tpu.memory_space<hbm>> -> memref<1x1x100xi32, #tpu.memory_space<hbm>>
        %dma_start3A_748 = tpu.memref_squeeze %dma_start3A_747 : memref<1x1x100xi32, #tpu.memory_space<hbm>> -> memref<100xi32, #tpu.memory_space<hbm>>
        %dma_start3A_749 = arith.constant 0 : i32
        %dma_start3A_750 = tpu.memref_slice %arg8[%dma_start3A_742, %dma_start3A_749] : memref<6x100xi32, #tpu.memory_space<vmem>> -> memref<1x100xi32, #tpu.memory_space<vmem>>
        %dma_start3A_751 = tpu.memref_squeeze %dma_start3A_750 : memref<1x100xi32, #tpu.memory_space<vmem>> -> memref<100xi32, #tpu.memory_space<vmem>>
        %dma_start3A_752 = arith.constant 0 : i32
        %dma_start3A_753 = tpu.memref_slice %arg4[%add3A, %add3A_741, %dma_start3A_752] : memref<32x100x100xi32, #tpu.memory_space<hbm>> -> memref<1x1x100xi32, #tpu.memory_space<hbm>>
        %dma_start3A_754 = tpu.memref_squeeze %dma_start3A_753 : memref<1x1x100xi32, #tpu.memory_space<hbm>> -> memref<100xi32, #tpu.memory_space<hbm>>
        tpu.enqueue_dma source(%dma_start3A_754 : memref<100xi32, #tpu.memory_space<hbm>>) target(%dma_start3A_751 : memref<100xi32, #tpu.memory_space<vmem>>) target_semaphore(%arg19 : memref<!tpu.dma_semaphore, #tpu.memory_space<semaphore_mem>>)
      } else {
      }
      %add3A_498 = arith.constant 6 : i32
      %add3A_499 = arith.addi %add3A_458, %add3A_498 : i32
      %lt3A_500 = arith.constant 100 : i32
      %lt3A_501 = arith.cmpi slt, %add3A_499, %lt3A_500 : i32
      %convert_element_type3A_502 = arith.extui %lt3A_501 : i1 to i32
      %cond3A_503 = arith.constant 0 : i32
      %cond3A_504 = arith.cmpi ne, %convert_element_type3A_502, %cond3A_503 : i32
      scf.if %cond3A_504 {
        %add3A_740 = arith.constant 6 : i32
        %add3A_741 = arith.addi %add3A_458, %add3A_740 : i32
        %dma_start3A_742 = arith.constant 1 : i32
        %dma_start3A_743 = arith.constant 0 : i32
        %dma_start3A_744 = tpu.memref_slice %arg7[%dma_start3A_742, %dma_start3A_743] : memref<6x100xi32, #tpu.memory_space<vmem>> -> memref<1x100xi32, #tpu.memory_space<vmem>>
        %dma_start3A_745 = tpu.memref_squeeze %dma_start3A_744 : memref<1x100xi32, #tpu.memory_space<vmem>> -> memref<100xi32, #tpu.memory_space<vmem>>
        %dma_start3A_746 = arith.constant 0 : i32
        %dma_start3A_747 = tpu.memref_slice %arg3[%add3A, %add3A_741, %dma_start3A_746] : memref<32x100x100xi32, #tpu.memory_space<hbm>> -> memref<1x1x100xi32, #tpu.memory_space<hbm>>
        %dma_start3A_748 = tpu.memref_squeeze %dma_start3A_747 : memref<1x1x100xi32, #tpu.memory_space<hbm>> -> memref<100xi32, #tpu.memory_space<hbm>>
        %dma_start3A_749 = arith.constant 0 : i32
        %dma_start3A_750 = tpu.memref_slice %arg7[%dma_start3A_742, %dma_start3A_749] : memref<6x100xi32, #tpu.memory_space<vmem>> -> memref<1x100xi32, #tpu.memory_space<vmem>>
        %dma_start3A_751 = tpu.memref_squeeze %dma_start3A_750 : memref<1x100xi32, #tpu.memory_space<vmem>> -> memref<100xi32, #tpu.memory_space<vmem>>
        %dma_start3A_752 = arith.constant 0 : i32
        %dma_start3A_753 = tpu.memref_slice %arg3[%add3A, %add3A_741, %dma_start3A_752] : memref<32x100x100xi32, #tpu.memory_space<hbm>> -> memref<1x1x100xi32, #tpu.memory_space<hbm>>
        %dma_start3A_754 = tpu.memref_squeeze %dma_start3A_753 : memref<1x1x100xi32, #tpu.memory_space<hbm>> -> memref<100xi32, #tpu.memory_space<hbm>>
        tpu.enqueue_dma source(%dma_start3A_754 : memref<100xi32, #tpu.memory_space<hbm>>) target(%dma_start3A_751 : memref<100xi32, #tpu.memory_space<vmem>>) target_semaphore(%arg14 : memref<!tpu.dma_semaphore, #tpu.memory_space<semaphore_mem>>)
      } else {
      }
      %add3A_505 = arith.constant 2 : i32
      %add3A_506 = arith.addi %add3A_458, %add3A_505 : i32
      %lt3A_507 = arith.constant 100 : i32
      %lt3A_508 = arith.cmpi slt, %add3A_506, %lt3A_507 : i32
      %convert_element_type3A_509 = arith.extui %lt3A_508 : i1 to i32
      %cond3A_510 = arith.constant 0 : i32
      %cond3A_511 = arith.cmpi ne, %convert_element_type3A_509, %cond3A_510 : i32
      scf.if %cond3A_511 {
        %add3A_740 = arith.constant 2 : i32
        %add3A_741 = arith.addi %add3A_458, %add3A_740 : i32
        %dma_wait3A_742 = arith.constant 3 : i32
        %dma_wait3A_743 = arith.constant 0 : i32
        %dma_wait3A_744 = tpu.memref_slice %arg7[%dma_wait3A_742, %dma_wait3A_743] : memref<6x100xi32, #tpu.memory_space<vmem>> -> memref<1x100xi32, #tpu.memory_space<vmem>>
        %dma_wait3A_745 = tpu.memref_squeeze %dma_wait3A_744 : memref<1x100xi32, #tpu.memory_space<vmem>> -> memref<100xi32, #tpu.memory_space<vmem>>
        %dma_wait3A_746 = arith.constant 0 : i32
        %dma_wait3A_747 = tpu.memref_slice %arg3[%add3A, %add3A_741, %dma_wait3A_746] : memref<32x100x100xi32, #tpu.memory_space<hbm>> -> memref<1x1x100xi32, #tpu.memory_space<hbm>>
        %dma_wait3A_748 = tpu.memref_squeeze %dma_wait3A_747 : memref<1x1x100xi32, #tpu.memory_space<hbm>> -> memref<100xi32, #tpu.memory_space<hbm>>
        %dma_wait3A_749 = arith.constant 0 : i32
        %dma_wait3A_750 = tpu.memref_slice %arg7[%dma_wait3A_742, %dma_wait3A_749] : memref<6x100xi32, #tpu.memory_space<vmem>> -> memref<1x100xi32, #tpu.memory_space<vmem>>
        %dma_wait3A_751 = tpu.memref_squeeze %dma_wait3A_750 : memref<1x100xi32, #tpu.memory_space<vmem>> -> memref<100xi32, #tpu.memory_space<vmem>>
        %dma_wait3A_752 = arith.constant 0 : i32
        %dma_wait3A_753 = tpu.memref_slice %arg3[%add3A, %add3A_741, %dma_wait3A_752] : memref<32x100x100xi32, #tpu.memory_space<hbm>> -> memref<1x1x100xi32, #tpu.memory_space<hbm>>
        %dma_wait3A_754 = tpu.memref_squeeze %dma_wait3A_753 : memref<1x1x100xi32, #tpu.memory_space<hbm>> -> memref<100xi32, #tpu.memory_space<hbm>>
        tpu.wait_dma2 semaphore(%arg16 : memref<!tpu.dma_semaphore, #tpu.memory_space<semaphore_mem>>) src(%dma_wait3A_754 : memref<100xi32, #tpu.memory_space<hbm>>) dst(%dma_wait3A_751 : memref<100xi32, #tpu.memory_space<vmem>>)
        %dma_start3A_755 = arith.constant 3 : i32
        %dma_start3A_756 = arith.constant 0 : i32
        %dma_start3A_757 = tpu.memref_slice %arg7[%dma_start3A_755, %dma_start3A_756] : memref<6x100xi32, #tpu.memory_space<vmem>> -> memref<1x100xi32, #tpu.memory_space<vmem>>
        %dma_start3A_758 = tpu.memref_squeeze %dma_start3A_757 : memref<1x100xi32, #tpu.memory_space<vmem>> -> memref<100xi32, #tpu.memory_space<vmem>>
        %dma_start3A_759 = arith.constant 0 : i32
        %dma_start3A_760 = arith.constant 0 : i32
        %dma_start3A_761 = tpu.memref_slice %arg2[%dma_start3A_759, %dma_start3A_760] : memref<10000x128xf32, #tpu.memory_space<hbm>> -> memref<10000x128xf32, #tpu.memory_space<hbm>>
        tpu.enqueue_indirect_dma source(%dma_start3A_761 : memref<10000x128xf32, #tpu.memory_space<hbm>>) target(%arg9 : memref<100x128xf32, #tpu.memory_space<vmem>>) offsets(%dma_start3A_758 : memref<100xi32, #tpu.memory_space<vmem>>) semaphore(%arg25 : memref<!tpu.dma_semaphore, #tpu.memory_space<semaphore_mem>>)
      } else {
      }
      %mul3A_512 = arith.constant 6 : i32
      %mul3A_513 = arith.muli %scan3A_399, %mul3A_512 : i32
      %add3A_514 = arith.constant 2 : i32
      %add3A_515 = arith.addi %mul3A_513, %add3A_514 : i32
      %dma_wait3A_516 = arith.constant 2 : i32
      %dma_wait3A_517 = arith.constant 0 : i32
      %dma_wait3A_518 = tpu.memref_slice %arg7[%dma_wait3A_516, %dma_wait3A_517] : memref<6x100xi32, #tpu.memory_space<vmem>> -> memref<1x100xi32, #tpu.memory_space<vmem>>
      %dma_wait3A_519 = tpu.memref_squeeze %dma_wait3A_518 : memref<1x100xi32, #tpu.memory_space<vmem>> -> memref<100xi32, #tpu.memory_space<vmem>>
      %dma_wait3A_520 = arith.constant 0 : i32
      %dma_wait3A_521 = arith.constant 0 : i32
      %dma_wait3A_522 = tpu.memref_slice %arg2[%dma_wait3A_520, %dma_wait3A_521] : memref<10000x128xf32, #tpu.memory_space<hbm>> -> memref<10000x128xf32, #tpu.memory_space<hbm>>
      tpu.wait_indirect_dma semaphore(%arg27 : memref<!tpu.dma_semaphore, #tpu.memory_space<semaphore_mem>>) src(%dma_wait3A_522 : memref<10000x128xf32, #tpu.memory_space<hbm>>) dst(%arg11 : memref<100x128xf32, #tpu.memory_space<vmem>>)
      %dma_wait3A_523 = arith.constant 2 : i32
      %dma_wait3A_524 = arith.constant 0 : i32
      %dma_wait3A_525 = tpu.memref_slice %arg8[%dma_wait3A_523, %dma_wait3A_524] : memref<6x100xi32, #tpu.memory_space<vmem>> -> memref<1x100xi32, #tpu.memory_space<vmem>>
      %dma_wait3A_526 = tpu.memref_squeeze %dma_wait3A_525 : memref<1x100xi32, #tpu.memory_space<vmem>> -> memref<100xi32, #tpu.memory_space<vmem>>
      %dma_wait3A_527 = arith.constant 0 : i32
      %dma_wait3A_528 = tpu.memref_slice %arg4[%add3A, %add3A_515, %dma_wait3A_527] : memref<32x100x100xi32, #tpu.memory_space<hbm>> -> memref<1x1x100xi32, #tpu.memory_space<hbm>>
      %dma_wait3A_529 = tpu.memref_squeeze %dma_wait3A_528 : memref<1x1x100xi32, #tpu.memory_space<hbm>> -> memref<100xi32, #tpu.memory_space<hbm>>
      %dma_wait3A_530 = arith.constant 0 : i32
      %dma_wait3A_531 = tpu.memref_slice %arg8[%dma_wait3A_523, %dma_wait3A_530] : memref<6x100xi32, #tpu.memory_space<vmem>> -> memref<1x100xi32, #tpu.memory_space<vmem>>
      %dma_wait3A_532 = tpu.memref_squeeze %dma_wait3A_531 : memref<1x100xi32, #tpu.memory_space<vmem>> -> memref<100xi32, #tpu.memory_space<vmem>>
      %dma_wait3A_533 = arith.constant 0 : i32
      %dma_wait3A_534 = tpu.memref_slice %arg4[%add3A, %add3A_515, %dma_wait3A_533] : memref<32x100x100xi32, #tpu.memory_space<hbm>> -> memref<1x1x100xi32, #tpu.memory_space<hbm>>
      %dma_wait3A_535 = tpu.memref_squeeze %dma_wait3A_534 : memref<1x1x100xi32, #tpu.memory_space<hbm>> -> memref<100xi32, #tpu.memory_space<hbm>>
      tpu.wait_dma2 semaphore(%arg21 : memref<!tpu.dma_semaphore, #tpu.memory_space<semaphore_mem>>) src(%dma_wait3A_535 : memref<100xi32, #tpu.memory_space<hbm>>) dst(%dma_wait3A_532 : memref<100xi32, #tpu.memory_space<vmem>>)
      %dma_start3A_536 = arith.constant 2 : i32
      %dma_start3A_537 = arith.constant 0 : i32
      %dma_start3A_538 = tpu.memref_slice %arg8[%dma_start3A_536, %dma_start3A_537] : memref<6x100xi32, #tpu.memory_space<vmem>> -> memref<1x100xi32, #tpu.memory_space<vmem>>
      %dma_start3A_539 = tpu.memref_squeeze %dma_start3A_538 : memref<1x100xi32, #tpu.memory_space<vmem>> -> memref<100xi32, #tpu.memory_space<vmem>>
      %dma_start3A_540 = arith.constant 0 : i32
      %dma_start3A_541 = arith.constant 0 : i32
      %dma_start3A_542 = tpu.memref_slice %arg12[%dma_start3A_540, %dma_start3A_541] : memref<10000x128xf32, #tpu.memory_space<vmem_shared>> -> memref<10000x128xf32, #tpu.memory_space<vmem_shared>>
      tpu.enqueue_indirect_dma source(%arg11 : memref<100x128xf32, #tpu.memory_space<vmem>>) target(%dma_start3A_542 : memref<10000x128xf32, #tpu.memory_space<vmem_shared>>) offsets(%dma_start3A_539 : memref<100xi32, #tpu.memory_space<vmem>>) semaphore(%arg30 : memref<!tpu.dma_semaphore, #tpu.memory_space<semaphore_mem>>) {add = true}
      %ge3A_543 = arith.constant 1 : i32
      %ge3A_544 = arith.cmpi sge, %add3A_515, %ge3A_543 : i32
      %convert_element_type3A_545 = arith.extui %ge3A_544 : i1 to i32
      %cond3A_546 = arith.constant 0 : i32
      %cond3A_547 = arith.cmpi ne, %convert_element_type3A_545, %cond3A_546 : i32
      scf.if %cond3A_547 {
        %dma_wait3A_740 = arith.constant 2 : i32
        %dma_wait3A_741 = arith.constant 0 : i32
        %dma_wait3A_742 = tpu.memref_slice %arg8[%dma_wait3A_740, %dma_wait3A_741] : memref<6x100xi32, #tpu.memory_space<vmem>> -> memref<1x100xi32, #tpu.memory_space<vmem>>
        %dma_wait3A_743 = tpu.memref_squeeze %dma_wait3A_742 : memref<1x100xi32, #tpu.memory_space<vmem>> -> memref<100xi32, #tpu.memory_space<vmem>>
        %dma_wait3A_744 = arith.constant 0 : i32
        %dma_wait3A_745 = arith.constant 0 : i32
        %dma_wait3A_746 = tpu.memref_slice %arg12[%dma_wait3A_744, %dma_wait3A_745] : memref<10000x128xf32, #tpu.memory_space<vmem_shared>> -> memref<10000x128xf32, #tpu.memory_space<vmem_shared>>
        tpu.wait_indirect_dma semaphore(%arg29 : memref<!tpu.dma_semaphore, #tpu.memory_space<semaphore_mem>>) src(%arg10 : memref<100x128xf32, #tpu.memory_space<vmem>>) dst(%dma_wait3A_746 : memref<10000x128xf32, #tpu.memory_space<vmem_shared>>)
      } else {
      }
      %add3A_548 = arith.constant 5 : i32
      %add3A_549 = arith.addi %add3A_515, %add3A_548 : i32
      %lt3A_550 = arith.constant 100 : i32
      %lt3A_551 = arith.cmpi slt, %add3A_549, %lt3A_550 : i32
      %convert_element_type3A_552 = arith.extui %lt3A_551 : i1 to i32
      %cond3A_553 = arith.constant 0 : i32
      %cond3A_554 = arith.cmpi ne, %convert_element_type3A_552, %cond3A_553 : i32
      scf.if %cond3A_554 {
        %add3A_740 = arith.constant 5 : i32
        %add3A_741 = arith.addi %add3A_515, %add3A_740 : i32
        %dma_start3A_742 = arith.constant 1 : i32
        %dma_start3A_743 = arith.constant 0 : i32
        %dma_start3A_744 = tpu.memref_slice %arg8[%dma_start3A_742, %dma_start3A_743] : memref<6x100xi32, #tpu.memory_space<vmem>> -> memref<1x100xi32, #tpu.memory_space<vmem>>
        %dma_start3A_745 = tpu.memref_squeeze %dma_start3A_744 : memref<1x100xi32, #tpu.memory_space<vmem>> -> memref<100xi32, #tpu.memory_space<vmem>>
        %dma_start3A_746 = arith.constant 0 : i32
        %dma_start3A_747 = tpu.memref_slice %arg4[%add3A, %add3A_741, %dma_start3A_746] : memref<32x100x100xi32, #tpu.memory_space<hbm>> -> memref<1x1x100xi32, #tpu.memory_space<hbm>>
        %dma_start3A_748 = tpu.memref_squeeze %dma_start3A_747 : memref<1x1x100xi32, #tpu.memory_space<hbm>> -> memref<100xi32, #tpu.memory_space<hbm>>
        %dma_start3A_749 = arith.constant 0 : i32
        %dma_start3A_750 = tpu.memref_slice %arg8[%dma_start3A_742, %dma_start3A_749] : memref<6x100xi32, #tpu.memory_space<vmem>> -> memref<1x100xi32, #tpu.memory_space<vmem>>
        %dma_start3A_751 = tpu.memref_squeeze %dma_start3A_750 : memref<1x100xi32, #tpu.memory_space<vmem>> -> memref<100xi32, #tpu.memory_space<vmem>>
        %dma_start3A_752 = arith.constant 0 : i32
        %dma_start3A_753 = tpu.memref_slice %arg4[%add3A, %add3A_741, %dma_start3A_752] : memref<32x100x100xi32, #tpu.memory_space<hbm>> -> memref<1x1x100xi32, #tpu.memory_space<hbm>>
        %dma_start3A_754 = tpu.memref_squeeze %dma_start3A_753 : memref<1x1x100xi32, #tpu.memory_space<hbm>> -> memref<100xi32, #tpu.memory_space<hbm>>
        tpu.enqueue_dma source(%dma_start3A_754 : memref<100xi32, #tpu.memory_space<hbm>>) target(%dma_start3A_751 : memref<100xi32, #tpu.memory_space<vmem>>) target_semaphore(%arg20 : memref<!tpu.dma_semaphore, #tpu.memory_space<semaphore_mem>>)
      } else {
      }
      %add3A_555 = arith.constant 6 : i32
      %add3A_556 = arith.addi %add3A_515, %add3A_555 : i32
      %lt3A_557 = arith.constant 100 : i32
      %lt3A_558 = arith.cmpi slt, %add3A_556, %lt3A_557 : i32
      %convert_element_type3A_559 = arith.extui %lt3A_558 : i1 to i32
      %cond3A_560 = arith.constant 0 : i32
      %cond3A_561 = arith.cmpi ne, %convert_element_type3A_559, %cond3A_560 : i32
      scf.if %cond3A_561 {
        %add3A_740 = arith.constant 6 : i32
        %add3A_741 = arith.addi %add3A_515, %add3A_740 : i32
        %dma_start3A_742 = arith.constant 2 : i32
        %dma_start3A_743 = arith.constant 0 : i32
        %dma_start3A_744 = tpu.memref_slice %arg7[%dma_start3A_742, %dma_start3A_743] : memref<6x100xi32, #tpu.memory_space<vmem>> -> memref<1x100xi32, #tpu.memory_space<vmem>>
        %dma_start3A_745 = tpu.memref_squeeze %dma_start3A_744 : memref<1x100xi32, #tpu.memory_space<vmem>> -> memref<100xi32, #tpu.memory_space<vmem>>
        %dma_start3A_746 = arith.constant 0 : i32
        %dma_start3A_747 = tpu.memref_slice %arg3[%add3A, %add3A_741, %dma_start3A_746] : memref<32x100x100xi32, #tpu.memory_space<hbm>> -> memref<1x1x100xi32, #tpu.memory_space<hbm>>
        %dma_start3A_748 = tpu.memref_squeeze %dma_start3A_747 : memref<1x1x100xi32, #tpu.memory_space<hbm>> -> memref<100xi32, #tpu.memory_space<hbm>>
        %dma_start3A_749 = arith.constant 0 : i32
        %dma_start3A_750 = tpu.memref_slice %arg7[%dma_start3A_742, %dma_start3A_749] : memref<6x100xi32, #tpu.memory_space<vmem>> -> memref<1x100xi32, #tpu.memory_space<vmem>>
        %dma_start3A_751 = tpu.memref_squeeze %dma_start3A_750 : memref<1x100xi32, #tpu.memory_space<vmem>> -> memref<100xi32, #tpu.memory_space<vmem>>
        %dma_start3A_752 = arith.constant 0 : i32
        %dma_start3A_753 = tpu.memref_slice %arg3[%add3A, %add3A_741, %dma_start3A_752] : memref<32x100x100xi32, #tpu.memory_space<hbm>> -> memref<1x1x100xi32, #tpu.memory_space<hbm>>
        %dma_start3A_754 = tpu.memref_squeeze %dma_start3A_753 : memref<1x1x100xi32, #tpu.memory_space<hbm>> -> memref<100xi32, #tpu.memory_space<hbm>>
        tpu.enqueue_dma source(%dma_start3A_754 : memref<100xi32, #tpu.memory_space<hbm>>) target(%dma_start3A_751 : memref<100xi32, #tpu.memory_space<vmem>>) target_semaphore(%arg15 : memref<!tpu.dma_semaphore, #tpu.memory_space<semaphore_mem>>)
      } else {
      }
      %add3A_562 = arith.constant 2 : i32
      %add3A_563 = arith.addi %add3A_515, %add3A_562 : i32
      %lt3A_564 = arith.constant 100 : i32
      %lt3A_565 = arith.cmpi slt, %add3A_563, %lt3A_564 : i32
      %convert_element_type3A_566 = arith.extui %lt3A_565 : i1 to i32
      %cond3A_567 = arith.constant 0 : i32
      %cond3A_568 = arith.cmpi ne, %convert_element_type3A_566, %cond3A_567 : i32
      scf.if %cond3A_568 {
        %add3A_740 = arith.constant 2 : i32
        %add3A_741 = arith.addi %add3A_515, %add3A_740 : i32
        %dma_wait3A_742 = arith.constant 4 : i32
        %dma_wait3A_743 = arith.constant 0 : i32
        %dma_wait3A_744 = tpu.memref_slice %arg7[%dma_wait3A_742, %dma_wait3A_743] : memref<6x100xi32, #tpu.memory_space<vmem>> -> memref<1x100xi32, #tpu.memory_space<vmem>>
        %dma_wait3A_745 = tpu.memref_squeeze %dma_wait3A_744 : memref<1x100xi32, #tpu.memory_space<vmem>> -> memref<100xi32, #tpu.memory_space<vmem>>
        %dma_wait3A_746 = arith.constant 0 : i32
        %dma_wait3A_747 = tpu.memref_slice %arg3[%add3A, %add3A_741, %dma_wait3A_746] : memref<32x100x100xi32, #tpu.memory_space<hbm>> -> memref<1x1x100xi32, #tpu.memory_space<hbm>>
        %dma_wait3A_748 = tpu.memref_squeeze %dma_wait3A_747 : memref<1x1x100xi32, #tpu.memory_space<hbm>> -> memref<100xi32, #tpu.memory_space<hbm>>
        %dma_wait3A_749 = arith.constant 0 : i32
        %dma_wait3A_750 = tpu.memref_slice %arg7[%dma_wait3A_742, %dma_wait3A_749] : memref<6x100xi32, #tpu.memory_space<vmem>> -> memref<1x100xi32, #tpu.memory_space<vmem>>
        %dma_wait3A_751 = tpu.memref_squeeze %dma_wait3A_750 : memref<1x100xi32, #tpu.memory_space<vmem>> -> memref<100xi32, #tpu.memory_space<vmem>>
        %dma_wait3A_752 = arith.constant 0 : i32
        %dma_wait3A_753 = tpu.memref_slice %arg3[%add3A, %add3A_741, %dma_wait3A_752] : memref<32x100x100xi32, #tpu.memory_space<hbm>> -> memref<1x1x100xi32, #tpu.memory_space<hbm>>
        %dma_wait3A_754 = tpu.memref_squeeze %dma_wait3A_753 : memref<1x1x100xi32, #tpu.memory_space<hbm>> -> memref<100xi32, #tpu.memory_space<hbm>>
        tpu.wait_dma2 semaphore(%arg17 : memref<!tpu.dma_semaphore, #tpu.memory_space<semaphore_mem>>) src(%dma_wait3A_754 : memref<100xi32, #tpu.memory_space<hbm>>) dst(%dma_wait3A_751 : memref<100xi32, #tpu.memory_space<vmem>>)
        %dma_start3A_755 = arith.constant 4 : i32
        %dma_start3A_756 = arith.constant 0 : i32
        %dma_start3A_757 = tpu.memref_slice %arg7[%dma_start3A_755, %dma_start3A_756] : memref<6x100xi32, #tpu.memory_space<vmem>> -> memref<1x100xi32, #tpu.memory_space<vmem>>
        %dma_start3A_758 = tpu.memref_squeeze %dma_start3A_757 : memref<1x100xi32, #tpu.memory_space<vmem>> -> memref<100xi32, #tpu.memory_space<vmem>>
        %dma_start3A_759 = arith.constant 0 : i32
        %dma_start3A_760 = arith.constant 0 : i32
        %dma_start3A_761 = tpu.memref_slice %arg2[%dma_start3A_759, %dma_start3A_760] : memref<10000x128xf32, #tpu.memory_space<hbm>> -> memref<10000x128xf32, #tpu.memory_space<hbm>>
        tpu.enqueue_indirect_dma source(%dma_start3A_761 : memref<10000x128xf32, #tpu.memory_space<hbm>>) target(%arg10 : memref<100x128xf32, #tpu.memory_space<vmem>>) offsets(%dma_start3A_758 : memref<100xi32, #tpu.memory_space<vmem>>) semaphore(%arg26 : memref<!tpu.dma_semaphore, #tpu.memory_space<semaphore_mem>>)
      } else {
      }
      %mul3A_569 = arith.constant 6 : i32
      %mul3A_570 = arith.muli %scan3A_399, %mul3A_569 : i32
      %add3A_571 = arith.constant 3 : i32
      %add3A_572 = arith.addi %mul3A_570, %add3A_571 : i32
      %dma_wait3A_573 = arith.constant 3 : i32
      %dma_wait3A_574 = arith.constant 0 : i32
      %dma_wait3A_575 = tpu.memref_slice %arg7[%dma_wait3A_573, %dma_wait3A_574] : memref<6x100xi32, #tpu.memory_space<vmem>> -> memref<1x100xi32, #tpu.memory_space<vmem>>
      %dma_wait3A_576 = tpu.memref_squeeze %dma_wait3A_575 : memref<1x100xi32, #tpu.memory_space<vmem>> -> memref<100xi32, #tpu.memory_space<vmem>>
      %dma_wait3A_577 = arith.constant 0 : i32
      %dma_wait3A_578 = arith.constant 0 : i32
      %dma_wait3A_579 = tpu.memref_slice %arg2[%dma_wait3A_577, %dma_wait3A_578] : memref<10000x128xf32, #tpu.memory_space<hbm>> -> memref<10000x128xf32, #tpu.memory_space<hbm>>
      tpu.wait_indirect_dma semaphore(%arg25 : memref<!tpu.dma_semaphore, #tpu.memory_space<semaphore_mem>>) src(%dma_wait3A_579 : memref<10000x128xf32, #tpu.memory_space<hbm>>) dst(%arg9 : memref<100x128xf32, #tpu.memory_space<vmem>>)
      %dma_wait3A_580 = arith.constant 3 : i32
      %dma_wait3A_581 = arith.constant 0 : i32
      %dma_wait3A_582 = tpu.memref_slice %arg8[%dma_wait3A_580, %dma_wait3A_581] : memref<6x100xi32, #tpu.memory_space<vmem>> -> memref<1x100xi32, #tpu.memory_space<vmem>>
      %dma_wait3A_583 = tpu.memref_squeeze %dma_wait3A_582 : memref<1x100xi32, #tpu.memory_space<vmem>> -> memref<100xi32, #tpu.memory_space<vmem>>
      %dma_wait3A_584 = arith.constant 0 : i32
      %dma_wait3A_585 = tpu.memref_slice %arg4[%add3A, %add3A_572, %dma_wait3A_584] : memref<32x100x100xi32, #tpu.memory_space<hbm>> -> memref<1x1x100xi32, #tpu.memory_space<hbm>>
      %dma_wait3A_586 = tpu.memref_squeeze %dma_wait3A_585 : memref<1x1x100xi32, #tpu.memory_space<hbm>> -> memref<100xi32, #tpu.memory_space<hbm>>
      %dma_wait3A_587 = arith.constant 0 : i32
      %dma_wait3A_588 = tpu.memref_slice %arg8[%dma_wait3A_580, %dma_wait3A_587] : memref<6x100xi32, #tpu.memory_space<vmem>> -> memref<1x100xi32, #tpu.memory_space<vmem>>
      %dma_wait3A_589 = tpu.memref_squeeze %dma_wait3A_588 : memref<1x100xi32, #tpu.memory_space<vmem>> -> memref<100xi32, #tpu.memory_space<vmem>>
      %dma_wait3A_590 = arith.constant 0 : i32
      %dma_wait3A_591 = tpu.memref_slice %arg4[%add3A, %add3A_572, %dma_wait3A_590] : memref<32x100x100xi32, #tpu.memory_space<hbm>> -> memref<1x1x100xi32, #tpu.memory_space<hbm>>
      %dma_wait3A_592 = tpu.memref_squeeze %dma_wait3A_591 : memref<1x1x100xi32, #tpu.memory_space<hbm>> -> memref<100xi32, #tpu.memory_space<hbm>>
      tpu.wait_dma2 semaphore(%arg22 : memref<!tpu.dma_semaphore, #tpu.memory_space<semaphore_mem>>) src(%dma_wait3A_592 : memref<100xi32, #tpu.memory_space<hbm>>) dst(%dma_wait3A_589 : memref<100xi32, #tpu.memory_space<vmem>>)
      %dma_start3A_593 = arith.constant 3 : i32
      %dma_start3A_594 = arith.constant 0 : i32
      %dma_start3A_595 = tpu.memref_slice %arg8[%dma_start3A_593, %dma_start3A_594] : memref<6x100xi32, #tpu.memory_space<vmem>> -> memref<1x100xi32, #tpu.memory_space<vmem>>
      %dma_start3A_596 = tpu.memref_squeeze %dma_start3A_595 : memref<1x100xi32, #tpu.memory_space<vmem>> -> memref<100xi32, #tpu.memory_space<vmem>>
      %dma_start3A_597 = arith.constant 0 : i32
      %dma_start3A_598 = arith.constant 0 : i32
      %dma_start3A_599 = tpu.memref_slice %arg12[%dma_start3A_597, %dma_start3A_598] : memref<10000x128xf32, #tpu.memory_space<vmem_shared>> -> memref<10000x128xf32, #tpu.memory_space<vmem_shared>>
      tpu.enqueue_indirect_dma source(%arg9 : memref<100x128xf32, #tpu.memory_space<vmem>>) target(%dma_start3A_599 : memref<10000x128xf32, #tpu.memory_space<vmem_shared>>) offsets(%dma_start3A_596 : memref<100xi32, #tpu.memory_space<vmem>>) semaphore(%arg28 : memref<!tpu.dma_semaphore, #tpu.memory_space<semaphore_mem>>) {add = true}
      %ge3A_600 = arith.constant 1 : i32
      %ge3A_601 = arith.cmpi sge, %add3A_572, %ge3A_600 : i32
      %convert_element_type3A_602 = arith.extui %ge3A_601 : i1 to i32
      %cond3A_603 = arith.constant 0 : i32
      %cond3A_604 = arith.cmpi ne, %convert_element_type3A_602, %cond3A_603 : i32
      scf.if %cond3A_604 {
        %dma_wait3A_740 = arith.constant 3 : i32
        %dma_wait3A_741 = arith.constant 0 : i32
        %dma_wait3A_742 = tpu.memref_slice %arg8[%dma_wait3A_740, %dma_wait3A_741] : memref<6x100xi32, #tpu.memory_space<vmem>> -> memref<1x100xi32, #tpu.memory_space<vmem>>
        %dma_wait3A_743 = tpu.memref_squeeze %dma_wait3A_742 : memref<1x100xi32, #tpu.memory_space<vmem>> -> memref<100xi32, #tpu.memory_space<vmem>>
        %dma_wait3A_744 = arith.constant 0 : i32
        %dma_wait3A_745 = arith.constant 0 : i32
        %dma_wait3A_746 = tpu.memref_slice %arg12[%dma_wait3A_744, %dma_wait3A_745] : memref<10000x128xf32, #tpu.memory_space<vmem_shared>> -> memref<10000x128xf32, #tpu.memory_space<vmem_shared>>
        tpu.wait_indirect_dma semaphore(%arg30 : memref<!tpu.dma_semaphore, #tpu.memory_space<semaphore_mem>>) src(%arg11 : memref<100x128xf32, #tpu.memory_space<vmem>>) dst(%dma_wait3A_746 : memref<10000x128xf32, #tpu.memory_space<vmem_shared>>)
      } else {
      }
      %add3A_605 = arith.constant 5 : i32
      %add3A_606 = arith.addi %add3A_572, %add3A_605 : i32
      %lt3A_607 = arith.constant 100 : i32
      %lt3A_608 = arith.cmpi slt, %add3A_606, %lt3A_607 : i32
      %convert_element_type3A_609 = arith.extui %lt3A_608 : i1 to i32
      %cond3A_610 = arith.constant 0 : i32
      %cond3A_611 = arith.cmpi ne, %convert_element_type3A_609, %cond3A_610 : i32
      scf.if %cond3A_611 {
        %add3A_740 = arith.constant 5 : i32
        %add3A_741 = arith.addi %add3A_572, %add3A_740 : i32
        %dma_start3A_742 = arith.constant 2 : i32
        %dma_start3A_743 = arith.constant 0 : i32
        %dma_start3A_744 = tpu.memref_slice %arg8[%dma_start3A_742, %dma_start3A_743] : memref<6x100xi32, #tpu.memory_space<vmem>> -> memref<1x100xi32, #tpu.memory_space<vmem>>
        %dma_start3A_745 = tpu.memref_squeeze %dma_start3A_744 : memref<1x100xi32, #tpu.memory_space<vmem>> -> memref<100xi32, #tpu.memory_space<vmem>>
        %dma_start3A_746 = arith.constant 0 : i32
        %dma_start3A_747 = tpu.memref_slice %arg4[%add3A, %add3A_741, %dma_start3A_746] : memref<32x100x100xi32, #tpu.memory_space<hbm>> -> memref<1x1x100xi32, #tpu.memory_space<hbm>>
        %dma_start3A_748 = tpu.memref_squeeze %dma_start3A_747 : memref<1x1x100xi32, #tpu.memory_space<hbm>> -> memref<100xi32, #tpu.memory_space<hbm>>
        %dma_start3A_749 = arith.constant 0 : i32
        %dma_start3A_750 = tpu.memref_slice %arg8[%dma_start3A_742, %dma_start3A_749] : memref<6x100xi32, #tpu.memory_space<vmem>> -> memref<1x100xi32, #tpu.memory_space<vmem>>
        %dma_start3A_751 = tpu.memref_squeeze %dma_start3A_750 : memref<1x100xi32, #tpu.memory_space<vmem>> -> memref<100xi32, #tpu.memory_space<vmem>>
        %dma_start3A_752 = arith.constant 0 : i32
        %dma_start3A_753 = tpu.memref_slice %arg4[%add3A, %add3A_741, %dma_start3A_752] : memref<32x100x100xi32, #tpu.memory_space<hbm>> -> memref<1x1x100xi32, #tpu.memory_space<hbm>>
        %dma_start3A_754 = tpu.memref_squeeze %dma_start3A_753 : memref<1x1x100xi32, #tpu.memory_space<hbm>> -> memref<100xi32, #tpu.memory_space<hbm>>
        tpu.enqueue_dma source(%dma_start3A_754 : memref<100xi32, #tpu.memory_space<hbm>>) target(%dma_start3A_751 : memref<100xi32, #tpu.memory_space<vmem>>) target_semaphore(%arg21 : memref<!tpu.dma_semaphore, #tpu.memory_space<semaphore_mem>>)
      } else {
      }
      %add3A_612 = arith.constant 6 : i32
      %add3A_613 = arith.addi %add3A_572, %add3A_612 : i32
      %lt3A_614 = arith.constant 100 : i32
      %lt3A_615 = arith.cmpi slt, %add3A_613, %lt3A_614 : i32
      %convert_element_type3A_616 = arith.extui %lt3A_615 : i1 to i32
      %cond3A_617 = arith.constant 0 : i32
      %cond3A_618 = arith.cmpi ne, %convert_element_type3A_616, %cond3A_617 : i32
      scf.if %cond3A_618 {
        %add3A_740 = arith.constant 6 : i32
        %add3A_741 = arith.addi %add3A_572, %add3A_740 : i32
        %dma_start3A_742 = arith.constant 3 : i32
        %dma_start3A_743 = arith.constant 0 : i32
        %dma_start3A_744 = tpu.memref_slice %arg7[%dma_start3A_742, %dma_start3A_743] : memref<6x100xi32, #tpu.memory_space<vmem>> -> memref<1x100xi32, #tpu.memory_space<vmem>>
        %dma_start3A_745 = tpu.memref_squeeze %dma_start3A_744 : memref<1x100xi32, #tpu.memory_space<vmem>> -> memref<100xi32, #tpu.memory_space<vmem>>
        %dma_start3A_746 = arith.constant 0 : i32
        %dma_start3A_747 = tpu.memref_slice %arg3[%add3A, %add3A_741, %dma_start3A_746] : memref<32x100x100xi32, #tpu.memory_space<hbm>> -> memref<1x1x100xi32, #tpu.memory_space<hbm>>
        %dma_start3A_748 = tpu.memref_squeeze %dma_start3A_747 : memref<1x1x100xi32, #tpu.memory_space<hbm>> -> memref<100xi32, #tpu.memory_space<hbm>>
        %dma_start3A_749 = arith.constant 0 : i32
        %dma_start3A_750 = tpu.memref_slice %arg7[%dma_start3A_742, %dma_start3A_749] : memref<6x100xi32, #tpu.memory_space<vmem>> -> memref<1x100xi32, #tpu.memory_space<vmem>>
        %dma_start3A_751 = tpu.memref_squeeze %dma_start3A_750 : memref<1x100xi32, #tpu.memory_space<vmem>> -> memref<100xi32, #tpu.memory_space<vmem>>
        %dma_start3A_752 = arith.constant 0 : i32
        %dma_start3A_753 = tpu.memref_slice %arg3[%add3A, %add3A_741, %dma_start3A_752] : memref<32x100x100xi32, #tpu.memory_space<hbm>> -> memref<1x1x100xi32, #tpu.memory_space<hbm>>
        %dma_start3A_754 = tpu.memref_squeeze %dma_start3A_753 : memref<1x1x100xi32, #tpu.memory_space<hbm>> -> memref<100xi32, #tpu.memory_space<hbm>>
        tpu.enqueue_dma source(%dma_start3A_754 : memref<100xi32, #tpu.memory_space<hbm>>) target(%dma_start3A_751 : memref<100xi32, #tpu.memory_space<vmem>>) target_semaphore(%arg16 : memref<!tpu.dma_semaphore, #tpu.memory_space<semaphore_mem>>)
      } else {
      }
      %add3A_619 = arith.constant 2 : i32
      %add3A_620 = arith.addi %add3A_572, %add3A_619 : i32
      %lt3A_621 = arith.constant 100 : i32
      %lt3A_622 = arith.cmpi slt, %add3A_620, %lt3A_621 : i32
      %convert_element_type3A_623 = arith.extui %lt3A_622 : i1 to i32
      %cond3A_624 = arith.constant 0 : i32
      %cond3A_625 = arith.cmpi ne, %convert_element_type3A_623, %cond3A_624 : i32
      scf.if %cond3A_625 {
        %add3A_740 = arith.constant 2 : i32
        %add3A_741 = arith.addi %add3A_572, %add3A_740 : i32
        %dma_wait3A_742 = arith.constant 5 : i32
        %dma_wait3A_743 = arith.constant 0 : i32
        %dma_wait3A_744 = tpu.memref_slice %arg7[%dma_wait3A_742, %dma_wait3A_743] : memref<6x100xi32, #tpu.memory_space<vmem>> -> memref<1x100xi32, #tpu.memory_space<vmem>>
        %dma_wait3A_745 = tpu.memref_squeeze %dma_wait3A_744 : memref<1x100xi32, #tpu.memory_space<vmem>> -> memref<100xi32, #tpu.memory_space<vmem>>
        %dma_wait3A_746 = arith.constant 0 : i32
        %dma_wait3A_747 = tpu.memref_slice %arg3[%add3A, %add3A_741, %dma_wait3A_746] : memref<32x100x100xi32, #tpu.memory_space<hbm>> -> memref<1x1x100xi32, #tpu.memory_space<hbm>>
        %dma_wait3A_748 = tpu.memref_squeeze %dma_wait3A_747 : memref<1x1x100xi32, #tpu.memory_space<hbm>> -> memref<100xi32, #tpu.memory_space<hbm>>
        %dma_wait3A_749 = arith.constant 0 : i32
        %dma_wait3A_750 = tpu.memref_slice %arg7[%dma_wait3A_742, %dma_wait3A_749] : memref<6x100xi32, #tpu.memory_space<vmem>> -> memref<1x100xi32, #tpu.memory_space<vmem>>
        %dma_wait3A_751 = tpu.memref_squeeze %dma_wait3A_750 : memref<1x100xi32, #tpu.memory_space<vmem>> -> memref<100xi32, #tpu.memory_space<vmem>>
        %dma_wait3A_752 = arith.constant 0 : i32
        %dma_wait3A_753 = tpu.memref_slice %arg3[%add3A, %add3A_741, %dma_wait3A_752] : memref<32x100x100xi32, #tpu.memory_space<hbm>> -> memref<1x1x100xi32, #tpu.memory_space<hbm>>
        %dma_wait3A_754 = tpu.memref_squeeze %dma_wait3A_753 : memref<1x1x100xi32, #tpu.memory_space<hbm>> -> memref<100xi32, #tpu.memory_space<hbm>>
        tpu.wait_dma2 semaphore(%arg18 : memref<!tpu.dma_semaphore, #tpu.memory_space<semaphore_mem>>) src(%dma_wait3A_754 : memref<100xi32, #tpu.memory_space<hbm>>) dst(%dma_wait3A_751 : memref<100xi32, #tpu.memory_space<vmem>>)
        %dma_start3A_755 = arith.constant 5 : i32
        %dma_start3A_756 = arith.constant 0 : i32
        %dma_start3A_757 = tpu.memref_slice %arg7[%dma_start3A_755, %dma_start3A_756] : memref<6x100xi32, #tpu.memory_space<vmem>> -> memref<1x100xi32, #tpu.memory_space<vmem>>
        %dma_start3A_758 = tpu.memref_squeeze %dma_start3A_757 : memref<1x100xi32, #tpu.memory_space<vmem>> -> memref<100xi32, #tpu.memory_space<vmem>>
        %dma_start3A_759 = arith.constant 0 : i32
        %dma_start3A_760 = arith.constant 0 : i32
        %dma_start3A_761 = tpu.memref_slice %arg2[%dma_start3A_759, %dma_start3A_760] : memref<10000x128xf32, #tpu.memory_space<hbm>> -> memref<10000x128xf32, #tpu.memory_space<hbm>>
        tpu.enqueue_indirect_dma source(%dma_start3A_761 : memref<10000x128xf32, #tpu.memory_space<hbm>>) target(%arg11 : memref<100x128xf32, #tpu.memory_space<vmem>>) offsets(%dma_start3A_758 : memref<100xi32, #tpu.memory_space<vmem>>) semaphore(%arg27 : memref<!tpu.dma_semaphore, #tpu.memory_space<semaphore_mem>>)
      } else {
      }
      %mul3A_626 = arith.constant 6 : i32
      %mul3A_627 = arith.muli %scan3A_399, %mul3A_626 : i32
      %add3A_628 = arith.constant 4 : i32
      %add3A_629 = arith.addi %mul3A_627, %add3A_628 : i32
      %dma_wait3A_630 = arith.constant 4 : i32
      %dma_wait3A_631 = arith.constant 0 : i32
      %dma_wait3A_632 = tpu.memref_slice %arg7[%dma_wait3A_630, %dma_wait3A_631] : memref<6x100xi32, #tpu.memory_space<vmem>> -> memref<1x100xi32, #tpu.memory_space<vmem>>
      %dma_wait3A_633 = tpu.memref_squeeze %dma_wait3A_632 : memref<1x100xi32, #tpu.memory_space<vmem>> -> memref<100xi32, #tpu.memory_space<vmem>>
      %dma_wait3A_634 = arith.constant 0 : i32
      %dma_wait3A_635 = arith.constant 0 : i32
      %dma_wait3A_636 = tpu.memref_slice %arg2[%dma_wait3A_634, %dma_wait3A_635] : memref<10000x128xf32, #tpu.memory_space<hbm>> -> memref<10000x128xf32, #tpu.memory_space<hbm>>
      tpu.wait_indirect_dma semaphore(%arg26 : memref<!tpu.dma_semaphore, #tpu.memory_space<semaphore_mem>>) src(%dma_wait3A_636 : memref<10000x128xf32, #tpu.memory_space<hbm>>) dst(%arg10 : memref<100x128xf32, #tpu.memory_space<vmem>>)
      %dma_wait3A_637 = arith.constant 4 : i32
      %dma_wait3A_638 = arith.constant 0 : i32
      %dma_wait3A_639 = tpu.memref_slice %arg8[%dma_wait3A_637, %dma_wait3A_638] : memref<6x100xi32, #tpu.memory_space<vmem>> -> memref<1x100xi32, #tpu.memory_space<vmem>>
      %dma_wait3A_640 = tpu.memref_squeeze %dma_wait3A_639 : memref<1x100xi32, #tpu.memory_space<vmem>> -> memref<100xi32, #tpu.memory_space<vmem>>
      %dma_wait3A_641 = arith.constant 0 : i32
      %dma_wait3A_642 = tpu.memref_slice %arg4[%add3A, %add3A_629, %dma_wait3A_641] : memref<32x100x100xi32, #tpu.memory_space<hbm>> -> memref<1x1x100xi32, #tpu.memory_space<hbm>>
      %dma_wait3A_643 = tpu.memref_squeeze %dma_wait3A_642 : memref<1x1x100xi32, #tpu.memory_space<hbm>> -> memref<100xi32, #tpu.memory_space<hbm>>
      %dma_wait3A_644 = arith.constant 0 : i32
      %dma_wait3A_645 = tpu.memref_slice %arg8[%dma_wait3A_637, %dma_wait3A_644] : memref<6x100xi32, #tpu.memory_space<vmem>> -> memref<1x100xi32, #tpu.memory_space<vmem>>
      %dma_wait3A_646 = tpu.memref_squeeze %dma_wait3A_645 : memref<1x100xi32, #tpu.memory_space<vmem>> -> memref<100xi32, #tpu.memory_space<vmem>>
      %dma_wait3A_647 = arith.constant 0 : i32
      %dma_wait3A_648 = tpu.memref_slice %arg4[%add3A, %add3A_629, %dma_wait3A_647] : memref<32x100x100xi32, #tpu.memory_space<hbm>> -> memref<1x1x100xi32, #tpu.memory_space<hbm>>
      %dma_wait3A_649 = tpu.memref_squeeze %dma_wait3A_648 : memref<1x1x100xi32, #tpu.memory_space<hbm>> -> memref<100xi32, #tpu.memory_space<hbm>>
      tpu.wait_dma2 semaphore(%arg23 : memref<!tpu.dma_semaphore, #tpu.memory_space<semaphore_mem>>) src(%dma_wait3A_649 : memref<100xi32, #tpu.memory_space<hbm>>) dst(%dma_wait3A_646 : memref<100xi32, #tpu.memory_space<vmem>>)
      %dma_start3A_650 = arith.constant 4 : i32
      %dma_start3A_651 = arith.constant 0 : i32
      %dma_start3A_652 = tpu.memref_slice %arg8[%dma_start3A_650, %dma_start3A_651] : memref<6x100xi32, #tpu.memory_space<vmem>> -> memref<1x100xi32, #tpu.memory_space<vmem>>
      %dma_start3A_653 = tpu.memref_squeeze %dma_start3A_652 : memref<1x100xi32, #tpu.memory_space<vmem>> -> memref<100xi32, #tpu.memory_space<vmem>>
      %dma_start3A_654 = arith.constant 0 : i32
      %dma_start3A_655 = arith.constant 0 : i32
      %dma_start3A_656 = tpu.memref_slice %arg12[%dma_start3A_654, %dma_start3A_655] : memref<10000x128xf32, #tpu.memory_space<vmem_shared>> -> memref<10000x128xf32, #tpu.memory_space<vmem_shared>>
      tpu.enqueue_indirect_dma source(%arg10 : memref<100x128xf32, #tpu.memory_space<vmem>>) target(%dma_start3A_656 : memref<10000x128xf32, #tpu.memory_space<vmem_shared>>) offsets(%dma_start3A_653 : memref<100xi32, #tpu.memory_space<vmem>>) semaphore(%arg29 : memref<!tpu.dma_semaphore, #tpu.memory_space<semaphore_mem>>) {add = true}
      %ge3A_657 = arith.constant 1 : i32
      %ge3A_658 = arith.cmpi sge, %add3A_629, %ge3A_657 : i32
      %convert_element_type3A_659 = arith.extui %ge3A_658 : i1 to i32
      %cond3A_660 = arith.constant 0 : i32
      %cond3A_661 = arith.cmpi ne, %convert_element_type3A_659, %cond3A_660 : i32
      scf.if %cond3A_661 {
        %dma_wait3A_740 = arith.constant 4 : i32
        %dma_wait3A_741 = arith.constant 0 : i32
        %dma_wait3A_742 = tpu.memref_slice %arg8[%dma_wait3A_740, %dma_wait3A_741] : memref<6x100xi32, #tpu.memory_space<vmem>> -> memref<1x100xi32, #tpu.memory_space<vmem>>
        %dma_wait3A_743 = tpu.memref_squeeze %dma_wait3A_742 : memref<1x100xi32, #tpu.memory_space<vmem>> -> memref<100xi32, #tpu.memory_space<vmem>>
        %dma_wait3A_744 = arith.constant 0 : i32
        %dma_wait3A_745 = arith.constant 0 : i32
        %dma_wait3A_746 = tpu.memref_slice %arg12[%dma_wait3A_744, %dma_wait3A_745] : memref<10000x128xf32, #tpu.memory_space<vmem_shared>> -> memref<10000x128xf32, #tpu.memory_space<vmem_shared>>
        tpu.wait_indirect_dma semaphore(%arg28 : memref<!tpu.dma_semaphore, #tpu.memory_space<semaphore_mem>>) src(%arg9 : memref<100x128xf32, #tpu.memory_space<vmem>>) dst(%dma_wait3A_746 : memref<10000x128xf32, #tpu.memory_space<vmem_shared>>)
      } else {
      }
      %add3A_662 = arith.constant 5 : i32
      %add3A_663 = arith.addi %add3A_629, %add3A_662 : i32
      %lt3A_664 = arith.constant 100 : i32
      %lt3A_665 = arith.cmpi slt, %add3A_663, %lt3A_664 : i32
      %convert_element_type3A_666 = arith.extui %lt3A_665 : i1 to i32
      %cond3A_667 = arith.constant 0 : i32
      %cond3A_668 = arith.cmpi ne, %convert_element_type3A_666, %cond3A_667 : i32
      scf.if %cond3A_668 {
        %add3A_740 = arith.constant 5 : i32
        %add3A_741 = arith.addi %add3A_629, %add3A_740 : i32
        %dma_start3A_742 = arith.constant 3 : i32
        %dma_start3A_743 = arith.constant 0 : i32
        %dma_start3A_744 = tpu.memref_slice %arg8[%dma_start3A_742, %dma_start3A_743] : memref<6x100xi32, #tpu.memory_space<vmem>> -> memref<1x100xi32, #tpu.memory_space<vmem>>
        %dma_start3A_745 = tpu.memref_squeeze %dma_start3A_744 : memref<1x100xi32, #tpu.memory_space<vmem>> -> memref<100xi32, #tpu.memory_space<vmem>>
        %dma_start3A_746 = arith.constant 0 : i32
        %dma_start3A_747 = tpu.memref_slice %arg4[%add3A, %add3A_741, %dma_start3A_746] : memref<32x100x100xi32, #tpu.memory_space<hbm>> -> memref<1x1x100xi32, #tpu.memory_space<hbm>>
        %dma_start3A_748 = tpu.memref_squeeze %dma_start3A_747 : memref<1x1x100xi32, #tpu.memory_space<hbm>> -> memref<100xi32, #tpu.memory_space<hbm>>
        %dma_start3A_749 = arith.constant 0 : i32
        %dma_start3A_750 = tpu.memref_slice %arg8[%dma_start3A_742, %dma_start3A_749] : memref<6x100xi32, #tpu.memory_space<vmem>> -> memref<1x100xi32, #tpu.memory_space<vmem>>
        %dma_start3A_751 = tpu.memref_squeeze %dma_start3A_750 : memref<1x100xi32, #tpu.memory_space<vmem>> -> memref<100xi32, #tpu.memory_space<vmem>>
        %dma_start3A_752 = arith.constant 0 : i32
        %dma_start3A_753 = tpu.memref_slice %arg4[%add3A, %add3A_741, %dma_start3A_752] : memref<32x100x100xi32, #tpu.memory_space<hbm>> -> memref<1x1x100xi32, #tpu.memory_space<hbm>>
        %dma_start3A_754 = tpu.memref_squeeze %dma_start3A_753 : memref<1x1x100xi32, #tpu.memory_space<hbm>> -> memref<100xi32, #tpu.memory_space<hbm>>
        tpu.enqueue_dma source(%dma_start3A_754 : memref<100xi32, #tpu.memory_space<hbm>>) target(%dma_start3A_751 : memref<100xi32, #tpu.memory_space<vmem>>) target_semaphore(%arg22 : memref<!tpu.dma_semaphore, #tpu.memory_space<semaphore_mem>>)
      } else {
      }
      %add3A_669 = arith.constant 6 : i32
      %add3A_670 = arith.addi %add3A_629, %add3A_669 : i32
      %lt3A_671 = arith.constant 100 : i32
      %lt3A_672 = arith.cmpi slt, %add3A_670, %lt3A_671 : i32
      %convert_element_type3A_673 = arith.extui %lt3A_672 : i1 to i32
      %cond3A_674 = arith.constant 0 : i32
      %cond3A_675 = arith.cmpi ne, %convert_element_type3A_673, %cond3A_674 : i32
      scf.if %cond3A_675 {
        %add3A_740 = arith.constant 6 : i32
        %add3A_741 = arith.addi %add3A_629, %add3A_740 : i32
        %dma_start3A_742 = arith.constant 4 : i32
        %dma_start3A_743 = arith.constant 0 : i32
        %dma_start3A_744 = tpu.memref_slice %arg7[%dma_start3A_742, %dma_start3A_743] : memref<6x100xi32, #tpu.memory_space<vmem>> -> memref<1x100xi32, #tpu.memory_space<vmem>>
        %dma_start3A_745 = tpu.memref_squeeze %dma_start3A_744 : memref<1x100xi32, #tpu.memory_space<vmem>> -> memref<100xi32, #tpu.memory_space<vmem>>
        %dma_start3A_746 = arith.constant 0 : i32
        %dma_start3A_747 = tpu.memref_slice %arg3[%add3A, %add3A_741, %dma_start3A_746] : memref<32x100x100xi32, #tpu.memory_space<hbm>> -> memref<1x1x100xi32, #tpu.memory_space<hbm>>
        %dma_start3A_748 = tpu.memref_squeeze %dma_start3A_747 : memref<1x1x100xi32, #tpu.memory_space<hbm>> -> memref<100xi32, #tpu.memory_space<hbm>>
        %dma_start3A_749 = arith.constant 0 : i32
        %dma_start3A_750 = tpu.memref_slice %arg7[%dma_start3A_742, %dma_start3A_749] : memref<6x100xi32, #tpu.memory_space<vmem>> -> memref<1x100xi32, #tpu.memory_space<vmem>>
        %dma_start3A_751 = tpu.memref_squeeze %dma_start3A_750 : memref<1x100xi32, #tpu.memory_space<vmem>> -> memref<100xi32, #tpu.memory_space<vmem>>
        %dma_start3A_752 = arith.constant 0 : i32
        %dma_start3A_753 = tpu.memref_slice %arg3[%add3A, %add3A_741, %dma_start3A_752] : memref<32x100x100xi32, #tpu.memory_space<hbm>> -> memref<1x1x100xi32, #tpu.memory_space<hbm>>
        %dma_start3A_754 = tpu.memref_squeeze %dma_start3A_753 : memref<1x1x100xi32, #tpu.memory_space<hbm>> -> memref<100xi32, #tpu.memory_space<hbm>>
        tpu.enqueue_dma source(%dma_start3A_754 : memref<100xi32, #tpu.memory_space<hbm>>) target(%dma_start3A_751 : memref<100xi32, #tpu.memory_space<vmem>>) target_semaphore(%arg17 : memref<!tpu.dma_semaphore, #tpu.memory_space<semaphore_mem>>)
      } else {
      }
      %add3A_676 = arith.constant 2 : i32
      %add3A_677 = arith.addi %add3A_629, %add3A_676 : i32
      %lt3A_678 = arith.constant 100 : i32
      %lt3A_679 = arith.cmpi slt, %add3A_677, %lt3A_678 : i32
      %convert_element_type3A_680 = arith.extui %lt3A_679 : i1 to i32
      %cond3A_681 = arith.constant 0 : i32
      %cond3A_682 = arith.cmpi ne, %convert_element_type3A_680, %cond3A_681 : i32
      scf.if %cond3A_682 {
        %add3A_740 = arith.constant 2 : i32
        %add3A_741 = arith.addi %add3A_629, %add3A_740 : i32
        %dma_wait3A_742 = arith.constant 0 : i32
        %dma_wait3A_743 = arith.constant 0 : i32
        %dma_wait3A_744 = tpu.memref_slice %arg7[%dma_wait3A_742, %dma_wait3A_743] : memref<6x100xi32, #tpu.memory_space<vmem>> -> memref<1x100xi32, #tpu.memory_space<vmem>>
        %dma_wait3A_745 = tpu.memref_squeeze %dma_wait3A_744 : memref<1x100xi32, #tpu.memory_space<vmem>> -> memref<100xi32, #tpu.memory_space<vmem>>
        %dma_wait3A_746 = arith.constant 0 : i32
        %dma_wait3A_747 = tpu.memref_slice %arg3[%add3A, %add3A_741, %dma_wait3A_746] : memref<32x100x100xi32, #tpu.memory_space<hbm>> -> memref<1x1x100xi32, #tpu.memory_space<hbm>>
        %dma_wait3A_748 = tpu.memref_squeeze %dma_wait3A_747 : memref<1x1x100xi32, #tpu.memory_space<hbm>> -> memref<100xi32, #tpu.memory_space<hbm>>
        %dma_wait3A_749 = arith.constant 0 : i32
        %dma_wait3A_750 = tpu.memref_slice %arg7[%dma_wait3A_742, %dma_wait3A_749] : memref<6x100xi32, #tpu.memory_space<vmem>> -> memref<1x100xi32, #tpu.memory_space<vmem>>
        %dma_wait3A_751 = tpu.memref_squeeze %dma_wait3A_750 : memref<1x100xi32, #tpu.memory_space<vmem>> -> memref<100xi32, #tpu.memory_space<vmem>>
        %dma_wait3A_752 = arith.constant 0 : i32
        %dma_wait3A_753 = tpu.memref_slice %arg3[%add3A, %add3A_741, %dma_wait3A_752] : memref<32x100x100xi32, #tpu.memory_space<hbm>> -> memref<1x1x100xi32, #tpu.memory_space<hbm>>
        %dma_wait3A_754 = tpu.memref_squeeze %dma_wait3A_753 : memref<1x1x100xi32, #tpu.memory_space<hbm>> -> memref<100xi32, #tpu.memory_space<hbm>>
        tpu.wait_dma2 semaphore(%arg13 : memref<!tpu.dma_semaphore, #tpu.memory_space<semaphore_mem>>) src(%dma_wait3A_754 : memref<100xi32, #tpu.memory_space<hbm>>) dst(%dma_wait3A_751 : memref<100xi32, #tpu.memory_space<vmem>>)
        %dma_start3A_755 = arith.constant 0 : i32
        %dma_start3A_756 = arith.constant 0 : i32
        %dma_start3A_757 = tpu.memref_slice %arg7[%dma_start3A_755, %dma_start3A_756] : memref<6x100xi32, #tpu.memory_space<vmem>> -> memref<1x100xi32, #tpu.memory_space<vmem>>
        %dma_start3A_758 = tpu.memref_squeeze %dma_start3A_757 : memref<1x100xi32, #tpu.memory_space<vmem>> -> memref<100xi32, #tpu.memory_space<vmem>>
        %dma_start3A_759 = arith.constant 0 : i32
        %dma_start3A_760 = arith.constant 0 : i32
        %dma_start3A_761 = tpu.memref_slice %arg2[%dma_start3A_759, %dma_start3A_760] : memref<10000x128xf32, #tpu.memory_space<hbm>> -> memref<10000x128xf32, #tpu.memory_space<hbm>>
        tpu.enqueue_indirect_dma source(%dma_start3A_761 : memref<10000x128xf32, #tpu.memory_space<hbm>>) target(%arg9 : memref<100x128xf32, #tpu.memory_space<vmem>>) offsets(%dma_start3A_758 : memref<100xi32, #tpu.memory_space<vmem>>) semaphore(%arg25 : memref<!tpu.dma_semaphore, #tpu.memory_space<semaphore_mem>>)
      } else {
      }
      %mul3A_683 = arith.constant 6 : i32
      %mul3A_684 = arith.muli %scan3A_399, %mul3A_683 : i32
      %add3A_685 = arith.constant 5 : i32
      %add3A_686 = arith.addi %mul3A_684, %add3A_685 : i32
      %dma_wait3A_687 = arith.constant 5 : i32
      %dma_wait3A_688 = arith.constant 0 : i32
      %dma_wait3A_689 = tpu.memref_slice %arg7[%dma_wait3A_687, %dma_wait3A_688] : memref<6x100xi32, #tpu.memory_space<vmem>> -> memref<1x100xi32, #tpu.memory_space<vmem>>
      %dma_wait3A_690 = tpu.memref_squeeze %dma_wait3A_689 : memref<1x100xi32, #tpu.memory_space<vmem>> -> memref<100xi32, #tpu.memory_space<vmem>>
      %dma_wait3A_691 = arith.constant 0 : i32
      %dma_wait3A_692 = arith.constant 0 : i32
      %dma_wait3A_693 = tpu.memref_slice %arg2[%dma_wait3A_691, %dma_wait3A_692] : memref<10000x128xf32, #tpu.memory_space<hbm>> -> memref<10000x128xf32, #tpu.memory_space<hbm>>
      tpu.wait_indirect_dma semaphore(%arg27 : memref<!tpu.dma_semaphore, #tpu.memory_space<semaphore_mem>>) src(%dma_wait3A_693 : memref<10000x128xf32, #tpu.memory_space<hbm>>) dst(%arg11 : memref<100x128xf32, #tpu.memory_space<vmem>>)
      %dma_wait3A_694 = arith.constant 5 : i32
      %dma_wait3A_695 = arith.constant 0 : i32
      %dma_wait3A_696 = tpu.memref_slice %arg8[%dma_wait3A_694, %dma_wait3A_695] : memref<6x100xi32, #tpu.memory_space<vmem>> -> memref<1x100xi32, #tpu.memory_space<vmem>>
      %dma_wait3A_697 = tpu.memref_squeeze %dma_wait3A_696 : memref<1x100xi32, #tpu.memory_space<vmem>> -> memref<100xi32, #tpu.memory_space<vmem>>
      %dma_wait3A_698 = arith.constant 0 : i32
      %dma_wait3A_699 = tpu.memref_slice %arg4[%add3A, %add3A_686, %dma_wait3A_698] : memref<32x100x100xi32, #tpu.memory_space<hbm>> -> memref<1x1x100xi32, #tpu.memory_space<hbm>>
      %dma_wait3A_700 = tpu.memref_squeeze %dma_wait3A_699 : memref<1x1x100xi32, #tpu.memory_space<hbm>> -> memref<100xi32, #tpu.memory_space<hbm>>
      %dma_wait3A_701 = arith.constant 0 : i32
      %dma_wait3A_702 = tpu.memref_slice %arg8[%dma_wait3A_694, %dma_wait3A_701] : memref<6x100xi32, #tpu.memory_space<vmem>> -> memref<1x100xi32, #tpu.memory_space<vmem>>
      %dma_wait3A_703 = tpu.memref_squeeze %dma_wait3A_702 : memref<1x100xi32, #tpu.memory_space<vmem>> -> memref<100xi32, #tpu.memory_space<vmem>>
      %dma_wait3A_704 = arith.constant 0 : i32
      %dma_wait3A_705 = tpu.memref_slice %arg4[%add3A, %add3A_686, %dma_wait3A_704] : memref<32x100x100xi32, #tpu.memory_space<hbm>> -> memref<1x1x100xi32, #tpu.memory_space<hbm>>
      %dma_wait3A_706 = tpu.memref_squeeze %dma_wait3A_705 : memref<1x1x100xi32, #tpu.memory_space<hbm>> -> memref<100xi32, #tpu.memory_space<hbm>>
      tpu.wait_dma2 semaphore(%arg24 : memref<!tpu.dma_semaphore, #tpu.memory_space<semaphore_mem>>) src(%dma_wait3A_706 : memref<100xi32, #tpu.memory_space<hbm>>) dst(%dma_wait3A_703 : memref<100xi32, #tpu.memory_space<vmem>>)
      %dma_start3A_707 = arith.constant 5 : i32
      %dma_start3A_708 = arith.constant 0 : i32
      %dma_start3A_709 = tpu.memref_slice %arg8[%dma_start3A_707, %dma_start3A_708] : memref<6x100xi32, #tpu.memory_space<vmem>> -> memref<1x100xi32, #tpu.memory_space<vmem>>
      %dma_start3A_710 = tpu.memref_squeeze %dma_start3A_709 : memref<1x100xi32, #tpu.memory_space<vmem>> -> memref<100xi32, #tpu.memory_space<vmem>>
      %dma_start3A_711 = arith.constant 0 : i32
      %dma_start3A_712 = arith.constant 0 : i32
      %dma_start3A_713 = tpu.memref_slice %arg12[%dma_start3A_711, %dma_start3A_712] : memref<10000x128xf32, #tpu.memory_space<vmem_shared>> -> memref<10000x128xf32, #tpu.memory_space<vmem_shared>>
      tpu.enqueue_indirect_dma source(%arg11 : memref<100x128xf32, #tpu.memory_space<vmem>>) target(%dma_start3A_713 : memref<10000x128xf32, #tpu.memory_space<vmem_shared>>) offsets(%dma_start3A_710 : memref<100xi32, #tpu.memory_space<vmem>>) semaphore(%arg30 : memref<!tpu.dma_semaphore, #tpu.memory_space<semaphore_mem>>) {add = true}
      %ge3A_714 = arith.constant 1 : i32
      %ge3A_715 = arith.cmpi sge, %add3A_686, %ge3A_714 : i32
      %convert_element_type3A_716 = arith.extui %ge3A_715 : i1 to i32
      %cond3A_717 = arith.constant 0 : i32
      %cond3A_718 = arith.cmpi ne, %convert_element_type3A_716, %cond3A_717 : i32
      scf.if %cond3A_718 {
        %dma_wait3A_740 = arith.constant 5 : i32
        %dma_wait3A_741 = arith.constant 0 : i32
        %dma_wait3A_742 = tpu.memref_slice %arg8[%dma_wait3A_740, %dma_wait3A_741] : memref<6x100xi32, #tpu.memory_space<vmem>> -> memref<1x100xi32, #tpu.memory_space<vmem>>
        %dma_wait3A_743 = tpu.memref_squeeze %dma_wait3A_742 : memref<1x100xi32, #tpu.memory_space<vmem>> -> memref<100xi32, #tpu.memory_space<vmem>>
        %dma_wait3A_744 = arith.constant 0 : i32
        %dma_wait3A_745 = arith.constant 0 : i32
        %dma_wait3A_746 = tpu.memref_slice %arg12[%dma_wait3A_744, %dma_wait3A_745] : memref<10000x128xf32, #tpu.memory_space<vmem_shared>> -> memref<10000x128xf32, #tpu.memory_space<vmem_shared>>
        tpu.wait_indirect_dma semaphore(%arg29 : memref<!tpu.dma_semaphore, #tpu.memory_space<semaphore_mem>>) src(%arg10 : memref<100x128xf32, #tpu.memory_space<vmem>>) dst(%dma_wait3A_746 : memref<10000x128xf32, #tpu.memory_space<vmem_shared>>)
      } else {
      }
      %add3A_719 = arith.constant 5 : i32
      %add3A_720 = arith.addi %add3A_686, %add3A_719 : i32
      %lt3A_721 = arith.constant 100 : i32
      %lt3A_722 = arith.cmpi slt, %add3A_720, %lt3A_721 : i32
      %convert_element_type3A_723 = arith.extui %lt3A_722 : i1 to i32
      %cond3A_724 = arith.constant 0 : i32
      %cond3A_725 = arith.cmpi ne, %convert_element_type3A_723, %cond3A_724 : i32
      scf.if %cond3A_725 {
        %add3A_740 = arith.constant 5 : i32
        %add3A_741 = arith.addi %add3A_686, %add3A_740 : i32
        %dma_start3A_742 = arith.constant 4 : i32
        %dma_start3A_743 = arith.constant 0 : i32
        %dma_start3A_744 = tpu.memref_slice %arg8[%dma_start3A_742, %dma_start3A_743] : memref<6x100xi32, #tpu.memory_space<vmem>> -> memref<1x100xi32, #tpu.memory_space<vmem>>
        %dma_start3A_745 = tpu.memref_squeeze %dma_start3A_744 : memref<1x100xi32, #tpu.memory_space<vmem>> -> memref<100xi32, #tpu.memory_space<vmem>>
        %dma_start3A_746 = arith.constant 0 : i32
        %dma_start3A_747 = tpu.memref_slice %arg4[%add3A, %add3A_741, %dma_start3A_746] : memref<32x100x100xi32, #tpu.memory_space<hbm>> -> memref<1x1x100xi32, #tpu.memory_space<hbm>>
        %dma_start3A_748 = tpu.memref_squeeze %dma_start3A_747 : memref<1x1x100xi32, #tpu.memory_space<hbm>> -> memref<100xi32, #tpu.memory_space<hbm>>
        %dma_start3A_749 = arith.constant 0 : i32
        %dma_start3A_750 = tpu.memref_slice %arg8[%dma_start3A_742, %dma_start3A_749] : memref<6x100xi32, #tpu.memory_space<vmem>> -> memref<1x100xi32, #tpu.memory_space<vmem>>
        %dma_start3A_751 = tpu.memref_squeeze %dma_start3A_750 : memref<1x100xi32, #tpu.memory_space<vmem>> -> memref<100xi32, #tpu.memory_space<vmem>>
        %dma_start3A_752 = arith.constant 0 : i32
        %dma_start3A_753 = tpu.memref_slice %arg4[%add3A, %add3A_741, %dma_start3A_752] : memref<32x100x100xi32, #tpu.memory_space<hbm>> -> memref<1x1x100xi32, #tpu.memory_space<hbm>>
        %dma_start3A_754 = tpu.memref_squeeze %dma_start3A_753 : memref<1x1x100xi32, #tpu.memory_space<hbm>> -> memref<100xi32, #tpu.memory_space<hbm>>
        tpu.enqueue_dma source(%dma_start3A_754 : memref<100xi32, #tpu.memory_space<hbm>>) target(%dma_start3A_751 : memref<100xi32, #tpu.memory_space<vmem>>) target_semaphore(%arg23 : memref<!tpu.dma_semaphore, #tpu.memory_space<semaphore_mem>>)
      } else {
      }
      %add3A_726 = arith.constant 6 : i32
      %add3A_727 = arith.addi %add3A_686, %add3A_726 : i32
      %lt3A_728 = arith.constant 100 : i32
      %lt3A_729 = arith.cmpi slt, %add3A_727, %lt3A_728 : i32
      %convert_element_type3A_730 = arith.extui %lt3A_729 : i1 to i32
      %cond3A_731 = arith.constant 0 : i32
      %cond3A_732 = arith.cmpi ne, %convert_element_type3A_730, %cond3A_731 : i32
      scf.if %cond3A_732 {
        %add3A_740 = arith.constant 6 : i32
        %add3A_741 = arith.addi %add3A_686, %add3A_740 : i32
        %dma_start3A_742 = arith.constant 5 : i32
        %dma_start3A_743 = arith.constant 0 : i32
        %dma_start3A_744 = tpu.memref_slice %arg7[%dma_start3A_742, %dma_start3A_743] : memref<6x100xi32, #tpu.memory_space<vmem>> -> memref<1x100xi32, #tpu.memory_space<vmem>>
        %dma_start3A_745 = tpu.memref_squeeze %dma_start3A_744 : memref<1x100xi32, #tpu.memory_space<vmem>> -> memref<100xi32, #tpu.memory_space<vmem>>
        %dma_start3A_746 = arith.constant 0 : i32
        %dma_start3A_747 = tpu.memref_slice %arg3[%add3A, %add3A_741, %dma_start3A_746] : memref<32x100x100xi32, #tpu.memory_space<hbm>> -> memref<1x1x100xi32, #tpu.memory_space<hbm>>
        %dma_start3A_748 = tpu.memref_squeeze %dma_start3A_747 : memref<1x1x100xi32, #tpu.memory_space<hbm>> -> memref<100xi32, #tpu.memory_space<hbm>>
        %dma_start3A_749 = arith.constant 0 : i32
        %dma_start3A_750 = tpu.memref_slice %arg7[%dma_start3A_742, %dma_start3A_749] : memref<6x100xi32, #tpu.memory_space<vmem>> -> memref<1x100xi32, #tpu.memory_space<vmem>>
        %dma_start3A_751 = tpu.memref_squeeze %dma_start3A_750 : memref<1x100xi32, #tpu.memory_space<vmem>> -> memref<100xi32, #tpu.memory_space<vmem>>
        %dma_start3A_752 = arith.constant 0 : i32
        %dma_start3A_753 = tpu.memref_slice %arg3[%add3A, %add3A_741, %dma_start3A_752] : memref<32x100x100xi32, #tpu.memory_space<hbm>> -> memref<1x1x100xi32, #tpu.memory_space<hbm>>
        %dma_start3A_754 = tpu.memref_squeeze %dma_start3A_753 : memref<1x1x100xi32, #tpu.memory_space<hbm>> -> memref<100xi32, #tpu.memory_space<hbm>>
        tpu.enqueue_dma source(%dma_start3A_754 : memref<100xi32, #tpu.memory_space<hbm>>) target(%dma_start3A_751 : memref<100xi32, #tpu.memory_space<vmem>>) target_semaphore(%arg18 : memref<!tpu.dma_semaphore, #tpu.memory_space<semaphore_mem>>)
      } else {
      }
      %add3A_733 = arith.constant 2 : i32
      %add3A_734 = arith.addi %add3A_686, %add3A_733 : i32
      %lt3A_735 = arith.constant 100 : i32
      %lt3A_736 = arith.cmpi slt, %add3A_734, %lt3A_735 : i32
      %convert_element_type3A_737 = arith.extui %lt3A_736 : i1 to i32
      %cond3A_738 = arith.constant 0 : i32
      %cond3A_739 = arith.cmpi ne, %convert_element_type3A_737, %cond3A_738 : i32
      scf.if %cond3A_739 {
        %add3A_740 = arith.constant 2 : i32
        %add3A_741 = arith.addi %add3A_686, %add3A_740 : i32
        %dma_wait3A_742 = arith.constant 1 : i32
        %dma_wait3A_743 = arith.constant 0 : i32
        %dma_wait3A_744 = tpu.memref_slice %arg7[%dma_wait3A_742, %dma_wait3A_743] : memref<6x100xi32, #tpu.memory_space<vmem>> -> memref<1x100xi32, #tpu.memory_space<vmem>>
        %dma_wait3A_745 = tpu.memref_squeeze %dma_wait3A_744 : memref<1x100xi32, #tpu.memory_space<vmem>> -> memref<100xi32, #tpu.memory_space<vmem>>
        %dma_wait3A_746 = arith.constant 0 : i32
        %dma_wait3A_747 = tpu.memref_slice %arg3[%add3A, %add3A_741, %dma_wait3A_746] : memref<32x100x100xi32, #tpu.memory_space<hbm>> -> memref<1x1x100xi32, #tpu.memory_space<hbm>>
        %dma_wait3A_748 = tpu.memref_squeeze %dma_wait3A_747 : memref<1x1x100xi32, #tpu.memory_space<hbm>> -> memref<100xi32, #tpu.memory_space<hbm>>
        %dma_wait3A_749 = arith.constant 0 : i32
        %dma_wait3A_750 = tpu.memref_slice %arg7[%dma_wait3A_742, %dma_wait3A_749] : memref<6x100xi32, #tpu.memory_space<vmem>> -> memref<1x100xi32, #tpu.memory_space<vmem>>
        %dma_wait3A_751 = tpu.memref_squeeze %dma_wait3A_750 : memref<1x100xi32, #tpu.memory_space<vmem>> -> memref<100xi32, #tpu.memory_space<vmem>>
        %dma_wait3A_752 = arith.constant 0 : i32
        %dma_wait3A_753 = tpu.memref_slice %arg3[%add3A, %add3A_741, %dma_wait3A_752] : memref<32x100x100xi32, #tpu.memory_space<hbm>> -> memref<1x1x100xi32, #tpu.memory_space<hbm>>
        %dma_wait3A_754 = tpu.memref_squeeze %dma_wait3A_753 : memref<1x1x100xi32, #tpu.memory_space<hbm>> -> memref<100xi32, #tpu.memory_space<hbm>>
        tpu.wait_dma2 semaphore(%arg14 : memref<!tpu.dma_semaphore, #tpu.memory_space<semaphore_mem>>) src(%dma_wait3A_754 : memref<100xi32, #tpu.memory_space<hbm>>) dst(%dma_wait3A_751 : memref<100xi32, #tpu.memory_space<vmem>>)
        %dma_start3A_755 = arith.constant 1 : i32
        %dma_start3A_756 = arith.constant 0 : i32
        %dma_start3A_757 = tpu.memref_slice %arg7[%dma_start3A_755, %dma_start3A_756] : memref<6x100xi32, #tpu.memory_space<vmem>> -> memref<1x100xi32, #tpu.memory_space<vmem>>
        %dma_start3A_758 = tpu.memref_squeeze %dma_start3A_757 : memref<1x100xi32, #tpu.memory_space<vmem>> -> memref<100xi32, #tpu.memory_space<vmem>>
        %dma_start3A_759 = arith.constant 0 : i32
        %dma_start3A_760 = arith.constant 0 : i32
        %dma_start3A_761 = tpu.memref_slice %arg2[%dma_start3A_759, %dma_start3A_760] : memref<10000x128xf32, #tpu.memory_space<hbm>> -> memref<10000x128xf32, #tpu.memory_space<hbm>>
        tpu.enqueue_indirect_dma source(%dma_start3A_761 : memref<10000x128xf32, #tpu.memory_space<hbm>>) target(%arg10 : memref<100x128xf32, #tpu.memory_space<vmem>>) offsets(%dma_start3A_758 : memref<100xi32, #tpu.memory_space<vmem>>) semaphore(%arg26 : memref<!tpu.dma_semaphore, #tpu.memory_space<semaphore_mem>>)
      } else {
      }
    }
    %scan3A_203 = arith.constant 16 : i32
    %dma_wait3A_204 = arith.constant 0 : i32
    %dma_wait3A_205 = arith.constant 0 : i32
    %dma_wait3A_206 = tpu.memref_slice %arg7[%dma_wait3A_204, %dma_wait3A_205] : memref<6x100xi32, #tpu.memory_space<vmem>> -> memref<1x100xi32, #tpu.memory_space<vmem>>
    %dma_wait3A_207 = tpu.memref_squeeze %dma_wait3A_206 : memref<1x100xi32, #tpu.memory_space<vmem>> -> memref<100xi32, #tpu.memory_space<vmem>>
    %dma_wait3A_208 = arith.constant 0 : i32
    %dma_wait3A_209 = arith.constant 0 : i32
    %dma_wait3A_210 = tpu.memref_slice %arg2[%dma_wait3A_208, %dma_wait3A_209] : memref<10000x128xf32, #tpu.memory_space<hbm>> -> memref<10000x128xf32, #tpu.memory_space<hbm>>
    tpu.wait_indirect_dma semaphore(%arg25 : memref<!tpu.dma_semaphore, #tpu.memory_space<semaphore_mem>>) src(%dma_wait3A_210 : memref<10000x128xf32, #tpu.memory_space<hbm>>) dst(%arg9 : memref<100x128xf32, #tpu.memory_space<vmem>>)
    %dma_wait3A_211 = arith.constant 96 : i32
    %dma_wait3A_212 = arith.constant 0 : i32
    %dma_wait3A_213 = arith.constant 0 : i32
    %dma_wait3A_214 = tpu.memref_slice %arg8[%dma_wait3A_212, %dma_wait3A_213] : memref<6x100xi32, #tpu.memory_space<vmem>> -> memref<1x100xi32, #tpu.memory_space<vmem>>
    %dma_wait3A_215 = tpu.memref_squeeze %dma_wait3A_214 : memref<1x100xi32, #tpu.memory_space<vmem>> -> memref<100xi32, #tpu.memory_space<vmem>>
    %dma_wait3A_216 = arith.constant 0 : i32
    %dma_wait3A_217 = tpu.memref_slice %arg4[%add3A, %dma_wait3A_211, %dma_wait3A_216] : memref<32x100x100xi32, #tpu.memory_space<hbm>> -> memref<1x1x100xi32, #tpu.memory_space<hbm>>
    %dma_wait3A_218 = tpu.memref_squeeze %dma_wait3A_217 : memref<1x1x100xi32, #tpu.memory_space<hbm>> -> memref<100xi32, #tpu.memory_space<hbm>>
    %dma_wait3A_219 = arith.constant 0 : i32
    %dma_wait3A_220 = tpu.memref_slice %arg8[%dma_wait3A_212, %dma_wait3A_219] : memref<6x100xi32, #tpu.memory_space<vmem>> -> memref<1x100xi32, #tpu.memory_space<vmem>>
    %dma_wait3A_221 = tpu.memref_squeeze %dma_wait3A_220 : memref<1x100xi32, #tpu.memory_space<vmem>> -> memref<100xi32, #tpu.memory_space<vmem>>
    %dma_wait3A_222 = arith.constant 0 : i32
    %dma_wait3A_223 = tpu.memref_slice %arg4[%add3A, %dma_wait3A_211, %dma_wait3A_222] : memref<32x100x100xi32, #tpu.memory_space<hbm>> -> memref<1x1x100xi32, #tpu.memory_space<hbm>>
    %dma_wait3A_224 = tpu.memref_squeeze %dma_wait3A_223 : memref<1x1x100xi32, #tpu.memory_space<hbm>> -> memref<100xi32, #tpu.memory_space<hbm>>
    tpu.wait_dma2 semaphore(%arg19 : memref<!tpu.dma_semaphore, #tpu.memory_space<semaphore_mem>>) src(%dma_wait3A_224 : memref<100xi32, #tpu.memory_space<hbm>>) dst(%dma_wait3A_221 : memref<100xi32, #tpu.memory_space<vmem>>)
    %dma_start3A_225 = arith.constant 0 : i32
    %dma_start3A_226 = arith.constant 0 : i32
    %dma_start3A_227 = tpu.memref_slice %arg8[%dma_start3A_225, %dma_start3A_226] : memref<6x100xi32, #tpu.memory_space<vmem>> -> memref<1x100xi32, #tpu.memory_space<vmem>>
    %dma_start3A_228 = tpu.memref_squeeze %dma_start3A_227 : memref<1x100xi32, #tpu.memory_space<vmem>> -> memref<100xi32, #tpu.memory_space<vmem>>
    %dma_start3A_229 = arith.constant 0 : i32
    %dma_start3A_230 = arith.constant 0 : i32
    %dma_start3A_231 = tpu.memref_slice %arg12[%dma_start3A_229, %dma_start3A_230] : memref<10000x128xf32, #tpu.memory_space<vmem_shared>> -> memref<10000x128xf32, #tpu.memory_space<vmem_shared>>
    tpu.enqueue_indirect_dma source(%arg9 : memref<100x128xf32, #tpu.memory_space<vmem>>) target(%dma_start3A_231 : memref<10000x128xf32, #tpu.memory_space<vmem_shared>>) offsets(%dma_start3A_228 : memref<100xi32, #tpu.memory_space<vmem>>) semaphore(%arg28 : memref<!tpu.dma_semaphore, #tpu.memory_space<semaphore_mem>>) {add = true}
    %dma_wait3A_232 = arith.constant 0 : i32
    %dma_wait3A_233 = arith.constant 0 : i32
    %dma_wait3A_234 = tpu.memref_slice %arg8[%dma_wait3A_232, %dma_wait3A_233] : memref<6x100xi32, #tpu.memory_space<vmem>> -> memref<1x100xi32, #tpu.memory_space<vmem>>
    %dma_wait3A_235 = tpu.memref_squeeze %dma_wait3A_234 : memref<1x100xi32, #tpu.memory_space<vmem>> -> memref<100xi32, #tpu.memory_space<vmem>>
    %dma_wait3A_236 = arith.constant 0 : i32
    %dma_wait3A_237 = arith.constant 0 : i32
    %dma_wait3A_238 = tpu.memref_slice %arg12[%dma_wait3A_236, %dma_wait3A_237] : memref<10000x128xf32, #tpu.memory_space<vmem_shared>> -> memref<10000x128xf32, #tpu.memory_space<vmem_shared>>
    tpu.wait_indirect_dma semaphore(%arg30 : memref<!tpu.dma_semaphore, #tpu.memory_space<semaphore_mem>>) src(%arg11 : memref<100x128xf32, #tpu.memory_space<vmem>>) dst(%dma_wait3A_238 : memref<10000x128xf32, #tpu.memory_space<vmem_shared>>)
    %dma_wait3A_239 = arith.constant 98 : i32
    %dma_wait3A_240 = arith.constant 2 : i32
    %dma_wait3A_241 = arith.constant 0 : i32
    %dma_wait3A_242 = tpu.memref_slice %arg7[%dma_wait3A_240, %dma_wait3A_241] : memref<6x100xi32, #tpu.memory_space<vmem>> -> memref<1x100xi32, #tpu.memory_space<vmem>>
    %dma_wait3A_243 = tpu.memref_squeeze %dma_wait3A_242 : memref<1x100xi32, #tpu.memory_space<vmem>> -> memref<100xi32, #tpu.memory_space<vmem>>
    %dma_wait3A_244 = arith.constant 0 : i32
    %dma_wait3A_245 = tpu.memref_slice %arg3[%add3A, %dma_wait3A_239, %dma_wait3A_244] : memref<32x100x100xi32, #tpu.memory_space<hbm>> -> memref<1x1x100xi32, #tpu.memory_space<hbm>>
    %dma_wait3A_246 = tpu.memref_squeeze %dma_wait3A_245 : memref<1x1x100xi32, #tpu.memory_space<hbm>> -> memref<100xi32, #tpu.memory_space<hbm>>
    %dma_wait3A_247 = arith.constant 0 : i32
    %dma_wait3A_248 = tpu.memref_slice %arg7[%dma_wait3A_240, %dma_wait3A_247] : memref<6x100xi32, #tpu.memory_space<vmem>> -> memref<1x100xi32, #tpu.memory_space<vmem>>
    %dma_wait3A_249 = tpu.memref_squeeze %dma_wait3A_248 : memref<1x100xi32, #tpu.memory_space<vmem>> -> memref<100xi32, #tpu.memory_space<vmem>>
    %dma_wait3A_250 = arith.constant 0 : i32
    %dma_wait3A_251 = tpu.memref_slice %arg3[%add3A, %dma_wait3A_239, %dma_wait3A_250] : memref<32x100x100xi32, #tpu.memory_space<hbm>> -> memref<1x1x100xi32, #tpu.memory_space<hbm>>
    %dma_wait3A_252 = tpu.memref_squeeze %dma_wait3A_251 : memref<1x1x100xi32, #tpu.memory_space<hbm>> -> memref<100xi32, #tpu.memory_space<hbm>>
    tpu.wait_dma2 semaphore(%arg15 : memref<!tpu.dma_semaphore, #tpu.memory_space<semaphore_mem>>) src(%dma_wait3A_252 : memref<100xi32, #tpu.memory_space<hbm>>) dst(%dma_wait3A_249 : memref<100xi32, #tpu.memory_space<vmem>>)
    %dma_start3A_253 = arith.constant 2 : i32
    %dma_start3A_254 = arith.constant 0 : i32
    %dma_start3A_255 = tpu.memref_slice %arg7[%dma_start3A_253, %dma_start3A_254] : memref<6x100xi32, #tpu.memory_space<vmem>> -> memref<1x100xi32, #tpu.memory_space<vmem>>
    %dma_start3A_256 = tpu.memref_squeeze %dma_start3A_255 : memref<1x100xi32, #tpu.memory_space<vmem>> -> memref<100xi32, #tpu.memory_space<vmem>>
    %dma_start3A_257 = arith.constant 0 : i32
    %dma_start3A_258 = arith.constant 0 : i32
    %dma_start3A_259 = tpu.memref_slice %arg2[%dma_start3A_257, %dma_start3A_258] : memref<10000x128xf32, #tpu.memory_space<hbm>> -> memref<10000x128xf32, #tpu.memory_space<hbm>>
    tpu.enqueue_indirect_dma source(%dma_start3A_259 : memref<10000x128xf32, #tpu.memory_space<hbm>>) target(%arg11 : memref<100x128xf32, #tpu.memory_space<vmem>>) offsets(%dma_start3A_256 : memref<100xi32, #tpu.memory_space<vmem>>) semaphore(%arg27 : memref<!tpu.dma_semaphore, #tpu.memory_space<semaphore_mem>>)
    %dma_wait3A_260 = arith.constant 1 : i32
    %dma_wait3A_261 = arith.constant 0 : i32
    %dma_wait3A_262 = tpu.memref_slice %arg7[%dma_wait3A_260, %dma_wait3A_261] : memref<6x100xi32, #tpu.memory_space<vmem>> -> memref<1x100xi32, #tpu.memory_space<vmem>>
    %dma_wait3A_263 = tpu.memref_squeeze %dma_wait3A_262 : memref<1x100xi32, #tpu.memory_space<vmem>> -> memref<100xi32, #tpu.memory_space<vmem>>
    %dma_wait3A_264 = arith.constant 0 : i32
    %dma_wait3A_265 = arith.constant 0 : i32
    %dma_wait3A_266 = tpu.memref_slice %arg2[%dma_wait3A_264, %dma_wait3A_265] : memref<10000x128xf32, #tpu.memory_space<hbm>> -> memref<10000x128xf32, #tpu.memory_space<hbm>>
    tpu.wait_indirect_dma semaphore(%arg26 : memref<!tpu.dma_semaphore, #tpu.memory_space<semaphore_mem>>) src(%dma_wait3A_266 : memref<10000x128xf32, #tpu.memory_space<hbm>>) dst(%arg10 : memref<100x128xf32, #tpu.memory_space<vmem>>)
    %dma_wait3A_267 = arith.constant 97 : i32
    %dma_wait3A_268 = arith.constant 1 : i32
    %dma_wait3A_269 = arith.constant 0 : i32
    %dma_wait3A_270 = tpu.memref_slice %arg8[%dma_wait3A_268, %dma_wait3A_269] : memref<6x100xi32, #tpu.memory_space<vmem>> -> memref<1x100xi32, #tpu.memory_space<vmem>>
    %dma_wait3A_271 = tpu.memref_squeeze %dma_wait3A_270 : memref<1x100xi32, #tpu.memory_space<vmem>> -> memref<100xi32, #tpu.memory_space<vmem>>
    %dma_wait3A_272 = arith.constant 0 : i32
    %dma_wait3A_273 = tpu.memref_slice %arg4[%add3A, %dma_wait3A_267, %dma_wait3A_272] : memref<32x100x100xi32, #tpu.memory_space<hbm>> -> memref<1x1x100xi32, #tpu.memory_space<hbm>>
    %dma_wait3A_274 = tpu.memref_squeeze %dma_wait3A_273 : memref<1x1x100xi32, #tpu.memory_space<hbm>> -> memref<100xi32, #tpu.memory_space<hbm>>
    %dma_wait3A_275 = arith.constant 0 : i32
    %dma_wait3A_276 = tpu.memref_slice %arg8[%dma_wait3A_268, %dma_wait3A_275] : memref<6x100xi32, #tpu.memory_space<vmem>> -> memref<1x100xi32, #tpu.memory_space<vmem>>
    %dma_wait3A_277 = tpu.memref_squeeze %dma_wait3A_276 : memref<1x100xi32, #tpu.memory_space<vmem>> -> memref<100xi32, #tpu.memory_space<vmem>>
    %dma_wait3A_278 = arith.constant 0 : i32
    %dma_wait3A_279 = tpu.memref_slice %arg4[%add3A, %dma_wait3A_267, %dma_wait3A_278] : memref<32x100x100xi32, #tpu.memory_space<hbm>> -> memref<1x1x100xi32, #tpu.memory_space<hbm>>
    %dma_wait3A_280 = tpu.memref_squeeze %dma_wait3A_279 : memref<1x1x100xi32, #tpu.memory_space<hbm>> -> memref<100xi32, #tpu.memory_space<hbm>>
    tpu.wait_dma2 semaphore(%arg20 : memref<!tpu.dma_semaphore, #tpu.memory_space<semaphore_mem>>) src(%dma_wait3A_280 : memref<100xi32, #tpu.memory_space<hbm>>) dst(%dma_wait3A_277 : memref<100xi32, #tpu.memory_space<vmem>>)
    %dma_start3A_281 = arith.constant 1 : i32
    %dma_start3A_282 = arith.constant 0 : i32
    %dma_start3A_283 = tpu.memref_slice %arg8[%dma_start3A_281, %dma_start3A_282] : memref<6x100xi32, #tpu.memory_space<vmem>> -> memref<1x100xi32, #tpu.memory_space<vmem>>
    %dma_start3A_284 = tpu.memref_squeeze %dma_start3A_283 : memref<1x100xi32, #tpu.memory_space<vmem>> -> memref<100xi32, #tpu.memory_space<vmem>>
    %dma_start3A_285 = arith.constant 0 : i32
    %dma_start3A_286 = arith.constant 0 : i32
    %dma_start3A_287 = tpu.memref_slice %arg12[%dma_start3A_285, %dma_start3A_286] : memref<10000x128xf32, #tpu.memory_space<vmem_shared>> -> memref<10000x128xf32, #tpu.memory_space<vmem_shared>>
    tpu.enqueue_indirect_dma source(%arg10 : memref<100x128xf32, #tpu.memory_space<vmem>>) target(%dma_start3A_287 : memref<10000x128xf32, #tpu.memory_space<vmem_shared>>) offsets(%dma_start3A_284 : memref<100xi32, #tpu.memory_space<vmem>>) semaphore(%arg29 : memref<!tpu.dma_semaphore, #tpu.memory_space<semaphore_mem>>) {add = true}
    %dma_wait3A_288 = arith.constant 1 : i32
    %dma_wait3A_289 = arith.constant 0 : i32
    %dma_wait3A_290 = tpu.memref_slice %arg8[%dma_wait3A_288, %dma_wait3A_289] : memref<6x100xi32, #tpu.memory_space<vmem>> -> memref<1x100xi32, #tpu.memory_space<vmem>>
    %dma_wait3A_291 = tpu.memref_squeeze %dma_wait3A_290 : memref<1x100xi32, #tpu.memory_space<vmem>> -> memref<100xi32, #tpu.memory_space<vmem>>
    %dma_wait3A_292 = arith.constant 0 : i32
    %dma_wait3A_293 = arith.constant 0 : i32
    %dma_wait3A_294 = tpu.memref_slice %arg12[%dma_wait3A_292, %dma_wait3A_293] : memref<10000x128xf32, #tpu.memory_space<vmem_shared>> -> memref<10000x128xf32, #tpu.memory_space<vmem_shared>>
    tpu.wait_indirect_dma semaphore(%arg28 : memref<!tpu.dma_semaphore, #tpu.memory_space<semaphore_mem>>) src(%arg9 : memref<100x128xf32, #tpu.memory_space<vmem>>) dst(%dma_wait3A_294 : memref<10000x128xf32, #tpu.memory_space<vmem_shared>>)
    %dma_wait3A_295 = arith.constant 99 : i32
    %dma_wait3A_296 = arith.constant 3 : i32
    %dma_wait3A_297 = arith.constant 0 : i32
    %dma_wait3A_298 = tpu.memref_slice %arg7[%dma_wait3A_296, %dma_wait3A_297] : memref<6x100xi32, #tpu.memory_space<vmem>> -> memref<1x100xi32, #tpu.memory_space<vmem>>
    %dma_wait3A_299 = tpu.memref_squeeze %dma_wait3A_298 : memref<1x100xi32, #tpu.memory_space<vmem>> -> memref<100xi32, #tpu.memory_space<vmem>>
    %dma_wait3A_300 = arith.constant 0 : i32
    %dma_wait3A_301 = tpu.memref_slice %arg3[%add3A, %dma_wait3A_295, %dma_wait3A_300] : memref<32x100x100xi32, #tpu.memory_space<hbm>> -> memref<1x1x100xi32, #tpu.memory_space<hbm>>
    %dma_wait3A_302 = tpu.memref_squeeze %dma_wait3A_301 : memref<1x1x100xi32, #tpu.memory_space<hbm>> -> memref<100xi32, #tpu.memory_space<hbm>>
    %dma_wait3A_303 = arith.constant 0 : i32
    %dma_wait3A_304 = tpu.memref_slice %arg7[%dma_wait3A_296, %dma_wait3A_303] : memref<6x100xi32, #tpu.memory_space<vmem>> -> memref<1x100xi32, #tpu.memory_space<vmem>>
    %dma_wait3A_305 = tpu.memref_squeeze %dma_wait3A_304 : memref<1x100xi32, #tpu.memory_space<vmem>> -> memref<100xi32, #tpu.memory_space<vmem>>
    %dma_wait3A_306 = arith.constant 0 : i32
    %dma_wait3A_307 = tpu.memref_slice %arg3[%add3A, %dma_wait3A_295, %dma_wait3A_306] : memref<32x100x100xi32, #tpu.memory_space<hbm>> -> memref<1x1x100xi32, #tpu.memory_space<hbm>>
    %dma_wait3A_308 = tpu.memref_squeeze %dma_wait3A_307 : memref<1x1x100xi32, #tpu.memory_space<hbm>> -> memref<100xi32, #tpu.memory_space<hbm>>
    tpu.wait_dma2 semaphore(%arg16 : memref<!tpu.dma_semaphore, #tpu.memory_space<semaphore_mem>>) src(%dma_wait3A_308 : memref<100xi32, #tpu.memory_space<hbm>>) dst(%dma_wait3A_305 : memref<100xi32, #tpu.memory_space<vmem>>)
    %dma_start3A_309 = arith.constant 3 : i32
    %dma_start3A_310 = arith.constant 0 : i32
    %dma_start3A_311 = tpu.memref_slice %arg7[%dma_start3A_309, %dma_start3A_310] : memref<6x100xi32, #tpu.memory_space<vmem>> -> memref<1x100xi32, #tpu.memory_space<vmem>>
    %dma_start3A_312 = tpu.memref_squeeze %dma_start3A_311 : memref<1x100xi32, #tpu.memory_space<vmem>> -> memref<100xi32, #tpu.memory_space<vmem>>
    %dma_start3A_313 = arith.constant 0 : i32
    %dma_start3A_314 = arith.constant 0 : i32
    %dma_start3A_315 = tpu.memref_slice %arg2[%dma_start3A_313, %dma_start3A_314] : memref<10000x128xf32, #tpu.memory_space<hbm>> -> memref<10000x128xf32, #tpu.memory_space<hbm>>
    tpu.enqueue_indirect_dma source(%dma_start3A_315 : memref<10000x128xf32, #tpu.memory_space<hbm>>) target(%arg9 : memref<100x128xf32, #tpu.memory_space<vmem>>) offsets(%dma_start3A_312 : memref<100xi32, #tpu.memory_space<vmem>>) semaphore(%arg25 : memref<!tpu.dma_semaphore, #tpu.memory_space<semaphore_mem>>)
    %dma_wait3A_316 = arith.constant 2 : i32
    %dma_wait3A_317 = arith.constant 0 : i32
    %dma_wait3A_318 = tpu.memref_slice %arg7[%dma_wait3A_316, %dma_wait3A_317] : memref<6x100xi32, #tpu.memory_space<vmem>> -> memref<1x100xi32, #tpu.memory_space<vmem>>
    %dma_wait3A_319 = tpu.memref_squeeze %dma_wait3A_318 : memref<1x100xi32, #tpu.memory_space<vmem>> -> memref<100xi32, #tpu.memory_space<vmem>>
    %dma_wait3A_320 = arith.constant 0 : i32
    %dma_wait3A_321 = arith.constant 0 : i32
    %dma_wait3A_322 = tpu.memref_slice %arg2[%dma_wait3A_320, %dma_wait3A_321] : memref<10000x128xf32, #tpu.memory_space<hbm>> -> memref<10000x128xf32, #tpu.memory_space<hbm>>
    tpu.wait_indirect_dma semaphore(%arg27 : memref<!tpu.dma_semaphore, #tpu.memory_space<semaphore_mem>>) src(%dma_wait3A_322 : memref<10000x128xf32, #tpu.memory_space<hbm>>) dst(%arg11 : memref<100x128xf32, #tpu.memory_space<vmem>>)
    %dma_wait3A_323 = arith.constant 98 : i32
    %dma_wait3A_324 = arith.constant 2 : i32
    %dma_wait3A_325 = arith.constant 0 : i32
    %dma_wait3A_326 = tpu.memref_slice %arg8[%dma_wait3A_324, %dma_wait3A_325] : memref<6x100xi32, #tpu.memory_space<vmem>> -> memref<1x100xi32, #tpu.memory_space<vmem>>
    %dma_wait3A_327 = tpu.memref_squeeze %dma_wait3A_326 : memref<1x100xi32, #tpu.memory_space<vmem>> -> memref<100xi32, #tpu.memory_space<vmem>>
    %dma_wait3A_328 = arith.constant 0 : i32
    %dma_wait3A_329 = tpu.memref_slice %arg4[%add3A, %dma_wait3A_323, %dma_wait3A_328] : memref<32x100x100xi32, #tpu.memory_space<hbm>> -> memref<1x1x100xi32, #tpu.memory_space<hbm>>
    %dma_wait3A_330 = tpu.memref_squeeze %dma_wait3A_329 : memref<1x1x100xi32, #tpu.memory_space<hbm>> -> memref<100xi32, #tpu.memory_space<hbm>>
    %dma_wait3A_331 = arith.constant 0 : i32
    %dma_wait3A_332 = tpu.memref_slice %arg8[%dma_wait3A_324, %dma_wait3A_331] : memref<6x100xi32, #tpu.memory_space<vmem>> -> memref<1x100xi32, #tpu.memory_space<vmem>>
    %dma_wait3A_333 = tpu.memref_squeeze %dma_wait3A_332 : memref<1x100xi32, #tpu.memory_space<vmem>> -> memref<100xi32, #tpu.memory_space<vmem>>
    %dma_wait3A_334 = arith.constant 0 : i32
    %dma_wait3A_335 = tpu.memref_slice %arg4[%add3A, %dma_wait3A_323, %dma_wait3A_334] : memref<32x100x100xi32, #tpu.memory_space<hbm>> -> memref<1x1x100xi32, #tpu.memory_space<hbm>>
    %dma_wait3A_336 = tpu.memref_squeeze %dma_wait3A_335 : memref<1x1x100xi32, #tpu.memory_space<hbm>> -> memref<100xi32, #tpu.memory_space<hbm>>
    tpu.wait_dma2 semaphore(%arg21 : memref<!tpu.dma_semaphore, #tpu.memory_space<semaphore_mem>>) src(%dma_wait3A_336 : memref<100xi32, #tpu.memory_space<hbm>>) dst(%dma_wait3A_333 : memref<100xi32, #tpu.memory_space<vmem>>)
    %dma_start3A_337 = arith.constant 2 : i32
    %dma_start3A_338 = arith.constant 0 : i32
    %dma_start3A_339 = tpu.memref_slice %arg8[%dma_start3A_337, %dma_start3A_338] : memref<6x100xi32, #tpu.memory_space<vmem>> -> memref<1x100xi32, #tpu.memory_space<vmem>>
    %dma_start3A_340 = tpu.memref_squeeze %dma_start3A_339 : memref<1x100xi32, #tpu.memory_space<vmem>> -> memref<100xi32, #tpu.memory_space<vmem>>
    %dma_start3A_341 = arith.constant 0 : i32
    %dma_start3A_342 = arith.constant 0 : i32
    %dma_start3A_343 = tpu.memref_slice %arg12[%dma_start3A_341, %dma_start3A_342] : memref<10000x128xf32, #tpu.memory_space<vmem_shared>> -> memref<10000x128xf32, #tpu.memory_space<vmem_shared>>
    tpu.enqueue_indirect_dma source(%arg11 : memref<100x128xf32, #tpu.memory_space<vmem>>) target(%dma_start3A_343 : memref<10000x128xf32, #tpu.memory_space<vmem_shared>>) offsets(%dma_start3A_340 : memref<100xi32, #tpu.memory_space<vmem>>) semaphore(%arg30 : memref<!tpu.dma_semaphore, #tpu.memory_space<semaphore_mem>>) {add = true}
    %dma_wait3A_344 = arith.constant 2 : i32
    %dma_wait3A_345 = arith.constant 0 : i32
    %dma_wait3A_346 = tpu.memref_slice %arg8[%dma_wait3A_344, %dma_wait3A_345] : memref<6x100xi32, #tpu.memory_space<vmem>> -> memref<1x100xi32, #tpu.memory_space<vmem>>
    %dma_wait3A_347 = tpu.memref_squeeze %dma_wait3A_346 : memref<1x100xi32, #tpu.memory_space<vmem>> -> memref<100xi32, #tpu.memory_space<vmem>>
    %dma_wait3A_348 = arith.constant 0 : i32
    %dma_wait3A_349 = arith.constant 0 : i32
    %dma_wait3A_350 = tpu.memref_slice %arg12[%dma_wait3A_348, %dma_wait3A_349] : memref<10000x128xf32, #tpu.memory_space<vmem_shared>> -> memref<10000x128xf32, #tpu.memory_space<vmem_shared>>
    tpu.wait_indirect_dma semaphore(%arg29 : memref<!tpu.dma_semaphore, #tpu.memory_space<semaphore_mem>>) src(%arg10 : memref<100x128xf32, #tpu.memory_space<vmem>>) dst(%dma_wait3A_350 : memref<10000x128xf32, #tpu.memory_space<vmem_shared>>)
    %dma_wait3A_351 = arith.constant 3 : i32
    %dma_wait3A_352 = arith.constant 0 : i32
    %dma_wait3A_353 = tpu.memref_slice %arg7[%dma_wait3A_351, %dma_wait3A_352] : memref<6x100xi32, #tpu.memory_space<vmem>> -> memref<1x100xi32, #tpu.memory_space<vmem>>
    %dma_wait3A_354 = tpu.memref_squeeze %dma_wait3A_353 : memref<1x100xi32, #tpu.memory_space<vmem>> -> memref<100xi32, #tpu.memory_space<vmem>>
    %dma_wait3A_355 = arith.constant 0 : i32
    %dma_wait3A_356 = arith.constant 0 : i32
    %dma_wait3A_357 = tpu.memref_slice %arg2[%dma_wait3A_355, %dma_wait3A_356] : memref<10000x128xf32, #tpu.memory_space<hbm>> -> memref<10000x128xf32, #tpu.memory_space<hbm>>
    tpu.wait_indirect_dma semaphore(%arg25 : memref<!tpu.dma_semaphore, #tpu.memory_space<semaphore_mem>>) src(%dma_wait3A_357 : memref<10000x128xf32, #tpu.memory_space<hbm>>) dst(%arg9 : memref<100x128xf32, #tpu.memory_space<vmem>>)
    %dma_wait3A_358 = arith.constant 99 : i32
    %dma_wait3A_359 = arith.constant 3 : i32
    %dma_wait3A_360 = arith.constant 0 : i32
    %dma_wait3A_361 = tpu.memref_slice %arg8[%dma_wait3A_359, %dma_wait3A_360] : memref<6x100xi32, #tpu.memory_space<vmem>> -> memref<1x100xi32, #tpu.memory_space<vmem>>
    %dma_wait3A_362 = tpu.memref_squeeze %dma_wait3A_361 : memref<1x100xi32, #tpu.memory_space<vmem>> -> memref<100xi32, #tpu.memory_space<vmem>>
    %dma_wait3A_363 = arith.constant 0 : i32
    %dma_wait3A_364 = tpu.memref_slice %arg4[%add3A, %dma_wait3A_358, %dma_wait3A_363] : memref<32x100x100xi32, #tpu.memory_space<hbm>> -> memref<1x1x100xi32, #tpu.memory_space<hbm>>
    %dma_wait3A_365 = tpu.memref_squeeze %dma_wait3A_364 : memref<1x1x100xi32, #tpu.memory_space<hbm>> -> memref<100xi32, #tpu.memory_space<hbm>>
    %dma_wait3A_366 = arith.constant 0 : i32
    %dma_wait3A_367 = tpu.memref_slice %arg8[%dma_wait3A_359, %dma_wait3A_366] : memref<6x100xi32, #tpu.memory_space<vmem>> -> memref<1x100xi32, #tpu.memory_space<vmem>>
    %dma_wait3A_368 = tpu.memref_squeeze %dma_wait3A_367 : memref<1x100xi32, #tpu.memory_space<vmem>> -> memref<100xi32, #tpu.memory_space<vmem>>
    %dma_wait3A_369 = arith.constant 0 : i32
    %dma_wait3A_370 = tpu.memref_slice %arg4[%add3A, %dma_wait3A_358, %dma_wait3A_369] : memref<32x100x100xi32, #tpu.memory_space<hbm>> -> memref<1x1x100xi32, #tpu.memory_space<hbm>>
    %dma_wait3A_371 = tpu.memref_squeeze %dma_wait3A_370 : memref<1x1x100xi32, #tpu.memory_space<hbm>> -> memref<100xi32, #tpu.memory_space<hbm>>
    tpu.wait_dma2 semaphore(%arg22 : memref<!tpu.dma_semaphore, #tpu.memory_space<semaphore_mem>>) src(%dma_wait3A_371 : memref<100xi32, #tpu.memory_space<hbm>>) dst(%dma_wait3A_368 : memref<100xi32, #tpu.memory_space<vmem>>)
    %dma_start3A_372 = arith.constant 3 : i32
    %dma_start3A_373 = arith.constant 0 : i32
    %dma_start3A_374 = tpu.memref_slice %arg8[%dma_start3A_372, %dma_start3A_373] : memref<6x100xi32, #tpu.memory_space<vmem>> -> memref<1x100xi32, #tpu.memory_space<vmem>>
    %dma_start3A_375 = tpu.memref_squeeze %dma_start3A_374 : memref<1x100xi32, #tpu.memory_space<vmem>> -> memref<100xi32, #tpu.memory_space<vmem>>
    %dma_start3A_376 = arith.constant 0 : i32
    %dma_start3A_377 = arith.constant 0 : i32
    %dma_start3A_378 = tpu.memref_slice %arg12[%dma_start3A_376, %dma_start3A_377] : memref<10000x128xf32, #tpu.memory_space<vmem_shared>> -> memref<10000x128xf32, #tpu.memory_space<vmem_shared>>
    tpu.enqueue_indirect_dma source(%arg9 : memref<100x128xf32, #tpu.memory_space<vmem>>) target(%dma_start3A_378 : memref<10000x128xf32, #tpu.memory_space<vmem_shared>>) offsets(%dma_start3A_375 : memref<100xi32, #tpu.memory_space<vmem>>) semaphore(%arg28 : memref<!tpu.dma_semaphore, #tpu.memory_space<semaphore_mem>>) {add = true}
    %dma_wait3A_379 = arith.constant 3 : i32
    %dma_wait3A_380 = arith.constant 0 : i32
    %dma_wait3A_381 = tpu.memref_slice %arg8[%dma_wait3A_379, %dma_wait3A_380] : memref<6x100xi32, #tpu.memory_space<vmem>> -> memref<1x100xi32, #tpu.memory_space<vmem>>
    %dma_wait3A_382 = tpu.memref_squeeze %dma_wait3A_381 : memref<1x100xi32, #tpu.memory_space<vmem>> -> memref<100xi32, #tpu.memory_space<vmem>>
    %dma_wait3A_383 = arith.constant 0 : i32
    %dma_wait3A_384 = arith.constant 0 : i32
    %dma_wait3A_385 = tpu.memref_slice %arg12[%dma_wait3A_383, %dma_wait3A_384] : memref<10000x128xf32, #tpu.memory_space<vmem_shared>> -> memref<10000x128xf32, #tpu.memory_space<vmem_shared>>
    tpu.wait_indirect_dma semaphore(%arg30 : memref<!tpu.dma_semaphore, #tpu.memory_space<semaphore_mem>>) src(%arg11 : memref<100x128xf32, #tpu.memory_space<vmem>>) dst(%dma_wait3A_385 : memref<10000x128xf32, #tpu.memory_space<vmem_shared>>)
    %dma_wait3A_386 = arith.constant 0 : i32
    %dma_wait3A_387 = arith.constant 0 : i32
    %dma_wait3A_388 = tpu.memref_slice %arg8[%dma_wait3A_386, %dma_wait3A_387] : memref<6x100xi32, #tpu.memory_space<vmem>> -> memref<1x100xi32, #tpu.memory_space<vmem>>
    %dma_wait3A_389 = tpu.memref_squeeze %dma_wait3A_388 : memref<1x100xi32, #tpu.memory_space<vmem>> -> memref<100xi32, #tpu.memory_space<vmem>>
    %dma_wait3A_390 = arith.constant 0 : i32
    %dma_wait3A_391 = arith.constant 0 : i32
    %dma_wait3A_392 = tpu.memref_slice %arg12[%dma_wait3A_390, %dma_wait3A_391] : memref<10000x128xf32, #tpu.memory_space<vmem_shared>> -> memref<10000x128xf32, #tpu.memory_space<vmem_shared>>
    tpu.wait_indirect_dma semaphore(%arg28 : memref<!tpu.dma_semaphore, #tpu.memory_space<semaphore_mem>>) src(%arg9 : memref<100x128xf32, #tpu.memory_space<vmem>>) dst(%dma_wait3A_392 : memref<10000x128xf32, #tpu.memory_space<vmem_shared>>)
    %barrier3A_393 = arith.constant 0 : index
    tpu.barrier barrier_id(%barrier3A_393)
    "tpu.region"() ({
      %run_scoped3A = tpu.sem_alloc : memref<!tpu.dma_semaphore, #tpu.memory_space<semaphore_mem>>
      %dma_start3A_399 = arith.constant 0 : i32
      %dma_start3A_400 = tpu.memref_slice %arg6[%arg0, %mul3A_2, %dma_start3A_399] : memref<2x10000x128xf32, #tpu.memory_space<hbm>> -> memref<1x624x128xf32, #tpu.memory_space<hbm>>
      %dma_start3A_401 = tpu.memref_squeeze %dma_start3A_400 : memref<1x624x128xf32, #tpu.memory_space<hbm>> -> memref<624x128xf32, #tpu.memory_space<hbm>>
      %dma_start3A_402 = arith.constant 0 : i32
      %dma_start3A_403 = tpu.memref_slice %arg12[%mul3A_2, %dma_start3A_402] : memref<10000x128xf32, #tpu.memory_space<vmem_shared>> -> memref<624x128xf32, #tpu.memory_space<vmem_shared>>
      tpu.enqueue_dma source(%dma_start3A_403 : memref<624x128xf32, #tpu.memory_space<vmem_shared>>) target(%dma_start3A_401 : memref<624x128xf32, #tpu.memory_space<hbm>>) target_semaphore(%run_scoped3A : memref<!tpu.dma_semaphore, #tpu.memory_space<semaphore_mem>>)
      %dma_wait3A_404 = arith.constant 0 : i32
      %dma_wait3A_405 = tpu.memref_slice %arg6[%arg0, %mul3A_2, %dma_wait3A_404] : memref<2x10000x128xf32, #tpu.memory_space<hbm>> -> memref<1x624x128xf32, #tpu.memory_space<hbm>>
      %dma_wait3A_406 = tpu.memref_squeeze %dma_wait3A_405 : memref<1x624x128xf32, #tpu.memory_space<hbm>> -> memref<624x128xf32, #tpu.memory_space<hbm>>
      %dma_wait3A_407 = arith.constant 0 : i32
      %dma_wait3A_408 = tpu.memref_slice %arg12[%mul3A_2, %dma_wait3A_407] : memref<10000x128xf32, #tpu.memory_space<vmem_shared>> -> memref<624x128xf32, #tpu.memory_space<vmem_shared>>
      tpu.wait_dma2 semaphore(%run_scoped3A : memref<!tpu.dma_semaphore, #tpu.memory_space<semaphore_mem>>) src(%dma_wait3A_408 : memref<624x128xf32, #tpu.memory_space<vmem_shared>>) dst(%dma_wait3A_406 : memref<624x128xf32, #tpu.memory_space<hbm>>)
      tpu.yield
    }) : () -> ()
    %eq3A_394 = arith.constant 15 : i32
    %eq3A_395 = arith.cmpi eq, %arg1, %eq3A_394 : i32
    %convert_element_type3A_396 = arith.extui %eq3A_395 : i1 to i32
    %cond3A_397 = arith.constant 0 : i32
    %cond3A_398 = arith.cmpi ne, %convert_element_type3A_396, %cond3A_397 : i32
    scf.if %cond3A_398 {
      "tpu.region"() ({
        %run_scoped3A = tpu.sem_alloc : memref<!tpu.dma_semaphore, #tpu.memory_space<semaphore_mem>>
        %dma_start3A_399 = arith.constant 9984 : i32
        %dma_start3A_400 = arith.constant 0 : i32
        %dma_start3A_401 = tpu.memref_slice %arg6[%arg0, %dma_start3A_399, %dma_start3A_400] : memref<2x10000x128xf32, #tpu.memory_space<hbm>> -> memref<1x16x128xf32, #tpu.memory_space<hbm>>
        %dma_start3A_402 = tpu.memref_squeeze %dma_start3A_401 : memref<1x16x128xf32, #tpu.memory_space<hbm>> -> memref<16x128xf32, #tpu.memory_space<hbm>>
        %dma_start3A_403 = arith.constant 9984 : i32
        %dma_start3A_404 = arith.constant 0 : i32
        %dma_start3A_405 = tpu.memref_slice %arg12[%dma_start3A_403, %dma_start3A_404] : memref<10000x128xf32, #tpu.memory_space<vmem_shared>> -> memref<16x128xf32, #tpu.memory_space<vmem_shared>>
        tpu.enqueue_dma source(%dma_start3A_405 : memref<16x128xf32, #tpu.memory_space<vmem_shared>>) target(%dma_start3A_402 : memref<16x128xf32, #tpu.memory_space<hbm>>) target_semaphore(%run_scoped3A : memref<!tpu.dma_semaphore, #tpu.memory_space<semaphore_mem>>)
        %dma_wait3A_406 = arith.constant 9984 : i32
        %dma_wait3A_407 = arith.constant 0 : i32
        %dma_wait3A_408 = tpu.memref_slice %arg6[%arg0, %dma_wait3A_406, %dma_wait3A_407] : memref<2x10000x128xf32, #tpu.memory_space<hbm>> -> memref<1x16x128xf32, #tpu.memory_space<hbm>>
        %dma_wait3A_409 = tpu.memref_squeeze %dma_wait3A_408 : memref<1x16x128xf32, #tpu.memory_space<hbm>> -> memref<16x128xf32, #tpu.memory_space<hbm>>
        %dma_wait3A_410 = arith.constant 9984 : i32
        %dma_wait3A_411 = arith.constant 0 : i32
        %dma_wait3A_412 = tpu.memref_slice %arg12[%dma_wait3A_410, %dma_wait3A_411] : memref<10000x128xf32, #tpu.memory_space<vmem_shared>> -> memref<16x128xf32, #tpu.memory_space<vmem_shared>>
        tpu.wait_dma2 semaphore(%run_scoped3A : memref<!tpu.dma_semaphore, #tpu.memory_space<semaphore_mem>>) src(%dma_wait3A_412 : memref<16x128xf32, #tpu.memory_space<vmem_shared>>) dst(%dma_wait3A_409 : memref<16x128xf32, #tpu.memory_space<hbm>>)
        tpu.yield
      }) : () -> ()
    } else {
    }
    return
  }
}

#map = affine_map<(d0, d1) -> (0, 0)>
#map1 = affine_map<(d0, d1) -> (0, 0, 0)>
module attributes {stable_mosaic.version = 14 : i64} {
  func.func @seg_kernel(%arg0: i32, %arg1: i32, %arg2: memref<10000x128xf32, #tpu.memory_space<hbm>>, %arg3: memref<32x100x100xi32, #tpu.memory_space<hbm>>, %arg4: memref<32x100x100xi32, #tpu.memory_space<hbm>>, %arg5: memref<10000x128xf32, #tpu.memory_space<hbm>>, %arg6: memref<2x10000x128xf32, #tpu.memory_space<hbm>>, %arg7: memref<6x100xi32, #tpu.memory_space<vmem>>, %arg8: memref<6x100xi32, #tpu.memory_space<vmem>>, %arg9: memref<100x128xf32, #tpu.memory_space<vmem>>, %arg10: memref<100x128xf32, #tpu.memory_space<vmem>>, %arg11: memref<100x128xf32, #tpu.memory_space<vmem>>, %arg12: memref<10000x128xf32, #tpu.memory_space<vmem_shared>>, %arg13: memref<!tpu.dma_semaphore, #tpu.memory_space<semaphore_mem>>, %arg14: memref<!tpu.dma_semaphore, #tpu.memory_space<semaphore_mem>>, %arg15: memref<!tpu.dma_semaphore, #tpu.memory_space<semaphore_mem>>, %arg16: memref<!tpu.dma_semaphore, #tpu.memory_space<semaphore_mem>>, %arg17: memref<!tpu.dma_semaphore, #tpu.memory_space<semaphore_mem>>, %arg18: memref<!tpu.dma_semaphore, #tpu.memory_space<semaphore_mem>>, %arg19: memref<!tpu.dma_semaphore, #tpu.memory_space<semaphore_mem>>, %arg20: memref<!tpu.dma_semaphore, #tpu.memory_space<semaphore_mem>>, %arg21: memref<!tpu.dma_semaphore, #tpu.memory_space<semaphore_mem>>, %arg22: memref<!tpu.dma_semaphore, #tpu.memory_space<semaphore_mem>>, %arg23: memref<!tpu.dma_semaphore, #tpu.memory_space<semaphore_mem>>, %arg24: memref<!tpu.dma_semaphore, #tpu.memory_space<semaphore_mem>>, %arg25: memref<!tpu.dma_semaphore, #tpu.memory_space<semaphore_mem>>, %arg26: memref<!tpu.dma_semaphore, #tpu.memory_space<semaphore_mem>>, %arg27: memref<!tpu.dma_semaphore, #tpu.memory_space<semaphore_mem>>, %arg28: memref<!tpu.dma_semaphore, #tpu.memory_space<semaphore_mem>>, %arg29: memref<!tpu.dma_semaphore, #tpu.memory_space<semaphore_mem>>, %arg30: memref<!tpu.dma_semaphore, #tpu.memory_space<semaphore_mem>>) attributes {dimension_semantics = [#tpu.dimension_semantics<core_parallel>, #tpu.dimension_semantics<subcore_parallel>], iteration_bounds = array<i64: 2, 16>, scalar_prefetch = 0 : i64, scratch_operands = 24 : i64, tpu.core_type = #tpu.core_type<sc_vector_subcore>, window_params = [{transform_indices = #map}, {transform_indices = #map1}, {transform_indices = #map1}, {transform_indices = #map}, {transform_indices = #map1}]} {
    %mul3A = arith.constant 2 : i32
    %mul3A_0 = arith.muli %arg1, %mul3A : i32
    %add3A = arith.addi %mul3A_0, %arg0 : i32
    %mul3A_1 = arith.constant 624 : i32
    %mul3A_2 = arith.muli %arg1, %mul3A_1 : i32
    %dma_start3A = arith.constant 0 : i32
    %dma_start3A_3 = arith.constant 0 : i32
    %dma_start3A_4 = arith.constant 0 : i32
    %dma_start3A_5 = tpu.memref_slice %arg7[%dma_start3A_3, %dma_start3A_4] : memref<6x100xi32, #tpu.memory_space<vmem>> -> memref<1x100xi32, #tpu.memory_space<vmem>>
    %dma_start3A_6 = tpu.memref_squeeze %dma_start3A_5 : memref<1x100xi32, #tpu.memory_space<vmem>> -> memref<100xi32, #tpu.memory_space<vmem>>
    %dma_start3A_7 = arith.constant 0 : i32
    %dma_start3A_8 = tpu.memref_slice %arg3[%add3A, %dma_start3A, %dma_start3A_7] : memref<32x100x100xi32, #tpu.memory_space<hbm>> -> memref<1x1x100xi32, #tpu.memory_space<hbm>>
    %dma_start3A_9 = tpu.memref_squeeze %dma_start3A_8 : memref<1x1x100xi32, #tpu.memory_space<hbm>> -> memref<100xi32, #tpu.memory_space<hbm>>
    %dma_start3A_10 = arith.constant 0 : i32
    %dma_start3A_11 = tpu.memref_slice %arg7[%dma_start3A_3, %dma_start3A_10] : memref<6x100xi32, #tpu.memory_space<vmem>> -> memref<1x100xi32, #tpu.memory_space<vmem>>
    %dma_start3A_12 = tpu.memref_squeeze %dma_start3A_11 : memref<1x100xi32, #tpu.memory_space<vmem>> -> memref<100xi32, #tpu.memory_space<vmem>>
    %dma_start3A_13 = arith.constant 0 : i32
    %dma_start3A_14 = tpu.memref_slice %arg3[%add3A, %dma_start3A, %dma_start3A_13] : memref<32x100x100xi32, #tpu.memory_space<hbm>> -> memref<1x1x100xi32, #tpu.memory_space<hbm>>
    %dma_start3A_15 = tpu.memref_squeeze %dma_start3A_14 : memref<1x1x100xi32, #tpu.memory_space<hbm>> -> memref<100xi32, #tpu.memory_space<hbm>>
    tpu.enqueue_dma source(%dma_start3A_15 : memref<100xi32, #tpu.memory_space<hbm>>) target(%dma_start3A_12 : memref<100xi32, #tpu.memory_space<vmem>>) target_semaphore(%arg13 : memref<!tpu.dma_semaphore, #tpu.memory_space<semaphore_mem>>)
    %dma_start3A_16 = arith.constant 1 : i32
    %dma_start3A_17 = arith.constant 1 : i32
    %dma_start3A_18 = arith.constant 0 : i32
    %dma_start3A_19 = tpu.memref_slice %arg7[%dma_start3A_17, %dma_start3A_18] : memref<6x100xi32, #tpu.memory_space<vmem>> -> memref<1x100xi32, #tpu.memory_space<vmem>>
    %dma_start3A_20 = tpu.memref_squeeze %dma_start3A_19 : memref<1x100xi32, #tpu.memory_space<vmem>> -> memref<100xi32, #tpu.memory_space<vmem>>
    %dma_start3A_21 = arith.constant 0 : i32
    %dma_start3A_22 = tpu.memref_slice %arg3[%add3A, %dma_start3A_16, %dma_start3A_21] : memref<32x100x100xi32, #tpu.memory_space<hbm>> -> memref<1x1x100xi32, #tpu.memory_space<hbm>>
    %dma_start3A_23 = tpu.memref_squeeze %dma_start3A_22 : memref<1x1x100xi32, #tpu.memory_space<hbm>> -> memref<100xi32, #tpu.memory_space<hbm>>
    %dma_start3A_24 = arith.constant 0 : i32
    %dma_start3A_25 = tpu.memref_slice %arg7[%dma_start3A_17, %dma_start3A_24] : memref<6x100xi32, #tpu.memory_space<vmem>> -> memref<1x100xi32, #tpu.memory_space<vmem>>
    %dma_start3A_26 = tpu.memref_squeeze %dma_start3A_25 : memref<1x100xi32, #tpu.memory_space<vmem>> -> memref<100xi32, #tpu.memory_space<vmem>>
    %dma_start3A_27 = arith.constant 0 : i32
    %dma_start3A_28 = tpu.memref_slice %arg3[%add3A, %dma_start3A_16, %dma_start3A_27] : memref<32x100x100xi32, #tpu.memory_space<hbm>> -> memref<1x1x100xi32, #tpu.memory_space<hbm>>
    %dma_start3A_29 = tpu.memref_squeeze %dma_start3A_28 : memref<1x1x100xi32, #tpu.memory_space<hbm>> -> memref<100xi32, #tpu.memory_space<hbm>>
    tpu.enqueue_dma source(%dma_start3A_29 : memref<100xi32, #tpu.memory_space<hbm>>) target(%dma_start3A_26 : memref<100xi32, #tpu.memory_space<vmem>>) target_semaphore(%arg14 : memref<!tpu.dma_semaphore, #tpu.memory_space<semaphore_mem>>)
    %dma_start3A_30 = arith.constant 2 : i32
    %dma_start3A_31 = arith.constant 2 : i32
    %dma_start3A_32 = arith.constant 0 : i32
    %dma_start3A_33 = tpu.memref_slice %arg7[%dma_start3A_31, %dma_start3A_32] : memref<6x100xi32, #tpu.memory_space<vmem>> -> memref<1x100xi32, #tpu.memory_space<vmem>>
    %dma_start3A_34 = tpu.memref_squeeze %dma_start3A_33 : memref<1x100xi32, #tpu.memory_space<vmem>> -> memref<100xi32, #tpu.memory_space<vmem>>
    %dma_start3A_35 = arith.constant 0 : i32
    %dma_start3A_36 = tpu.memref_slice %arg3[%add3A, %dma_start3A_30, %dma_start3A_35] : memref<32x100x100xi32, #tpu.memory_space<hbm>> -> memref<1x1x100xi32, #tpu.memory_space<hbm>>
    %dma_start3A_37 = tpu.memref_squeeze %dma_start3A_36 : memref<1x1x100xi32, #tpu.memory_space<hbm>> -> memref<100xi32, #tpu.memory_space<hbm>>
    %dma_start3A_38 = arith.constant 0 : i32
    %dma_start3A_39 = tpu.memref_slice %arg7[%dma_start3A_31, %dma_start3A_38] : memref<6x100xi32, #tpu.memory_space<vmem>> -> memref<1x100xi32, #tpu.memory_space<vmem>>
    %dma_start3A_40 = tpu.memref_squeeze %dma_start3A_39 : memref<1x100xi32, #tpu.memory_space<vmem>> -> memref<100xi32, #tpu.memory_space<vmem>>
    %dma_start3A_41 = arith.constant 0 : i32
    %dma_start3A_42 = tpu.memref_slice %arg3[%add3A, %dma_start3A_30, %dma_start3A_41] : memref<32x100x100xi32, #tpu.memory_space<hbm>> -> memref<1x1x100xi32, #tpu.memory_space<hbm>>
    %dma_start3A_43 = tpu.memref_squeeze %dma_start3A_42 : memref<1x1x100xi32, #tpu.memory_space<hbm>> -> memref<100xi32, #tpu.memory_space<hbm>>
    tpu.enqueue_dma source(%dma_start3A_43 : memref<100xi32, #tpu.memory_space<hbm>>) target(%dma_start3A_40 : memref<100xi32, #tpu.memory_space<vmem>>) target_semaphore(%arg15 : memref<!tpu.dma_semaphore, #tpu.memory_space<semaphore_mem>>)
    %dma_start3A_44 = arith.constant 3 : i32
    %dma_start3A_45 = arith.constant 3 : i32
    %dma_start3A_46 = arith.constant 0 : i32
    %dma_start3A_47 = tpu.memref_slice %arg7[%dma_start3A_45, %dma_start3A_46] : memref<6x100xi32, #tpu.memory_space<vmem>> -> memref<1x100xi32, #tpu.memory_space<vmem>>
    %dma_start3A_48 = tpu.memref_squeeze %dma_start3A_47 : memref<1x100xi32, #tpu.memory_space<vmem>> -> memref<100xi32, #tpu.memory_space<vmem>>
    %dma_start3A_49 = arith.constant 0 : i32
    %dma_start3A_50 = tpu.memref_slice %arg3[%add3A, %dma_start3A_44, %dma_start3A_49] : memref<32x100x100xi32, #tpu.memory_space<hbm>> -> memref<1x1x100xi32, #tpu.memory_space<hbm>>
    %dma_start3A_51 = tpu.memref_squeeze %dma_start3A_50 : memref<1x1x100xi32, #tpu.memory_space<hbm>> -> memref<100xi32, #tpu.memory_space<hbm>>
    %dma_start3A_52 = arith.constant 0 : i32
    %dma_start3A_53 = tpu.memref_slice %arg7[%dma_start3A_45, %dma_start3A_52] : memref<6x100xi32, #tpu.memory_space<vmem>> -> memref<1x100xi32, #tpu.memory_space<vmem>>
    %dma_start3A_54 = tpu.memref_squeeze %dma_start3A_53 : memref<1x100xi32, #tpu.memory_space<vmem>> -> memref<100xi32, #tpu.memory_space<vmem>>
    %dma_start3A_55 = arith.constant 0 : i32
    %dma_start3A_56 = tpu.memref_slice %arg3[%add3A, %dma_start3A_44, %dma_start3A_55] : memref<32x100x100xi32, #tpu.memory_space<hbm>> -> memref<1x1x100xi32, #tpu.memory_space<hbm>>
    %dma_start3A_57 = tpu.memref_squeeze %dma_start3A_56 : memref<1x1x100xi32, #tpu.memory_space<hbm>> -> memref<100xi32, #tpu.memory_space<hbm>>
    tpu.enqueue_dma source(%dma_start3A_57 : memref<100xi32, #tpu.memory_space<hbm>>) target(%dma_start3A_54 : memref<100xi32, #tpu.memory_space<vmem>>) target_semaphore(%arg16 : memref<!tpu.dma_semaphore, #tpu.memory_space<semaphore_mem>>)
    %dma_start3A_58 = arith.constant 4 : i32
    %dma_start3A_59 = arith.constant 4 : i32
    %dma_start3A_60 = arith.constant 0 : i32
    %dma_start3A_61 = tpu.memref_slice %arg7[%dma_start3A_59, %dma_start3A_60] : memref<6x100xi32, #tpu.memory_space<vmem>> -> memref<1x100xi32, #tpu.memory_space<vmem>>
    %dma_start3A_62 = tpu.memref_squeeze %dma_start3A_61 : memref<1x100xi32, #tpu.memory_space<vmem>> -> memref<100xi32, #tpu.memory_space<vmem>>
    %dma_start3A_63 = arith.constant 0 : i32
    %dma_start3A_64 = tpu.memref_slice %arg3[%add3A, %dma_start3A_58, %dma_start3A_63] : memref<32x100x100xi32, #tpu.memory_space<hbm>> -> memref<1x1x100xi32, #tpu.memory_space<hbm>>
    %dma_start3A_65 = tpu.memref_squeeze %dma_start3A_64 : memref<1x1x100xi32, #tpu.memory_space<hbm>> -> memref<100xi32, #tpu.memory_space<hbm>>
    %dma_start3A_66 = arith.constant 0 : i32
    %dma_start3A_67 = tpu.memref_slice %arg7[%dma_start3A_59, %dma_start3A_66] : memref<6x100xi32, #tpu.memory_space<vmem>> -> memref<1x100xi32, #tpu.memory_space<vmem>>
    %dma_start3A_68 = tpu.memref_squeeze %dma_start3A_67 : memref<1x100xi32, #tpu.memory_space<vmem>> -> memref<100xi32, #tpu.memory_space<vmem>>
    %dma_start3A_69 = arith.constant 0 : i32
    %dma_start3A_70 = tpu.memref_slice %arg3[%add3A, %dma_start3A_58, %dma_start3A_69] : memref<32x100x100xi32, #tpu.memory_space<hbm>> -> memref<1x1x100xi32, #tpu.memory_space<hbm>>
    %dma_start3A_71 = tpu.memref_squeeze %dma_start3A_70 : memref<1x1x100xi32, #tpu.memory_space<hbm>> -> memref<100xi32, #tpu.memory_space<hbm>>
    tpu.enqueue_dma source(%dma_start3A_71 : memref<100xi32, #tpu.memory_space<hbm>>) target(%dma_start3A_68 : memref<100xi32, #tpu.memory_space<vmem>>) target_semaphore(%arg17 : memref<!tpu.dma_semaphore, #tpu.memory_space<semaphore_mem>>)
    %dma_start3A_72 = arith.constant 5 : i32
    %dma_start3A_73 = arith.constant 5 : i32
    %dma_start3A_74 = arith.constant 0 : i32
    %dma_start3A_75 = tpu.memref_slice %arg7[%dma_start3A_73, %dma_start3A_74] : memref<6x100xi32, #tpu.memory_space<vmem>> -> memref<1x100xi32, #tpu.memory_space<vmem>>
    %dma_start3A_76 = tpu.memref_squeeze %dma_start3A_75 : memref<1x100xi32, #tpu.memory_space<vmem>> -> memref<100xi32, #tpu.memory_space<vmem>>
    %dma_start3A_77 = arith.constant 0 : i32
    %dma_start3A_78 = tpu.memref_slice %arg3[%add3A, %dma_start3A_72, %dma_start3A_77] : memref<32x100x100xi32, #tpu.memory_space<hbm>> -> memref<1x1x100xi32, #tpu.memory_space<hbm>>
    %dma_start3A_79 = tpu.memref_squeeze %dma_start3A_78 : memref<1x1x100xi32, #tpu.memory_space<hbm>> -> memref<100xi32, #tpu.memory_space<hbm>>
    %dma_start3A_80 = arith.constant 0 : i32
    %dma_start3A_81 = tpu.memref_slice %arg7[%dma_start3A_73, %dma_start3A_80] : memref<6x100xi32, #tpu.memory_space<vmem>> -> memref<1x100xi32, #tpu.memory_space<vmem>>
    %dma_start3A_82 = tpu.memref_squeeze %dma_start3A_81 : memref<1x100xi32, #tpu.memory_space<vmem>> -> memref<100xi32, #tpu.memory_space<vmem>>
    %dma_start3A_83 = arith.constant 0 : i32
    %dma_start3A_84 = tpu.memref_slice %arg3[%add3A, %dma_start3A_72, %dma_start3A_83] : memref<32x100x100xi32, #tpu.memory_space<hbm>> -> memref<1x1x100xi32, #tpu.memory_space<hbm>>
    %dma_start3A_85 = tpu.memref_squeeze %dma_start3A_84 : memref<1x1x100xi32, #tpu.memory_space<hbm>> -> memref<100xi32, #tpu.memory_space<hbm>>
    tpu.enqueue_dma source(%dma_start3A_85 : memref<100xi32, #tpu.memory_space<hbm>>) target(%dma_start3A_82 : memref<100xi32, #tpu.memory_space<vmem>>) target_semaphore(%arg18 : memref<!tpu.dma_semaphore, #tpu.memory_space<semaphore_mem>>)
    %dma_start3A_86 = arith.constant 0 : i32
    %dma_start3A_87 = arith.constant 0 : i32
    %dma_start3A_88 = arith.constant 0 : i32
    %dma_start3A_89 = tpu.memref_slice %arg8[%dma_start3A_87, %dma_start3A_88] : memref<6x100xi32, #tpu.memory_space<vmem>> -> memref<1x100xi32, #tpu.memory_space<vmem>>
    %dma_start3A_90 = tpu.memref_squeeze %dma_start3A_89 : memref<1x100xi32, #tpu.memory_space<vmem>> -> memref<100xi32, #tpu.memory_space<vmem>>
    %dma_start3A_91 = arith.constant 0 : i32
    %dma_start3A_92 = tpu.memref_slice %arg4[%add3A, %dma_start3A_86, %dma_start3A_91] : memref<32x100x100xi32, #tpu.memory_space<hbm>> -> memref<1x1x100xi32, #tpu.memory_space<hbm>>
    %dma_start3A_93 = tpu.memref_squeeze %dma_start3A_92 : memref<1x1x100xi32, #tpu.memory_space<hbm>> -> memref<100xi32, #tpu.memory_space<hbm>>
    %dma_start3A_94 = arith.constant 0 : i32
    %dma_start3A_95 = tpu.memref_slice %arg8[%dma_start3A_87, %dma_start3A_94] : memref<6x100xi32, #tpu.memory_space<vmem>> -> memref<1x100xi32, #tpu.memory_space<vmem>>
    %dma_start3A_96 = tpu.memref_squeeze %dma_start3A_95 : memref<1x100xi32, #tpu.memory_space<vmem>> -> memref<100xi32, #tpu.memory_space<vmem>>
    %dma_start3A_97 = arith.constant 0 : i32
    %dma_start3A_98 = tpu.memref_slice %arg4[%add3A, %dma_start3A_86, %dma_start3A_97] : memref<32x100x100xi32, #tpu.memory_space<hbm>> -> memref<1x1x100xi32, #tpu.memory_space<hbm>>
    %dma_start3A_99 = tpu.memref_squeeze %dma_start3A_98 : memref<1x1x100xi32, #tpu.memory_space<hbm>> -> memref<100xi32, #tpu.memory_space<hbm>>
    tpu.enqueue_dma source(%dma_start3A_99 : memref<100xi32, #tpu.memory_space<hbm>>) target(%dma_start3A_96 : memref<100xi32, #tpu.memory_space<vmem>>) target_semaphore(%arg19 : memref<!tpu.dma_semaphore, #tpu.memory_space<semaphore_mem>>)
    %dma_start3A_100 = arith.constant 1 : i32
    %dma_start3A_101 = arith.constant 1 : i32
    %dma_start3A_102 = arith.constant 0 : i32
    %dma_start3A_103 = tpu.memref_slice %arg8[%dma_start3A_101, %dma_start3A_102] : memref<6x100xi32, #tpu.memory_space<vmem>> -> memref<1x100xi32, #tpu.memory_space<vmem>>
    %dma_start3A_104 = tpu.memref_squeeze %dma_start3A_103 : memref<1x100xi32, #tpu.memory_space<vmem>> -> memref<100xi32, #tpu.memory_space<vmem>>
    %dma_start3A_105 = arith.constant 0 : i32
    %dma_start3A_106 = tpu.memref_slice %arg4[%add3A, %dma_start3A_100, %dma_start3A_105] : memref<32x100x100xi32, #tpu.memory_space<hbm>> -> memref<1x1x100xi32, #tpu.memory_space<hbm>>
    %dma_start3A_107 = tpu.memref_squeeze %dma_start3A_106 : memref<1x1x100xi32, #tpu.memory_space<hbm>> -> memref<100xi32, #tpu.memory_space<hbm>>
    %dma_start3A_108 = arith.constant 0 : i32
    %dma_start3A_109 = tpu.memref_slice %arg8[%dma_start3A_101, %dma_start3A_108] : memref<6x100xi32, #tpu.memory_space<vmem>> -> memref<1x100xi32, #tpu.memory_space<vmem>>
    %dma_start3A_110 = tpu.memref_squeeze %dma_start3A_109 : memref<1x100xi32, #tpu.memory_space<vmem>> -> memref<100xi32, #tpu.memory_space<vmem>>
    %dma_start3A_111 = arith.constant 0 : i32
    %dma_start3A_112 = tpu.memref_slice %arg4[%add3A, %dma_start3A_100, %dma_start3A_111] : memref<32x100x100xi32, #tpu.memory_space<hbm>> -> memref<1x1x100xi32, #tpu.memory_space<hbm>>
    %dma_start3A_113 = tpu.memref_squeeze %dma_start3A_112 : memref<1x1x100xi32, #tpu.memory_space<hbm>> -> memref<100xi32, #tpu.memory_space<hbm>>
    tpu.enqueue_dma source(%dma_start3A_113 : memref<100xi32, #tpu.memory_space<hbm>>) target(%dma_start3A_110 : memref<100xi32, #tpu.memory_space<vmem>>) target_semaphore(%arg20 : memref<!tpu.dma_semaphore, #tpu.memory_space<semaphore_mem>>)
    %dma_start3A_114 = arith.constant 2 : i32
    %dma_start3A_115 = arith.constant 2 : i32
    %dma_start3A_116 = arith.constant 0 : i32
    %dma_start3A_117 = tpu.memref_slice %arg8[%dma_start3A_115, %dma_start3A_116] : memref<6x100xi32, #tpu.memory_space<vmem>> -> memref<1x100xi32, #tpu.memory_space<vmem>>
    %dma_start3A_118 = tpu.memref_squeeze %dma_start3A_117 : memref<1x100xi32, #tpu.memory_space<vmem>> -> memref<100xi32, #tpu.memory_space<vmem>>
    %dma_start3A_119 = arith.constant 0 : i32
    %dma_start3A_120 = tpu.memref_slice %arg4[%add3A, %dma_start3A_114, %dma_start3A_119] : memref<32x100x100xi32, #tpu.memory_space<hbm>> -> memref<1x1x100xi32, #tpu.memory_space<hbm>>
    %dma_start3A_121 = tpu.memref_squeeze %dma_start3A_120 : memref<1x1x100xi32, #tpu.memory_space<hbm>> -> memref<100xi32, #tpu.memory_space<hbm>>
    %dma_start3A_122 = arith.constant 0 : i32
    %dma_start3A_123 = tpu.memref_slice %arg8[%dma_start3A_115, %dma_start3A_122] : memref<6x100xi32, #tpu.memory_space<vmem>> -> memref<1x100xi32, #tpu.memory_space<vmem>>
    %dma_start3A_124 = tpu.memref_squeeze %dma_start3A_123 : memref<1x100xi32, #tpu.memory_space<vmem>> -> memref<100xi32, #tpu.memory_space<vmem>>
    %dma_start3A_125 = arith.constant 0 : i32
    %dma_start3A_126 = tpu.memref_slice %arg4[%add3A, %dma_start3A_114, %dma_start3A_125] : memref<32x100x100xi32, #tpu.memory_space<hbm>> -> memref<1x1x100xi32, #tpu.memory_space<hbm>>
    %dma_start3A_127 = tpu.memref_squeeze %dma_start3A_126 : memref<1x1x100xi32, #tpu.memory_space<hbm>> -> memref<100xi32, #tpu.memory_space<hbm>>
    tpu.enqueue_dma source(%dma_start3A_127 : memref<100xi32, #tpu.memory_space<hbm>>) target(%dma_start3A_124 : memref<100xi32, #tpu.memory_space<vmem>>) target_semaphore(%arg21 : memref<!tpu.dma_semaphore, #tpu.memory_space<semaphore_mem>>)
    %dma_start3A_128 = arith.constant 3 : i32
    %dma_start3A_129 = arith.constant 3 : i32
    %dma_start3A_130 = arith.constant 0 : i32
    %dma_start3A_131 = tpu.memref_slice %arg8[%dma_start3A_129, %dma_start3A_130] : memref<6x100xi32, #tpu.memory_space<vmem>> -> memref<1x100xi32, #tpu.memory_space<vmem>>
    %dma_start3A_132 = tpu.memref_squeeze %dma_start3A_131 : memref<1x100xi32, #tpu.memory_space<vmem>> -> memref<100xi32, #tpu.memory_space<vmem>>
    %dma_start3A_133 = arith.constant 0 : i32
    %dma_start3A_134 = tpu.memref_slice %arg4[%add3A, %dma_start3A_128, %dma_start3A_133] : memref<32x100x100xi32, #tpu.memory_space<hbm>> -> memref<1x1x100xi32, #tpu.memory_space<hbm>>
    %dma_start3A_135 = tpu.memref_squeeze %dma_start3A_134 : memref<1x1x100xi32, #tpu.memory_space<hbm>> -> memref<100xi32, #tpu.memory_space<hbm>>
    %dma_start3A_136 = arith.constant 0 : i32
    %dma_start3A_137 = tpu.memref_slice %arg8[%dma_start3A_129, %dma_start3A_136] : memref<6x100xi32, #tpu.memory_space<vmem>> -> memref<1x100xi32, #tpu.memory_space<vmem>>
    %dma_start3A_138 = tpu.memref_squeeze %dma_start3A_137 : memref<1x100xi32, #tpu.memory_space<vmem>> -> memref<100xi32, #tpu.memory_space<vmem>>
    %dma_start3A_139 = arith.constant 0 : i32
    %dma_start3A_140 = tpu.memref_slice %arg4[%add3A, %dma_start3A_128, %dma_start3A_139] : memref<32x100x100xi32, #tpu.memory_space<hbm>> -> memref<1x1x100xi32, #tpu.memory_space<hbm>>
    %dma_start3A_141 = tpu.memref_squeeze %dma_start3A_140 : memref<1x1x100xi32, #tpu.memory_space<hbm>> -> memref<100xi32, #tpu.memory_space<hbm>>
    tpu.enqueue_dma source(%dma_start3A_141 : memref<100xi32, #tpu.memory_space<hbm>>) target(%dma_start3A_138 : memref<100xi32, #tpu.memory_space<vmem>>) target_semaphore(%arg22 : memref<!tpu.dma_semaphore, #tpu.memory_space<semaphore_mem>>)
    %dma_start3A_142 = arith.constant 4 : i32
    %dma_start3A_143 = arith.constant 4 : i32
    %dma_start3A_144 = arith.constant 0 : i32
    %dma_start3A_145 = tpu.memref_slice %arg8[%dma_start3A_143, %dma_start3A_144] : memref<6x100xi32, #tpu.memory_space<vmem>> -> memref<1x100xi32, #tpu.memory_space<vmem>>
    %dma_start3A_146 = tpu.memref_squeeze %dma_start3A_145 : memref<1x100xi32, #tpu.memory_space<vmem>> -> memref<100xi32, #tpu.memory_space<vmem>>
    %dma_start3A_147 = arith.constant 0 : i32
    %dma_start3A_148 = tpu.memref_slice %arg4[%add3A, %dma_start3A_142, %dma_start3A_147] : memref<32x100x100xi32, #tpu.memory_space<hbm>> -> memref<1x1x100xi32, #tpu.memory_space<hbm>>
    %dma_start3A_149 = tpu.memref_squeeze %dma_start3A_148 : memref<1x1x100xi32, #tpu.memory_space<hbm>> -> memref<100xi32, #tpu.memory_space<hbm>>
    %dma_start3A_150 = arith.constant 0 : i32
    %dma_start3A_151 = tpu.memref_slice %arg8[%dma_start3A_143, %dma_start3A_150] : memref<6x100xi32, #tpu.memory_space<vmem>> -> memref<1x100xi32, #tpu.memory_space<vmem>>
    %dma_start3A_152 = tpu.memref_squeeze %dma_start3A_151 : memref<1x100xi32, #tpu.memory_space<vmem>> -> memref<100xi32, #tpu.memory_space<vmem>>
    %dma_start3A_153 = arith.constant 0 : i32
    %dma_start3A_154 = tpu.memref_slice %arg4[%add3A, %dma_start3A_142, %dma_start3A_153] : memref<32x100x100xi32, #tpu.memory_space<hbm>> -> memref<1x1x100xi32, #tpu.memory_space<hbm>>
    %dma_start3A_155 = tpu.memref_squeeze %dma_start3A_154 : memref<1x1x100xi32, #tpu.memory_space<hbm>> -> memref<100xi32, #tpu.memory_space<hbm>>
    tpu.enqueue_dma source(%dma_start3A_155 : memref<100xi32, #tpu.memory_space<hbm>>) target(%dma_start3A_152 : memref<100xi32, #tpu.memory_space<vmem>>) target_semaphore(%arg23 : memref<!tpu.dma_semaphore, #tpu.memory_space<semaphore_mem>>)
    %dma_wait3A = arith.constant 0 : i32
    %dma_wait3A_156 = arith.constant 0 : i32
    %dma_wait3A_157 = arith.constant 0 : i32
    %dma_wait3A_158 = tpu.memref_slice %arg7[%dma_wait3A_156, %dma_wait3A_157] : memref<6x100xi32, #tpu.memory_space<vmem>> -> memref<1x100xi32, #tpu.memory_space<vmem>>
    %dma_wait3A_159 = tpu.memref_squeeze %dma_wait3A_158 : memref<1x100xi32, #tpu.memory_space<vmem>> -> memref<100xi32, #tpu.memory_space<vmem>>
    %dma_wait3A_160 = arith.constant 0 : i32
    %dma_wait3A_161 = tpu.memref_slice %arg3[%add3A, %dma_wait3A, %dma_wait3A_160] : memref<32x100x100xi32, #tpu.memory_space<hbm>> -> memref<1x1x100xi32, #tpu.memory_space<hbm>>
    %dma_wait3A_162 = tpu.memref_squeeze %dma_wait3A_161 : memref<1x1x100xi32, #tpu.memory_space<hbm>> -> memref<100xi32, #tpu.memory_space<hbm>>
    %dma_wait3A_163 = arith.constant 0 : i32
    %dma_wait3A_164 = tpu.memref_slice %arg7[%dma_wait3A_156, %dma_wait3A_163] : memref<6x100xi32, #tpu.memory_space<vmem>> -> memref<1x100xi32, #tpu.memory_space<vmem>>
    %dma_wait3A_165 = tpu.memref_squeeze %dma_wait3A_164 : memref<1x100xi32, #tpu.memory_space<vmem>> -> memref<100xi32, #tpu.memory_space<vmem>>
    %dma_wait3A_166 = arith.constant 0 : i32
    %dma_wait3A_167 = tpu.memref_slice %arg3[%add3A, %dma_wait3A, %dma_wait3A_166] : memref<32x100x100xi32, #tpu.memory_space<hbm>> -> memref<1x1x100xi32, #tpu.memory_space<hbm>>
    %dma_wait3A_168 = tpu.memref_squeeze %dma_wait3A_167 : memref<1x1x100xi32, #tpu.memory_space<hbm>> -> memref<100xi32, #tpu.memory_space<hbm>>
    tpu.wait_dma2 semaphore(%arg13 : memref<!tpu.dma_semaphore, #tpu.memory_space<semaphore_mem>>) src(%dma_wait3A_168 : memref<100xi32, #tpu.memory_space<hbm>>) dst(%dma_wait3A_165 : memref<100xi32, #tpu.memory_space<vmem>>)
    %dma_start3A_169 = arith.constant 0 : i32
    %dma_start3A_170 = arith.constant 0 : i32
    %dma_start3A_171 = tpu.memref_slice %arg7[%dma_start3A_169, %dma_start3A_170] : memref<6x100xi32, #tpu.memory_space<vmem>> -> memref<1x100xi32, #tpu.memory_space<vmem>>
    %dma_start3A_172 = tpu.memref_squeeze %dma_start3A_171 : memref<1x100xi32, #tpu.memory_space<vmem>> -> memref<100xi32, #tpu.memory_space<vmem>>
    %dma_start3A_173 = arith.constant 0 : i32
    %dma_start3A_174 = arith.constant 0 : i32
    %dma_start3A_175 = tpu.memref_slice %arg2[%dma_start3A_173, %dma_start3A_174] : memref<10000x128xf32, #tpu.memory_space<hbm>> -> memref<10000x128xf32, #tpu.memory_space<hbm>>
    tpu.enqueue_indirect_dma source(%dma_start3A_175 : memref<10000x128xf32, #tpu.memory_space<hbm>>) target(%arg9 : memref<100x128xf32, #tpu.memory_space<vmem>>) offsets(%dma_start3A_172 : memref<100xi32, #tpu.memory_space<vmem>>) semaphore(%arg25 : memref<!tpu.dma_semaphore, #tpu.memory_space<semaphore_mem>>)
    %dma_wait3A_176 = arith.constant 1 : i32
    %dma_wait3A_177 = arith.constant 1 : i32
    %dma_wait3A_178 = arith.constant 0 : i32
    %dma_wait3A_179 = tpu.memref_slice %arg7[%dma_wait3A_177, %dma_wait3A_178] : memref<6x100xi32, #tpu.memory_space<vmem>> -> memref<1x100xi32, #tpu.memory_space<vmem>>
    %dma_wait3A_180 = tpu.memref_squeeze %dma_wait3A_179 : memref<1x100xi32, #tpu.memory_space<vmem>> -> memref<100xi32, #tpu.memory_space<vmem>>
    %dma_wait3A_181 = arith.constant 0 : i32
    %dma_wait3A_182 = tpu.memref_slice %arg3[%add3A, %dma_wait3A_176, %dma_wait3A_181] : memref<32x100x100xi32, #tpu.memory_space<hbm>> -> memref<1x1x100xi32, #tpu.memory_space<hbm>>
    %dma_wait3A_183 = tpu.memref_squeeze %dma_wait3A_182 : memref<1x1x100xi32, #tpu.memory_space<hbm>> -> memref<100xi32, #tpu.memory_space<hbm>>
    %dma_wait3A_184 = arith.constant 0 : i32
    %dma_wait3A_185 = tpu.memref_slice %arg7[%dma_wait3A_177, %dma_wait3A_184] : memref<6x100xi32, #tpu.memory_space<vmem>> -> memref<1x100xi32, #tpu.memory_space<vmem>>
    %dma_wait3A_186 = tpu.memref_squeeze %dma_wait3A_185 : memref<1x100xi32, #tpu.memory_space<vmem>> -> memref<100xi32, #tpu.memory_space<vmem>>
    %dma_wait3A_187 = arith.constant 0 : i32
    %dma_wait3A_188 = tpu.memref_slice %arg3[%add3A, %dma_wait3A_176, %dma_wait3A_187] : memref<32x100x100xi32, #tpu.memory_space<hbm>> -> memref<1x1x100xi32, #tpu.memory_space<hbm>>
    %dma_wait3A_189 = tpu.memref_squeeze %dma_wait3A_188 : memref<1x1x100xi32, #tpu.memory_space<hbm>> -> memref<100xi32, #tpu.memory_space<hbm>>
    tpu.wait_dma2 semaphore(%arg14 : memref<!tpu.dma_semaphore, #tpu.memory_space<semaphore_mem>>) src(%dma_wait3A_189 : memref<100xi32, #tpu.memory_space<hbm>>) dst(%dma_wait3A_186 : memref<100xi32, #tpu.memory_space<vmem>>)
    %dma_start3A_190 = arith.constant 1 : i32
    %dma_start3A_191 = arith.constant 0 : i32
    %dma_start3A_192 = tpu.memref_slice %arg7[%dma_start3A_190, %dma_start3A_191] : memref<6x100xi32, #tpu.memory_space<vmem>> -> memref<1x100xi32, #tpu.memory_space<vmem>>
    %dma_start3A_193 = tpu.memref_squeeze %dma_start3A_192 : memref<1x100xi32, #tpu.memory_space<vmem>> -> memref<100xi32, #tpu.memory_space<vmem>>
    %dma_start3A_194 = arith.constant 0 : i32
    %dma_start3A_195 = arith.constant 0 : i32
    %dma_start3A_196 = tpu.memref_slice %arg2[%dma_start3A_194, %dma_start3A_195] : memref<10000x128xf32, #tpu.memory_space<hbm>> -> memref<10000x128xf32, #tpu.memory_space<hbm>>
    tpu.enqueue_indirect_dma source(%dma_start3A_196 : memref<10000x128xf32, #tpu.memory_space<hbm>>) target(%arg10 : memref<100x128xf32, #tpu.memory_space<vmem>>) offsets(%dma_start3A_193 : memref<100xi32, #tpu.memory_space<vmem>>) semaphore(%arg26 : memref<!tpu.dma_semaphore, #tpu.memory_space<semaphore_mem>>)
    "tpu.region"() ({
      %run_scoped3A = tpu.sem_alloc : memref<!tpu.dma_semaphore, #tpu.memory_space<semaphore_mem>>
      %dma_start3A_399 = arith.constant 0 : i32
      %dma_start3A_400 = tpu.memref_slice %arg12[%mul3A_2, %dma_start3A_399] : memref<10000x128xf32, #tpu.memory_space<vmem_shared>> -> memref<624x128xf32, #tpu.memory_space<vmem_shared>>
      %dma_start3A_401 = arith.constant 0 : i32
      %dma_start3A_402 = tpu.memref_slice %arg5[%mul3A_2, %dma_start3A_401] : memref<10000x128xf32, #tpu.memory_space<hbm>> -> memref<624x128xf32, #tpu.memory_space<hbm>>
      tpu.enqueue_dma source(%dma_start3A_402 : memref<624x128xf32, #tpu.memory_space<hbm>>) target(%dma_start3A_400 : memref<624x128xf32, #tpu.memory_space<vmem_shared>>) target_semaphore(%run_scoped3A : memref<!tpu.dma_semaphore, #tpu.memory_space<semaphore_mem>>)
      %dma_wait3A_403 = arith.constant 0 : i32
      %dma_wait3A_404 = tpu.memref_slice %arg12[%mul3A_2, %dma_wait3A_403] : memref<10000x128xf32, #tpu.memory_space<vmem_shared>> -> memref<624x128xf32, #tpu.memory_space<vmem_shared>>
      %dma_wait3A_405 = arith.constant 0 : i32
      %dma_wait3A_406 = tpu.memref_slice %arg5[%mul3A_2, %dma_wait3A_405] : memref<10000x128xf32, #tpu.memory_space<hbm>> -> memref<624x128xf32, #tpu.memory_space<hbm>>
      tpu.wait_dma2 semaphore(%run_scoped3A : memref<!tpu.dma_semaphore, #tpu.memory_space<semaphore_mem>>) src(%dma_wait3A_406 : memref<624x128xf32, #tpu.memory_space<hbm>>) dst(%dma_wait3A_404 : memref<624x128xf32, #tpu.memory_space<vmem_shared>>)
      tpu.yield
    }) : () -> ()
    %eq3A = arith.constant 15 : i32
    %eq3A_197 = arith.cmpi eq, %arg1, %eq3A : i32
    %convert_element_type3A = arith.extui %eq3A_197 : i1 to i32
    %cond3A = arith.constant 0 : i32
    %cond3A_198 = arith.cmpi ne, %convert_element_type3A, %cond3A : i32
    scf.if %cond3A_198 {
      "tpu.region"() ({
        %run_scoped3A = tpu.sem_alloc : memref<!tpu.dma_semaphore, #tpu.memory_space<semaphore_mem>>
        %dma_start3A_399 = arith.constant 9984 : i32
        %dma_start3A_400 = arith.constant 0 : i32
        %dma_start3A_401 = tpu.memref_slice %arg12[%dma_start3A_399, %dma_start3A_400] : memref<10000x128xf32, #tpu.memory_space<vmem_shared>> -> memref<16x128xf32, #tpu.memory_space<vmem_shared>>
        %dma_start3A_402 = arith.constant 9984 : i32
        %dma_start3A_403 = arith.constant 0 : i32
        %dma_start3A_404 = tpu.memref_slice %arg5[%dma_start3A_402, %dma_start3A_403] : memref<10000x128xf32, #tpu.memory_space<hbm>> -> memref<16x128xf32, #tpu.memory_space<hbm>>
        tpu.enqueue_dma source(%dma_start3A_404 : memref<16x128xf32, #tpu.memory_space<hbm>>) target(%dma_start3A_401 : memref<16x128xf32, #tpu.memory_space<vmem_shared>>) target_semaphore(%run_scoped3A : memref<!tpu.dma_semaphore, #tpu.memory_space<semaphore_mem>>)
        %dma_wait3A_405 = arith.constant 9984 : i32
        %dma_wait3A_406 = arith.constant 0 : i32
        %dma_wait3A_407 = tpu.memref_slice %arg12[%dma_wait3A_405, %dma_wait3A_406] : memref<10000x128xf32, #tpu.memory_space<vmem_shared>> -> memref<16x128xf32, #tpu.memory_space<vmem_shared>>
        %dma_wait3A_408 = arith.constant 9984 : i32
        %dma_wait3A_409 = arith.constant 0 : i32
        %dma_wait3A_410 = tpu.memref_slice %arg5[%dma_wait3A_408, %dma_wait3A_409] : memref<10000x128xf32, #tpu.memory_space<hbm>> -> memref<16x128xf32, #tpu.memory_space<hbm>>
        tpu.wait_dma2 semaphore(%run_scoped3A : memref<!tpu.dma_semaphore, #tpu.memory_space<semaphore_mem>>) src(%dma_wait3A_410 : memref<16x128xf32, #tpu.memory_space<hbm>>) dst(%dma_wait3A_407 : memref<16x128xf32, #tpu.memory_space<vmem_shared>>)
        tpu.yield
      }) : () -> ()
    } else {
    }
    %barrier3A = arith.constant 0 : index
    tpu.barrier barrier_id(%barrier3A)
    %scan3A = arith.constant 0 : i32
    %scan3A_199 = arith.constant 0 : i32
    %scan3A_200 = arith.constant 16 : i32
    %scan3A_201 = arith.addi %scan3A_199, %scan3A_200 : i32
    %scan3A_202 = arith.constant 1 : i32
    scf.for %scan3A_399 = %scan3A_199 to %scan3A_201 step %scan3A_202  : i32 {
      %mul3A_400 = arith.constant 6 : i32
      %mul3A_401 = arith.muli %scan3A_399, %mul3A_400 : i32
      %add3A_402 = arith.constant 0 : i32
      %add3A_403 = arith.addi %mul3A_401, %add3A_402 : i32
      %dma_wait3A_404 = arith.constant 0 : i32
      %dma_wait3A_405 = arith.constant 0 : i32
      %dma_wait3A_406 = tpu.memref_slice %arg7[%dma_wait3A_404, %dma_wait3A_405] : memref<6x100xi32, #tpu.memory_space<vmem>> -> memref<1x100xi32, #tpu.memory_space<vmem>>
      %dma_wait3A_407 = tpu.memref_squeeze %dma_wait3A_406 : memref<1x100xi32, #tpu.memory_space<vmem>> -> memref<100xi32, #tpu.memory_space<vmem>>
      %dma_wait3A_408 = arith.constant 0 : i32
      %dma_wait3A_409 = arith.constant 0 : i32
      %dma_wait3A_410 = tpu.memref_slice %arg2[%dma_wait3A_408, %dma_wait3A_409] : memref<10000x128xf32, #tpu.memory_space<hbm>> -> memref<10000x128xf32, #tpu.memory_space<hbm>>
      tpu.wait_indirect_dma semaphore(%arg25 : memref<!tpu.dma_semaphore, #tpu.memory_space<semaphore_mem>>) src(%dma_wait3A_410 : memref<10000x128xf32, #tpu.memory_space<hbm>>) dst(%arg9 : memref<100x128xf32, #tpu.memory_space<vmem>>)
      %dma_wait3A_411 = arith.constant 0 : i32
      %dma_wait3A_412 = arith.constant 0 : i32
      %dma_wait3A_413 = tpu.memref_slice %arg8[%dma_wait3A_411, %dma_wait3A_412] : memref<6x100xi32, #tpu.memory_space<vmem>> -> memref<1x100xi32, #tpu.memory_space<vmem>>
      %dma_wait3A_414 = tpu.memref_squeeze %dma_wait3A_413 : memref<1x100xi32, #tpu.memory_space<vmem>> -> memref<100xi32, #tpu.memory_space<vmem>>
      %dma_wait3A_415 = arith.constant 0 : i32
      %dma_wait3A_416 = tpu.memref_slice %arg4[%add3A, %add3A_403, %dma_wait3A_415] : memref<32x100x100xi32, #tpu.memory_space<hbm>> -> memref<1x1x100xi32, #tpu.memory_space<hbm>>
      %dma_wait3A_417 = tpu.memref_squeeze %dma_wait3A_416 : memref<1x1x100xi32, #tpu.memory_space<hbm>> -> memref<100xi32, #tpu.memory_space<hbm>>
      %dma_wait3A_418 = arith.constant 0 : i32
      %dma_wait3A_419 = tpu.memref_slice %arg8[%dma_wait3A_411, %dma_wait3A_418] : memref<6x100xi32, #tpu.memory_space<vmem>> -> memref<1x100xi32, #tpu.memory_space<vmem>>
      %dma_wait3A_420 = tpu.memref_squeeze %dma_wait3A_419 : memref<1x100xi32, #tpu.memory_space<vmem>> -> memref<100xi32, #tpu.memory_space<vmem>>
      %dma_wait3A_421 = arith.constant 0 : i32
      %dma_wait3A_422 = tpu.memref_slice %arg4[%add3A, %add3A_403, %dma_wait3A_421] : memref<32x100x100xi32, #tpu.memory_space<hbm>> -> memref<1x1x100xi32, #tpu.memory_space<hbm>>
      %dma_wait3A_423 = tpu.memref_squeeze %dma_wait3A_422 : memref<1x1x100xi32, #tpu.memory_space<hbm>> -> memref<100xi32, #tpu.memory_space<hbm>>
      tpu.wait_dma2 semaphore(%arg19 : memref<!tpu.dma_semaphore, #tpu.memory_space<semaphore_mem>>) src(%dma_wait3A_423 : memref<100xi32, #tpu.memory_space<hbm>>) dst(%dma_wait3A_420 : memref<100xi32, #tpu.memory_space<vmem>>)
      %dma_start3A_424 = arith.constant 0 : i32
      %dma_start3A_425 = arith.constant 0 : i32
      %dma_start3A_426 = tpu.memref_slice %arg8[%dma_start3A_424, %dma_start3A_425] : memref<6x100xi32, #tpu.memory_space<vmem>> -> memref<1x100xi32, #tpu.memory_space<vmem>>
      %dma_start3A_427 = tpu.memref_squeeze %dma_start3A_426 : memref<1x100xi32, #tpu.memory_space<vmem>> -> memref<100xi32, #tpu.memory_space<vmem>>
      %dma_start3A_428 = arith.constant 0 : i32
      %dma_start3A_429 = arith.constant 0 : i32
      %dma_start3A_430 = tpu.memref_slice %arg12[%dma_start3A_428, %dma_start3A_429] : memref<10000x128xf32, #tpu.memory_space<vmem_shared>> -> memref<10000x128xf32, #tpu.memory_space<vmem_shared>>
      tpu.enqueue_indirect_dma source(%arg9 : memref<100x128xf32, #tpu.memory_space<vmem>>) target(%dma_start3A_430 : memref<10000x128xf32, #tpu.memory_space<vmem_shared>>) offsets(%dma_start3A_427 : memref<100xi32, #tpu.memory_space<vmem>>) semaphore(%arg28 : memref<!tpu.dma_semaphore, #tpu.memory_space<semaphore_mem>>) {add = true}
      %ge3A = arith.constant 1 : i32
      %ge3A_431 = arith.cmpi sge, %add3A_403, %ge3A : i32
      %convert_element_type3A_432 = arith.extui %ge3A_431 : i1 to i32
      %cond3A_433 = arith.constant 0 : i32
      %cond3A_434 = arith.cmpi ne, %convert_element_type3A_432, %cond3A_433 : i32
      scf.if %cond3A_434 {
        %dma_wait3A_740 = arith.constant 0 : i32
        %dma_wait3A_741 = arith.constant 0 : i32
        %dma_wait3A_742 = tpu.memref_slice %arg8[%dma_wait3A_740, %dma_wait3A_741] : memref<6x100xi32, #tpu.memory_space<vmem>> -> memref<1x100xi32, #tpu.memory_space<vmem>>
        %dma_wait3A_743 = tpu.memref_squeeze %dma_wait3A_742 : memref<1x100xi32, #tpu.memory_space<vmem>> -> memref<100xi32, #tpu.memory_space<vmem>>
        %dma_wait3A_744 = arith.constant 0 : i32
        %dma_wait3A_745 = arith.constant 0 : i32
        %dma_wait3A_746 = tpu.memref_slice %arg12[%dma_wait3A_744, %dma_wait3A_745] : memref<10000x128xf32, #tpu.memory_space<vmem_shared>> -> memref<10000x128xf32, #tpu.memory_space<vmem_shared>>
        tpu.wait_indirect_dma semaphore(%arg30 : memref<!tpu.dma_semaphore, #tpu.memory_space<semaphore_mem>>) src(%arg11 : memref<100x128xf32, #tpu.memory_space<vmem>>) dst(%dma_wait3A_746 : memref<10000x128xf32, #tpu.memory_space<vmem_shared>>)
      } else {
      }
      %add3A_435 = arith.constant 5 : i32
      %add3A_436 = arith.addi %add3A_403, %add3A_435 : i32
      %lt3A = arith.constant 100 : i32
      %lt3A_437 = arith.cmpi slt, %add3A_436, %lt3A : i32
      %convert_element_type3A_438 = arith.extui %lt3A_437 : i1 to i32
      %cond3A_439 = arith.constant 0 : i32
      %cond3A_440 = arith.cmpi ne, %convert_element_type3A_438, %cond3A_439 : i32
      scf.if %cond3A_440 {
        %add3A_740 = arith.constant 5 : i32
        %add3A_741 = arith.addi %add3A_403, %add3A_740 : i32
        %dma_start3A_742 = arith.constant 5 : i32
        %dma_start3A_743 = arith.constant 0 : i32
        %dma_start3A_744 = tpu.memref_slice %arg8[%dma_start3A_742, %dma_start3A_743] : memref<6x100xi32, #tpu.memory_space<vmem>> -> memref<1x100xi32, #tpu.memory_space<vmem>>
        %dma_start3A_745 = tpu.memref_squeeze %dma_start3A_744 : memref<1x100xi32, #tpu.memory_space<vmem>> -> memref<100xi32, #tpu.memory_space<vmem>>
        %dma_start3A_746 = arith.constant 0 : i32
        %dma_start3A_747 = tpu.memref_slice %arg4[%add3A, %add3A_741, %dma_start3A_746] : memref<32x100x100xi32, #tpu.memory_space<hbm>> -> memref<1x1x100xi32, #tpu.memory_space<hbm>>
        %dma_start3A_748 = tpu.memref_squeeze %dma_start3A_747 : memref<1x1x100xi32, #tpu.memory_space<hbm>> -> memref<100xi32, #tpu.memory_space<hbm>>
        %dma_start3A_749 = arith.constant 0 : i32
        %dma_start3A_750 = tpu.memref_slice %arg8[%dma_start3A_742, %dma_start3A_749] : memref<6x100xi32, #tpu.memory_space<vmem>> -> memref<1x100xi32, #tpu.memory_space<vmem>>
        %dma_start3A_751 = tpu.memref_squeeze %dma_start3A_750 : memref<1x100xi32, #tpu.memory_space<vmem>> -> memref<100xi32, #tpu.memory_space<vmem>>
        %dma_start3A_752 = arith.constant 0 : i32
        %dma_start3A_753 = tpu.memref_slice %arg4[%add3A, %add3A_741, %dma_start3A_752] : memref<32x100x100xi32, #tpu.memory_space<hbm>> -> memref<1x1x100xi32, #tpu.memory_space<hbm>>
        %dma_start3A_754 = tpu.memref_squeeze %dma_start3A_753 : memref<1x1x100xi32, #tpu.memory_space<hbm>> -> memref<100xi32, #tpu.memory_space<hbm>>
        tpu.enqueue_dma source(%dma_start3A_754 : memref<100xi32, #tpu.memory_space<hbm>>) target(%dma_start3A_751 : memref<100xi32, #tpu.memory_space<vmem>>) target_semaphore(%arg24 : memref<!tpu.dma_semaphore, #tpu.memory_space<semaphore_mem>>)
      } else {
      }
      %add3A_441 = arith.constant 6 : i32
      %add3A_442 = arith.addi %add3A_403, %add3A_441 : i32
      %lt3A_443 = arith.constant 100 : i32
      %lt3A_444 = arith.cmpi slt, %add3A_442, %lt3A_443 : i32
      %convert_element_type3A_445 = arith.extui %lt3A_444 : i1 to i32
      %cond3A_446 = arith.constant 0 : i32
      %cond3A_447 = arith.cmpi ne, %convert_element_type3A_445, %cond3A_446 : i32
      scf.if %cond3A_447 {
        %add3A_740 = arith.constant 6 : i32
        %add3A_741 = arith.addi %add3A_403, %add3A_740 : i32
        %dma_start3A_742 = arith.constant 0 : i32
        %dma_start3A_743 = arith.constant 0 : i32
        %dma_start3A_744 = tpu.memref_slice %arg7[%dma_start3A_742, %dma_start3A_743] : memref<6x100xi32, #tpu.memory_space<vmem>> -> memref<1x100xi32, #tpu.memory_space<vmem>>
        %dma_start3A_745 = tpu.memref_squeeze %dma_start3A_744 : memref<1x100xi32, #tpu.memory_space<vmem>> -> memref<100xi32, #tpu.memory_space<vmem>>
        %dma_start3A_746 = arith.constant 0 : i32
        %dma_start3A_747 = tpu.memref_slice %arg3[%add3A, %add3A_741, %dma_start3A_746] : memref<32x100x100xi32, #tpu.memory_space<hbm>> -> memref<1x1x100xi32, #tpu.memory_space<hbm>>
        %dma_start3A_748 = tpu.memref_squeeze %dma_start3A_747 : memref<1x1x100xi32, #tpu.memory_space<hbm>> -> memref<100xi32, #tpu.memory_space<hbm>>
        %dma_start3A_749 = arith.constant 0 : i32
        %dma_start3A_750 = tpu.memref_slice %arg7[%dma_start3A_742, %dma_start3A_749] : memref<6x100xi32, #tpu.memory_space<vmem>> -> memref<1x100xi32, #tpu.memory_space<vmem>>
        %dma_start3A_751 = tpu.memref_squeeze %dma_start3A_750 : memref<1x100xi32, #tpu.memory_space<vmem>> -> memref<100xi32, #tpu.memory_space<vmem>>
        %dma_start3A_752 = arith.constant 0 : i32
        %dma_start3A_753 = tpu.memref_slice %arg3[%add3A, %add3A_741, %dma_start3A_752] : memref<32x100x100xi32, #tpu.memory_space<hbm>> -> memref<1x1x100xi32, #tpu.memory_space<hbm>>
        %dma_start3A_754 = tpu.memref_squeeze %dma_start3A_753 : memref<1x1x100xi32, #tpu.memory_space<hbm>> -> memref<100xi32, #tpu.memory_space<hbm>>
        tpu.enqueue_dma source(%dma_start3A_754 : memref<100xi32, #tpu.memory_space<hbm>>) target(%dma_start3A_751 : memref<100xi32, #tpu.memory_space<vmem>>) target_semaphore(%arg13 : memref<!tpu.dma_semaphore, #tpu.memory_space<semaphore_mem>>)
      } else {
      }
      %add3A_448 = arith.constant 2 : i32
      %add3A_449 = arith.addi %add3A_403, %add3A_448 : i32
      %lt3A_450 = arith.constant 100 : i32
      %lt3A_451 = arith.cmpi slt, %add3A_449, %lt3A_450 : i32
      %convert_element_type3A_452 = arith.extui %lt3A_451 : i1 to i32
      %cond3A_453 = arith.constant 0 : i32
      %cond3A_454 = arith.cmpi ne, %convert_element_type3A_452, %cond3A_453 : i32
      scf.if %cond3A_454 {
        %add3A_740 = arith.constant 2 : i32
        %add3A_741 = arith.addi %add3A_403, %add3A_740 : i32
        %dma_wait3A_742 = arith.constant 2 : i32
        %dma_wait3A_743 = arith.constant 0 : i32
        %dma_wait3A_744 = tpu.memref_slice %arg7[%dma_wait3A_742, %dma_wait3A_743] : memref<6x100xi32, #tpu.memory_space<vmem>> -> memref<1x100xi32, #tpu.memory_space<vmem>>
        %dma_wait3A_745 = tpu.memref_squeeze %dma_wait3A_744 : memref<1x100xi32, #tpu.memory_space<vmem>> -> memref<100xi32, #tpu.memory_space<vmem>>
        %dma_wait3A_746 = arith.constant 0 : i32
        %dma_wait3A_747 = tpu.memref_slice %arg3[%add3A, %add3A_741, %dma_wait3A_746] : memref<32x100x100xi32, #tpu.memory_space<hbm>> -> memref<1x1x100xi32, #tpu.memory_space<hbm>>
        %dma_wait3A_748 = tpu.memref_squeeze %dma_wait3A_747 : memref<1x1x100xi32, #tpu.memory_space<hbm>> -> memref<100xi32, #tpu.memory_space<hbm>>
        %dma_wait3A_749 = arith.constant 0 : i32
        %dma_wait3A_750 = tpu.memref_slice %arg7[%dma_wait3A_742, %dma_wait3A_749] : memref<6x100xi32, #tpu.memory_space<vmem>> -> memref<1x100xi32, #tpu.memory_space<vmem>>
        %dma_wait3A_751 = tpu.memref_squeeze %dma_wait3A_750 : memref<1x100xi32, #tpu.memory_space<vmem>> -> memref<100xi32, #tpu.memory_space<vmem>>
        %dma_wait3A_752 = arith.constant 0 : i32
        %dma_wait3A_753 = tpu.memref_slice %arg3[%add3A, %add3A_741, %dma_wait3A_752] : memref<32x100x100xi32, #tpu.memory_space<hbm>> -> memref<1x1x100xi32, #tpu.memory_space<hbm>>
        %dma_wait3A_754 = tpu.memref_squeeze %dma_wait3A_753 : memref<1x1x100xi32, #tpu.memory_space<hbm>> -> memref<100xi32, #tpu.memory_space<hbm>>
        tpu.wait_dma2 semaphore(%arg15 : memref<!tpu.dma_semaphore, #tpu.memory_space<semaphore_mem>>) src(%dma_wait3A_754 : memref<100xi32, #tpu.memory_space<hbm>>) dst(%dma_wait3A_751 : memref<100xi32, #tpu.memory_space<vmem>>)
        %dma_start3A_755 = arith.constant 2 : i32
        %dma_start3A_756 = arith.constant 0 : i32
        %dma_start3A_757 = tpu.memref_slice %arg7[%dma_start3A_755, %dma_start3A_756] : memref<6x100xi32, #tpu.memory_space<vmem>> -> memref<1x100xi32, #tpu.memory_space<vmem>>
        %dma_start3A_758 = tpu.memref_squeeze %dma_start3A_757 : memref<1x100xi32, #tpu.memory_space<vmem>> -> memref<100xi32, #tpu.memory_space<vmem>>
        %dma_start3A_759 = arith.constant 0 : i32
        %dma_start3A_760 = arith.constant 0 : i32
        %dma_start3A_761 = tpu.memref_slice %arg2[%dma_start3A_759, %dma_start3A_760] : memref<10000x128xf32, #tpu.memory_space<hbm>> -> memref<10000x128xf32, #tpu.memory_space<hbm>>
        tpu.enqueue_indirect_dma source(%dma_start3A_761 : memref<10000x128xf32, #tpu.memory_space<hbm>>) target(%arg11 : memref<100x128xf32, #tpu.memory_space<vmem>>) offsets(%dma_start3A_758 : memref<100xi32, #tpu.memory_space<vmem>>) semaphore(%arg27 : memref<!tpu.dma_semaphore, #tpu.memory_space<semaphore_mem>>)
      } else {
      }
      %mul3A_455 = arith.constant 6 : i32
      %mul3A_456 = arith.muli %scan3A_399, %mul3A_455 : i32
      %add3A_457 = arith.constant 1 : i32
      %add3A_458 = arith.addi %mul3A_456, %add3A_457 : i32
      %dma_wait3A_459 = arith.constant 1 : i32
      %dma_wait3A_460 = arith.constant 0 : i32
      %dma_wait3A_461 = tpu.memref_slice %arg7[%dma_wait3A_459, %dma_wait3A_460] : memref<6x100xi32, #tpu.memory_space<vmem>> -> memref<1x100xi32, #tpu.memory_space<vmem>>
      %dma_wait3A_462 = tpu.memref_squeeze %dma_wait3A_461 : memref<1x100xi32, #tpu.memory_space<vmem>> -> memref<100xi32, #tpu.memory_space<vmem>>
      %dma_wait3A_463 = arith.constant 0 : i32
      %dma_wait3A_464 = arith.constant 0 : i32
      %dma_wait3A_465 = tpu.memref_slice %arg2[%dma_wait3A_463, %dma_wait3A_464] : memref<10000x128xf32, #tpu.memory_space<hbm>> -> memref<10000x128xf32, #tpu.memory_space<hbm>>
      tpu.wait_indirect_dma semaphore(%arg26 : memref<!tpu.dma_semaphore, #tpu.memory_space<semaphore_mem>>) src(%dma_wait3A_465 : memref<10000x128xf32, #tpu.memory_space<hbm>>) dst(%arg10 : memref<100x128xf32, #tpu.memory_space<vmem>>)
      %dma_wait3A_466 = arith.constant 1 : i32
      %dma_wait3A_467 = arith.constant 0 : i32
      %dma_wait3A_468 = tpu.memref_slice %arg8[%dma_wait3A_466, %dma_wait3A_467] : memref<6x100xi32, #tpu.memory_space<vmem>> -> memref<1x100xi32, #tpu.memory_space<vmem>>
      %dma_wait3A_469 = tpu.memref_squeeze %dma_wait3A_468 : memref<1x100xi32, #tpu.memory_space<vmem>> -> memref<100xi32, #tpu.memory_space<vmem>>
      %dma_wait3A_470 = arith.constant 0 : i32
      %dma_wait3A_471 = tpu.memref_slice %arg4[%add3A, %add3A_458, %dma_wait3A_470] : memref<32x100x100xi32, #tpu.memory_space<hbm>> -> memref<1x1x100xi32, #tpu.memory_space<hbm>>
      %dma_wait3A_472 = tpu.memref_squeeze %dma_wait3A_471 : memref<1x1x100xi32, #tpu.memory_space<hbm>> -> memref<100xi32, #tpu.memory_space<hbm>>
      %dma_wait3A_473 = arith.constant 0 : i32
      %dma_wait3A_474 = tpu.memref_slice %arg8[%dma_wait3A_466, %dma_wait3A_473] : memref<6x100xi32, #tpu.memory_space<vmem>> -> memref<1x100xi32, #tpu.memory_space<vmem>>
      %dma_wait3A_475 = tpu.memref_squeeze %dma_wait3A_474 : memref<1x100xi32, #tpu.memory_space<vmem>> -> memref<100xi32, #tpu.memory_space<vmem>>
      %dma_wait3A_476 = arith.constant 0 : i32
      %dma_wait3A_477 = tpu.memref_slice %arg4[%add3A, %add3A_458, %dma_wait3A_476] : memref<32x100x100xi32, #tpu.memory_space<hbm>> -> memref<1x1x100xi32, #tpu.memory_space<hbm>>
      %dma_wait3A_478 = tpu.memref_squeeze %dma_wait3A_477 : memref<1x1x100xi32, #tpu.memory_space<hbm>> -> memref<100xi32, #tpu.memory_space<hbm>>
      tpu.wait_dma2 semaphore(%arg20 : memref<!tpu.dma_semaphore, #tpu.memory_space<semaphore_mem>>) src(%dma_wait3A_478 : memref<100xi32, #tpu.memory_space<hbm>>) dst(%dma_wait3A_475 : memref<100xi32, #tpu.memory_space<vmem>>)
      %dma_start3A_479 = arith.constant 1 : i32
      %dma_start3A_480 = arith.constant 0 : i32
      %dma_start3A_481 = tpu.memref_slice %arg8[%dma_start3A_479, %dma_start3A_480] : memref<6x100xi32, #tpu.memory_space<vmem>> -> memref<1x100xi32, #tpu.memory_space<vmem>>
      %dma_start3A_482 = tpu.memref_squeeze %dma_start3A_481 : memref<1x100xi32, #tpu.memory_space<vmem>> -> memref<100xi32, #tpu.memory_space<vmem>>
      %dma_start3A_483 = arith.constant 0 : i32
      %dma_start3A_484 = arith.constant 0 : i32
      %dma_start3A_485 = tpu.memref_slice %arg12[%dma_start3A_483, %dma_start3A_484] : memref<10000x128xf32, #tpu.memory_space<vmem_shared>> -> memref<10000x128xf32, #tpu.memory_space<vmem_shared>>
      tpu.enqueue_indirect_dma source(%arg10 : memref<100x128xf32, #tpu.memory_space<vmem>>) target(%dma_start3A_485 : memref<10000x128xf32, #tpu.memory_space<vmem_shared>>) offsets(%dma_start3A_482 : memref<100xi32, #tpu.memory_space<vmem>>) semaphore(%arg29 : memref<!tpu.dma_semaphore, #tpu.memory_space<semaphore_mem>>) {add = true}
      %ge3A_486 = arith.constant 1 : i32
      %ge3A_487 = arith.cmpi sge, %add3A_458, %ge3A_486 : i32
      %convert_element_type3A_488 = arith.extui %ge3A_487 : i1 to i32
      %cond3A_489 = arith.constant 0 : i32
      %cond3A_490 = arith.cmpi ne, %convert_element_type3A_488, %cond3A_489 : i32
      scf.if %cond3A_490 {
        %dma_wait3A_740 = arith.constant 1 : i32
        %dma_wait3A_741 = arith.constant 0 : i32
        %dma_wait3A_742 = tpu.memref_slice %arg8[%dma_wait3A_740, %dma_wait3A_741] : memref<6x100xi32, #tpu.memory_space<vmem>> -> memref<1x100xi32, #tpu.memory_space<vmem>>
        %dma_wait3A_743 = tpu.memref_squeeze %dma_wait3A_742 : memref<1x100xi32, #tpu.memory_space<vmem>> -> memref<100xi32, #tpu.memory_space<vmem>>
        %dma_wait3A_744 = arith.constant 0 : i32
        %dma_wait3A_745 = arith.constant 0 : i32
        %dma_wait3A_746 = tpu.memref_slice %arg12[%dma_wait3A_744, %dma_wait3A_745] : memref<10000x128xf32, #tpu.memory_space<vmem_shared>> -> memref<10000x128xf32, #tpu.memory_space<vmem_shared>>
        tpu.wait_indirect_dma semaphore(%arg28 : memref<!tpu.dma_semaphore, #tpu.memory_space<semaphore_mem>>) src(%arg9 : memref<100x128xf32, #tpu.memory_space<vmem>>) dst(%dma_wait3A_746 : memref<10000x128xf32, #tpu.memory_space<vmem_shared>>)
      } else {
      }
      %add3A_491 = arith.constant 5 : i32
      %add3A_492 = arith.addi %add3A_458, %add3A_491 : i32
      %lt3A_493 = arith.constant 100 : i32
      %lt3A_494 = arith.cmpi slt, %add3A_492, %lt3A_493 : i32
      %convert_element_type3A_495 = arith.extui %lt3A_494 : i1 to i32
      %cond3A_496 = arith.constant 0 : i32
      %cond3A_497 = arith.cmpi ne, %convert_element_type3A_495, %cond3A_496 : i32
      scf.if %cond3A_497 {
        %add3A_740 = arith.constant 5 : i32
        %add3A_741 = arith.addi %add3A_458, %add3A_740 : i32
        %dma_start3A_742 = arith.constant 0 : i32
        %dma_start3A_743 = arith.constant 0 : i32
        %dma_start3A_744 = tpu.memref_slice %arg8[%dma_start3A_742, %dma_start3A_743] : memref<6x100xi32, #tpu.memory_space<vmem>> -> memref<1x100xi32, #tpu.memory_space<vmem>>
        %dma_start3A_745 = tpu.memref_squeeze %dma_start3A_744 : memref<1x100xi32, #tpu.memory_space<vmem>> -> memref<100xi32, #tpu.memory_space<vmem>>
        %dma_start3A_746 = arith.constant 0 : i32
        %dma_start3A_747 = tpu.memref_slice %arg4[%add3A, %add3A_741, %dma_start3A_746] : memref<32x100x100xi32, #tpu.memory_space<hbm>> -> memref<1x1x100xi32, #tpu.memory_space<hbm>>
        %dma_start3A_748 = tpu.memref_squeeze %dma_start3A_747 : memref<1x1x100xi32, #tpu.memory_space<hbm>> -> memref<100xi32, #tpu.memory_space<hbm>>
        %dma_start3A_749 = arith.constant 0 : i32
        %dma_start3A_750 = tpu.memref_slice %arg8[%dma_start3A_742, %dma_start3A_749] : memref<6x100xi32, #tpu.memory_space<vmem>> -> memref<1x100xi32, #tpu.memory_space<vmem>>
        %dma_start3A_751 = tpu.memref_squeeze %dma_start3A_750 : memref<1x100xi32, #tpu.memory_space<vmem>> -> memref<100xi32, #tpu.memory_space<vmem>>
        %dma_start3A_752 = arith.constant 0 : i32
        %dma_start3A_753 = tpu.memref_slice %arg4[%add3A, %add3A_741, %dma_start3A_752] : memref<32x100x100xi32, #tpu.memory_space<hbm>> -> memref<1x1x100xi32, #tpu.memory_space<hbm>>
        %dma_start3A_754 = tpu.memref_squeeze %dma_start3A_753 : memref<1x1x100xi32, #tpu.memory_space<hbm>> -> memref<100xi32, #tpu.memory_space<hbm>>
        tpu.enqueue_dma source(%dma_start3A_754 : memref<100xi32, #tpu.memory_space<hbm>>) target(%dma_start3A_751 : memref<100xi32, #tpu.memory_space<vmem>>) target_semaphore(%arg19 : memref<!tpu.dma_semaphore, #tpu.memory_space<semaphore_mem>>)
      } else {
      }
      %add3A_498 = arith.constant 6 : i32
      %add3A_499 = arith.addi %add3A_458, %add3A_498 : i32
      %lt3A_500 = arith.constant 100 : i32
      %lt3A_501 = arith.cmpi slt, %add3A_499, %lt3A_500 : i32
      %convert_element_type3A_502 = arith.extui %lt3A_501 : i1 to i32
      %cond3A_503 = arith.constant 0 : i32
      %cond3A_504 = arith.cmpi ne, %convert_element_type3A_502, %cond3A_503 : i32
      scf.if %cond3A_504 {
        %add3A_740 = arith.constant 6 : i32
        %add3A_741 = arith.addi %add3A_458, %add3A_740 : i32
        %dma_start3A_742 = arith.constant 1 : i32
        %dma_start3A_743 = arith.constant 0 : i32
        %dma_start3A_744 = tpu.memref_slice %arg7[%dma_start3A_742, %dma_start3A_743] : memref<6x100xi32, #tpu.memory_space<vmem>> -> memref<1x100xi32, #tpu.memory_space<vmem>>
        %dma_start3A_745 = tpu.memref_squeeze %dma_start3A_744 : memref<1x100xi32, #tpu.memory_space<vmem>> -> memref<100xi32, #tpu.memory_space<vmem>>
        %dma_start3A_746 = arith.constant 0 : i32
        %dma_start3A_747 = tpu.memref_slice %arg3[%add3A, %add3A_741, %dma_start3A_746] : memref<32x100x100xi32, #tpu.memory_space<hbm>> -> memref<1x1x100xi32, #tpu.memory_space<hbm>>
        %dma_start3A_748 = tpu.memref_squeeze %dma_start3A_747 : memref<1x1x100xi32, #tpu.memory_space<hbm>> -> memref<100xi32, #tpu.memory_space<hbm>>
        %dma_start3A_749 = arith.constant 0 : i32
        %dma_start3A_750 = tpu.memref_slice %arg7[%dma_start3A_742, %dma_start3A_749] : memref<6x100xi32, #tpu.memory_space<vmem>> -> memref<1x100xi32, #tpu.memory_space<vmem>>
        %dma_start3A_751 = tpu.memref_squeeze %dma_start3A_750 : memref<1x100xi32, #tpu.memory_space<vmem>> -> memref<100xi32, #tpu.memory_space<vmem>>
        %dma_start3A_752 = arith.constant 0 : i32
        %dma_start3A_753 = tpu.memref_slice %arg3[%add3A, %add3A_741, %dma_start3A_752] : memref<32x100x100xi32, #tpu.memory_space<hbm>> -> memref<1x1x100xi32, #tpu.memory_space<hbm>>
        %dma_start3A_754 = tpu.memref_squeeze %dma_start3A_753 : memref<1x1x100xi32, #tpu.memory_space<hbm>> -> memref<100xi32, #tpu.memory_space<hbm>>
        tpu.enqueue_dma source(%dma_start3A_754 : memref<100xi32, #tpu.memory_space<hbm>>) target(%dma_start3A_751 : memref<100xi32, #tpu.memory_space<vmem>>) target_semaphore(%arg14 : memref<!tpu.dma_semaphore, #tpu.memory_space<semaphore_mem>>)
      } else {
      }
      %add3A_505 = arith.constant 2 : i32
      %add3A_506 = arith.addi %add3A_458, %add3A_505 : i32
      %lt3A_507 = arith.constant 100 : i32
      %lt3A_508 = arith.cmpi slt, %add3A_506, %lt3A_507 : i32
      %convert_element_type3A_509 = arith.extui %lt3A_508 : i1 to i32
      %cond3A_510 = arith.constant 0 : i32
      %cond3A_511 = arith.cmpi ne, %convert_element_type3A_509, %cond3A_510 : i32
      scf.if %cond3A_511 {
        %add3A_740 = arith.constant 2 : i32
        %add3A_741 = arith.addi %add3A_458, %add3A_740 : i32
        %dma_wait3A_742 = arith.constant 3 : i32
        %dma_wait3A_743 = arith.constant 0 : i32
        %dma_wait3A_744 = tpu.memref_slice %arg7[%dma_wait3A_742, %dma_wait3A_743] : memref<6x100xi32, #tpu.memory_space<vmem>> -> memref<1x100xi32, #tpu.memory_space<vmem>>
        %dma_wait3A_745 = tpu.memref_squeeze %dma_wait3A_744 : memref<1x100xi32, #tpu.memory_space<vmem>> -> memref<100xi32, #tpu.memory_space<vmem>>
        %dma_wait3A_746 = arith.constant 0 : i32
        %dma_wait3A_747 = tpu.memref_slice %arg3[%add3A, %add3A_741, %dma_wait3A_746] : memref<32x100x100xi32, #tpu.memory_space<hbm>> -> memref<1x1x100xi32, #tpu.memory_space<hbm>>
        %dma_wait3A_748 = tpu.memref_squeeze %dma_wait3A_747 : memref<1x1x100xi32, #tpu.memory_space<hbm>> -> memref<100xi32, #tpu.memory_space<hbm>>
        %dma_wait3A_749 = arith.constant 0 : i32
        %dma_wait3A_750 = tpu.memref_slice %arg7[%dma_wait3A_742, %dma_wait3A_749] : memref<6x100xi32, #tpu.memory_space<vmem>> -> memref<1x100xi32, #tpu.memory_space<vmem>>
        %dma_wait3A_751 = tpu.memref_squeeze %dma_wait3A_750 : memref<1x100xi32, #tpu.memory_space<vmem>> -> memref<100xi32, #tpu.memory_space<vmem>>
        %dma_wait3A_752 = arith.constant 0 : i32
        %dma_wait3A_753 = tpu.memref_slice %arg3[%add3A, %add3A_741, %dma_wait3A_752] : memref<32x100x100xi32, #tpu.memory_space<hbm>> -> memref<1x1x100xi32, #tpu.memory_space<hbm>>
        %dma_wait3A_754 = tpu.memref_squeeze %dma_wait3A_753 : memref<1x1x100xi32, #tpu.memory_space<hbm>> -> memref<100xi32, #tpu.memory_space<hbm>>
        tpu.wait_dma2 semaphore(%arg16 : memref<!tpu.dma_semaphore, #tpu.memory_space<semaphore_mem>>) src(%dma_wait3A_754 : memref<100xi32, #tpu.memory_space<hbm>>) dst(%dma_wait3A_751 : memref<100xi32, #tpu.memory_space<vmem>>)
        %dma_start3A_755 = arith.constant 3 : i32
        %dma_start3A_756 = arith.constant 0 : i32
        %dma_start3A_757 = tpu.memref_slice %arg7[%dma_start3A_755, %dma_start3A_756] : memref<6x100xi32, #tpu.memory_space<vmem>> -> memref<1x100xi32, #tpu.memory_space<vmem>>
        %dma_start3A_758 = tpu.memref_squeeze %dma_start3A_757 : memref<1x100xi32, #tpu.memory_space<vmem>> -> memref<100xi32, #tpu.memory_space<vmem>>
        %dma_start3A_759 = arith.constant 0 : i32
        %dma_start3A_760 = arith.constant 0 : i32
        %dma_start3A_761 = tpu.memref_slice %arg2[%dma_start3A_759, %dma_start3A_760] : memref<10000x128xf32, #tpu.memory_space<hbm>> -> memref<10000x128xf32, #tpu.memory_space<hbm>>
        tpu.enqueue_indirect_dma source(%dma_start3A_761 : memref<10000x128xf32, #tpu.memory_space<hbm>>) target(%arg9 : memref<100x128xf32, #tpu.memory_space<vmem>>) offsets(%dma_start3A_758 : memref<100xi32, #tpu.memory_space<vmem>>) semaphore(%arg25 : memref<!tpu.dma_semaphore, #tpu.memory_space<semaphore_mem>>)
      } else {
      }
      %mul3A_512 = arith.constant 6 : i32
      %mul3A_513 = arith.muli %scan3A_399, %mul3A_512 : i32
      %add3A_514 = arith.constant 2 : i32
      %add3A_515 = arith.addi %mul3A_513, %add3A_514 : i32
      %dma_wait3A_516 = arith.constant 2 : i32
      %dma_wait3A_517 = arith.constant 0 : i32
      %dma_wait3A_518 = tpu.memref_slice %arg7[%dma_wait3A_516, %dma_wait3A_517] : memref<6x100xi32, #tpu.memory_space<vmem>> -> memref<1x100xi32, #tpu.memory_space<vmem>>
      %dma_wait3A_519 = tpu.memref_squeeze %dma_wait3A_518 : memref<1x100xi32, #tpu.memory_space<vmem>> -> memref<100xi32, #tpu.memory_space<vmem>>
      %dma_wait3A_520 = arith.constant 0 : i32
      %dma_wait3A_521 = arith.constant 0 : i32
      %dma_wait3A_522 = tpu.memref_slice %arg2[%dma_wait3A_520, %dma_wait3A_521] : memref<10000x128xf32, #tpu.memory_space<hbm>> -> memref<10000x128xf32, #tpu.memory_space<hbm>>
      tpu.wait_indirect_dma semaphore(%arg27 : memref<!tpu.dma_semaphore, #tpu.memory_space<semaphore_mem>>) src(%dma_wait3A_522 : memref<10000x128xf32, #tpu.memory_space<hbm>>) dst(%arg11 : memref<100x128xf32, #tpu.memory_space<vmem>>)
      %dma_wait3A_523 = arith.constant 2 : i32
      %dma_wait3A_524 = arith.constant 0 : i32
      %dma_wait3A_525 = tpu.memref_slice %arg8[%dma_wait3A_523, %dma_wait3A_524] : memref<6x100xi32, #tpu.memory_space<vmem>> -> memref<1x100xi32, #tpu.memory_space<vmem>>
      %dma_wait3A_526 = tpu.memref_squeeze %dma_wait3A_525 : memref<1x100xi32, #tpu.memory_space<vmem>> -> memref<100xi32, #tpu.memory_space<vmem>>
      %dma_wait3A_527 = arith.constant 0 : i32
      %dma_wait3A_528 = tpu.memref_slice %arg4[%add3A, %add3A_515, %dma_wait3A_527] : memref<32x100x100xi32, #tpu.memory_space<hbm>> -> memref<1x1x100xi32, #tpu.memory_space<hbm>>
      %dma_wait3A_529 = tpu.memref_squeeze %dma_wait3A_528 : memref<1x1x100xi32, #tpu.memory_space<hbm>> -> memref<100xi32, #tpu.memory_space<hbm>>
      %dma_wait3A_530 = arith.constant 0 : i32
      %dma_wait3A_531 = tpu.memref_slice %arg8[%dma_wait3A_523, %dma_wait3A_530] : memref<6x100xi32, #tpu.memory_space<vmem>> -> memref<1x100xi32, #tpu.memory_space<vmem>>
      %dma_wait3A_532 = tpu.memref_squeeze %dma_wait3A_531 : memref<1x100xi32, #tpu.memory_space<vmem>> -> memref<100xi32, #tpu.memory_space<vmem>>
      %dma_wait3A_533 = arith.constant 0 : i32
      %dma_wait3A_534 = tpu.memref_slice %arg4[%add3A, %add3A_515, %dma_wait3A_533] : memref<32x100x100xi32, #tpu.memory_space<hbm>> -> memref<1x1x100xi32, #tpu.memory_space<hbm>>
      %dma_wait3A_535 = tpu.memref_squeeze %dma_wait3A_534 : memref<1x1x100xi32, #tpu.memory_space<hbm>> -> memref<100xi32, #tpu.memory_space<hbm>>
      tpu.wait_dma2 semaphore(%arg21 : memref<!tpu.dma_semaphore, #tpu.memory_space<semaphore_mem>>) src(%dma_wait3A_535 : memref<100xi32, #tpu.memory_space<hbm>>) dst(%dma_wait3A_532 : memref<100xi32, #tpu.memory_space<vmem>>)
      %dma_start3A_536 = arith.constant 2 : i32
      %dma_start3A_537 = arith.constant 0 : i32
      %dma_start3A_538 = tpu.memref_slice %arg8[%dma_start3A_536, %dma_start3A_537] : memref<6x100xi32, #tpu.memory_space<vmem>> -> memref<1x100xi32, #tpu.memory_space<vmem>>
      %dma_start3A_539 = tpu.memref_squeeze %dma_start3A_538 : memref<1x100xi32, #tpu.memory_space<vmem>> -> memref<100xi32, #tpu.memory_space<vmem>>
      %dma_start3A_540 = arith.constant 0 : i32
      %dma_start3A_541 = arith.constant 0 : i32
      %dma_start3A_542 = tpu.memref_slice %arg12[%dma_start3A_540, %dma_start3A_541] : memref<10000x128xf32, #tpu.memory_space<vmem_shared>> -> memref<10000x128xf32, #tpu.memory_space<vmem_shared>>
      tpu.enqueue_indirect_dma source(%arg11 : memref<100x128xf32, #tpu.memory_space<vmem>>) target(%dma_start3A_542 : memref<10000x128xf32, #tpu.memory_space<vmem_shared>>) offsets(%dma_start3A_539 : memref<100xi32, #tpu.memory_space<vmem>>) semaphore(%arg30 : memref<!tpu.dma_semaphore, #tpu.memory_space<semaphore_mem>>) {add = true}
      %ge3A_543 = arith.constant 1 : i32
      %ge3A_544 = arith.cmpi sge, %add3A_515, %ge3A_543 : i32
      %convert_element_type3A_545 = arith.extui %ge3A_544 : i1 to i32
      %cond3A_546 = arith.constant 0 : i32
      %cond3A_547 = arith.cmpi ne, %convert_element_type3A_545, %cond3A_546 : i32
      scf.if %cond3A_547 {
        %dma_wait3A_740 = arith.constant 2 : i32
        %dma_wait3A_741 = arith.constant 0 : i32
        %dma_wait3A_742 = tpu.memref_slice %arg8[%dma_wait3A_740, %dma_wait3A_741] : memref<6x100xi32, #tpu.memory_space<vmem>> -> memref<1x100xi32, #tpu.memory_space<vmem>>
        %dma_wait3A_743 = tpu.memref_squeeze %dma_wait3A_742 : memref<1x100xi32, #tpu.memory_space<vmem>> -> memref<100xi32, #tpu.memory_space<vmem>>
        %dma_wait3A_744 = arith.constant 0 : i32
        %dma_wait3A_745 = arith.constant 0 : i32
        %dma_wait3A_746 = tpu.memref_slice %arg12[%dma_wait3A_744, %dma_wait3A_745] : memref<10000x128xf32, #tpu.memory_space<vmem_shared>> -> memref<10000x128xf32, #tpu.memory_space<vmem_shared>>
        tpu.wait_indirect_dma semaphore(%arg29 : memref<!tpu.dma_semaphore, #tpu.memory_space<semaphore_mem>>) src(%arg10 : memref<100x128xf32, #tpu.memory_space<vmem>>) dst(%dma_wait3A_746 : memref<10000x128xf32, #tpu.memory_space<vmem_shared>>)
      } else {
      }
      %add3A_548 = arith.constant 5 : i32
      %add3A_549 = arith.addi %add3A_515, %add3A_548 : i32
      %lt3A_550 = arith.constant 100 : i32
      %lt3A_551 = arith.cmpi slt, %add3A_549, %lt3A_550 : i32
      %convert_element_type3A_552 = arith.extui %lt3A_551 : i1 to i32
      %cond3A_553 = arith.constant 0 : i32
      %cond3A_554 = arith.cmpi ne, %convert_element_type3A_552, %cond3A_553 : i32
      scf.if %cond3A_554 {
        %add3A_740 = arith.constant 5 : i32
        %add3A_741 = arith.addi %add3A_515, %add3A_740 : i32
        %dma_start3A_742 = arith.constant 1 : i32
        %dma_start3A_743 = arith.constant 0 : i32
        %dma_start3A_744 = tpu.memref_slice %arg8[%dma_start3A_742, %dma_start3A_743] : memref<6x100xi32, #tpu.memory_space<vmem>> -> memref<1x100xi32, #tpu.memory_space<vmem>>
        %dma_start3A_745 = tpu.memref_squeeze %dma_start3A_744 : memref<1x100xi32, #tpu.memory_space<vmem>> -> memref<100xi32, #tpu.memory_space<vmem>>
        %dma_start3A_746 = arith.constant 0 : i32
        %dma_start3A_747 = tpu.memref_slice %arg4[%add3A, %add3A_741, %dma_start3A_746] : memref<32x100x100xi32, #tpu.memory_space<hbm>> -> memref<1x1x100xi32, #tpu.memory_space<hbm>>
        %dma_start3A_748 = tpu.memref_squeeze %dma_start3A_747 : memref<1x1x100xi32, #tpu.memory_space<hbm>> -> memref<100xi32, #tpu.memory_space<hbm>>
        %dma_start3A_749 = arith.constant 0 : i32
        %dma_start3A_750 = tpu.memref_slice %arg8[%dma_start3A_742, %dma_start3A_749] : memref<6x100xi32, #tpu.memory_space<vmem>> -> memref<1x100xi32, #tpu.memory_space<vmem>>
        %dma_start3A_751 = tpu.memref_squeeze %dma_start3A_750 : memref<1x100xi32, #tpu.memory_space<vmem>> -> memref<100xi32, #tpu.memory_space<vmem>>
        %dma_start3A_752 = arith.constant 0 : i32
        %dma_start3A_753 = tpu.memref_slice %arg4[%add3A, %add3A_741, %dma_start3A_752] : memref<32x100x100xi32, #tpu.memory_space<hbm>> -> memref<1x1x100xi32, #tpu.memory_space<hbm>>
        %dma_start3A_754 = tpu.memref_squeeze %dma_start3A_753 : memref<1x1x100xi32, #tpu.memory_space<hbm>> -> memref<100xi32, #tpu.memory_space<hbm>>
        tpu.enqueue_dma source(%dma_start3A_754 : memref<100xi32, #tpu.memory_space<hbm>>) target(%dma_start3A_751 : memref<100xi32, #tpu.memory_space<vmem>>) target_semaphore(%arg20 : memref<!tpu.dma_semaphore, #tpu.memory_space<semaphore_mem>>)
      } else {
      }
      %add3A_555 = arith.constant 6 : i32
      %add3A_556 = arith.addi %add3A_515, %add3A_555 : i32
      %lt3A_557 = arith.constant 100 : i32
      %lt3A_558 = arith.cmpi slt, %add3A_556, %lt3A_557 : i32
      %convert_element_type3A_559 = arith.extui %lt3A_558 : i1 to i32
      %cond3A_560 = arith.constant 0 : i32
      %cond3A_561 = arith.cmpi ne, %convert_element_type3A_559, %cond3A_560 : i32
      scf.if %cond3A_561 {
        %add3A_740 = arith.constant 6 : i32
        %add3A_741 = arith.addi %add3A_515, %add3A_740 : i32
        %dma_start3A_742 = arith.constant 2 : i32
        %dma_start3A_743 = arith.constant 0 : i32
        %dma_start3A_744 = tpu.memref_slice %arg7[%dma_start3A_742, %dma_start3A_743] : memref<6x100xi32, #tpu.memory_space<vmem>> -> memref<1x100xi32, #tpu.memory_space<vmem>>
        %dma_start3A_745 = tpu.memref_squeeze %dma_start3A_744 : memref<1x100xi32, #tpu.memory_space<vmem>> -> memref<100xi32, #tpu.memory_space<vmem>>
        %dma_start3A_746 = arith.constant 0 : i32
        %dma_start3A_747 = tpu.memref_slice %arg3[%add3A, %add3A_741, %dma_start3A_746] : memref<32x100x100xi32, #tpu.memory_space<hbm>> -> memref<1x1x100xi32, #tpu.memory_space<hbm>>
        %dma_start3A_748 = tpu.memref_squeeze %dma_start3A_747 : memref<1x1x100xi32, #tpu.memory_space<hbm>> -> memref<100xi32, #tpu.memory_space<hbm>>
        %dma_start3A_749 = arith.constant 0 : i32
        %dma_start3A_750 = tpu.memref_slice %arg7[%dma_start3A_742, %dma_start3A_749] : memref<6x100xi32, #tpu.memory_space<vmem>> -> memref<1x100xi32, #tpu.memory_space<vmem>>
        %dma_start3A_751 = tpu.memref_squeeze %dma_start3A_750 : memref<1x100xi32, #tpu.memory_space<vmem>> -> memref<100xi32, #tpu.memory_space<vmem>>
        %dma_start3A_752 = arith.constant 0 : i32
        %dma_start3A_753 = tpu.memref_slice %arg3[%add3A, %add3A_741, %dma_start3A_752] : memref<32x100x100xi32, #tpu.memory_space<hbm>> -> memref<1x1x100xi32, #tpu.memory_space<hbm>>
        %dma_start3A_754 = tpu.memref_squeeze %dma_start3A_753 : memref<1x1x100xi32, #tpu.memory_space<hbm>> -> memref<100xi32, #tpu.memory_space<hbm>>
        tpu.enqueue_dma source(%dma_start3A_754 : memref<100xi32, #tpu.memory_space<hbm>>) target(%dma_start3A_751 : memref<100xi32, #tpu.memory_space<vmem>>) target_semaphore(%arg15 : memref<!tpu.dma_semaphore, #tpu.memory_space<semaphore_mem>>)
      } else {
      }
      %add3A_562 = arith.constant 2 : i32
      %add3A_563 = arith.addi %add3A_515, %add3A_562 : i32
      %lt3A_564 = arith.constant 100 : i32
      %lt3A_565 = arith.cmpi slt, %add3A_563, %lt3A_564 : i32
      %convert_element_type3A_566 = arith.extui %lt3A_565 : i1 to i32
      %cond3A_567 = arith.constant 0 : i32
      %cond3A_568 = arith.cmpi ne, %convert_element_type3A_566, %cond3A_567 : i32
      scf.if %cond3A_568 {
        %add3A_740 = arith.constant 2 : i32
        %add3A_741 = arith.addi %add3A_515, %add3A_740 : i32
        %dma_wait3A_742 = arith.constant 4 : i32
        %dma_wait3A_743 = arith.constant 0 : i32
        %dma_wait3A_744 = tpu.memref_slice %arg7[%dma_wait3A_742, %dma_wait3A_743] : memref<6x100xi32, #tpu.memory_space<vmem>> -> memref<1x100xi32, #tpu.memory_space<vmem>>
        %dma_wait3A_745 = tpu.memref_squeeze %dma_wait3A_744 : memref<1x100xi32, #tpu.memory_space<vmem>> -> memref<100xi32, #tpu.memory_space<vmem>>
        %dma_wait3A_746 = arith.constant 0 : i32
        %dma_wait3A_747 = tpu.memref_slice %arg3[%add3A, %add3A_741, %dma_wait3A_746] : memref<32x100x100xi32, #tpu.memory_space<hbm>> -> memref<1x1x100xi32, #tpu.memory_space<hbm>>
        %dma_wait3A_748 = tpu.memref_squeeze %dma_wait3A_747 : memref<1x1x100xi32, #tpu.memory_space<hbm>> -> memref<100xi32, #tpu.memory_space<hbm>>
        %dma_wait3A_749 = arith.constant 0 : i32
        %dma_wait3A_750 = tpu.memref_slice %arg7[%dma_wait3A_742, %dma_wait3A_749] : memref<6x100xi32, #tpu.memory_space<vmem>> -> memref<1x100xi32, #tpu.memory_space<vmem>>
        %dma_wait3A_751 = tpu.memref_squeeze %dma_wait3A_750 : memref<1x100xi32, #tpu.memory_space<vmem>> -> memref<100xi32, #tpu.memory_space<vmem>>
        %dma_wait3A_752 = arith.constant 0 : i32
        %dma_wait3A_753 = tpu.memref_slice %arg3[%add3A, %add3A_741, %dma_wait3A_752] : memref<32x100x100xi32, #tpu.memory_space<hbm>> -> memref<1x1x100xi32, #tpu.memory_space<hbm>>
        %dma_wait3A_754 = tpu.memref_squeeze %dma_wait3A_753 : memref<1x1x100xi32, #tpu.memory_space<hbm>> -> memref<100xi32, #tpu.memory_space<hbm>>
        tpu.wait_dma2 semaphore(%arg17 : memref<!tpu.dma_semaphore, #tpu.memory_space<semaphore_mem>>) src(%dma_wait3A_754 : memref<100xi32, #tpu.memory_space<hbm>>) dst(%dma_wait3A_751 : memref<100xi32, #tpu.memory_space<vmem>>)
        %dma_start3A_755 = arith.constant 4 : i32
        %dma_start3A_756 = arith.constant 0 : i32
        %dma_start3A_757 = tpu.memref_slice %arg7[%dma_start3A_755, %dma_start3A_756] : memref<6x100xi32, #tpu.memory_space<vmem>> -> memref<1x100xi32, #tpu.memory_space<vmem>>
        %dma_start3A_758 = tpu.memref_squeeze %dma_start3A_757 : memref<1x100xi32, #tpu.memory_space<vmem>> -> memref<100xi32, #tpu.memory_space<vmem>>
        %dma_start3A_759 = arith.constant 0 : i32
        %dma_start3A_760 = arith.constant 0 : i32
        %dma_start3A_761 = tpu.memref_slice %arg2[%dma_start3A_759, %dma_start3A_760] : memref<10000x128xf32, #tpu.memory_space<hbm>> -> memref<10000x128xf32, #tpu.memory_space<hbm>>
        tpu.enqueue_indirect_dma source(%dma_start3A_761 : memref<10000x128xf32, #tpu.memory_space<hbm>>) target(%arg10 : memref<100x128xf32, #tpu.memory_space<vmem>>) offsets(%dma_start3A_758 : memref<100xi32, #tpu.memory_space<vmem>>) semaphore(%arg26 : memref<!tpu.dma_semaphore, #tpu.memory_space<semaphore_mem>>)
      } else {
      }
      %mul3A_569 = arith.constant 6 : i32
      %mul3A_570 = arith.muli %scan3A_399, %mul3A_569 : i32
      %add3A_571 = arith.constant 3 : i32
      %add3A_572 = arith.addi %mul3A_570, %add3A_571 : i32
      %dma_wait3A_573 = arith.constant 3 : i32
      %dma_wait3A_574 = arith.constant 0 : i32
      %dma_wait3A_575 = tpu.memref_slice %arg7[%dma_wait3A_573, %dma_wait3A_574] : memref<6x100xi32, #tpu.memory_space<vmem>> -> memref<1x100xi32, #tpu.memory_space<vmem>>
      %dma_wait3A_576 = tpu.memref_squeeze %dma_wait3A_575 : memref<1x100xi32, #tpu.memory_space<vmem>> -> memref<100xi32, #tpu.memory_space<vmem>>
      %dma_wait3A_577 = arith.constant 0 : i32
      %dma_wait3A_578 = arith.constant 0 : i32
      %dma_wait3A_579 = tpu.memref_slice %arg2[%dma_wait3A_577, %dma_wait3A_578] : memref<10000x128xf32, #tpu.memory_space<hbm>> -> memref<10000x128xf32, #tpu.memory_space<hbm>>
      tpu.wait_indirect_dma semaphore(%arg25 : memref<!tpu.dma_semaphore, #tpu.memory_space<semaphore_mem>>) src(%dma_wait3A_579 : memref<10000x128xf32, #tpu.memory_space<hbm>>) dst(%arg9 : memref<100x128xf32, #tpu.memory_space<vmem>>)
      %dma_wait3A_580 = arith.constant 3 : i32
      %dma_wait3A_581 = arith.constant 0 : i32
      %dma_wait3A_582 = tpu.memref_slice %arg8[%dma_wait3A_580, %dma_wait3A_581] : memref<6x100xi32, #tpu.memory_space<vmem>> -> memref<1x100xi32, #tpu.memory_space<vmem>>
      %dma_wait3A_583 = tpu.memref_squeeze %dma_wait3A_582 : memref<1x100xi32, #tpu.memory_space<vmem>> -> memref<100xi32, #tpu.memory_space<vmem>>
      %dma_wait3A_584 = arith.constant 0 : i32
      %dma_wait3A_585 = tpu.memref_slice %arg4[%add3A, %add3A_572, %dma_wait3A_584] : memref<32x100x100xi32, #tpu.memory_space<hbm>> -> memref<1x1x100xi32, #tpu.memory_space<hbm>>
      %dma_wait3A_586 = tpu.memref_squeeze %dma_wait3A_585 : memref<1x1x100xi32, #tpu.memory_space<hbm>> -> memref<100xi32, #tpu.memory_space<hbm>>
      %dma_wait3A_587 = arith.constant 0 : i32
      %dma_wait3A_588 = tpu.memref_slice %arg8[%dma_wait3A_580, %dma_wait3A_587] : memref<6x100xi32, #tpu.memory_space<vmem>> -> memref<1x100xi32, #tpu.memory_space<vmem>>
      %dma_wait3A_589 = tpu.memref_squeeze %dma_wait3A_588 : memref<1x100xi32, #tpu.memory_space<vmem>> -> memref<100xi32, #tpu.memory_space<vmem>>
      %dma_wait3A_590 = arith.constant 0 : i32
      %dma_wait3A_591 = tpu.memref_slice %arg4[%add3A, %add3A_572, %dma_wait3A_590] : memref<32x100x100xi32, #tpu.memory_space<hbm>> -> memref<1x1x100xi32, #tpu.memory_space<hbm>>
      %dma_wait3A_592 = tpu.memref_squeeze %dma_wait3A_591 : memref<1x1x100xi32, #tpu.memory_space<hbm>> -> memref<100xi32, #tpu.memory_space<hbm>>
      tpu.wait_dma2 semaphore(%arg22 : memref<!tpu.dma_semaphore, #tpu.memory_space<semaphore_mem>>) src(%dma_wait3A_592 : memref<100xi32, #tpu.memory_space<hbm>>) dst(%dma_wait3A_589 : memref<100xi32, #tpu.memory_space<vmem>>)
      %dma_start3A_593 = arith.constant 3 : i32
      %dma_start3A_594 = arith.constant 0 : i32
      %dma_start3A_595 = tpu.memref_slice %arg8[%dma_start3A_593, %dma_start3A_594] : memref<6x100xi32, #tpu.memory_space<vmem>> -> memref<1x100xi32, #tpu.memory_space<vmem>>
      %dma_start3A_596 = tpu.memref_squeeze %dma_start3A_595 : memref<1x100xi32, #tpu.memory_space<vmem>> -> memref<100xi32, #tpu.memory_space<vmem>>
      %dma_start3A_597 = arith.constant 0 : i32
      %dma_start3A_598 = arith.constant 0 : i32
      %dma_start3A_599 = tpu.memref_slice %arg12[%dma_start3A_597, %dma_start3A_598] : memref<10000x128xf32, #tpu.memory_space<vmem_shared>> -> memref<10000x128xf32, #tpu.memory_space<vmem_shared>>
      tpu.enqueue_indirect_dma source(%arg9 : memref<100x128xf32, #tpu.memory_space<vmem>>) target(%dma_start3A_599 : memref<10000x128xf32, #tpu.memory_space<vmem_shared>>) offsets(%dma_start3A_596 : memref<100xi32, #tpu.memory_space<vmem>>) semaphore(%arg28 : memref<!tpu.dma_semaphore, #tpu.memory_space<semaphore_mem>>) {add = true}
      %ge3A_600 = arith.constant 1 : i32
      %ge3A_601 = arith.cmpi sge, %add3A_572, %ge3A_600 : i32
      %convert_element_type3A_602 = arith.extui %ge3A_601 : i1 to i32
      %cond3A_603 = arith.constant 0 : i32
      %cond3A_604 = arith.cmpi ne, %convert_element_type3A_602, %cond3A_603 : i32
      scf.if %cond3A_604 {
        %dma_wait3A_740 = arith.constant 3 : i32
        %dma_wait3A_741 = arith.constant 0 : i32
        %dma_wait3A_742 = tpu.memref_slice %arg8[%dma_wait3A_740, %dma_wait3A_741] : memref<6x100xi32, #tpu.memory_space<vmem>> -> memref<1x100xi32, #tpu.memory_space<vmem>>
        %dma_wait3A_743 = tpu.memref_squeeze %dma_wait3A_742 : memref<1x100xi32, #tpu.memory_space<vmem>> -> memref<100xi32, #tpu.memory_space<vmem>>
        %dma_wait3A_744 = arith.constant 0 : i32
        %dma_wait3A_745 = arith.constant 0 : i32
        %dma_wait3A_746 = tpu.memref_slice %arg12[%dma_wait3A_744, %dma_wait3A_745] : memref<10000x128xf32, #tpu.memory_space<vmem_shared>> -> memref<10000x128xf32, #tpu.memory_space<vmem_shared>>
        tpu.wait_indirect_dma semaphore(%arg30 : memref<!tpu.dma_semaphore, #tpu.memory_space<semaphore_mem>>) src(%arg11 : memref<100x128xf32, #tpu.memory_space<vmem>>) dst(%dma_wait3A_746 : memref<10000x128xf32, #tpu.memory_space<vmem_shared>>)
      } else {
      }
      %add3A_605 = arith.constant 5 : i32
      %add3A_606 = arith.addi %add3A_572, %add3A_605 : i32
      %lt3A_607 = arith.constant 100 : i32
      %lt3A_608 = arith.cmpi slt, %add3A_606, %lt3A_607 : i32
      %convert_element_type3A_609 = arith.extui %lt3A_608 : i1 to i32
      %cond3A_610 = arith.constant 0 : i32
      %cond3A_611 = arith.cmpi ne, %convert_element_type3A_609, %cond3A_610 : i32
      scf.if %cond3A_611 {
        %add3A_740 = arith.constant 5 : i32
        %add3A_741 = arith.addi %add3A_572, %add3A_740 : i32
        %dma_start3A_742 = arith.constant 2 : i32
        %dma_start3A_743 = arith.constant 0 : i32
        %dma_start3A_744 = tpu.memref_slice %arg8[%dma_start3A_742, %dma_start3A_743] : memref<6x100xi32, #tpu.memory_space<vmem>> -> memref<1x100xi32, #tpu.memory_space<vmem>>
        %dma_start3A_745 = tpu.memref_squeeze %dma_start3A_744 : memref<1x100xi32, #tpu.memory_space<vmem>> -> memref<100xi32, #tpu.memory_space<vmem>>
        %dma_start3A_746 = arith.constant 0 : i32
        %dma_start3A_747 = tpu.memref_slice %arg4[%add3A, %add3A_741, %dma_start3A_746] : memref<32x100x100xi32, #tpu.memory_space<hbm>> -> memref<1x1x100xi32, #tpu.memory_space<hbm>>
        %dma_start3A_748 = tpu.memref_squeeze %dma_start3A_747 : memref<1x1x100xi32, #tpu.memory_space<hbm>> -> memref<100xi32, #tpu.memory_space<hbm>>
        %dma_start3A_749 = arith.constant 0 : i32
        %dma_start3A_750 = tpu.memref_slice %arg8[%dma_start3A_742, %dma_start3A_749] : memref<6x100xi32, #tpu.memory_space<vmem>> -> memref<1x100xi32, #tpu.memory_space<vmem>>
        %dma_start3A_751 = tpu.memref_squeeze %dma_start3A_750 : memref<1x100xi32, #tpu.memory_space<vmem>> -> memref<100xi32, #tpu.memory_space<vmem>>
        %dma_start3A_752 = arith.constant 0 : i32
        %dma_start3A_753 = tpu.memref_slice %arg4[%add3A, %add3A_741, %dma_start3A_752] : memref<32x100x100xi32, #tpu.memory_space<hbm>> -> memref<1x1x100xi32, #tpu.memory_space<hbm>>
        %dma_start3A_754 = tpu.memref_squeeze %dma_start3A_753 : memref<1x1x100xi32, #tpu.memory_space<hbm>> -> memref<100xi32, #tpu.memory_space<hbm>>
        tpu.enqueue_dma source(%dma_start3A_754 : memref<100xi32, #tpu.memory_space<hbm>>) target(%dma_start3A_751 : memref<100xi32, #tpu.memory_space<vmem>>) target_semaphore(%arg21 : memref<!tpu.dma_semaphore, #tpu.memory_space<semaphore_mem>>)
      } else {
      }
      %add3A_612 = arith.constant 6 : i32
      %add3A_613 = arith.addi %add3A_572, %add3A_612 : i32
      %lt3A_614 = arith.constant 100 : i32
      %lt3A_615 = arith.cmpi slt, %add3A_613, %lt3A_614 : i32
      %convert_element_type3A_616 = arith.extui %lt3A_615 : i1 to i32
      %cond3A_617 = arith.constant 0 : i32
      %cond3A_618 = arith.cmpi ne, %convert_element_type3A_616, %cond3A_617 : i32
      scf.if %cond3A_618 {
        %add3A_740 = arith.constant 6 : i32
        %add3A_741 = arith.addi %add3A_572, %add3A_740 : i32
        %dma_start3A_742 = arith.constant 3 : i32
        %dma_start3A_743 = arith.constant 0 : i32
        %dma_start3A_744 = tpu.memref_slice %arg7[%dma_start3A_742, %dma_start3A_743] : memref<6x100xi32, #tpu.memory_space<vmem>> -> memref<1x100xi32, #tpu.memory_space<vmem>>
        %dma_start3A_745 = tpu.memref_squeeze %dma_start3A_744 : memref<1x100xi32, #tpu.memory_space<vmem>> -> memref<100xi32, #tpu.memory_space<vmem>>
        %dma_start3A_746 = arith.constant 0 : i32
        %dma_start3A_747 = tpu.memref_slice %arg3[%add3A, %add3A_741, %dma_start3A_746] : memref<32x100x100xi32, #tpu.memory_space<hbm>> -> memref<1x1x100xi32, #tpu.memory_space<hbm>>
        %dma_start3A_748 = tpu.memref_squeeze %dma_start3A_747 : memref<1x1x100xi32, #tpu.memory_space<hbm>> -> memref<100xi32, #tpu.memory_space<hbm>>
        %dma_start3A_749 = arith.constant 0 : i32
        %dma_start3A_750 = tpu.memref_slice %arg7[%dma_start3A_742, %dma_start3A_749] : memref<6x100xi32, #tpu.memory_space<vmem>> -> memref<1x100xi32, #tpu.memory_space<vmem>>
        %dma_start3A_751 = tpu.memref_squeeze %dma_start3A_750 : memref<1x100xi32, #tpu.memory_space<vmem>> -> memref<100xi32, #tpu.memory_space<vmem>>
        %dma_start3A_752 = arith.constant 0 : i32
        %dma_start3A_753 = tpu.memref_slice %arg3[%add3A, %add3A_741, %dma_start3A_752] : memref<32x100x100xi32, #tpu.memory_space<hbm>> -> memref<1x1x100xi32, #tpu.memory_space<hbm>>
        %dma_start3A_754 = tpu.memref_squeeze %dma_start3A_753 : memref<1x1x100xi32, #tpu.memory_space<hbm>> -> memref<100xi32, #tpu.memory_space<hbm>>
        tpu.enqueue_dma source(%dma_start3A_754 : memref<100xi32, #tpu.memory_space<hbm>>) target(%dma_start3A_751 : memref<100xi32, #tpu.memory_space<vmem>>) target_semaphore(%arg16 : memref<!tpu.dma_semaphore, #tpu.memory_space<semaphore_mem>>)
      } else {
      }
      %add3A_619 = arith.constant 2 : i32
      %add3A_620 = arith.addi %add3A_572, %add3A_619 : i32
      %lt3A_621 = arith.constant 100 : i32
      %lt3A_622 = arith.cmpi slt, %add3A_620, %lt3A_621 : i32
      %convert_element_type3A_623 = arith.extui %lt3A_622 : i1 to i32
      %cond3A_624 = arith.constant 0 : i32
      %cond3A_625 = arith.cmpi ne, %convert_element_type3A_623, %cond3A_624 : i32
      scf.if %cond3A_625 {
        %add3A_740 = arith.constant 2 : i32
        %add3A_741 = arith.addi %add3A_572, %add3A_740 : i32
        %dma_wait3A_742 = arith.constant 5 : i32
        %dma_wait3A_743 = arith.constant 0 : i32
        %dma_wait3A_744 = tpu.memref_slice %arg7[%dma_wait3A_742, %dma_wait3A_743] : memref<6x100xi32, #tpu.memory_space<vmem>> -> memref<1x100xi32, #tpu.memory_space<vmem>>
        %dma_wait3A_745 = tpu.memref_squeeze %dma_wait3A_744 : memref<1x100xi32, #tpu.memory_space<vmem>> -> memref<100xi32, #tpu.memory_space<vmem>>
        %dma_wait3A_746 = arith.constant 0 : i32
        %dma_wait3A_747 = tpu.memref_slice %arg3[%add3A, %add3A_741, %dma_wait3A_746] : memref<32x100x100xi32, #tpu.memory_space<hbm>> -> memref<1x1x100xi32, #tpu.memory_space<hbm>>
        %dma_wait3A_748 = tpu.memref_squeeze %dma_wait3A_747 : memref<1x1x100xi32, #tpu.memory_space<hbm>> -> memref<100xi32, #tpu.memory_space<hbm>>
        %dma_wait3A_749 = arith.constant 0 : i32
        %dma_wait3A_750 = tpu.memref_slice %arg7[%dma_wait3A_742, %dma_wait3A_749] : memref<6x100xi32, #tpu.memory_space<vmem>> -> memref<1x100xi32, #tpu.memory_space<vmem>>
        %dma_wait3A_751 = tpu.memref_squeeze %dma_wait3A_750 : memref<1x100xi32, #tpu.memory_space<vmem>> -> memref<100xi32, #tpu.memory_space<vmem>>
        %dma_wait3A_752 = arith.constant 0 : i32
        %dma_wait3A_753 = tpu.memref_slice %arg3[%add3A, %add3A_741, %dma_wait3A_752] : memref<32x100x100xi32, #tpu.memory_space<hbm>> -> memref<1x1x100xi32, #tpu.memory_space<hbm>>
        %dma_wait3A_754 = tpu.memref_squeeze %dma_wait3A_753 : memref<1x1x100xi32, #tpu.memory_space<hbm>> -> memref<100xi32, #tpu.memory_space<hbm>>
        tpu.wait_dma2 semaphore(%arg18 : memref<!tpu.dma_semaphore, #tpu.memory_space<semaphore_mem>>) src(%dma_wait3A_754 : memref<100xi32, #tpu.memory_space<hbm>>) dst(%dma_wait3A_751 : memref<100xi32, #tpu.memory_space<vmem>>)
        %dma_start3A_755 = arith.constant 5 : i32
        %dma_start3A_756 = arith.constant 0 : i32
        %dma_start3A_757 = tpu.memref_slice %arg7[%dma_start3A_755, %dma_start3A_756] : memref<6x100xi32, #tpu.memory_space<vmem>> -> memref<1x100xi32, #tpu.memory_space<vmem>>
        %dma_start3A_758 = tpu.memref_squeeze %dma_start3A_757 : memref<1x100xi32, #tpu.memory_space<vmem>> -> memref<100xi32, #tpu.memory_space<vmem>>
        %dma_start3A_759 = arith.constant 0 : i32
        %dma_start3A_760 = arith.constant 0 : i32
        %dma_start3A_761 = tpu.memref_slice %arg2[%dma_start3A_759, %dma_start3A_760] : memref<10000x128xf32, #tpu.memory_space<hbm>> -> memref<10000x128xf32, #tpu.memory_space<hbm>>
        tpu.enqueue_indirect_dma source(%dma_start3A_761 : memref<10000x128xf32, #tpu.memory_space<hbm>>) target(%arg11 : memref<100x128xf32, #tpu.memory_space<vmem>>) offsets(%dma_start3A_758 : memref<100xi32, #tpu.memory_space<vmem>>) semaphore(%arg27 : memref<!tpu.dma_semaphore, #tpu.memory_space<semaphore_mem>>)
      } else {
      }
      %mul3A_626 = arith.constant 6 : i32
      %mul3A_627 = arith.muli %scan3A_399, %mul3A_626 : i32
      %add3A_628 = arith.constant 4 : i32
      %add3A_629 = arith.addi %mul3A_627, %add3A_628 : i32
      %dma_wait3A_630 = arith.constant 4 : i32
      %dma_wait3A_631 = arith.constant 0 : i32
      %dma_wait3A_632 = tpu.memref_slice %arg7[%dma_wait3A_630, %dma_wait3A_631] : memref<6x100xi32, #tpu.memory_space<vmem>> -> memref<1x100xi32, #tpu.memory_space<vmem>>
      %dma_wait3A_633 = tpu.memref_squeeze %dma_wait3A_632 : memref<1x100xi32, #tpu.memory_space<vmem>> -> memref<100xi32, #tpu.memory_space<vmem>>
      %dma_wait3A_634 = arith.constant 0 : i32
      %dma_wait3A_635 = arith.constant 0 : i32
      %dma_wait3A_636 = tpu.memref_slice %arg2[%dma_wait3A_634, %dma_wait3A_635] : memref<10000x128xf32, #tpu.memory_space<hbm>> -> memref<10000x128xf32, #tpu.memory_space<hbm>>
      tpu.wait_indirect_dma semaphore(%arg26 : memref<!tpu.dma_semaphore, #tpu.memory_space<semaphore_mem>>) src(%dma_wait3A_636 : memref<10000x128xf32, #tpu.memory_space<hbm>>) dst(%arg10 : memref<100x128xf32, #tpu.memory_space<vmem>>)
      %dma_wait3A_637 = arith.constant 4 : i32
      %dma_wait3A_638 = arith.constant 0 : i32
      %dma_wait3A_639 = tpu.memref_slice %arg8[%dma_wait3A_637, %dma_wait3A_638] : memref<6x100xi32, #tpu.memory_space<vmem>> -> memref<1x100xi32, #tpu.memory_space<vmem>>
      %dma_wait3A_640 = tpu.memref_squeeze %dma_wait3A_639 : memref<1x100xi32, #tpu.memory_space<vmem>> -> memref<100xi32, #tpu.memory_space<vmem>>
      %dma_wait3A_641 = arith.constant 0 : i32
      %dma_wait3A_642 = tpu.memref_slice %arg4[%add3A, %add3A_629, %dma_wait3A_641] : memref<32x100x100xi32, #tpu.memory_space<hbm>> -> memref<1x1x100xi32, #tpu.memory_space<hbm>>
      %dma_wait3A_643 = tpu.memref_squeeze %dma_wait3A_642 : memref<1x1x100xi32, #tpu.memory_space<hbm>> -> memref<100xi32, #tpu.memory_space<hbm>>
      %dma_wait3A_644 = arith.constant 0 : i32
      %dma_wait3A_645 = tpu.memref_slice %arg8[%dma_wait3A_637, %dma_wait3A_644] : memref<6x100xi32, #tpu.memory_space<vmem>> -> memref<1x100xi32, #tpu.memory_space<vmem>>
      %dma_wait3A_646 = tpu.memref_squeeze %dma_wait3A_645 : memref<1x100xi32, #tpu.memory_space<vmem>> -> memref<100xi32, #tpu.memory_space<vmem>>
      %dma_wait3A_647 = arith.constant 0 : i32
      %dma_wait3A_648 = tpu.memref_slice %arg4[%add3A, %add3A_629, %dma_wait3A_647] : memref<32x100x100xi32, #tpu.memory_space<hbm>> -> memref<1x1x100xi32, #tpu.memory_space<hbm>>
      %dma_wait3A_649 = tpu.memref_squeeze %dma_wait3A_648 : memref<1x1x100xi32, #tpu.memory_space<hbm>> -> memref<100xi32, #tpu.memory_space<hbm>>
      tpu.wait_dma2 semaphore(%arg23 : memref<!tpu.dma_semaphore, #tpu.memory_space<semaphore_mem>>) src(%dma_wait3A_649 : memref<100xi32, #tpu.memory_space<hbm>>) dst(%dma_wait3A_646 : memref<100xi32, #tpu.memory_space<vmem>>)
      %dma_start3A_650 = arith.constant 4 : i32
      %dma_start3A_651 = arith.constant 0 : i32
      %dma_start3A_652 = tpu.memref_slice %arg8[%dma_start3A_650, %dma_start3A_651] : memref<6x100xi32, #tpu.memory_space<vmem>> -> memref<1x100xi32, #tpu.memory_space<vmem>>
      %dma_start3A_653 = tpu.memref_squeeze %dma_start3A_652 : memref<1x100xi32, #tpu.memory_space<vmem>> -> memref<100xi32, #tpu.memory_space<vmem>>
      %dma_start3A_654 = arith.constant 0 : i32
      %dma_start3A_655 = arith.constant 0 : i32
      %dma_start3A_656 = tpu.memref_slice %arg12[%dma_start3A_654, %dma_start3A_655] : memref<10000x128xf32, #tpu.memory_space<vmem_shared>> -> memref<10000x128xf32, #tpu.memory_space<vmem_shared>>
      tpu.enqueue_indirect_dma source(%arg10 : memref<100x128xf32, #tpu.memory_space<vmem>>) target(%dma_start3A_656 : memref<10000x128xf32, #tpu.memory_space<vmem_shared>>) offsets(%dma_start3A_653 : memref<100xi32, #tpu.memory_space<vmem>>) semaphore(%arg29 : memref<!tpu.dma_semaphore, #tpu.memory_space<semaphore_mem>>) {add = true}
      %ge3A_657 = arith.constant 1 : i32
      %ge3A_658 = arith.cmpi sge, %add3A_629, %ge3A_657 : i32
      %convert_element_type3A_659 = arith.extui %ge3A_658 : i1 to i32
      %cond3A_660 = arith.constant 0 : i32
      %cond3A_661 = arith.cmpi ne, %convert_element_type3A_659, %cond3A_660 : i32
      scf.if %cond3A_661 {
        %dma_wait3A_740 = arith.constant 4 : i32
        %dma_wait3A_741 = arith.constant 0 : i32
        %dma_wait3A_742 = tpu.memref_slice %arg8[%dma_wait3A_740, %dma_wait3A_741] : memref<6x100xi32, #tpu.memory_space<vmem>> -> memref<1x100xi32, #tpu.memory_space<vmem>>
        %dma_wait3A_743 = tpu.memref_squeeze %dma_wait3A_742 : memref<1x100xi32, #tpu.memory_space<vmem>> -> memref<100xi32, #tpu.memory_space<vmem>>
        %dma_wait3A_744 = arith.constant 0 : i32
        %dma_wait3A_745 = arith.constant 0 : i32
        %dma_wait3A_746 = tpu.memref_slice %arg12[%dma_wait3A_744, %dma_wait3A_745] : memref<10000x128xf32, #tpu.memory_space<vmem_shared>> -> memref<10000x128xf32, #tpu.memory_space<vmem_shared>>
        tpu.wait_indirect_dma semaphore(%arg28 : memref<!tpu.dma_semaphore, #tpu.memory_space<semaphore_mem>>) src(%arg9 : memref<100x128xf32, #tpu.memory_space<vmem>>) dst(%dma_wait3A_746 : memref<10000x128xf32, #tpu.memory_space<vmem_shared>>)
      } else {
      }
      %add3A_662 = arith.constant 5 : i32
      %add3A_663 = arith.addi %add3A_629, %add3A_662 : i32
      %lt3A_664 = arith.constant 100 : i32
      %lt3A_665 = arith.cmpi slt, %add3A_663, %lt3A_664 : i32
      %convert_element_type3A_666 = arith.extui %lt3A_665 : i1 to i32
      %cond3A_667 = arith.constant 0 : i32
      %cond3A_668 = arith.cmpi ne, %convert_element_type3A_666, %cond3A_667 : i32
      scf.if %cond3A_668 {
        %add3A_740 = arith.constant 5 : i32
        %add3A_741 = arith.addi %add3A_629, %add3A_740 : i32
        %dma_start3A_742 = arith.constant 3 : i32
        %dma_start3A_743 = arith.constant 0 : i32
        %dma_start3A_744 = tpu.memref_slice %arg8[%dma_start3A_742, %dma_start3A_743] : memref<6x100xi32, #tpu.memory_space<vmem>> -> memref<1x100xi32, #tpu.memory_space<vmem>>
        %dma_start3A_745 = tpu.memref_squeeze %dma_start3A_744 : memref<1x100xi32, #tpu.memory_space<vmem>> -> memref<100xi32, #tpu.memory_space<vmem>>
        %dma_start3A_746 = arith.constant 0 : i32
        %dma_start3A_747 = tpu.memref_slice %arg4[%add3A, %add3A_741, %dma_start3A_746] : memref<32x100x100xi32, #tpu.memory_space<hbm>> -> memref<1x1x100xi32, #tpu.memory_space<hbm>>
        %dma_start3A_748 = tpu.memref_squeeze %dma_start3A_747 : memref<1x1x100xi32, #tpu.memory_space<hbm>> -> memref<100xi32, #tpu.memory_space<hbm>>
        %dma_start3A_749 = arith.constant 0 : i32
        %dma_start3A_750 = tpu.memref_slice %arg8[%dma_start3A_742, %dma_start3A_749] : memref<6x100xi32, #tpu.memory_space<vmem>> -> memref<1x100xi32, #tpu.memory_space<vmem>>
        %dma_start3A_751 = tpu.memref_squeeze %dma_start3A_750 : memref<1x100xi32, #tpu.memory_space<vmem>> -> memref<100xi32, #tpu.memory_space<vmem>>
        %dma_start3A_752 = arith.constant 0 : i32
        %dma_start3A_753 = tpu.memref_slice %arg4[%add3A, %add3A_741, %dma_start3A_752] : memref<32x100x100xi32, #tpu.memory_space<hbm>> -> memref<1x1x100xi32, #tpu.memory_space<hbm>>
        %dma_start3A_754 = tpu.memref_squeeze %dma_start3A_753 : memref<1x1x100xi32, #tpu.memory_space<hbm>> -> memref<100xi32, #tpu.memory_space<hbm>>
        tpu.enqueue_dma source(%dma_start3A_754 : memref<100xi32, #tpu.memory_space<hbm>>) target(%dma_start3A_751 : memref<100xi32, #tpu.memory_space<vmem>>) target_semaphore(%arg22 : memref<!tpu.dma_semaphore, #tpu.memory_space<semaphore_mem>>)
      } else {
      }
      %add3A_669 = arith.constant 6 : i32
      %add3A_670 = arith.addi %add3A_629, %add3A_669 : i32
      %lt3A_671 = arith.constant 100 : i32
      %lt3A_672 = arith.cmpi slt, %add3A_670, %lt3A_671 : i32
      %convert_element_type3A_673 = arith.extui %lt3A_672 : i1 to i32
      %cond3A_674 = arith.constant 0 : i32
      %cond3A_675 = arith.cmpi ne, %convert_element_type3A_673, %cond3A_674 : i32
      scf.if %cond3A_675 {
        %add3A_740 = arith.constant 6 : i32
        %add3A_741 = arith.addi %add3A_629, %add3A_740 : i32
        %dma_start3A_742 = arith.constant 4 : i32
        %dma_start3A_743 = arith.constant 0 : i32
        %dma_start3A_744 = tpu.memref_slice %arg7[%dma_start3A_742, %dma_start3A_743] : memref<6x100xi32, #tpu.memory_space<vmem>> -> memref<1x100xi32, #tpu.memory_space<vmem>>
        %dma_start3A_745 = tpu.memref_squeeze %dma_start3A_744 : memref<1x100xi32, #tpu.memory_space<vmem>> -> memref<100xi32, #tpu.memory_space<vmem>>
        %dma_start3A_746 = arith.constant 0 : i32
        %dma_start3A_747 = tpu.memref_slice %arg3[%add3A, %add3A_741, %dma_start3A_746] : memref<32x100x100xi32, #tpu.memory_space<hbm>> -> memref<1x1x100xi32, #tpu.memory_space<hbm>>
        %dma_start3A_748 = tpu.memref_squeeze %dma_start3A_747 : memref<1x1x100xi32, #tpu.memory_space<hbm>> -> memref<100xi32, #tpu.memory_space<hbm>>
        %dma_start3A_749 = arith.constant 0 : i32
        %dma_start3A_750 = tpu.memref_slice %arg7[%dma_start3A_742, %dma_start3A_749] : memref<6x100xi32, #tpu.memory_space<vmem>> -> memref<1x100xi32, #tpu.memory_space<vmem>>
        %dma_start3A_751 = tpu.memref_squeeze %dma_start3A_750 : memref<1x100xi32, #tpu.memory_space<vmem>> -> memref<100xi32, #tpu.memory_space<vmem>>
        %dma_start3A_752 = arith.constant 0 : i32
        %dma_start3A_753 = tpu.memref_slice %arg3[%add3A, %add3A_741, %dma_start3A_752] : memref<32x100x100xi32, #tpu.memory_space<hbm>> -> memref<1x1x100xi32, #tpu.memory_space<hbm>>
        %dma_start3A_754 = tpu.memref_squeeze %dma_start3A_753 : memref<1x1x100xi32, #tpu.memory_space<hbm>> -> memref<100xi32, #tpu.memory_space<hbm>>
        tpu.enqueue_dma source(%dma_start3A_754 : memref<100xi32, #tpu.memory_space<hbm>>) target(%dma_start3A_751 : memref<100xi32, #tpu.memory_space<vmem>>) target_semaphore(%arg17 : memref<!tpu.dma_semaphore, #tpu.memory_space<semaphore_mem>>)
      } else {
      }
      %add3A_676 = arith.constant 2 : i32
      %add3A_677 = arith.addi %add3A_629, %add3A_676 : i32
      %lt3A_678 = arith.constant 100 : i32
      %lt3A_679 = arith.cmpi slt, %add3A_677, %lt3A_678 : i32
      %convert_element_type3A_680 = arith.extui %lt3A_679 : i1 to i32
      %cond3A_681 = arith.constant 0 : i32
      %cond3A_682 = arith.cmpi ne, %convert_element_type3A_680, %cond3A_681 : i32
      scf.if %cond3A_682 {
        %add3A_740 = arith.constant 2 : i32
        %add3A_741 = arith.addi %add3A_629, %add3A_740 : i32
        %dma_wait3A_742 = arith.constant 0 : i32
        %dma_wait3A_743 = arith.constant 0 : i32
        %dma_wait3A_744 = tpu.memref_slice %arg7[%dma_wait3A_742, %dma_wait3A_743] : memref<6x100xi32, #tpu.memory_space<vmem>> -> memref<1x100xi32, #tpu.memory_space<vmem>>
        %dma_wait3A_745 = tpu.memref_squeeze %dma_wait3A_744 : memref<1x100xi32, #tpu.memory_space<vmem>> -> memref<100xi32, #tpu.memory_space<vmem>>
        %dma_wait3A_746 = arith.constant 0 : i32
        %dma_wait3A_747 = tpu.memref_slice %arg3[%add3A, %add3A_741, %dma_wait3A_746] : memref<32x100x100xi32, #tpu.memory_space<hbm>> -> memref<1x1x100xi32, #tpu.memory_space<hbm>>
        %dma_wait3A_748 = tpu.memref_squeeze %dma_wait3A_747 : memref<1x1x100xi32, #tpu.memory_space<hbm>> -> memref<100xi32, #tpu.memory_space<hbm>>
        %dma_wait3A_749 = arith.constant 0 : i32
        %dma_wait3A_750 = tpu.memref_slice %arg7[%dma_wait3A_742, %dma_wait3A_749] : memref<6x100xi32, #tpu.memory_space<vmem>> -> memref<1x100xi32, #tpu.memory_space<vmem>>
        %dma_wait3A_751 = tpu.memref_squeeze %dma_wait3A_750 : memref<1x100xi32, #tpu.memory_space<vmem>> -> memref<100xi32, #tpu.memory_space<vmem>>
        %dma_wait3A_752 = arith.constant 0 : i32
        %dma_wait3A_753 = tpu.memref_slice %arg3[%add3A, %add3A_741, %dma_wait3A_752] : memref<32x100x100xi32, #tpu.memory_space<hbm>> -> memref<1x1x100xi32, #tpu.memory_space<hbm>>
        %dma_wait3A_754 = tpu.memref_squeeze %dma_wait3A_753 : memref<1x1x100xi32, #tpu.memory_space<hbm>> -> memref<100xi32, #tpu.memory_space<hbm>>
        tpu.wait_dma2 semaphore(%arg13 : memref<!tpu.dma_semaphore, #tpu.memory_space<semaphore_mem>>) src(%dma_wait3A_754 : memref<100xi32, #tpu.memory_space<hbm>>) dst(%dma_wait3A_751 : memref<100xi32, #tpu.memory_space<vmem>>)
        %dma_start3A_755 = arith.constant 0 : i32
        %dma_start3A_756 = arith.constant 0 : i32
        %dma_start3A_757 = tpu.memref_slice %arg7[%dma_start3A_755, %dma_start3A_756] : memref<6x100xi32, #tpu.memory_space<vmem>> -> memref<1x100xi32, #tpu.memory_space<vmem>>
        %dma_start3A_758 = tpu.memref_squeeze %dma_start3A_757 : memref<1x100xi32, #tpu.memory_space<vmem>> -> memref<100xi32, #tpu.memory_space<vmem>>
        %dma_start3A_759 = arith.constant 0 : i32
        %dma_start3A_760 = arith.constant 0 : i32
        %dma_start3A_761 = tpu.memref_slice %arg2[%dma_start3A_759, %dma_start3A_760] : memref<10000x128xf32, #tpu.memory_space<hbm>> -> memref<10000x128xf32, #tpu.memory_space<hbm>>
        tpu.enqueue_indirect_dma source(%dma_start3A_761 : memref<10000x128xf32, #tpu.memory_space<hbm>>) target(%arg9 : memref<100x128xf32, #tpu.memory_space<vmem>>) offsets(%dma_start3A_758 : memref<100xi32, #tpu.memory_space<vmem>>) semaphore(%arg25 : memref<!tpu.dma_semaphore, #tpu.memory_space<semaphore_mem>>)
      } else {
      }
      %mul3A_683 = arith.constant 6 : i32
      %mul3A_684 = arith.muli %scan3A_399, %mul3A_683 : i32
      %add3A_685 = arith.constant 5 : i32
      %add3A_686 = arith.addi %mul3A_684, %add3A_685 : i32
      %dma_wait3A_687 = arith.constant 5 : i32
      %dma_wait3A_688 = arith.constant 0 : i32
      %dma_wait3A_689 = tpu.memref_slice %arg7[%dma_wait3A_687, %dma_wait3A_688] : memref<6x100xi32, #tpu.memory_space<vmem>> -> memref<1x100xi32, #tpu.memory_space<vmem>>
      %dma_wait3A_690 = tpu.memref_squeeze %dma_wait3A_689 : memref<1x100xi32, #tpu.memory_space<vmem>> -> memref<100xi32, #tpu.memory_space<vmem>>
      %dma_wait3A_691 = arith.constant 0 : i32
      %dma_wait3A_692 = arith.constant 0 : i32
      %dma_wait3A_693 = tpu.memref_slice %arg2[%dma_wait3A_691, %dma_wait3A_692] : memref<10000x128xf32, #tpu.memory_space<hbm>> -> memref<10000x128xf32, #tpu.memory_space<hbm>>
      tpu.wait_indirect_dma semaphore(%arg27 : memref<!tpu.dma_semaphore, #tpu.memory_space<semaphore_mem>>) src(%dma_wait3A_693 : memref<10000x128xf32, #tpu.memory_space<hbm>>) dst(%arg11 : memref<100x128xf32, #tpu.memory_space<vmem>>)
      %dma_wait3A_694 = arith.constant 5 : i32
      %dma_wait3A_695 = arith.constant 0 : i32
      %dma_wait3A_696 = tpu.memref_slice %arg8[%dma_wait3A_694, %dma_wait3A_695] : memref<6x100xi32, #tpu.memory_space<vmem>> -> memref<1x100xi32, #tpu.memory_space<vmem>>
      %dma_wait3A_697 = tpu.memref_squeeze %dma_wait3A_696 : memref<1x100xi32, #tpu.memory_space<vmem>> -> memref<100xi32, #tpu.memory_space<vmem>>
      %dma_wait3A_698 = arith.constant 0 : i32
      %dma_wait3A_699 = tpu.memref_slice %arg4[%add3A, %add3A_686, %dma_wait3A_698] : memref<32x100x100xi32, #tpu.memory_space<hbm>> -> memref<1x1x100xi32, #tpu.memory_space<hbm>>
      %dma_wait3A_700 = tpu.memref_squeeze %dma_wait3A_699 : memref<1x1x100xi32, #tpu.memory_space<hbm>> -> memref<100xi32, #tpu.memory_space<hbm>>
      %dma_wait3A_701 = arith.constant 0 : i32
      %dma_wait3A_702 = tpu.memref_slice %arg8[%dma_wait3A_694, %dma_wait3A_701] : memref<6x100xi32, #tpu.memory_space<vmem>> -> memref<1x100xi32, #tpu.memory_space<vmem>>
      %dma_wait3A_703 = tpu.memref_squeeze %dma_wait3A_702 : memref<1x100xi32, #tpu.memory_space<vmem>> -> memref<100xi32, #tpu.memory_space<vmem>>
      %dma_wait3A_704 = arith.constant 0 : i32
      %dma_wait3A_705 = tpu.memref_slice %arg4[%add3A, %add3A_686, %dma_wait3A_704] : memref<32x100x100xi32, #tpu.memory_space<hbm>> -> memref<1x1x100xi32, #tpu.memory_space<hbm>>
      %dma_wait3A_706 = tpu.memref_squeeze %dma_wait3A_705 : memref<1x1x100xi32, #tpu.memory_space<hbm>> -> memref<100xi32, #tpu.memory_space<hbm>>
      tpu.wait_dma2 semaphore(%arg24 : memref<!tpu.dma_semaphore, #tpu.memory_space<semaphore_mem>>) src(%dma_wait3A_706 : memref<100xi32, #tpu.memory_space<hbm>>) dst(%dma_wait3A_703 : memref<100xi32, #tpu.memory_space<vmem>>)
      %dma_start3A_707 = arith.constant 5 : i32
      %dma_start3A_708 = arith.constant 0 : i32
      %dma_start3A_709 = tpu.memref_slice %arg8[%dma_start3A_707, %dma_start3A_708] : memref<6x100xi32, #tpu.memory_space<vmem>> -> memref<1x100xi32, #tpu.memory_space<vmem>>
      %dma_start3A_710 = tpu.memref_squeeze %dma_start3A_709 : memref<1x100xi32, #tpu.memory_space<vmem>> -> memref<100xi32, #tpu.memory_space<vmem>>
      %dma_start3A_711 = arith.constant 0 : i32
      %dma_start3A_712 = arith.constant 0 : i32
      %dma_start3A_713 = tpu.memref_slice %arg12[%dma_start3A_711, %dma_start3A_712] : memref<10000x128xf32, #tpu.memory_space<vmem_shared>> -> memref<10000x128xf32, #tpu.memory_space<vmem_shared>>
      tpu.enqueue_indirect_dma source(%arg11 : memref<100x128xf32, #tpu.memory_space<vmem>>) target(%dma_start3A_713 : memref<10000x128xf32, #tpu.memory_space<vmem_shared>>) offsets(%dma_start3A_710 : memref<100xi32, #tpu.memory_space<vmem>>) semaphore(%arg30 : memref<!tpu.dma_semaphore, #tpu.memory_space<semaphore_mem>>) {add = true}
      %ge3A_714 = arith.constant 1 : i32
      %ge3A_715 = arith.cmpi sge, %add3A_686, %ge3A_714 : i32
      %convert_element_type3A_716 = arith.extui %ge3A_715 : i1 to i32
      %cond3A_717 = arith.constant 0 : i32
      %cond3A_718 = arith.cmpi ne, %convert_element_type3A_716, %cond3A_717 : i32
      scf.if %cond3A_718 {
        %dma_wait3A_740 = arith.constant 5 : i32
        %dma_wait3A_741 = arith.constant 0 : i32
        %dma_wait3A_742 = tpu.memref_slice %arg8[%dma_wait3A_740, %dma_wait3A_741] : memref<6x100xi32, #tpu.memory_space<vmem>> -> memref<1x100xi32, #tpu.memory_space<vmem>>
        %dma_wait3A_743 = tpu.memref_squeeze %dma_wait3A_742 : memref<1x100xi32, #tpu.memory_space<vmem>> -> memref<100xi32, #tpu.memory_space<vmem>>
        %dma_wait3A_744 = arith.constant 0 : i32
        %dma_wait3A_745 = arith.constant 0 : i32
        %dma_wait3A_746 = tpu.memref_slice %arg12[%dma_wait3A_744, %dma_wait3A_745] : memref<10000x128xf32, #tpu.memory_space<vmem_shared>> -> memref<10000x128xf32, #tpu.memory_space<vmem_shared>>
        tpu.wait_indirect_dma semaphore(%arg29 : memref<!tpu.dma_semaphore, #tpu.memory_space<semaphore_mem>>) src(%arg10 : memref<100x128xf32, #tpu.memory_space<vmem>>) dst(%dma_wait3A_746 : memref<10000x128xf32, #tpu.memory_space<vmem_shared>>)
      } else {
      }
      %add3A_719 = arith.constant 5 : i32
      %add3A_720 = arith.addi %add3A_686, %add3A_719 : i32
      %lt3A_721 = arith.constant 100 : i32
      %lt3A_722 = arith.cmpi slt, %add3A_720, %lt3A_721 : i32
      %convert_element_type3A_723 = arith.extui %lt3A_722 : i1 to i32
      %cond3A_724 = arith.constant 0 : i32
      %cond3A_725 = arith.cmpi ne, %convert_element_type3A_723, %cond3A_724 : i32
      scf.if %cond3A_725 {
        %add3A_740 = arith.constant 5 : i32
        %add3A_741 = arith.addi %add3A_686, %add3A_740 : i32
        %dma_start3A_742 = arith.constant 4 : i32
        %dma_start3A_743 = arith.constant 0 : i32
        %dma_start3A_744 = tpu.memref_slice %arg8[%dma_start3A_742, %dma_start3A_743] : memref<6x100xi32, #tpu.memory_space<vmem>> -> memref<1x100xi32, #tpu.memory_space<vmem>>
        %dma_start3A_745 = tpu.memref_squeeze %dma_start3A_744 : memref<1x100xi32, #tpu.memory_space<vmem>> -> memref<100xi32, #tpu.memory_space<vmem>>
        %dma_start3A_746 = arith.constant 0 : i32
        %dma_start3A_747 = tpu.memref_slice %arg4[%add3A, %add3A_741, %dma_start3A_746] : memref<32x100x100xi32, #tpu.memory_space<hbm>> -> memref<1x1x100xi32, #tpu.memory_space<hbm>>
        %dma_start3A_748 = tpu.memref_squeeze %dma_start3A_747 : memref<1x1x100xi32, #tpu.memory_space<hbm>> -> memref<100xi32, #tpu.memory_space<hbm>>
        %dma_start3A_749 = arith.constant 0 : i32
        %dma_start3A_750 = tpu.memref_slice %arg8[%dma_start3A_742, %dma_start3A_749] : memref<6x100xi32, #tpu.memory_space<vmem>> -> memref<1x100xi32, #tpu.memory_space<vmem>>
        %dma_start3A_751 = tpu.memref_squeeze %dma_start3A_750 : memref<1x100xi32, #tpu.memory_space<vmem>> -> memref<100xi32, #tpu.memory_space<vmem>>
        %dma_start3A_752 = arith.constant 0 : i32
        %dma_start3A_753 = tpu.memref_slice %arg4[%add3A, %add3A_741, %dma_start3A_752] : memref<32x100x100xi32, #tpu.memory_space<hbm>> -> memref<1x1x100xi32, #tpu.memory_space<hbm>>
        %dma_start3A_754 = tpu.memref_squeeze %dma_start3A_753 : memref<1x1x100xi32, #tpu.memory_space<hbm>> -> memref<100xi32, #tpu.memory_space<hbm>>
        tpu.enqueue_dma source(%dma_start3A_754 : memref<100xi32, #tpu.memory_space<hbm>>) target(%dma_start3A_751 : memref<100xi32, #tpu.memory_space<vmem>>) target_semaphore(%arg23 : memref<!tpu.dma_semaphore, #tpu.memory_space<semaphore_mem>>)
      } else {
      }
      %add3A_726 = arith.constant 6 : i32
      %add3A_727 = arith.addi %add3A_686, %add3A_726 : i32
      %lt3A_728 = arith.constant 100 : i32
      %lt3A_729 = arith.cmpi slt, %add3A_727, %lt3A_728 : i32
      %convert_element_type3A_730 = arith.extui %lt3A_729 : i1 to i32
      %cond3A_731 = arith.constant 0 : i32
      %cond3A_732 = arith.cmpi ne, %convert_element_type3A_730, %cond3A_731 : i32
      scf.if %cond3A_732 {
        %add3A_740 = arith.constant 6 : i32
        %add3A_741 = arith.addi %add3A_686, %add3A_740 : i32
        %dma_start3A_742 = arith.constant 5 : i32
        %dma_start3A_743 = arith.constant 0 : i32
        %dma_start3A_744 = tpu.memref_slice %arg7[%dma_start3A_742, %dma_start3A_743] : memref<6x100xi32, #tpu.memory_space<vmem>> -> memref<1x100xi32, #tpu.memory_space<vmem>>
        %dma_start3A_745 = tpu.memref_squeeze %dma_start3A_744 : memref<1x100xi32, #tpu.memory_space<vmem>> -> memref<100xi32, #tpu.memory_space<vmem>>
        %dma_start3A_746 = arith.constant 0 : i32
        %dma_start3A_747 = tpu.memref_slice %arg3[%add3A, %add3A_741, %dma_start3A_746] : memref<32x100x100xi32, #tpu.memory_space<hbm>> -> memref<1x1x100xi32, #tpu.memory_space<hbm>>
        %dma_start3A_748 = tpu.memref_squeeze %dma_start3A_747 : memref<1x1x100xi32, #tpu.memory_space<hbm>> -> memref<100xi32, #tpu.memory_space<hbm>>
        %dma_start3A_749 = arith.constant 0 : i32
        %dma_start3A_750 = tpu.memref_slice %arg7[%dma_start3A_742, %dma_start3A_749] : memref<6x100xi32, #tpu.memory_space<vmem>> -> memref<1x100xi32, #tpu.memory_space<vmem>>
        %dma_start3A_751 = tpu.memref_squeeze %dma_start3A_750 : memref<1x100xi32, #tpu.memory_space<vmem>> -> memref<100xi32, #tpu.memory_space<vmem>>
        %dma_start3A_752 = arith.constant 0 : i32
        %dma_start3A_753 = tpu.memref_slice %arg3[%add3A, %add3A_741, %dma_start3A_752] : memref<32x100x100xi32, #tpu.memory_space<hbm>> -> memref<1x1x100xi32, #tpu.memory_space<hbm>>
        %dma_start3A_754 = tpu.memref_squeeze %dma_start3A_753 : memref<1x1x100xi32, #tpu.memory_space<hbm>> -> memref<100xi32, #tpu.memory_space<hbm>>
        tpu.enqueue_dma source(%dma_start3A_754 : memref<100xi32, #tpu.memory_space<hbm>>) target(%dma_start3A_751 : memref<100xi32, #tpu.memory_space<vmem>>) target_semaphore(%arg18 : memref<!tpu.dma_semaphore, #tpu.memory_space<semaphore_mem>>)
      } else {
      }
      %add3A_733 = arith.constant 2 : i32
      %add3A_734 = arith.addi %add3A_686, %add3A_733 : i32
      %lt3A_735 = arith.constant 100 : i32
      %lt3A_736 = arith.cmpi slt, %add3A_734, %lt3A_735 : i32
      %convert_element_type3A_737 = arith.extui %lt3A_736 : i1 to i32
      %cond3A_738 = arith.constant 0 : i32
      %cond3A_739 = arith.cmpi ne, %convert_element_type3A_737, %cond3A_738 : i32
      scf.if %cond3A_739 {
        %add3A_740 = arith.constant 2 : i32
        %add3A_741 = arith.addi %add3A_686, %add3A_740 : i32
        %dma_wait3A_742 = arith.constant 1 : i32
        %dma_wait3A_743 = arith.constant 0 : i32
        %dma_wait3A_744 = tpu.memref_slice %arg7[%dma_wait3A_742, %dma_wait3A_743] : memref<6x100xi32, #tpu.memory_space<vmem>> -> memref<1x100xi32, #tpu.memory_space<vmem>>
        %dma_wait3A_745 = tpu.memref_squeeze %dma_wait3A_744 : memref<1x100xi32, #tpu.memory_space<vmem>> -> memref<100xi32, #tpu.memory_space<vmem>>
        %dma_wait3A_746 = arith.constant 0 : i32
        %dma_wait3A_747 = tpu.memref_slice %arg3[%add3A, %add3A_741, %dma_wait3A_746] : memref<32x100x100xi32, #tpu.memory_space<hbm>> -> memref<1x1x100xi32, #tpu.memory_space<hbm>>
        %dma_wait3A_748 = tpu.memref_squeeze %dma_wait3A_747 : memref<1x1x100xi32, #tpu.memory_space<hbm>> -> memref<100xi32, #tpu.memory_space<hbm>>
        %dma_wait3A_749 = arith.constant 0 : i32
        %dma_wait3A_750 = tpu.memref_slice %arg7[%dma_wait3A_742, %dma_wait3A_749] : memref<6x100xi32, #tpu.memory_space<vmem>> -> memref<1x100xi32, #tpu.memory_space<vmem>>
        %dma_wait3A_751 = tpu.memref_squeeze %dma_wait3A_750 : memref<1x100xi32, #tpu.memory_space<vmem>> -> memref<100xi32, #tpu.memory_space<vmem>>
        %dma_wait3A_752 = arith.constant 0 : i32
        %dma_wait3A_753 = tpu.memref_slice %arg3[%add3A, %add3A_741, %dma_wait3A_752] : memref<32x100x100xi32, #tpu.memory_space<hbm>> -> memref<1x1x100xi32, #tpu.memory_space<hbm>>
        %dma_wait3A_754 = tpu.memref_squeeze %dma_wait3A_753 : memref<1x1x100xi32, #tpu.memory_space<hbm>> -> memref<100xi32, #tpu.memory_space<hbm>>
        tpu.wait_dma2 semaphore(%arg14 : memref<!tpu.dma_semaphore, #tpu.memory_space<semaphore_mem>>) src(%dma_wait3A_754 : memref<100xi32, #tpu.memory_space<hbm>>) dst(%dma_wait3A_751 : memref<100xi32, #tpu.memory_space<vmem>>)
        %dma_start3A_755 = arith.constant 1 : i32
        %dma_start3A_756 = arith.constant 0 : i32
        %dma_start3A_757 = tpu.memref_slice %arg7[%dma_start3A_755, %dma_start3A_756] : memref<6x100xi32, #tpu.memory_space<vmem>> -> memref<1x100xi32, #tpu.memory_space<vmem>>
        %dma_start3A_758 = tpu.memref_squeeze %dma_start3A_757 : memref<1x100xi32, #tpu.memory_space<vmem>> -> memref<100xi32, #tpu.memory_space<vmem>>
        %dma_start3A_759 = arith.constant 0 : i32
        %dma_start3A_760 = arith.constant 0 : i32
        %dma_start3A_761 = tpu.memref_slice %arg2[%dma_start3A_759, %dma_start3A_760] : memref<10000x128xf32, #tpu.memory_space<hbm>> -> memref<10000x128xf32, #tpu.memory_space<hbm>>
        tpu.enqueue_indirect_dma source(%dma_start3A_761 : memref<10000x128xf32, #tpu.memory_space<hbm>>) target(%arg10 : memref<100x128xf32, #tpu.memory_space<vmem>>) offsets(%dma_start3A_758 : memref<100xi32, #tpu.memory_space<vmem>>) semaphore(%arg26 : memref<!tpu.dma_semaphore, #tpu.memory_space<semaphore_mem>>)
      } else {
      }
    }
    %scan3A_203 = arith.constant 16 : i32
    %dma_wait3A_204 = arith.constant 0 : i32
    %dma_wait3A_205 = arith.constant 0 : i32
    %dma_wait3A_206 = tpu.memref_slice %arg7[%dma_wait3A_204, %dma_wait3A_205] : memref<6x100xi32, #tpu.memory_space<vmem>> -> memref<1x100xi32, #tpu.memory_space<vmem>>
    %dma_wait3A_207 = tpu.memref_squeeze %dma_wait3A_206 : memref<1x100xi32, #tpu.memory_space<vmem>> -> memref<100xi32, #tpu.memory_space<vmem>>
    %dma_wait3A_208 = arith.constant 0 : i32
    %dma_wait3A_209 = arith.constant 0 : i32
    %dma_wait3A_210 = tpu.memref_slice %arg2[%dma_wait3A_208, %dma_wait3A_209] : memref<10000x128xf32, #tpu.memory_space<hbm>> -> memref<10000x128xf32, #tpu.memory_space<hbm>>
    tpu.wait_indirect_dma semaphore(%arg25 : memref<!tpu.dma_semaphore, #tpu.memory_space<semaphore_mem>>) src(%dma_wait3A_210 : memref<10000x128xf32, #tpu.memory_space<hbm>>) dst(%arg9 : memref<100x128xf32, #tpu.memory_space<vmem>>)
    %dma_wait3A_211 = arith.constant 96 : i32
    %dma_wait3A_212 = arith.constant 0 : i32
    %dma_wait3A_213 = arith.constant 0 : i32
    %dma_wait3A_214 = tpu.memref_slice %arg8[%dma_wait3A_212, %dma_wait3A_213] : memref<6x100xi32, #tpu.memory_space<vmem>> -> memref<1x100xi32, #tpu.memory_space<vmem>>
    %dma_wait3A_215 = tpu.memref_squeeze %dma_wait3A_214 : memref<1x100xi32, #tpu.memory_space<vmem>> -> memref<100xi32, #tpu.memory_space<vmem>>
    %dma_wait3A_216 = arith.constant 0 : i32
    %dma_wait3A_217 = tpu.memref_slice %arg4[%add3A, %dma_wait3A_211, %dma_wait3A_216] : memref<32x100x100xi32, #tpu.memory_space<hbm>> -> memref<1x1x100xi32, #tpu.memory_space<hbm>>
    %dma_wait3A_218 = tpu.memref_squeeze %dma_wait3A_217 : memref<1x1x100xi32, #tpu.memory_space<hbm>> -> memref<100xi32, #tpu.memory_space<hbm>>
    %dma_wait3A_219 = arith.constant 0 : i32
    %dma_wait3A_220 = tpu.memref_slice %arg8[%dma_wait3A_212, %dma_wait3A_219] : memref<6x100xi32, #tpu.memory_space<vmem>> -> memref<1x100xi32, #tpu.memory_space<vmem>>
    %dma_wait3A_221 = tpu.memref_squeeze %dma_wait3A_220 : memref<1x100xi32, #tpu.memory_space<vmem>> -> memref<100xi32, #tpu.memory_space<vmem>>
    %dma_wait3A_222 = arith.constant 0 : i32
    %dma_wait3A_223 = tpu.memref_slice %arg4[%add3A, %dma_wait3A_211, %dma_wait3A_222] : memref<32x100x100xi32, #tpu.memory_space<hbm>> -> memref<1x1x100xi32, #tpu.memory_space<hbm>>
    %dma_wait3A_224 = tpu.memref_squeeze %dma_wait3A_223 : memref<1x1x100xi32, #tpu.memory_space<hbm>> -> memref<100xi32, #tpu.memory_space<hbm>>
    tpu.wait_dma2 semaphore(%arg19 : memref<!tpu.dma_semaphore, #tpu.memory_space<semaphore_mem>>) src(%dma_wait3A_224 : memref<100xi32, #tpu.memory_space<hbm>>) dst(%dma_wait3A_221 : memref<100xi32, #tpu.memory_space<vmem>>)
    %dma_start3A_225 = arith.constant 0 : i32
    %dma_start3A_226 = arith.constant 0 : i32
    %dma_start3A_227 = tpu.memref_slice %arg8[%dma_start3A_225, %dma_start3A_226] : memref<6x100xi32, #tpu.memory_space<vmem>> -> memref<1x100xi32, #tpu.memory_space<vmem>>
    %dma_start3A_228 = tpu.memref_squeeze %dma_start3A_227 : memref<1x100xi32, #tpu.memory_space<vmem>> -> memref<100xi32, #tpu.memory_space<vmem>>
    %dma_start3A_229 = arith.constant 0 : i32
    %dma_start3A_230 = arith.constant 0 : i32
    %dma_start3A_231 = tpu.memref_slice %arg12[%dma_start3A_229, %dma_start3A_230] : memref<10000x128xf32, #tpu.memory_space<vmem_shared>> -> memref<10000x128xf32, #tpu.memory_space<vmem_shared>>
    tpu.enqueue_indirect_dma source(%arg9 : memref<100x128xf32, #tpu.memory_space<vmem>>) target(%dma_start3A_231 : memref<10000x128xf32, #tpu.memory_space<vmem_shared>>) offsets(%dma_start3A_228 : memref<100xi32, #tpu.memory_space<vmem>>) semaphore(%arg28 : memref<!tpu.dma_semaphore, #tpu.memory_space<semaphore_mem>>) {add = true}
    %dma_wait3A_232 = arith.constant 0 : i32
    %dma_wait3A_233 = arith.constant 0 : i32
    %dma_wait3A_234 = tpu.memref_slice %arg8[%dma_wait3A_232, %dma_wait3A_233] : memref<6x100xi32, #tpu.memory_space<vmem>> -> memref<1x100xi32, #tpu.memory_space<vmem>>
    %dma_wait3A_235 = tpu.memref_squeeze %dma_wait3A_234 : memref<1x100xi32, #tpu.memory_space<vmem>> -> memref<100xi32, #tpu.memory_space<vmem>>
    %dma_wait3A_236 = arith.constant 0 : i32
    %dma_wait3A_237 = arith.constant 0 : i32
    %dma_wait3A_238 = tpu.memref_slice %arg12[%dma_wait3A_236, %dma_wait3A_237] : memref<10000x128xf32, #tpu.memory_space<vmem_shared>> -> memref<10000x128xf32, #tpu.memory_space<vmem_shared>>
    tpu.wait_indirect_dma semaphore(%arg30 : memref<!tpu.dma_semaphore, #tpu.memory_space<semaphore_mem>>) src(%arg11 : memref<100x128xf32, #tpu.memory_space<vmem>>) dst(%dma_wait3A_238 : memref<10000x128xf32, #tpu.memory_space<vmem_shared>>)
    %dma_wait3A_239 = arith.constant 98 : i32
    %dma_wait3A_240 = arith.constant 2 : i32
    %dma_wait3A_241 = arith.constant 0 : i32
    %dma_wait3A_242 = tpu.memref_slice %arg7[%dma_wait3A_240, %dma_wait3A_241] : memref<6x100xi32, #tpu.memory_space<vmem>> -> memref<1x100xi32, #tpu.memory_space<vmem>>
    %dma_wait3A_243 = tpu.memref_squeeze %dma_wait3A_242 : memref<1x100xi32, #tpu.memory_space<vmem>> -> memref<100xi32, #tpu.memory_space<vmem>>
    %dma_wait3A_244 = arith.constant 0 : i32
    %dma_wait3A_245 = tpu.memref_slice %arg3[%add3A, %dma_wait3A_239, %dma_wait3A_244] : memref<32x100x100xi32, #tpu.memory_space<hbm>> -> memref<1x1x100xi32, #tpu.memory_space<hbm>>
    %dma_wait3A_246 = tpu.memref_squeeze %dma_wait3A_245 : memref<1x1x100xi32, #tpu.memory_space<hbm>> -> memref<100xi32, #tpu.memory_space<hbm>>
    %dma_wait3A_247 = arith.constant 0 : i32
    %dma_wait3A_248 = tpu.memref_slice %arg7[%dma_wait3A_240, %dma_wait3A_247] : memref<6x100xi32, #tpu.memory_space<vmem>> -> memref<1x100xi32, #tpu.memory_space<vmem>>
    %dma_wait3A_249 = tpu.memref_squeeze %dma_wait3A_248 : memref<1x100xi32, #tpu.memory_space<vmem>> -> memref<100xi32, #tpu.memory_space<vmem>>
    %dma_wait3A_250 = arith.constant 0 : i32
    %dma_wait3A_251 = tpu.memref_slice %arg3[%add3A, %dma_wait3A_239, %dma_wait3A_250] : memref<32x100x100xi32, #tpu.memory_space<hbm>> -> memref<1x1x100xi32, #tpu.memory_space<hbm>>
    %dma_wait3A_252 = tpu.memref_squeeze %dma_wait3A_251 : memref<1x1x100xi32, #tpu.memory_space<hbm>> -> memref<100xi32, #tpu.memory_space<hbm>>
    tpu.wait_dma2 semaphore(%arg15 : memref<!tpu.dma_semaphore, #tpu.memory_space<semaphore_mem>>) src(%dma_wait3A_252 : memref<100xi32, #tpu.memory_space<hbm>>) dst(%dma_wait3A_249 : memref<100xi32, #tpu.memory_space<vmem>>)
    %dma_start3A_253 = arith.constant 2 : i32
    %dma_start3A_254 = arith.constant 0 : i32
    %dma_start3A_255 = tpu.memref_slice %arg7[%dma_start3A_253, %dma_start3A_254] : memref<6x100xi32, #tpu.memory_space<vmem>> -> memref<1x100xi32, #tpu.memory_space<vmem>>
    %dma_start3A_256 = tpu.memref_squeeze %dma_start3A_255 : memref<1x100xi32, #tpu.memory_space<vmem>> -> memref<100xi32, #tpu.memory_space<vmem>>
    %dma_start3A_257 = arith.constant 0 : i32
    %dma_start3A_258 = arith.constant 0 : i32
    %dma_start3A_259 = tpu.memref_slice %arg2[%dma_start3A_257, %dma_start3A_258] : memref<10000x128xf32, #tpu.memory_space<hbm>> -> memref<10000x128xf32, #tpu.memory_space<hbm>>
    tpu.enqueue_indirect_dma source(%dma_start3A_259 : memref<10000x128xf32, #tpu.memory_space<hbm>>) target(%arg11 : memref<100x128xf32, #tpu.memory_space<vmem>>) offsets(%dma_start3A_256 : memref<100xi32, #tpu.memory_space<vmem>>) semaphore(%arg27 : memref<!tpu.dma_semaphore, #tpu.memory_space<semaphore_mem>>)
    %dma_wait3A_260 = arith.constant 1 : i32
    %dma_wait3A_261 = arith.constant 0 : i32
    %dma_wait3A_262 = tpu.memref_slice %arg7[%dma_wait3A_260, %dma_wait3A_261] : memref<6x100xi32, #tpu.memory_space<vmem>> -> memref<1x100xi32, #tpu.memory_space<vmem>>
    %dma_wait3A_263 = tpu.memref_squeeze %dma_wait3A_262 : memref<1x100xi32, #tpu.memory_space<vmem>> -> memref<100xi32, #tpu.memory_space<vmem>>
    %dma_wait3A_264 = arith.constant 0 : i32
    %dma_wait3A_265 = arith.constant 0 : i32
    %dma_wait3A_266 = tpu.memref_slice %arg2[%dma_wait3A_264, %dma_wait3A_265] : memref<10000x128xf32, #tpu.memory_space<hbm>> -> memref<10000x128xf32, #tpu.memory_space<hbm>>
    tpu.wait_indirect_dma semaphore(%arg26 : memref<!tpu.dma_semaphore, #tpu.memory_space<semaphore_mem>>) src(%dma_wait3A_266 : memref<10000x128xf32, #tpu.memory_space<hbm>>) dst(%arg10 : memref<100x128xf32, #tpu.memory_space<vmem>>)
    %dma_wait3A_267 = arith.constant 97 : i32
    %dma_wait3A_268 = arith.constant 1 : i32
    %dma_wait3A_269 = arith.constant 0 : i32
    %dma_wait3A_270 = tpu.memref_slice %arg8[%dma_wait3A_268, %dma_wait3A_269] : memref<6x100xi32, #tpu.memory_space<vmem>> -> memref<1x100xi32, #tpu.memory_space<vmem>>
    %dma_wait3A_271 = tpu.memref_squeeze %dma_wait3A_270 : memref<1x100xi32, #tpu.memory_space<vmem>> -> memref<100xi32, #tpu.memory_space<vmem>>
    %dma_wait3A_272 = arith.constant 0 : i32
    %dma_wait3A_273 = tpu.memref_slice %arg4[%add3A, %dma_wait3A_267, %dma_wait3A_272] : memref<32x100x100xi32, #tpu.memory_space<hbm>> -> memref<1x1x100xi32, #tpu.memory_space<hbm>>
    %dma_wait3A_274 = tpu.memref_squeeze %dma_wait3A_273 : memref<1x1x100xi32, #tpu.memory_space<hbm>> -> memref<100xi32, #tpu.memory_space<hbm>>
    %dma_wait3A_275 = arith.constant 0 : i32
    %dma_wait3A_276 = tpu.memref_slice %arg8[%dma_wait3A_268, %dma_wait3A_275] : memref<6x100xi32, #tpu.memory_space<vmem>> -> memref<1x100xi32, #tpu.memory_space<vmem>>
    %dma_wait3A_277 = tpu.memref_squeeze %dma_wait3A_276 : memref<1x100xi32, #tpu.memory_space<vmem>> -> memref<100xi32, #tpu.memory_space<vmem>>
    %dma_wait3A_278 = arith.constant 0 : i32
    %dma_wait3A_279 = tpu.memref_slice %arg4[%add3A, %dma_wait3A_267, %dma_wait3A_278] : memref<32x100x100xi32, #tpu.memory_space<hbm>> -> memref<1x1x100xi32, #tpu.memory_space<hbm>>
    %dma_wait3A_280 = tpu.memref_squeeze %dma_wait3A_279 : memref<1x1x100xi32, #tpu.memory_space<hbm>> -> memref<100xi32, #tpu.memory_space<hbm>>
    tpu.wait_dma2 semaphore(%arg20 : memref<!tpu.dma_semaphore, #tpu.memory_space<semaphore_mem>>) src(%dma_wait3A_280 : memref<100xi32, #tpu.memory_space<hbm>>) dst(%dma_wait3A_277 : memref<100xi32, #tpu.memory_space<vmem>>)
    %dma_start3A_281 = arith.constant 1 : i32
    %dma_start3A_282 = arith.constant 0 : i32
    %dma_start3A_283 = tpu.memref_slice %arg8[%dma_start3A_281, %dma_start3A_282] : memref<6x100xi32, #tpu.memory_space<vmem>> -> memref<1x100xi32, #tpu.memory_space<vmem>>
    %dma_start3A_284 = tpu.memref_squeeze %dma_start3A_283 : memref<1x100xi32, #tpu.memory_space<vmem>> -> memref<100xi32, #tpu.memory_space<vmem>>
    %dma_start3A_285 = arith.constant 0 : i32
    %dma_start3A_286 = arith.constant 0 : i32
    %dma_start3A_287 = tpu.memref_slice %arg12[%dma_start3A_285, %dma_start3A_286] : memref<10000x128xf32, #tpu.memory_space<vmem_shared>> -> memref<10000x128xf32, #tpu.memory_space<vmem_shared>>
    tpu.enqueue_indirect_dma source(%arg10 : memref<100x128xf32, #tpu.memory_space<vmem>>) target(%dma_start3A_287 : memref<10000x128xf32, #tpu.memory_space<vmem_shared>>) offsets(%dma_start3A_284 : memref<100xi32, #tpu.memory_space<vmem>>) semaphore(%arg29 : memref<!tpu.dma_semaphore, #tpu.memory_space<semaphore_mem>>) {add = true}
    %dma_wait3A_288 = arith.constant 1 : i32
    %dma_wait3A_289 = arith.constant 0 : i32
    %dma_wait3A_290 = tpu.memref_slice %arg8[%dma_wait3A_288, %dma_wait3A_289] : memref<6x100xi32, #tpu.memory_space<vmem>> -> memref<1x100xi32, #tpu.memory_space<vmem>>
    %dma_wait3A_291 = tpu.memref_squeeze %dma_wait3A_290 : memref<1x100xi32, #tpu.memory_space<vmem>> -> memref<100xi32, #tpu.memory_space<vmem>>
    %dma_wait3A_292 = arith.constant 0 : i32
    %dma_wait3A_293 = arith.constant 0 : i32
    %dma_wait3A_294 = tpu.memref_slice %arg12[%dma_wait3A_292, %dma_wait3A_293] : memref<10000x128xf32, #tpu.memory_space<vmem_shared>> -> memref<10000x128xf32, #tpu.memory_space<vmem_shared>>
    tpu.wait_indirect_dma semaphore(%arg28 : memref<!tpu.dma_semaphore, #tpu.memory_space<semaphore_mem>>) src(%arg9 : memref<100x128xf32, #tpu.memory_space<vmem>>) dst(%dma_wait3A_294 : memref<10000x128xf32, #tpu.memory_space<vmem_shared>>)
    %dma_wait3A_295 = arith.constant 99 : i32
    %dma_wait3A_296 = arith.constant 3 : i32
    %dma_wait3A_297 = arith.constant 0 : i32
    %dma_wait3A_298 = tpu.memref_slice %arg7[%dma_wait3A_296, %dma_wait3A_297] : memref<6x100xi32, #tpu.memory_space<vmem>> -> memref<1x100xi32, #tpu.memory_space<vmem>>
    %dma_wait3A_299 = tpu.memref_squeeze %dma_wait3A_298 : memref<1x100xi32, #tpu.memory_space<vmem>> -> memref<100xi32, #tpu.memory_space<vmem>>
    %dma_wait3A_300 = arith.constant 0 : i32
    %dma_wait3A_301 = tpu.memref_slice %arg3[%add3A, %dma_wait3A_295, %dma_wait3A_300] : memref<32x100x100xi32, #tpu.memory_space<hbm>> -> memref<1x1x100xi32, #tpu.memory_space<hbm>>
    %dma_wait3A_302 = tpu.memref_squeeze %dma_wait3A_301 : memref<1x1x100xi32, #tpu.memory_space<hbm>> -> memref<100xi32, #tpu.memory_space<hbm>>
    %dma_wait3A_303 = arith.constant 0 : i32
    %dma_wait3A_304 = tpu.memref_slice %arg7[%dma_wait3A_296, %dma_wait3A_303] : memref<6x100xi32, #tpu.memory_space<vmem>> -> memref<1x100xi32, #tpu.memory_space<vmem>>
    %dma_wait3A_305 = tpu.memref_squeeze %dma_wait3A_304 : memref<1x100xi32, #tpu.memory_space<vmem>> -> memref<100xi32, #tpu.memory_space<vmem>>
    %dma_wait3A_306 = arith.constant 0 : i32
    %dma_wait3A_307 = tpu.memref_slice %arg3[%add3A, %dma_wait3A_295, %dma_wait3A_306] : memref<32x100x100xi32, #tpu.memory_space<hbm>> -> memref<1x1x100xi32, #tpu.memory_space<hbm>>
    %dma_wait3A_308 = tpu.memref_squeeze %dma_wait3A_307 : memref<1x1x100xi32, #tpu.memory_space<hbm>> -> memref<100xi32, #tpu.memory_space<hbm>>
    tpu.wait_dma2 semaphore(%arg16 : memref<!tpu.dma_semaphore, #tpu.memory_space<semaphore_mem>>) src(%dma_wait3A_308 : memref<100xi32, #tpu.memory_space<hbm>>) dst(%dma_wait3A_305 : memref<100xi32, #tpu.memory_space<vmem>>)
    %dma_start3A_309 = arith.constant 3 : i32
    %dma_start3A_310 = arith.constant 0 : i32
    %dma_start3A_311 = tpu.memref_slice %arg7[%dma_start3A_309, %dma_start3A_310] : memref<6x100xi32, #tpu.memory_space<vmem>> -> memref<1x100xi32, #tpu.memory_space<vmem>>
    %dma_start3A_312 = tpu.memref_squeeze %dma_start3A_311 : memref<1x100xi32, #tpu.memory_space<vmem>> -> memref<100xi32, #tpu.memory_space<vmem>>
    %dma_start3A_313 = arith.constant 0 : i32
    %dma_start3A_314 = arith.constant 0 : i32
    %dma_start3A_315 = tpu.memref_slice %arg2[%dma_start3A_313, %dma_start3A_314] : memref<10000x128xf32, #tpu.memory_space<hbm>> -> memref<10000x128xf32, #tpu.memory_space<hbm>>
    tpu.enqueue_indirect_dma source(%dma_start3A_315 : memref<10000x128xf32, #tpu.memory_space<hbm>>) target(%arg9 : memref<100x128xf32, #tpu.memory_space<vmem>>) offsets(%dma_start3A_312 : memref<100xi32, #tpu.memory_space<vmem>>) semaphore(%arg25 : memref<!tpu.dma_semaphore, #tpu.memory_space<semaphore_mem>>)
    %dma_wait3A_316 = arith.constant 2 : i32
    %dma_wait3A_317 = arith.constant 0 : i32
    %dma_wait3A_318 = tpu.memref_slice %arg7[%dma_wait3A_316, %dma_wait3A_317] : memref<6x100xi32, #tpu.memory_space<vmem>> -> memref<1x100xi32, #tpu.memory_space<vmem>>
    %dma_wait3A_319 = tpu.memref_squeeze %dma_wait3A_318 : memref<1x100xi32, #tpu.memory_space<vmem>> -> memref<100xi32, #tpu.memory_space<vmem>>
    %dma_wait3A_320 = arith.constant 0 : i32
    %dma_wait3A_321 = arith.constant 0 : i32
    %dma_wait3A_322 = tpu.memref_slice %arg2[%dma_wait3A_320, %dma_wait3A_321] : memref<10000x128xf32, #tpu.memory_space<hbm>> -> memref<10000x128xf32, #tpu.memory_space<hbm>>
    tpu.wait_indirect_dma semaphore(%arg27 : memref<!tpu.dma_semaphore, #tpu.memory_space<semaphore_mem>>) src(%dma_wait3A_322 : memref<10000x128xf32, #tpu.memory_space<hbm>>) dst(%arg11 : memref<100x128xf32, #tpu.memory_space<vmem>>)
    %dma_wait3A_323 = arith.constant 98 : i32
    %dma_wait3A_324 = arith.constant 2 : i32
    %dma_wait3A_325 = arith.constant 0 : i32
    %dma_wait3A_326 = tpu.memref_slice %arg8[%dma_wait3A_324, %dma_wait3A_325] : memref<6x100xi32, #tpu.memory_space<vmem>> -> memref<1x100xi32, #tpu.memory_space<vmem>>
    %dma_wait3A_327 = tpu.memref_squeeze %dma_wait3A_326 : memref<1x100xi32, #tpu.memory_space<vmem>> -> memref<100xi32, #tpu.memory_space<vmem>>
    %dma_wait3A_328 = arith.constant 0 : i32
    %dma_wait3A_329 = tpu.memref_slice %arg4[%add3A, %dma_wait3A_323, %dma_wait3A_328] : memref<32x100x100xi32, #tpu.memory_space<hbm>> -> memref<1x1x100xi32, #tpu.memory_space<hbm>>
    %dma_wait3A_330 = tpu.memref_squeeze %dma_wait3A_329 : memref<1x1x100xi32, #tpu.memory_space<hbm>> -> memref<100xi32, #tpu.memory_space<hbm>>
    %dma_wait3A_331 = arith.constant 0 : i32
    %dma_wait3A_332 = tpu.memref_slice %arg8[%dma_wait3A_324, %dma_wait3A_331] : memref<6x100xi32, #tpu.memory_space<vmem>> -> memref<1x100xi32, #tpu.memory_space<vmem>>
    %dma_wait3A_333 = tpu.memref_squeeze %dma_wait3A_332 : memref<1x100xi32, #tpu.memory_space<vmem>> -> memref<100xi32, #tpu.memory_space<vmem>>
    %dma_wait3A_334 = arith.constant 0 : i32
    %dma_wait3A_335 = tpu.memref_slice %arg4[%add3A, %dma_wait3A_323, %dma_wait3A_334] : memref<32x100x100xi32, #tpu.memory_space<hbm>> -> memref<1x1x100xi32, #tpu.memory_space<hbm>>
    %dma_wait3A_336 = tpu.memref_squeeze %dma_wait3A_335 : memref<1x1x100xi32, #tpu.memory_space<hbm>> -> memref<100xi32, #tpu.memory_space<hbm>>
    tpu.wait_dma2 semaphore(%arg21 : memref<!tpu.dma_semaphore, #tpu.memory_space<semaphore_mem>>) src(%dma_wait3A_336 : memref<100xi32, #tpu.memory_space<hbm>>) dst(%dma_wait3A_333 : memref<100xi32, #tpu.memory_space<vmem>>)
    %dma_start3A_337 = arith.constant 2 : i32
    %dma_start3A_338 = arith.constant 0 : i32
    %dma_start3A_339 = tpu.memref_slice %arg8[%dma_start3A_337, %dma_start3A_338] : memref<6x100xi32, #tpu.memory_space<vmem>> -> memref<1x100xi32, #tpu.memory_space<vmem>>
    %dma_start3A_340 = tpu.memref_squeeze %dma_start3A_339 : memref<1x100xi32, #tpu.memory_space<vmem>> -> memref<100xi32, #tpu.memory_space<vmem>>
    %dma_start3A_341 = arith.constant 0 : i32
    %dma_start3A_342 = arith.constant 0 : i32
    %dma_start3A_343 = tpu.memref_slice %arg12[%dma_start3A_341, %dma_start3A_342] : memref<10000x128xf32, #tpu.memory_space<vmem_shared>> -> memref<10000x128xf32, #tpu.memory_space<vmem_shared>>
    tpu.enqueue_indirect_dma source(%arg11 : memref<100x128xf32, #tpu.memory_space<vmem>>) target(%dma_start3A_343 : memref<10000x128xf32, #tpu.memory_space<vmem_shared>>) offsets(%dma_start3A_340 : memref<100xi32, #tpu.memory_space<vmem>>) semaphore(%arg30 : memref<!tpu.dma_semaphore, #tpu.memory_space<semaphore_mem>>) {add = true}
    %dma_wait3A_344 = arith.constant 2 : i32
    %dma_wait3A_345 = arith.constant 0 : i32
    %dma_wait3A_346 = tpu.memref_slice %arg8[%dma_wait3A_344, %dma_wait3A_345] : memref<6x100xi32, #tpu.memory_space<vmem>> -> memref<1x100xi32, #tpu.memory_space<vmem>>
    %dma_wait3A_347 = tpu.memref_squeeze %dma_wait3A_346 : memref<1x100xi32, #tpu.memory_space<vmem>> -> memref<100xi32, #tpu.memory_space<vmem>>
    %dma_wait3A_348 = arith.constant 0 : i32
    %dma_wait3A_349 = arith.constant 0 : i32
    %dma_wait3A_350 = tpu.memref_slice %arg12[%dma_wait3A_348, %dma_wait3A_349] : memref<10000x128xf32, #tpu.memory_space<vmem_shared>> -> memref<10000x128xf32, #tpu.memory_space<vmem_shared>>
    tpu.wait_indirect_dma semaphore(%arg29 : memref<!tpu.dma_semaphore, #tpu.memory_space<semaphore_mem>>) src(%arg10 : memref<100x128xf32, #tpu.memory_space<vmem>>) dst(%dma_wait3A_350 : memref<10000x128xf32, #tpu.memory_space<vmem_shared>>)
    %dma_wait3A_351 = arith.constant 3 : i32
    %dma_wait3A_352 = arith.constant 0 : i32
    %dma_wait3A_353 = tpu.memref_slice %arg7[%dma_wait3A_351, %dma_wait3A_352] : memref<6x100xi32, #tpu.memory_space<vmem>> -> memref<1x100xi32, #tpu.memory_space<vmem>>
    %dma_wait3A_354 = tpu.memref_squeeze %dma_wait3A_353 : memref<1x100xi32, #tpu.memory_space<vmem>> -> memref<100xi32, #tpu.memory_space<vmem>>
    %dma_wait3A_355 = arith.constant 0 : i32
    %dma_wait3A_356 = arith.constant 0 : i32
    %dma_wait3A_357 = tpu.memref_slice %arg2[%dma_wait3A_355, %dma_wait3A_356] : memref<10000x128xf32, #tpu.memory_space<hbm>> -> memref<10000x128xf32, #tpu.memory_space<hbm>>
    tpu.wait_indirect_dma semaphore(%arg25 : memref<!tpu.dma_semaphore, #tpu.memory_space<semaphore_mem>>) src(%dma_wait3A_357 : memref<10000x128xf32, #tpu.memory_space<hbm>>) dst(%arg9 : memref<100x128xf32, #tpu.memory_space<vmem>>)
    %dma_wait3A_358 = arith.constant 99 : i32
    %dma_wait3A_359 = arith.constant 3 : i32
    %dma_wait3A_360 = arith.constant 0 : i32
    %dma_wait3A_361 = tpu.memref_slice %arg8[%dma_wait3A_359, %dma_wait3A_360] : memref<6x100xi32, #tpu.memory_space<vmem>> -> memref<1x100xi32, #tpu.memory_space<vmem>>
    %dma_wait3A_362 = tpu.memref_squeeze %dma_wait3A_361 : memref<1x100xi32, #tpu.memory_space<vmem>> -> memref<100xi32, #tpu.memory_space<vmem>>
    %dma_wait3A_363 = arith.constant 0 : i32
    %dma_wait3A_364 = tpu.memref_slice %arg4[%add3A, %dma_wait3A_358, %dma_wait3A_363] : memref<32x100x100xi32, #tpu.memory_space<hbm>> -> memref<1x1x100xi32, #tpu.memory_space<hbm>>
    %dma_wait3A_365 = tpu.memref_squeeze %dma_wait3A_364 : memref<1x1x100xi32, #tpu.memory_space<hbm>> -> memref<100xi32, #tpu.memory_space<hbm>>
    %dma_wait3A_366 = arith.constant 0 : i32
    %dma_wait3A_367 = tpu.memref_slice %arg8[%dma_wait3A_359, %dma_wait3A_366] : memref<6x100xi32, #tpu.memory_space<vmem>> -> memref<1x100xi32, #tpu.memory_space<vmem>>
    %dma_wait3A_368 = tpu.memref_squeeze %dma_wait3A_367 : memref<1x100xi32, #tpu.memory_space<vmem>> -> memref<100xi32, #tpu.memory_space<vmem>>
    %dma_wait3A_369 = arith.constant 0 : i32
    %dma_wait3A_370 = tpu.memref_slice %arg4[%add3A, %dma_wait3A_358, %dma_wait3A_369] : memref<32x100x100xi32, #tpu.memory_space<hbm>> -> memref<1x1x100xi32, #tpu.memory_space<hbm>>
    %dma_wait3A_371 = tpu.memref_squeeze %dma_wait3A_370 : memref<1x1x100xi32, #tpu.memory_space<hbm>> -> memref<100xi32, #tpu.memory_space<hbm>>
    tpu.wait_dma2 semaphore(%arg22 : memref<!tpu.dma_semaphore, #tpu.memory_space<semaphore_mem>>) src(%dma_wait3A_371 : memref<100xi32, #tpu.memory_space<hbm>>) dst(%dma_wait3A_368 : memref<100xi32, #tpu.memory_space<vmem>>)
    %dma_start3A_372 = arith.constant 3 : i32
    %dma_start3A_373 = arith.constant 0 : i32
    %dma_start3A_374 = tpu.memref_slice %arg8[%dma_start3A_372, %dma_start3A_373] : memref<6x100xi32, #tpu.memory_space<vmem>> -> memref<1x100xi32, #tpu.memory_space<vmem>>
    %dma_start3A_375 = tpu.memref_squeeze %dma_start3A_374 : memref<1x100xi32, #tpu.memory_space<vmem>> -> memref<100xi32, #tpu.memory_space<vmem>>
    %dma_start3A_376 = arith.constant 0 : i32
    %dma_start3A_377 = arith.constant 0 : i32
    %dma_start3A_378 = tpu.memref_slice %arg12[%dma_start3A_376, %dma_start3A_377] : memref<10000x128xf32, #tpu.memory_space<vmem_shared>> -> memref<10000x128xf32, #tpu.memory_space<vmem_shared>>
    tpu.enqueue_indirect_dma source(%arg9 : memref<100x128xf32, #tpu.memory_space<vmem>>) target(%dma_start3A_378 : memref<10000x128xf32, #tpu.memory_space<vmem_shared>>) offsets(%dma_start3A_375 : memref<100xi32, #tpu.memory_space<vmem>>) semaphore(%arg28 : memref<!tpu.dma_semaphore, #tpu.memory_space<semaphore_mem>>) {add = true}
    %dma_wait3A_379 = arith.constant 3 : i32
    %dma_wait3A_380 = arith.constant 0 : i32
    %dma_wait3A_381 = tpu.memref_slice %arg8[%dma_wait3A_379, %dma_wait3A_380] : memref<6x100xi32, #tpu.memory_space<vmem>> -> memref<1x100xi32, #tpu.memory_space<vmem>>
    %dma_wait3A_382 = tpu.memref_squeeze %dma_wait3A_381 : memref<1x100xi32, #tpu.memory_space<vmem>> -> memref<100xi32, #tpu.memory_space<vmem>>
    %dma_wait3A_383 = arith.constant 0 : i32
    %dma_wait3A_384 = arith.constant 0 : i32
    %dma_wait3A_385 = tpu.memref_slice %arg12[%dma_wait3A_383, %dma_wait3A_384] : memref<10000x128xf32, #tpu.memory_space<vmem_shared>> -> memref<10000x128xf32, #tpu.memory_space<vmem_shared>>
    tpu.wait_indirect_dma semaphore(%arg30 : memref<!tpu.dma_semaphore, #tpu.memory_space<semaphore_mem>>) src(%arg11 : memref<100x128xf32, #tpu.memory_space<vmem>>) dst(%dma_wait3A_385 : memref<10000x128xf32, #tpu.memory_space<vmem_shared>>)
    %dma_wait3A_386 = arith.constant 0 : i32
    %dma_wait3A_387 = arith.constant 0 : i32
    %dma_wait3A_388 = tpu.memref_slice %arg8[%dma_wait3A_386, %dma_wait3A_387] : memref<6x100xi32, #tpu.memory_space<vmem>> -> memref<1x100xi32, #tpu.memory_space<vmem>>
    %dma_wait3A_389 = tpu.memref_squeeze %dma_wait3A_388 : memref<1x100xi32, #tpu.memory_space<vmem>> -> memref<100xi32, #tpu.memory_space<vmem>>
    %dma_wait3A_390 = arith.constant 0 : i32
    %dma_wait3A_391 = arith.constant 0 : i32
    %dma_wait3A_392 = tpu.memref_slice %arg12[%dma_wait3A_390, %dma_wait3A_391] : memref<10000x128xf32, #tpu.memory_space<vmem_shared>> -> memref<10000x128xf32, #tpu.memory_space<vmem_shared>>
    tpu.wait_indirect_dma semaphore(%arg28 : memref<!tpu.dma_semaphore, #tpu.memory_space<semaphore_mem>>) src(%arg9 : memref<100x128xf32, #tpu.memory_space<vmem>>) dst(%dma_wait3A_392 : memref<10000x128xf32, #tpu.memory_space<vmem_shared>>)
    %barrier3A_393 = arith.constant 0 : index
    tpu.barrier barrier_id(%barrier3A_393)
    "tpu.region"() ({
      %run_scoped3A = tpu.sem_alloc : memref<!tpu.dma_semaphore, #tpu.memory_space<semaphore_mem>>
      %dma_start3A_399 = arith.constant 0 : i32
      %dma_start3A_400 = tpu.memref_slice %arg6[%arg0, %mul3A_2, %dma_start3A_399] : memref<2x10000x128xf32, #tpu.memory_space<hbm>> -> memref<1x624x128xf32, #tpu.memory_space<hbm>>
      %dma_start3A_401 = tpu.memref_squeeze %dma_start3A_400 : memref<1x624x128xf32, #tpu.memory_space<hbm>> -> memref<624x128xf32, #tpu.memory_space<hbm>>
      %dma_start3A_402 = arith.constant 0 : i32
      %dma_start3A_403 = tpu.memref_slice %arg12[%mul3A_2, %dma_start3A_402] : memref<10000x128xf32, #tpu.memory_space<vmem_shared>> -> memref<624x128xf32, #tpu.memory_space<vmem_shared>>
      tpu.enqueue_dma source(%dma_start3A_403 : memref<624x128xf32, #tpu.memory_space<vmem_shared>>) target(%dma_start3A_401 : memref<624x128xf32, #tpu.memory_space<hbm>>) target_semaphore(%run_scoped3A : memref<!tpu.dma_semaphore, #tpu.memory_space<semaphore_mem>>)
      %dma_wait3A_404 = arith.constant 0 : i32
      %dma_wait3A_405 = tpu.memref_slice %arg6[%arg0, %mul3A_2, %dma_wait3A_404] : memref<2x10000x128xf32, #tpu.memory_space<hbm>> -> memref<1x624x128xf32, #tpu.memory_space<hbm>>
      %dma_wait3A_406 = tpu.memref_squeeze %dma_wait3A_405 : memref<1x624x128xf32, #tpu.memory_space<hbm>> -> memref<624x128xf32, #tpu.memory_space<hbm>>
      %dma_wait3A_407 = arith.constant 0 : i32
      %dma_wait3A_408 = tpu.memref_slice %arg12[%mul3A_2, %dma_wait3A_407] : memref<10000x128xf32, #tpu.memory_space<vmem_shared>> -> memref<624x128xf32, #tpu.memory_space<vmem_shared>>
      tpu.wait_dma2 semaphore(%run_scoped3A : memref<!tpu.dma_semaphore, #tpu.memory_space<semaphore_mem>>) src(%dma_wait3A_408 : memref<624x128xf32, #tpu.memory_space<vmem_shared>>) dst(%dma_wait3A_406 : memref<624x128xf32, #tpu.memory_space<hbm>>)
      tpu.yield
    }) : () -> ()
    %eq3A_394 = arith.constant 15 : i32
    %eq3A_395 = arith.cmpi eq, %arg1, %eq3A_394 : i32
    %convert_element_type3A_396 = arith.extui %eq3A_395 : i1 to i32
    %cond3A_397 = arith.constant 0 : i32
    %cond3A_398 = arith.cmpi ne, %convert_element_type3A_396, %cond3A_397 : i32
    scf.if %cond3A_398 {
      "tpu.region"() ({
        %run_scoped3A = tpu.sem_alloc : memref<!tpu.dma_semaphore, #tpu.memory_space<semaphore_mem>>
        %dma_start3A_399 = arith.constant 9984 : i32
        %dma_start3A_400 = arith.constant 0 : i32
        %dma_start3A_401 = tpu.memref_slice %arg6[%arg0, %dma_start3A_399, %dma_start3A_400] : memref<2x10000x128xf32, #tpu.memory_space<hbm>> -> memref<1x16x128xf32, #tpu.memory_space<hbm>>
        %dma_start3A_402 = tpu.memref_squeeze %dma_start3A_401 : memref<1x16x128xf32, #tpu.memory_space<hbm>> -> memref<16x128xf32, #tpu.memory_space<hbm>>
        %dma_start3A_403 = arith.constant 9984 : i32
        %dma_start3A_404 = arith.constant 0 : i32
        %dma_start3A_405 = tpu.memref_slice %arg12[%dma_start3A_403, %dma_start3A_404] : memref<10000x128xf32, #tpu.memory_space<vmem_shared>> -> memref<16x128xf32, #tpu.memory_space<vmem_shared>>
        tpu.enqueue_dma source(%dma_start3A_405 : memref<16x128xf32, #tpu.memory_space<vmem_shared>>) target(%dma_start3A_402 : memref<16x128xf32, #tpu.memory_space<hbm>>) target_semaphore(%run_scoped3A : memref<!tpu.dma_semaphore, #tpu.memory_space<semaphore_mem>>)
        %dma_wait3A_406 = arith.constant 9984 : i32
        %dma_wait3A_407 = arith.constant 0 : i32
        %dma_wait3A_408 = tpu.memref_slice %arg6[%arg0, %dma_wait3A_406, %dma_wait3A_407] : memref<2x10000x128xf32, #tpu.memory_space<hbm>> -> memref<1x16x128xf32, #tpu.memory_space<hbm>>
        %dma_wait3A_409 = tpu.memref_squeeze %dma_wait3A_408 : memref<1x16x128xf32, #tpu.memory_space<hbm>> -> memref<16x128xf32, #tpu.memory_space<hbm>>
        %dma_wait3A_410 = arith.constant 9984 : i32
        %dma_wait3A_411 = arith.constant 0 : i32
        %dma_wait3A_412 = tpu.memref_slice %arg12[%dma_wait3A_410, %dma_wait3A_411] : memref<10000x128xf32, #tpu.memory_space<vmem_shared>> -> memref<16x128xf32, #tpu.memory_space<vmem_shared>>
        tpu.wait_dma2 semaphore(%run_scoped3A : memref<!tpu.dma_semaphore, #tpu.memory_space<semaphore_mem>>) src(%dma_wait3A_412 : memref<16x128xf32, #tpu.memory_space<vmem_shared>>) dst(%dma_wait3A_409 : memref<16x128xf32, #tpu.memory_space<hbm>>)
        tpu.yield
      }) : () -> ()
    } else {
    }
    return
  }
}

module attributes {stable_mosaic.version = 14 : i64} {
  func.func @body(%arg0: i32, %arg1: memref<2x5000x128xf32, #tpu.memory_space<vmem>>, %arg2: memref<128x128xf32, #tpu.memory_space<vmem>>, %arg3: memref<1x128xf32, #tpu.memory_space<vmem>>, %arg4: memref<5000x128xf32, #tpu.memory_space<vmem>>) attributes {dimension_semantics = [#tpu.dimension_semantics<arbitrary>], iteration_bounds = array<i64: 2>, scalar_prefetch = 0 : i64, scratch_operands = 0 : i64, tpu.core_type = #tpu.core_type<tc>, window_params = [{transform_indices = @transform_0, window_bounds = array<i64: 2, 5000, 128>}, {pipeline_mode = #tpu.pipeline_mode<synchronous>, transform_indices = @transform_1, window_bounds = array<i64: 128, 128>}, {pipeline_mode = #tpu.pipeline_mode<synchronous>, transform_indices = @transform_2, window_bounds = array<i64: 1, 128>}, {transform_indices = @transform_3, window_bounds = array<i64: 5000, 128>}]} {
    %get3A = arith.constant 0 : index
    %get3A_0 = arith.constant 0 : index
    %get3A_1 = arith.constant 0 : index
    %get3A_2 = vector.load %arg1[%get3A, %get3A_0, %get3A_1] : memref<2x5000x128xf32, #tpu.memory_space<vmem>>, vector<1x5000x128xf32>
    %get3A_3 = vector.shape_cast %get3A_2 : vector<1x5000x128xf32> to vector<5000x128xf32>
    %get3A_4 = arith.constant 1 : index
    %get3A_5 = arith.constant 0 : index
    %get3A_6 = arith.constant 0 : index
    %get3A_7 = vector.load %arg1[%get3A_4, %get3A_5, %get3A_6] : memref<2x5000x128xf32, #tpu.memory_space<vmem>>, vector<1x5000x128xf32>
    %get3A_8 = vector.shape_cast %get3A_7 : vector<1x5000x128xf32> to vector<5000x128xf32>
    %add3A = arith.addf %get3A_3, %get3A_8 : vector<5000x128xf32>
    %get3A_9 = arith.constant 0 : index
    %get3A_10 = arith.constant 0 : index
    %get3A_11 = vector.load %arg2[%get3A_9, %get3A_10] : memref<128x128xf32, #tpu.memory_space<vmem>>, vector<128x128xf32>
    %dot_general3A = arith.constant dense<0.000000e+00> : vector<5000x128xf32>
    %dot_general3A_12 = tpu.matmul %add3A, %get3A_11, %dot_general3A {dimension_numbers = #tpu.dot_dimension_numbers<[1], [0], [0], [1], [0, 0, 1, 1], [], []>, transpose_lhs_hint = false} : vector<5000x128xf32>, vector<128x128xf32>, vector<5000x128xf32> -> vector<5000x128xf32>
    %get3A_13 = arith.constant 0 : index
    %get3A_14 = arith.constant 0 : index
    %get3A_15 = vector.load %arg3[%get3A_13, %get3A_14] : memref<1x128xf32, #tpu.memory_space<vmem>>, vector<1x128xf32>
    %add3A_16 = vector.broadcast %get3A_15 : vector<1x128xf32> to vector<5000x128xf32>
    %add3A_17 = arith.addf %dot_general3A_12, %add3A_16 : vector<5000x128xf32>
    %max3A = arith.constant 0.000000e+00 : f32
    %max3A_18 = vector.broadcast %max3A : f32 to vector<5000x128xf32>
    %max3A_19 = arith.maximumf %add3A_17, %max3A_18 : vector<5000x128xf32>
    %swap3A = arith.constant 0 : index
    %swap3A_20 = arith.constant 0 : index
    %swap3A_21 = vector.load %arg4[%swap3A, %swap3A_20] : memref<5000x128xf32, #tpu.memory_space<vmem>>, vector<5000x128xf32>
    tpu.vector_store %arg4[%swap3A, %swap3A_20], %max3A_19 {strides = array<i32>} : memref<5000x128xf32, #tpu.memory_space<vmem>>, vector<5000x128xf32>,
    return
  }
  func.func @transform_0(%arg0: i32) -> (i32, i32, i32) {
    %c0_i32 = arith.constant 0 : i32
    %c0_i32_0 = arith.constant 0 : i32
    %c0_i32_1 = arith.constant 0 : i32
    return %c0_i32, %arg0, %c0_i32_0 : i32, i32, i32
  }
  func.func @transform_1(%arg0: i32) -> (i32, i32) {
    %c0_i32 = arith.constant 0 : i32
    %c0_i32_0 = arith.constant 0 : i32
    %c0_i32_1 = arith.constant 0 : i32
    return %c0_i32, %c0_i32_0 : i32, i32
  }
  func.func @transform_2(%arg0: i32) -> (i32, i32) {
    %c0_i32 = arith.constant 0 : i32
    %c0_i32_0 = arith.constant 0 : i32
    %c0_i32_1 = arith.constant 0 : i32
    return %c0_i32, %c0_i32_0 : i32, i32
  }
  func.func @transform_3(%arg0: i32) -> (i32, i32) {
    %c0_i32 = arith.constant 0 : i32
    %c0_i32_0 = arith.constant 0 : i32
    return %arg0, %c0_i32 : i32, i32
  }
}

module attributes {stable_mosaic.version = 14 : i64} {
  func.func @body(%arg0: i32, %arg1: memref<2x5000x128xf32, #tpu.memory_space<vmem>>, %arg2: memref<128x64xf32, #tpu.memory_space<vmem>>, %arg3: memref<1x64xf32, #tpu.memory_space<vmem>>, %arg4: memref<5000x64xf32, #tpu.memory_space<vmem>>) attributes {dimension_semantics = [#tpu.dimension_semantics<arbitrary>], iteration_bounds = array<i64: 2>, scalar_prefetch = 0 : i64, scratch_operands = 0 : i64, tpu.core_type = #tpu.core_type<tc>, window_params = [{transform_indices = @transform_0, window_bounds = array<i64: 2, 5000, 128>}, {pipeline_mode = #tpu.pipeline_mode<synchronous>, transform_indices = @transform_1, window_bounds = array<i64: 128, 64>}, {pipeline_mode = #tpu.pipeline_mode<synchronous>, transform_indices = @transform_2, window_bounds = array<i64: 1, 64>}, {transform_indices = @transform_3, window_bounds = array<i64: 5000, 64>}]} {
    %get3A = arith.constant 0 : index
    %get3A_0 = arith.constant 0 : index
    %get3A_1 = arith.constant 0 : index
    %get3A_2 = vector.load %arg1[%get3A, %get3A_0, %get3A_1] : memref<2x5000x128xf32, #tpu.memory_space<vmem>>, vector<1x5000x128xf32>
    %get3A_3 = vector.shape_cast %get3A_2 : vector<1x5000x128xf32> to vector<5000x128xf32>
    %get3A_4 = arith.constant 1 : index
    %get3A_5 = arith.constant 0 : index
    %get3A_6 = arith.constant 0 : index
    %get3A_7 = vector.load %arg1[%get3A_4, %get3A_5, %get3A_6] : memref<2x5000x128xf32, #tpu.memory_space<vmem>>, vector<1x5000x128xf32>
    %get3A_8 = vector.shape_cast %get3A_7 : vector<1x5000x128xf32> to vector<5000x128xf32>
    %add3A = arith.addf %get3A_3, %get3A_8 : vector<5000x128xf32>
    %get3A_9 = arith.constant 0 : index
    %get3A_10 = arith.constant 0 : index
    %get3A_11 = vector.load %arg2[%get3A_9, %get3A_10] : memref<128x64xf32, #tpu.memory_space<vmem>>, vector<128x64xf32>
    %dot_general3A = arith.constant dense<0.000000e+00> : vector<5000x64xf32>
    %dot_general3A_12 = tpu.matmul %add3A, %get3A_11, %dot_general3A {dimension_numbers = #tpu.dot_dimension_numbers<[1], [0], [0], [1], [0, 0, 1, 1], [], []>, transpose_lhs_hint = false} : vector<5000x128xf32>, vector<128x64xf32>, vector<5000x64xf32> -> vector<5000x64xf32>
    %get3A_13 = arith.constant 0 : index
    %get3A_14 = arith.constant 0 : index
    %get3A_15 = vector.load %arg3[%get3A_13, %get3A_14] : memref<1x64xf32, #tpu.memory_space<vmem>>, vector<1x64xf32>
    %add3A_16 = vector.broadcast %get3A_15 : vector<1x64xf32> to vector<5000x64xf32>
    %add3A_17 = arith.addf %dot_general3A_12, %add3A_16 : vector<5000x64xf32>
    %swap3A = arith.constant 0 : index
    %swap3A_18 = arith.constant 0 : index
    %swap3A_19 = vector.load %arg4[%swap3A, %swap3A_18] : memref<5000x64xf32, #tpu.memory_space<vmem>>, vector<5000x64xf32>
    tpu.vector_store %arg4[%swap3A, %swap3A_18], %add3A_17 {strides = array<i32>} : memref<5000x64xf32, #tpu.memory_space<vmem>>, vector<5000x64xf32>,
    return
  }
  func.func @transform_0(%arg0: i32) -> (i32, i32, i32) {
    %c0_i32 = arith.constant 0 : i32
    %c0_i32_0 = arith.constant 0 : i32
    %c0_i32_1 = arith.constant 0 : i32
    return %c0_i32, %arg0, %c0_i32_0 : i32, i32, i32
  }
  func.func @transform_1(%arg0: i32) -> (i32, i32) {
    %c0_i32 = arith.constant 0 : i32
    %c0_i32_0 = arith.constant 0 : i32
    %c0_i32_1 = arith.constant 0 : i32
    return %c0_i32, %c0_i32_0 : i32, i32
  }
  func.func @transform_2(%arg0: i32) -> (i32, i32) {
    %c0_i32 = arith.constant 0 : i32
    %c0_i32_0 = arith.constant 0 : i32
    %c0_i32_1 = arith.constant 0 : i32
    return %c0_i32, %c0_i32_0 : i32, i32
  }
  func.func @transform_3(%arg0: i32) -> (i32, i32) {
    %c0_i32 = arith.constant 0 : i32
    %c0_i32_0 = arith.constant 0 : i32
    return %arg0, %c0_i32 : i32, i32
  }
}

</mosaic_0001>

<sc_bundles>
// kernel: kernel.6.cloned.1.call-start
scs
__scs_entry_jumppad:
0x0: {  	(pc) =	sbr.rel $0x88, $3  }
0x1: {  	(tag) =	ssettag $0x0;
	lr =	simm.s32 $0x1  }
0x2: {  	[smem:$0x3F9B] =	sst lr;
	_ =	strace $0xD0000000  }
0x3: {  	_ = 	snop  }
0x4: {  	_ = 	snop  }
0x5: {  	_ = 	snop  }
0x6: {  	_ = 	snop  }
0x7: {  	_ = 	snop  }
__scs_overlays_trampoline_lowered:
0x8: {  	[smem:$0x3FAA] =	sst s0  }
0x9: {  	[smem:$0x3FAB] =	sst s1  }
0xa: {  	[smem:$0x3FAC] =	sst s2  }
0xb: {  	[smem:$0x3FAD] =	sst s3  }
0xc: {  	[smem:$0x3FAE] =	sst s4  }
0xd: {  	[smem:$0x3FAF] =	sst s5  }
0xe: {  	[smem:$0x3FB0] =	sst s6  }
0xf: {  	[smem:$0x3FB1] =	sst s7  }
0x10: {  	[smem:$0x3FB2] =	sst s8  }
0x11: {  	[smem:$0x3FB3] =	sst s9;
	s0 =	simm.s32 @!p0 $0x0  }
0x12: {  	s1 =	sld [smem:$0x3F99];
	s0 =	simm.s32 @p0 $0x1  }
0x13: {  	[smem:$0x3FB4] =	sst s0;
	s0 =	simm.s32 @!p1 $0x0  }
0x14: {  	s2 =	sld [smem:$0x3F98];
	s0 =	simm.s32 @p1 $0x1  }
0x15: {  	[smem:$0x3FB5] =	sst s0;
	s0 =	simm.s32 @!p2 $0x0  }
0x16: {  	s3 =	sld [smem:$0x3FDB];
	s0 =	simm.s32 @p2 $0x1  }
0x17: {  	s4 =	simm.s32 $0x1BF5;
	[smem:$0x3FB7] =	sst s0  }
0x18: {  	s0 =	sld [smem:$0x3F9A];
	_ =	swait.ge [sflag:s4], $0x0  }
0x19: {  	s7 =	sld [smem:$0x3F9B]  }
0x1a: {  	s8 =	sadd.s32 $0xFFFFE003, lr  }
0x1b: {  	s9 =	sadd.s32 $0xFFFFFEF7, lr;
	s5 =	simm.s32 $0xFFFFFFFF;
	p2 =	slt.u32 s8, $0xFFFFF086  }
0x1c: {  	p1 =	slt.u32 s9, $0xF7A;
	s5 =	simm.s32 @!p2 $0x0  }
0x1d: {  	s5 =	simm.s32 @p1 $0x1;
	p0 =	seq.s32 s7, s2  }
0x1e: {  	s7 =	smul.u32 @!p0 $0xF7A, s2;
	p2 =	seq.s32 @!p0 s5, $0x0  }
0x1f: {  	s9 =	smul.u32 $0xF7A, s1;
	s8 =	simm.s32 @!p0 $0x1BF5;
	p2 =	por !p2, p0  }
0x20: {  	[sflag:s8] =	ssyncset.s32 @!p0 $0xFFFFF086;
	s6 =	sadd.s32 @!p0 s3, s7;
	s7 =	simm.s32 @!p0 $0x108  }
0x21: {  	s3 =	sadd.s32 s3, s9;
	s6 =	sadd.s32 @!p0 $0x88, s6;
	s7 =	simm.s32 @p2 $0x1082  }
0x22: {  	[simem:s7], [sflag:s8] =	dma.local @!p0 [hbm:s6], $0xF7A  }
0x23: {  	s9 =	sor.u32 $0xD0000000, s2;
	s6 =	simm.s32 $0x108;
	_ =	swait.ge @!p0 [sflag:s8], $0x0  }
0x24: {  	s3 =	sadd.s32 $0x88, s3;
	s6 =	simm.s32 @!p1 $0x1082;
	[sflag:s4] =	ssyncset.s32 $0xFFFFF086  }
0x25: {  	[simem:s6], [sflag:s4] =	dma.local [hbm:s3], $0xF7A  }
0x26: {  	[smem:$0x3F9B] =	sst s1;
	(tag) =	ssettag s2;
	_ =	strace s9  }
0x27: {  	s1 =	sld [smem:$0x3FAB]  }
0x28: {  	s2 =	sld [smem:$0x3FAC]  }
0x29: {  	s4 =	sld [smem:$0x3FAE]  }
0x2a: {  	p0 =	seq.s32 s5, $0x0;
	s5 =	sld [smem:$0x3FAF]  }
0x2b: {  	s6 =	sld [smem:$0x3FB0]  }
0x2c: {  	s7 =	sld [smem:$0x3FB1]  }
0x2d: {  	s3 =	simm.s32 $0x108;
	s8 =	sld [smem:$0x3FB2]  }
0x2e: {  	s3 =	simm.s32 @!p0 $0x1082;
	s9 =	sld [smem:$0x3FB3]  }
0x2f: {  	lr =	sadd.s32 s0, s3;
	s0 =	sld [smem:$0x3FAA]  }
0x30: {  	s3 =	sld [smem:$0x3FAD]  }
0x31: {  	[smem:$0x3FB6] =	sst s10  }
0x32: {  	s10 =	sld [smem:$0x3FB4];
	_ =	sdelay $0x3  }
0x33: {  	p0 =	seq.s32 s10, $0x1;
	s10 =	sld [smem:$0x3FB6];
	_ =	sdelay $0x3  }
0x34: {  	[smem:$0x3FB6] =	sst s10  }
0x35: {  	s10 =	sld [smem:$0x3FB5];
	_ =	sdelay $0x3  }
0x36: {  	p1 =	seq.s32 s10, $0x1;
	s10 =	sld [smem:$0x3FB6];
	_ =	sdelay $0x3  }
0x37: {  	[smem:$0x3FB6] =	sst s10  }
0x38: {  	s10 =	sld [smem:$0x3FB7]  }
0x39: {  	_ = 	snop;
	(pc) =	sbr.ind lr, $3  }
0x3a: {  	_ = 	snop  }
0x3b: {  	_ = 	snop  }
0x3c: {  	p2 =	seq.s32 s10, $0x1;
	s10 =	sld [smem:$0x3FB6]  }
0x3d: {  	_ =	shalt  }
0x3e: {  	_ =	shalt  }
0x3f: {  	_ =	shalt  }
0x40: {  	_ =	shalt  }
0x41: {  	_ =	shalt  }
0x42: {  	_ =	shalt  }
0x43: {  	_ =	shalt  }
0x44: {  	_ =	shalt  }
0x45: {  	_ =	shalt  }
0x46: {  	_ =	shalt  }
0x47: {  	_ =	shalt  }
0x48: {  	_ =	shalt  }
0x49: {  	_ =	shalt  }
0x4a: {  	_ =	shalt  }
0x4b: {  	_ =	shalt  }
0x4c: {  	_ =	shalt  }
0x4d: {  	_ =	shalt  }
0x4e: {  	_ =	shalt  }
0x4f: {  	_ =	shalt  }
0x50: {  	_ =	shalt  }
0x51: {  	_ =	shalt  }
0x52: {  	_ =	shalt  }
0x53: {  	_ =	shalt  }
0x54: {  	_ =	shalt  }
0x55: {  	_ =	shalt  }
0x56: {  	_ =	shalt  }
0x57: {  	_ =	shalt  }
0x58: {  	_ =	shalt  }
0x59: {  	_ =	shalt  }
0x5a: {  	_ =	shalt  }
0x5b: {  	_ =	shalt  }
0x5c: {  	_ =	shalt  }
0x5d: {  	_ =	shalt  }
0x5e: {  	_ =	shalt  }
0x5f: {  	_ =	shalt  }
0x60: {  	_ =	shalt  }
0x61: {  	_ =	shalt  }
0x62: {  	_ =	shalt  }
0x63: {  	_ =	shalt  }
0x64: {  	_ =	shalt  }
0x65: {  	_ =	shalt  }
0x66: {  	_ =	shalt  }
0x67: {  	_ =	shalt  }
0x68: {  	_ =	shalt  }
0x69: {  	_ =	shalt  }
0x6a: {  	_ =	shalt  }
0x6b: {  	_ =	shalt  }
0x6c: {  	_ =	shalt  }
0x6d: {  	_ =	shalt  }
0x6e: {  	_ =	shalt  }
0x6f: {  	_ =	shalt  }
0x70: {  	_ =	shalt  }
0x71: {  	_ =	shalt  }
0x72: {  	_ =	shalt  }
0x73: {  	_ =	shalt  }
0x74: {  	_ =	shalt  }
0x75: {  	_ =	shalt  }
0x76: {  	_ =	shalt  }
0x77: {  	_ =	shalt  }
0x78: {  	_ =	shalt  }
0x79: {  	_ =	shalt  }
0x7a: {  	_ =	shalt  }
0x7b: {  	_ =	shalt  }
0x7c: {  	_ =	shalt  }
0x7d: {  	_ =	shalt  }
0x7e: {  	_ =	shalt  }
0x7f: {  	_ =	shalt  }
0x80: {  	_ =	shalt  }
0x81: {  	_ =	shalt  }
0x82: {  	_ =	shalt  }
0x83: {  	_ =	shalt  }
0x84: {  	_ =	shalt  }
0x85: {  	_ =	shalt  }
0x86: {  	_ =	shalt  }
0x87: {  	_ =	shalt  }
.Lfunc_end0:
.L_simem_size_0:
called_computation_lowered:
.L_overlay_start_0:
0x88: {  	s2 =	sld [smem:$0x3FD9]  }
0x89: {  	s3 =	sld [smem:$0x3FFE];
	_ =	sdelay $0x1  }
0x8a: {  	s1 =	srdreg.scid  }
0x8b: {  	s0 =	sand.u32 $0x1, s1  }
0x8c: {  	s17 =	sshll.u32 s0, $0xA;
	s2 =	sadd.s32 s3, s2  }
0x8d: {  	s2 =	sadd.s32 s2, s17  }
0x8e: {  	[smem:$0x3FC2] =	sst s2  }
0x8f: {  	_ = 	snop  }
0x90: {  	s2 =	sld [smem:$0x3FC9]  }
0x91: {  	s18 =	sld [smem:$0x3FD0];
	(tm) =	ssettm $0x1  }
0x92: {  	s4 =	sld [smem:$0x3FFB];
	_ =	sdelay $0x3  }
0x93: {  	_ =	strace s4  }
0x94: {  	s4 =	sld [smem:$0x3FFC];
	_ =	sdelay $0x3  }
0x95: {  	_ =	strace s4  }
0x96: {  	s4 =	sld [smem:$0x3FFD];
	_ =	sdelay $0x3  }
0x97: {  	_ =	strace s4  }
0x98: {  	_ =	strace $0x8FFFFFFF  }
0x99: {  	s19 =	sld [smem:$0x3FDB];
	_ =	sdelay $0x1  }
0x9a: {  	s5 =	simm.s32 $_scs_section_size  }
0x9b: {  	s6 =	simm.s32 $_size__tile_overlayer_lowered;
	s7 =	simm.s32 $_tile_overlayer_lowered  }
0x9c: {  	s22 =	simm.s32 $0x1BFF;
	s21 =	sshll.u32 s7, $0x1;
	s4 =	sadd.s32 s5, s19  }
0x9d: {  	s8 =	simm.s32 $0x0;
	s20 =	sshll.u32 s6, $0x1;
	s6 =	sadd.s32 s21, s4  }
0x9e: {  	[timem:s8], [sflag:s22] =	dma.local [hbm:s6], s20  }
0x9f: {  	_ =	swait.ge [sflag:s22], s20  }
0xa0: {  	s5 =	ssub.s32 $0x0, s20;
	[sflag:s22] =	ssyncset.done $0x0  }
0xa1: {  	[sflag:s22] =	ssyncadd.s32 s5;
	_ =	sdelay $0x1  }
0xa2: {  	s23 =	simm.s32 $0x1B8B  }
0xa3: {  	_ =	swait.ge [sflag:s23], $0x1  }
0xa4: {  	[sflag:s23] =	ssyncset.done $0x0  }
0xa5: {  	s25 =	simm.s32 $0x1B8E;
	s24 =	sld [smem:$0x3FFE];
	[sflag:s23] =	ssyncadd.s32 $0xFFFFFFFF  }
0xa6: {  	s26 =	simm.s32 $execute0_lowered;
	[smem:$0x3FD2] =	sst s25  }
0xa7: {  	s6 =	sshll.u32 s26, $0x1;
	_ =	strace $0x80000046;
	[dreg:$0x1] =	wrdreg $0xFFFFFFFF  }
0xa8: {  	s28 =	simm.s32 $_size_execute0_lowered;
	s4 =	sadd.s32 s4, s6;
	[dreg:$0x0] =	wrdreg $0x0  }
0xa9: {  	s6 =	sshll.u32 s28, $0x1;
	[dreg:$0x2] =	wrdreg s4  }
0xaa: {  	[dreg:$0x3] =	wrdreg s6  }
0xab: {  	[dreg:$0x4] =	wrdreg $0xC0  }
0xac: {  	_ =	task [dreg:s8], $0x5FFFF  }
0xad: {  	[dreg:$0x1] =	wrdreg $0xFFFFFFFF  }
0xae: {  	[dreg:$0x0] =	wrdreg $0x60  }
0xaf: {  	[dreg:$0x2] =	wrdreg s2  }
0xb0: {  	[dreg:$0x3] =	wrdreg s18  }
0xb1: {  	[dreg:$0x4] =	wrdreg s24  }
0xb2: {  	[dreg:$0x5] =	wrdreg $0xA4000  }
0xb3: {  	[dreg:$0x6] =	wrdreg $0x9  }
0xb4: {  	_ =	task.clear_ibuf [dreg:s8], $0x7FFFF;
	_ =	strace $0x90000046  }
0xb5: {  	s29 =	simm.s32 $0x9;
	_ =	strace $0x80000048  }
0xb6: {  	_ =	swait.ge [sflag:s29], $0x1  }
0xb7: {  	[sflag:s29] =	ssyncadd.s32 $0xFFFFFFFF  }
0xb8: {  	_ =	strace $0x90000048  }
0xb9: {  	_ =	sfence  }
0xba: {  	s30 =	sld [smem:$0x0];
	_ =	sdelay $0x2  }
0xbb: {  	s31 =	sshll.u32 s1, $0xD;
	s1 =	sshrl.u32 s1, $0x2  }
0xbc: {  	s3 =	sand.u32 $0x4000, s31;
	s1 =	sadd.s32 s1, s30  }
0xbd: {  	s0 =	sor.u32 s3, s0;
	s1 =	sshll.u32 s1, $0x11  }
0xbe: {  	s0 =	sor.u32 s1, s0  }
0xbf: {  	s0 =	sadd.s32 $0x8F2B, s0  }
0xc0: {  	[sflag:s0] =	ssyncadd.remote.s32 $0x1  }
0xc1: {  	_ =	sfence.sel $0xFFFF  }
0xc2: {  	[dreg:$0x0] =	wrdreg $0xFFFFFFFF;
	(pc) =	sbr.abs _section_cstart, $3  }
0xc3: {  	[dreg:$0x1] =	wrdreg $0xFFFFFFFF  }
0xc4: {  	_ =	task.clear_ibuf [dreg:s8], $0x2FFFF;
	_ =	strace $0x9FFFFFFF  }
0xc5: {  	(tm) =	ssettm $0x7FFFFFFF  }
tec
execute0_lowered:
.L_overlay_start_1:
0x0: {  	(tag) =	ssettag $0x1  }
0x1: {  	s21 =	rddreg [dreg:$0x1]  }
0x2: {  	s0 =	rddreg [dreg:$0x2]  }
0x3: {  	s1 =	rddreg [dreg:$0x3];
	s5 =	simm.s32 $0x0;
	s18 =	stileid.u32  }
0x4: {  	s3 =	srdreg.scid;
	s31 =	simm.s32 $0x11;
	s8 =	smul.u32 $0x13800, s18  }
0x5: {  	s3 =	sand.u32 $0x1, s3;
	s6 =	sshll.u32 s18, $0x1;
	[smem:$0x7FF] =	sst s5  }
0x6: {  	s7 =	sadd.s32 $0xE00, s0;
	s11 =	sadd.s32 $0x35000, s0;
	s28 =	sadd.s32 $0x138000, s1  }
0x7: {  	s6 =	sor.u32 s3, s6;
	_ =	strace $0x80000047;
	s10 =	ssub.s32 $0x2, s3  }
0x8: {  	s3 =	smul.u32 $0x138800, s3;
	[dreg:$0x13] =	wrdreg s28;
	s9 =	sshrl.u32 s8, $0x3  }
0x9: {  	s6 =	smul.u32 $0x3400, s6;
	s12 =	sshrl.u32 s10, $0x1;
	s9 =	sadd.s32 s9, s0  }
0xa: {  	s10 =	ssub.s32 s10, s12;
	s8 =	sadd.s32 s8, s3;
	s3 =	sshrl.u32 s3, $0x3  }
0xb: {  	s0 =	sadd.s32 $0x34E00, s0;
	s13 =	sshrl.u32 s6, $0x3;
	s9 =	sadd.s32 $0xDE00, s9  }
0xc: {  	s8 =	sshrl.u32 s8, $0x3;
	[dreg:$0x14] =	wrdreg s0;
	s30 =	smax.u32 s10, $0x1  }
0xd: {  	s17 =	sadd.s32 s21, s13;
	s2 =	sor.u32 $0x10, s13;
	[dreg:$0x11] =	wrdreg s9  }
0xe: {  	s4 =	sor.u32 $0x20, s13;
	s15 =	sor.u32 $0x30, s13;
	[dreg:$0x16] =	wrdreg s30  }
0xf: {  	s20 =	sor.u32 $0x40, s13;
	s13 =	sadd.s32 s7, s13;
	[dreg:$0x5] =	wrdreg s17  }
0x10: {  	s3 =	sadd.s32 s11, s3;
	s8 =	sadd.s32 s11, s8;
	[dreg:$0xb] =	wrdreg s13  }
0x11: {  	s22 =	smul.u32 $0x4E000, s18;
	s29 =	sadd.s32 $0x27000, s3;
	[dreg:$0x12] =	wrdreg s8  }
0x12: {  	p0 =	sne.s32 s18, $0xF;
	s14 =	sadd.s32 s21, s2;
	[dreg:$0x15] =	wrdreg s29  }
0x13: {  	s18 =	simm.s32 $0xD;
	s16 =	sadd.s32 s21, s4;
	[dreg:$0x6] =	wrdreg s14  }
0x14: {  	s25 =	sshrl.u32 s22, $0x2;
	s19 =	sadd.s32 s21, s15;
	[dreg:$0x7] =	wrdreg s16  }
0x15: {  	s22 =	simm.s32 $0xE;
	s17 =	sadd.s32 $0x50, s17;
	[dreg:$0x8] =	wrdreg s19  }
0x16: {  	s0 =	simm.s32 $0x600;
	s12 =	sadd.s32 s7, s2;
	[dreg:$0xa] =	wrdreg s17  }
0x17: {  	s10 =	simm.s32 $0x13;
	s23 =	sadd.s32 s7, s4;
	[dreg:$0xc] =	wrdreg s12  }
0x18: {  	s3 =	simm.s32 $0x1;
	s24 =	sadd.s32 s7, s15;
	[dreg:$0xd] =	wrdreg s23  }
0x19: {  	s26 =	sadd.s32 s7, s20;
	s13 =	simm.s32 $0x64;
	[dreg:$0xe] =	wrdreg s24  }
0x1a: {  	s2 =	simm.s32 $0x0;
	s19 =	sadd.s32 s21, s20;
	[dreg:$0xf] =	wrdreg s26  }
0x1b: {  	s12 =	sadd.s32 s25, s1;
	s23 =	simm.s32 $0x200;
	s25 =	simm.s32 $0x280  }
0x1c: {  	s14 =	simm.s32 $0x680;
	s24 =	simm.s32 $0x10;
	[dreg:$0x9] =	wrdreg s19  }
0x1d: {  	s17 =	simm.s32 $0xF;
	s1 =	simm.s32 $0x6;
	[dreg:$0x10] =	wrdreg s12  }
.LBB2_1:
0x1e: {  	[dreg:$0x17] =	wrdreg s2  }
0x1f: {  	s8 =	rddreg [dreg:$0x5]  }
0x20: {  	[tilespmem:s5], [sflag:$0x1] =	stream.linear.gather [hbm4b:s8+s5], $0x80, $0x38;
	[tilespmem:$0x1DC80] =	vst v63  }
0x21: {  	s20 =	rddreg [dreg:$0x6];
	s15 =	simm.s32 $0x80  }
0x22: {  	[tilespmem:s15], [sflag:$0x2] =	stream.linear.gather [hbm4b:s20+s5], $0x80, $0x38;
	[tilespmem:$0x1DC80] =	vst v63  }
0x23: {  	s26 =	rddreg [dreg:$0x7];
	s19 =	simm.s32 $0x100  }
0x24: {  	[tilespmem:s19], [sflag:$0x3] =	stream.linear.gather [hbm4b:s26+s5], $0x80, $0x38;
	[tilespmem:$0x1DC80] =	vst v63  }
0x25: {  	s28 =	rddreg [dreg:$0x8];
	s20 =	simm.s32 $0x180  }
0x26: {  	[tilespmem:s20], [sflag:$0x4] =	stream.linear.gather [hbm4b:s28+s5], $0x80, $0x38;
	[tilespmem:$0x1DC80] =	vst v63  }
0x27: {  	s29 =	rddreg [dreg:$0x9]  }
0x28: {  	[tilespmem:s23], [sflag:$0x5] =	stream.linear.gather [hbm4b:s29+s5], $0x80, $0x38;
	[tilespmem:$0x1DC80] =	vst v63  }
0x29: {  	s30 =	rddreg [dreg:$0xa]  }
0x2a: {  	[tilespmem:s25], [sflag:$0x6] =	stream.linear.gather [hbm4b:s30+s5], $0x80, $0x38;
	[tilespmem:$0x1DC80] =	vst v63  }
0x2b: {  	s2 =	rddreg [dreg:$0xb];
	s11 =	simm.s32 $0x400  }
0x2c: {  	[tilespmem:s11], [sflag:$0x7] =	stream.linear.gather [hbm4b:s2+s5], $0x80, $0x38;
	[tilespmem:$0x1DC80] =	vst v63  }
0x2d: {  	s4 =	rddreg [dreg:$0xc];
	s26 =	simm.s32 $0x480  }
0x2e: {  	[tilespmem:s26], [sflag:$0x8] =	stream.linear.gather [hbm4b:s4+s5], $0x80, $0x38;
	[tilespmem:$0x1DC80] =	vst v63  }
0x2f: {  	s9 =	rddreg [dreg:$0xd];
	s29 =	simm.s32 $0x500  }
0x30: {  	[tilespmem:s29], [sflag:$0x9] =	stream.linear.gather [hbm4b:s9+s5], $0x80, $0x38;
	[tilespmem:$0x1DC80] =	vst v63  }
0x31: {  	s12 =	rddreg [dreg:$0xe];
	s30 =	simm.s32 $0x580  }
0x32: {  	[tilespmem:s30], [sflag:$0xA] =	stream.linear.gather [hbm4b:s12+s5], $0x80, $0x38;
	[tilespmem:$0x1DC80] =	vst v63  }
0x33: {  	s16 =	rddreg [dreg:$0xf]  }
0x34: {  	[tilespmem:s0], [sflag:$0xB] =	stream.linear.gather [hbm4b:s16+s5], $0x80, $0x38;
	[tilespmem:$0x1DC80] =	vst v63  }
0x35: {  	_ =	swait.ge [sflag:s3], $0x80  }
0x36: {  	[sflag:s3] =	ssyncset.done $0x0  }
0x37: {  	[sflag:s3] =	ssyncadd.s32 $0xFFFFFF80  }
0x38: {  	s28 =	simm.s32 $0x2;
	s16 =	simm.s32 $0x800;
	s2 =	rddreg [dreg:$0x0]  }
0x39: {  	[tilespmem:s16], [sflag:$0xD] =	stream.indirect.gather [hbm4b:s2+s13], $0x80, s5, s13, $0xb8;
	[tilespmem:$0x1DC80] =	vst v63  }
0x3a: {  	_ =	swait.ge [sflag:s28], $0x80  }
0x3b: {  	s4 =	stileid.u32;
	s9 =	rddreg [dreg:$0x10]  }
0x3c: {  	s8 =	sshll.u32 s4, $0x6;
	[sflag:s28] =	ssyncset.done $0x0;
	s12 =	rddreg [dreg:$0x11]  }
0x3d: {  	[sflag:s28] =	ssyncadd.s32 $0xFFFFFF80;
	s28 =	simm.s32 $0x3C00;
	s9 =	sshrl.u32 s9, $0x3  }
0x3e: {  	[tilespmem:s28], [sflag:$0xE] =	stream.indirect.gather [hbm4b:s2+s13], $0x80, s15, s13, $0xb8;
	[tilespmem:$0x1DC80] =	vst v63  }
0x3f: {  	s4 =	sor.u32 $0x1C13, s8;
	[dreg:$0x19] =	wrdreg s9  }
0x40: {  	[spmem:s9], [sflag:s4] =	dma.local [hbm:s12], $0x2700  }
0x41: {  	_ =	swait.ge [sflag:s10], $0x2700;
	[dreg:$0x18] =	wrdreg s4  }
0x42: {  	s8 =	rddreg [dreg:$0x13]  }
0x43: {  	[sflag:s10] =	ssyncset.done $0x0;
	s9 =	sshrl.u32 @!p0 s8, $0x3;
	s8 =	rddreg [dreg:$0x14]  }
0x44: {  	[sflag:s10] =	ssyncadd.s32 $0xFFFFD900;
	[dreg:$0x1a] =	wrdreg s9  }
0x45: {  	[spmem:s9], [sflag:s4] =	dma.local @!p0 [hbm:s8], $0x100  }
0x46: {  	s8 =	simm.s32 @!p0 $0x13  }
0x47: {  	_ =	swait.ge @!p0 [sflag:s8], $0x100  }
0x48: {  	[sflag:s8] =	ssyncset.done @!p0 $0x0  }
0x49: {  	[sflag:s8] =	ssyncadd.s32 @!p0 $0xFFFFFF00  }
0x4a: {  	[bflag:$0x0] =	sbarrier.arrive $0xFFFF  }
0x4b: {  	_ =	swait.ge [sflag:s18], $0x3200  }
0x4c: {  	[sflag:s18] =	ssyncset.done $0x0  }
0x4d: {  	s12 =	simm.s32 $0x7;
	s10 =	simm.s32 $0x280;
	[sflag:s18] =	ssyncadd.s32 $0xFFFFCE00  }
0x4e: {  	p1 =	por $0x1, $0x1;
	s4 =	sand.u32 $0x7C00, s10;
	_ =	swait.ge [sflag:s12], $0x80  }
0x4f: {  	s9 =	sadd.s32 s6, s4;
	s8 =	sand.u32 $0x380, s10;
	[sflag:s12] =	ssyncset.done $0x0  }
0x50: {  	s10 =	simm.s32 $0x300;
	s8 =	sor.u32 s8, s9;
	[sflag:s12] =	ssyncadd.s32 $0xFFFFFF80  }
0x51: {  	s9 =	simm.s32 @!p1 $0x12;
	s12 =	sand.u32 $0x7C00, s10;
	s4 =	rddreg [dreg:$0x3]  }
0x52: {  	[spmem:s4] =	stream.indirect.scatter.add.f32 [tilespmem:s16], [sflag:$0x10], $0x80, s11, s13, $0xb8;
	[tilespmem:$0x1DC80] =	vst v63  }
0x53: {  	s10 =	sand.u32 $0x300, s10;
	s12 =	sadd.s32 s6, s12;
	_ =	swait.ge @!p1 [sflag:s9], $0x3200  }
0x54: {  	s8 =	sshrl.u32 s8, $0x3;
	s10 =	sor.u32 s10, s12;
	[sflag:s9] =	ssyncset.done @!p1 $0x0  }
0x55: {  	s8 =	sadd.s32 s7, s8;
	s10 =	sshrl.u32 s10, $0x3;
	[sflag:s9] =	ssyncadd.s32 @!p1 $0xFFFFCE00  }
0x56: {  	[tilespmem:s14], [sflag:$0xC] =	stream.linear.gather [hbm4b:s8+s5], $0x80, $0x38;
	[tilespmem:$0x1DC80] =	vst v63  }
0x57: {  	s9 =	simm.s32 $0x3;
	s14 =	sadd.s32 s21, s10  }
0x58: {  	[tilespmem:s5], [sflag:$0x1] =	stream.linear.gather [hbm4b:s14+s5], $0x80, $0x38;
	[tilespmem:$0x1DC80] =	vst v63  }
0x59: {  	_ =	swait.ge [sflag:s9], $0x80  }
0x5a: {  	[sflag:s9] =	ssyncset.done $0x0  }
0x5b: {  	s14 =	simm.s32 $0x7000;
	[sflag:s9] =	ssyncadd.s32 $0xFFFFFF80  }
0x5c: {  	[tilespmem:s14], [sflag:$0xF] =	stream.indirect.gather [hbm4b:s2+s13], $0x80, s19, s13, $0xb8;
	[tilespmem:$0x1DC80] =	vst v63  }
0x5d: {  	_ =	swait.ge [sflag:s22], $0x3200  }
0x5e: {  	[sflag:s22] =	ssyncset.done $0x0  }
0x5f: {  	s12 =	simm.s32 $0x8;
	[sflag:s22] =	ssyncadd.s32 $0xFFFFCE00  }
0x60: {  	_ =	swait.ge [sflag:s12], $0x80  }
0x61: {  	s8 =	simm.s32 $0x380;
	[sflag:s12] =	ssyncset.done $0x0  }
0x62: {  	s9 =	sand.u32 $0x7C00, s8;
	[sflag:s12] =	ssyncadd.s32 $0xFFFFFF80  }
0x63: {  	[spmem:s4] =	stream.indirect.scatter.add.f32 [tilespmem:s28], [sflag:$0x11], $0x80, s26, s13, $0xb8;
	[tilespmem:$0x1DC80] =	vst v63  }
0x64: {  	s8 =	sand.u32 $0x380, s8;
	s9 =	sadd.s32 s6, s9;
	_ =	swait.ge [sflag:s24], $0x3200  }
0x65: {  	s8 =	sor.u32 s8, s9;
	[sflag:s24] =	ssyncset.done $0x0  }
0x66: {  	s10 =	sadd.s32 s7, s10;
	s8 =	sshrl.u32 s8, $0x3;
	[sflag:s24] =	ssyncadd.s32 $0xFFFFCE00  }
0x67: {  	[tilespmem:s11], [sflag:$0x7] =	stream.linear.gather [hbm4b:s10+s5], $0x80, $0x38;
	[tilespmem:$0x1DC80] =	vst v63  }
0x68: {  	s12 =	sadd.s32 s21, s8  }
0x69: {  	[tilespmem:s15], [sflag:$0x2] =	stream.linear.gather [hbm4b:s12+s5], $0x80, $0x38;
	[tilespmem:$0x1DC80] =	vst v63  }
0x6a: {  	s15 =	simm.s32 $0x4  }
0x6b: {  	_ =	swait.ge [sflag:s15], $0x80  }
0x6c: {  	[sflag:s15] =	ssyncset.done $0x0  }
0x6d: {  	[sflag:s15] =	ssyncadd.s32 $0xFFFFFF80  }
0x6e: {  	[tilespmem:s16], [sflag:$0xD] =	stream.indirect.gather [hbm4b:s2+s13], $0x80, s20, s13, $0xb8;
	[tilespmem:$0x1DC80] =	vst v63  }
0x6f: {  	_ =	swait.ge [sflag:s17], $0x3200  }
0x70: {  	[sflag:s17] =	ssyncset.done $0x0  }
0x71: {  	s10 =	simm.s32 $0x9;
	[sflag:s17] =	ssyncadd.s32 $0xFFFFCE00  }
0x72: {  	_ =	swait.ge [sflag:s10], $0x80  }
0x73: {  	s12 =	simm.s32 $0x400;
	[sflag:s10] =	ssyncset.done $0x0  }
0x74: {  	s9 =	sand.u32 $0x7C00, s12;
	s15 =	simm.s32 $0x0;
	[sflag:s10] =	ssyncadd.s32 $0xFFFFFF80  }
0x75: {  	[spmem:s4] =	stream.indirect.scatter.add.f32 [tilespmem:s14], [sflag:$0x12], $0x80, s29, s13, $0xb8;
	[tilespmem:$0x1DC80] =	vst v63  }
0x76: {  	s9 =	sadd.s32 s6, s9;
	s10 =	sand.u32 $0x300, s15;
	_ =	swait.ge [sflag:s31], $0x3200  }
0x77: {  	s9 =	sor.u32 s10, s9;
	[sflag:s31] =	ssyncset.done $0x0  }
0x78: {  	s8 =	sadd.s32 s7, s8;
	s9 =	sshrl.u32 s9, $0x3;
	[sflag:s31] =	ssyncadd.s32 $0xFFFFCE00  }
0x79: {  	[tilespmem:s26], [sflag:$0x8] =	stream.linear.gather [hbm4b:s8+s5], $0x80, $0x38;
	[tilespmem:$0x1DC80] =	vst v63  }
0x7a: {  	s11 =	simm.s32 $0x5;
	s10 =	sadd.s32 s21, s9  }
0x7b: {  	[tilespmem:s19], [sflag:$0x3] =	stream.linear.gather [hbm4b:s10+s5], $0x80, $0x38;
	[tilespmem:$0x1DC80] =	vst v63  }
0x7c: {  	_ =	swait.ge [sflag:s11], $0x80  }
0x7d: {  	[sflag:s11] =	ssyncset.done $0x0  }
0x7e: {  	[sflag:s11] =	ssyncadd.s32 $0xFFFFFF80  }
0x7f: {  	[tilespmem:s28], [sflag:$0xE] =	stream.indirect.gather [hbm4b:s2+s13], $0x80, s23, s13, $0xb8;
	[tilespmem:$0x1DC80] =	vst v63  }
0x80: {  	_ =	swait.ge [sflag:s18], $0x3200  }
0x81: {  	[sflag:s18] =	ssyncset.done $0x0  }
0x82: {  	s12 =	simm.s32 $0xA;
	[sflag:s18] =	ssyncadd.s32 $0xFFFFCE00  }
0x83: {  	_ =	swait.ge [sflag:s12], $0x80  }
0x84: {  	s15 =	simm.s32 $0x480;
	[sflag:s12] =	ssyncset.done $0x0  }
0x85: {  	s19 =	sand.u32 $0x7C00, s15;
	s23 =	simm.s32 $0x12;
	[sflag:s12] =	ssyncadd.s32 $0xFFFFFF80  }
0x86: {  	[spmem:s4] =	stream.indirect.scatter.add.f32 [tilespmem:s16], [sflag:$0x10], $0x80, s30, s13, $0xb8;
	[tilespmem:$0x1DC80] =	vst v63  }
0x87: {  	s8 =	sand.u32 $0x380, s15;
	s10 =	sadd.s32 s6, s19;
	_ =	swait.ge [sflag:s23], $0x3200  }
0x88: {  	s8 =	sor.u32 s8, s10;
	[sflag:s23] =	ssyncset.done $0x0  }
0x89: {  	s9 =	sadd.s32 s7, s9;
	s8 =	sshrl.u32 s8, $0x3;
	[sflag:s23] =	ssyncadd.s32 $0xFFFFCE00  }
0x8a: {  	[tilespmem:s29], [sflag:$0x9] =	stream.linear.gather [hbm4b:s9+s5], $0x80, $0x38;
	[tilespmem:$0x1DC80] =	vst v63  }
0x8b: {  	s26 =	sadd.s32 s21, s8  }
0x8c: {  	[tilespmem:s20], [sflag:$0x4] =	stream.linear.gather [hbm4b:s26+s5], $0x80, $0x38;
	[tilespmem:$0x1DC80] =	vst v63  }
0x8d: {  	_ =	swait.ge [sflag:s1], $0x80  }
0x8e: {  	[sflag:s1] =	ssyncset.done $0x0  }
0x8f: {  	[sflag:s1] =	ssyncadd.s32 $0xFFFFFF80  }
0x90: {  	[tilespmem:s14], [sflag:$0xF] =	stream.indirect.gather [hbm4b:s2+s13], $0x80, s25, s13, $0xb8;
	[tilespmem:$0x1DC80] =	vst v63  }
0x91: {  	_ =	swait.ge [sflag:s22], $0x3200  }
0x92: {  	[sflag:s22] =	ssyncset.done $0x0  }
0x93: {  	s29 =	simm.s32 $0xB;
	[sflag:s22] =	ssyncadd.s32 $0xFFFFCE00  }
0x94: {  	p2 =	por $0x0, $0x0;
	_ =	swait.ge [sflag:s29], $0x80  }
0x95: {  	s9 =	simm.s32 @!p2 $0x500;
	[sflag:s29] =	ssyncset.done $0x0  }
0x96: {  	s10 =	sand.u32 @!p2 $0x7C00, s9;
	[sflag:s29] =	ssyncadd.s32 $0xFFFFFF80  }
0x97: {  	[spmem:s4] =	stream.indirect.scatter.add.f32 [tilespmem:s28], [sflag:$0x11], $0x80, s0, s13, $0xb8;
	[tilespmem:$0x1DC80] =	vst v63  }
0x98: {  	s9 =	sand.u32 @!p2 $0x300, s9;
	s10 =	sadd.s32 @!p2 s6, s10;
	_ =	swait.ge [sflag:s24], $0x3200  }
0x99: {  	s9 =	sor.u32 @!p2 s9, s10;
	[sflag:s24] =	ssyncset.done $0x0  }
0x9a: {  	s8 =	sadd.s32 s7, s8;
	s10 =	sshrl.u32 @!p2 s9, $0x3;
	[sflag:s24] =	ssyncadd.s32 $0xFFFFCE00  }
0x9b: {  	[tilespmem:s30], [sflag:$0xA] =	stream.linear.gather [hbm4b:s8+s5], $0x80, $0x38;
	[tilespmem:$0x1DC80] =	vst v63  }
0x9c: {  	s12 =	simm.s32 @!p2 $0x200;
	s9 =	sadd.s32 @!p2 s21, s10;
	s8 =	simm.s32 @!p2 $0x0  }
0x9d: {  	[tilespmem:s12], [sflag:$0x5] =	stream.linear.gather @!p2 [hbm4b:s9+s8], $0x80, $0x38;
	[tilespmem:$0x1DC80] =	vst v63  }
0x9e: {  	_ =	swait.ge [sflag:s3], $0x80  }
0x9f: {  	[sflag:s3] =	ssyncset.done $0x0  }
0xa0: {  	[sflag:s3] =	ssyncadd.s32 $0xFFFFFF80  }
0xa1: {  	[tilespmem:s16], [sflag:$0xD] =	stream.indirect.gather [hbm4b:s2+s13], $0x80, s5, s13, $0xb8;
	[tilespmem:$0x1DC80] =	vst v63  }
0xa2: {  	s9 =	sand.u32 @!p2 $0x7C00, s30;
	_ =	swait.ge [sflag:s17], $0x3200  }
0xa3: {  	s12 =	sand.u32 @!p2 $0x380, s30;
	s9 =	sadd.s32 @!p2 s6, s9;
	[sflag:s17] =	ssyncset.done $0x0  }
0xa4: {  	s30 =	simm.s32 $0xC;
	s12 =	sor.u32 @!p2 s12, s9;
	[sflag:s17] =	ssyncadd.s32 $0xFFFFCE00  }
0xa5: {  	s9 =	simm.s32 $0x880;
	s15 =	sshrl.u32 @!p2 s12, $0x3;
	_ =	swait.ge [sflag:s30], $0x80  }
0xa6: {  	s12 =	sadd.s32 @!p2 s7, s10;
	s15 =	sadd.s32 @!p2 s21, s15;
	[sflag:s30] =	ssyncset.done $0x0  }
.LBB2_2:
0xa7: {  	s1 =	simm.s32 $0xC  }
0xa8: {  	[sflag:s1] =	ssyncadd.s32 $0xFFFFFF80  }
0xa9: {  	s11 =	simm.s32 $0x680;
	s4 =	simm.s32 $0x7000;
	s3 =	rddreg [dreg:$0x3]  }
0xaa: {  	[spmem:s3] =	stream.indirect.scatter.add.f32 [tilespmem:s4], [sflag:$0x12], $0x80, s11, s13, $0xb8;
	[tilespmem:$0x1DC80] =	vst v63  }
0xab: {  	_ =	swait.ge [sflag:s31], $0x3200  }
0xac: {  	[sflag:s31] =	ssyncset.done $0x0  }
0xad: {  	s20 =	simm.s32 @!p2 $0x600;
	[sflag:s31] =	ssyncadd.s32 $0xFFFFCE00  }
0xae: {  	[tilespmem:s20], [sflag:$0xB] =	stream.linear.gather @!p2 [hbm4b:s12+s8], $0x80, $0x38;
	[tilespmem:$0x1DC80] =	vst v63  }
0xaf: {  	s0 =	simm.s32 $0x2;
	s20 =	simm.s32 @!p2 $0x280  }
0xb0: {  	[tilespmem:s20], [sflag:$0x6] =	stream.linear.gather @!p2 [hbm4b:s15+s8], $0x80, $0x38;
	[tilespmem:$0x1DC80] =	vst v63  }
0xb1: {  	_ =	swait.ge [sflag:s0], $0x80  }
0xb2: {  	s10 =	smov.u32 s9;
	s28 =	simm.s32 $0x3C00;
	[sflag:s0] =	ssyncset.done $0x0  }
0xb3: {  	s26 =	simm.s32 $0x7;
	s19 =	sadd.s32 $0xFFFFFD00, s10;
	[sflag:s0] =	ssyncadd.s32 $0xFFFFFF80  }
0xb4: {  	s16 =	sadd.s32 $0xFFFFFD80, s10;
	s20 =	simm.s32 $0x80;
	s2 =	rddreg [dreg:$0x0]  }
0xb5: {  	[tilespmem:s28], [sflag:$0xE] =	stream.indirect.gather [hbm4b:s2+s13], $0x80, s20, s13, $0xb8;
	[tilespmem:$0x1DC80] =	vst v63  }
0xb6: {  	s14 =	sand.u32 $0x7C00, s19;
	s23 =	sand.u32 $0x7C00, s16;
	_ =	swait.ge [sflag:s18], $0x3200  }
0xb7: {  	s25 =	sadd.s32 s6, s23;
	s23 =	simm.s32 $0x400;
	[sflag:s18] =	ssyncset.done $0x0  }
0xb8: {  	s12 =	sadd.s32 s6, s14;
	s15 =	sand.u32 $0x380, s19;
	[sflag:s18] =	ssyncadd.s32 $0xFFFFCE00  }
0xb9: {  	p2 =	seq.s32 s10, $0x580;
	s8 =	sor.u32 s15, s12;
	_ =	swait.ge [sflag:s26], $0x80  }
0xba: {  	s15 =	sand.u32 $0x300, s16;
	s16 =	simm.s32 $0x800;
	[sflag:s26] =	ssyncset.done $0x0  }
0xbb: {  	s12 =	sor.u32 s15, s25;
	s15 =	simm.s32 @!p2 $0x12;
	[sflag:s26] =	ssyncadd.s32 $0xFFFFFF80  }
0xbc: {  	[spmem:s3] =	stream.indirect.scatter.add.f32 [tilespmem:s16], [sflag:$0x10], $0x80, s23, s13, $0xb8;
	[tilespmem:$0x1DC80] =	vst v63  }
0xbd: {  	_ =	swait.ge @!p2 [sflag:s15], $0x3200  }
0xbe: {  	s8 =	sshrl.u32 s8, $0x3;
	[sflag:s15] =	ssyncset.done @!p2 $0x0  }
0xbf: {  	s12 =	sshrl.u32 s12, $0x3;
	s8 =	sadd.s32 s7, s8;
	[sflag:s15] =	ssyncadd.s32 @!p2 $0xFFFFCE00  }
0xc0: {  	[tilespmem:s11], [sflag:$0xC] =	stream.linear.gather [hbm4b:s8+s5], $0x80, $0x38;
	[tilespmem:$0x1DC80] =	vst v63  }
0xc1: {  	s0 =	sadd.s32 s21, s12;
	s8 =	simm.s32 $0x3  }
0xc2: {  	[tilespmem:s5], [sflag:$0x1] =	stream.linear.gather [hbm4b:s0+s5], $0x80, $0x38;
	[tilespmem:$0x1DC80] =	vst v63  }
0xc3: {  	_ =	swait.ge [sflag:s8], $0x80  }
0xc4: {  	[sflag:s8] =	ssyncset.done $0x0  }
0xc5: {  	s19 =	simm.s32 $0x100;
	[sflag:s8] =	ssyncadd.s32 $0xFFFFFF80  }
0xc6: {  	[tilespmem:s4], [sflag:$0xF] =	stream.indirect.gather [hbm4b:s2+s13], $0x80, s19, s13, $0xb8;
	[tilespmem:$0x1DC80] =	vst v63  }
0xc7: {  	_ =	swait.ge [sflag:s22], $0x3200  }
0xc8: {  	[sflag:s22] =	ssyncset.done $0x0  }
0xc9: {  	s26 =	simm.s32 $0x8;
	[sflag:s22] =	ssyncadd.s32 $0xFFFFCE00  }
0xca: {  	s11 =	sadd.s32 $0xFFFFFE00, s10;
	_ =	swait.ge [sflag:s26], $0x80  }
0xcb: {  	s25 =	sand.u32 $0x7C00, s11;
	[sflag:s26] =	ssyncset.done $0x0  }
0xcc: {  	s15 =	sadd.s32 s6, s25;
	s25 =	simm.s32 $0x480;
	[sflag:s26] =	ssyncadd.s32 $0xFFFFFF80  }
0xcd: {  	[spmem:s3] =	stream.indirect.scatter.add.f32 [tilespmem:s28], [sflag:$0x11], $0x80, s25, s13, $0xb8;
	[tilespmem:$0x1DC80] =	vst v63  }
0xce: {  	s8 =	sand.u32 $0x380, s11;
	_ =	swait.ge [sflag:s24], $0x3200  }
0xcf: {  	s8 =	sor.u32 s8, s15;
	[sflag:s24] =	ssyncset.done $0x0  }
0xd0: {  	s12 =	sadd.s32 s7, s12;
	s8 =	sshrl.u32 s8, $0x3;
	[sflag:s24] =	ssyncadd.s32 $0xFFFFCE00  }
0xd1: {  	[tilespmem:s23], [sflag:$0x7] =	stream.linear.gather [hbm4b:s12+s5], $0x80, $0x38;
	[tilespmem:$0x1DC80] =	vst v63  }
0xd2: {  	s0 =	sadd.s32 s21, s8  }
0xd3: {  	[tilespmem:s20], [sflag:$0x2] =	stream.linear.gather [hbm4b:s0+s5], $0x80, $0x38;
	[tilespmem:$0x1DC80] =	vst v63  }
0xd4: {  	s20 =	simm.s32 $0x4  }
0xd5: {  	_ =	swait.ge [sflag:s20], $0x80  }
0xd6: {  	[sflag:s20] =	ssyncset.done $0x0  }
0xd7: {  	[sflag:s20] =	ssyncadd.s32 $0xFFFFFF80;
	s20 =	simm.s32 $0x180  }
0xd8: {  	[tilespmem:s16], [sflag:$0xD] =	stream.indirect.gather [hbm4b:s2+s13], $0x80, s20, s13, $0xb8;
	[tilespmem:$0x1DC80] =	vst v63  }
0xd9: {  	_ =	swait.ge [sflag:s17], $0x3200  }
0xda: {  	s26 =	sadd.s32 $0xFFFFFE80, s10;
	[sflag:s17] =	ssyncset.done $0x0  }
0xdb: {  	s12 =	sand.u32 $0x7C00, s26;
	s26 =	simm.s32 $0x9;
	[sflag:s17] =	ssyncadd.s32 $0xFFFFCE00  }
0xdc: {  	_ =	swait.ge [sflag:s26], $0x80  }
0xdd: {  	[sflag:s26] =	ssyncset.done $0x0  }
0xde: {  	s30 =	simm.s32 $0x500;
	s0 =	sadd.s32 $0xFFFFFA80, s10;
	[sflag:s26] =	ssyncadd.s32 $0xFFFFFF80  }
0xdf: {  	[spmem:s3] =	stream.indirect.scatter.add.f32 [tilespmem:s4], [sflag:$0x12], $0x80, s30, s13, $0xb8;
	[tilespmem:$0x1DC80] =	vst v63  }
0xe0: {  	s12 =	sadd.s32 s6, s12;
	s15 =	sand.u32 $0x300, s0;
	_ =	swait.ge [sflag:s31], $0x3200  }
0xe1: {  	s12 =	sor.u32 s15, s12;
	[sflag:s31] =	ssyncset.done $0x0  }
0xe2: {  	s8 =	sadd.s32 s7, s8;
	s12 =	sshrl.u32 s12, $0x3;
	[sflag:s31] =	ssyncadd.s32 $0xFFFFCE00  }
0xe3: {  	[tilespmem:s25], [sflag:$0x8] =	stream.linear.gather [hbm4b:s8+s5], $0x80, $0x38;
	[tilespmem:$0x1DC80] =	vst v63  }
0xe4: {  	s0 =	sadd.s32 s21, s12;
	s8 =	simm.s32 $0x5  }
0xe5: {  	[tilespmem:s19], [sflag:$0x3] =	stream.linear.gather [hbm4b:s0+s5], $0x80, $0x38;
	[tilespmem:$0x1DC80] =	vst v63  }
0xe6: {  	_ =	swait.ge [sflag:s8], $0x80  }
0xe7: {  	[sflag:s8] =	ssyncset.done $0x0  }
0xe8: {  	s15 =	simm.s32 $0x200;
	[sflag:s8] =	ssyncadd.s32 $0xFFFFFF80  }
0xe9: {  	[tilespmem:s28], [sflag:$0xE] =	stream.indirect.gather [hbm4b:s2+s13], $0x80, s15, s13, $0xb8;
	[tilespmem:$0x1DC80] =	vst v63  }
0xea: {  	s19 =	sadd.s32 $0xFFFFFF00, s10;
	_ =	swait.ge [sflag:s18], $0x3200  }
0xeb: {  	s0 =	sand.u32 $0x7C00, s19;
	[sflag:s18] =	ssyncset.done $0x0  }
0xec: {  	s8 =	sand.u32 $0x380, s19;
	s19 =	simm.s32 $0xA;
	[sflag:s18] =	ssyncadd.s32 $0xFFFFCE00  }
0xed: {  	_ =	swait.ge [sflag:s19], $0x80  }
0xee: {  	s15 =	sadd.s32 s6, s0;
	[sflag:s19] =	ssyncset.done $0x0  }
0xef: {  	s0 =	simm.s32 $0x580;
	[sflag:s19] =	ssyncadd.s32 $0xFFFFFF80;
	s19 =	simm.s32 $0x12  }
0xf0: {  	[spmem:s3] =	stream.indirect.scatter.add.f32 [tilespmem:s16], [sflag:$0x10], $0x80, s0, s13, $0xb8;
	[tilespmem:$0x1DC80] =	vst v63  }
0xf1: {  	_ =	swait.ge [sflag:s19], $0x3200  }
0xf2: {  	s8 =	sor.u32 s8, s15;
	[sflag:s19] =	ssyncset.done $0x0  }
0xf3: {  	s12 =	sadd.s32 s7, s12;
	s8 =	sshrl.u32 s8, $0x3;
	[sflag:s19] =	ssyncadd.s32 $0xFFFFCE00  }
0xf4: {  	[tilespmem:s30], [sflag:$0x9] =	stream.linear.gather [hbm4b:s12+s5], $0x80, $0x38;
	[tilespmem:$0x1DC80] =	vst v63  }
0xf5: {  	s15 =	simm.s32 $0x6;
	s19 =	sadd.s32 s21, s8  }
0xf6: {  	[tilespmem:s20], [sflag:$0x4] =	stream.linear.gather [hbm4b:s19+s5], $0x80, $0x38;
	[tilespmem:$0x1DC80] =	vst v63  }
0xf7: {  	_ =	swait.ge [sflag:s15], $0x80  }
0xf8: {  	[sflag:s15] =	ssyncset.done $0x0  }
0xf9: {  	s19 =	simm.s32 $0x280;
	[sflag:s15] =	ssyncadd.s32 $0xFFFFFF80  }
0xfa: {  	[tilespmem:s4], [sflag:$0xF] =	stream.indirect.gather [hbm4b:s2+s13], $0x80, s19, s13, $0xb8;
	[tilespmem:$0x1DC80] =	vst v63  }
0xfb: {  	_ =	swait.ge [sflag:s22], $0x3200  }
0xfc: {  	p2 =	seq.s32 s10, $0x3280;
	[sflag:s22] =	ssyncset.done $0x0  }
0xfd: {  	s12 =	sadd.s32 @!p2 $0xFFFFFF80, s10;
	s20 =	simm.s32 $0xB;
	[sflag:s22] =	ssyncadd.s32 $0xFFFFCE00  }
0xfe: {  	s19 =	sand.u32 @!p2 $0x7C00, s12;
	_ =	swait.ge [sflag:s20], $0x80  }
0xff: {  	s12 =	sand.u32 @!p2 $0x300, s12;
	s19 =	sadd.s32 @!p2 s6, s19;
	[sflag:s20] =	ssyncset.done $0x0  }
0x100: {  	s12 =	sor.u32 @!p2 s12, s19;
	s19 =	simm.s32 $0x600;
	[sflag:s20] =	ssyncadd.s32 $0xFFFFFF80  }
0x101: {  	[spmem:s3] =	stream.indirect.scatter.add.f32 [tilespmem:s28], [sflag:$0x11], $0x80, s19, s13, $0xb8;
	[tilespmem:$0x1DC80] =	vst v63  }
0x102: {  	_ =	swait.ge [sflag:s24], $0x3200  }
0x103: {  	s9 =	sadd.s32 $0x300, s9;
	[sflag:s24] =	ssyncset.done $0x0  }
0x104: {  	s8 =	sadd.s32 s7, s8;
	s12 =	sshrl.u32 @!p2 s12, $0x3;
	[sflag:s24] =	ssyncadd.s32 $0xFFFFCE00  }
0x105: {  	[tilespmem:s0], [sflag:$0xA] =	stream.linear.gather [hbm4b:s8+s5], $0x80, $0x38;
	[tilespmem:$0x1DC80] =	vst v63  }
0x106: {  	s20 =	simm.s32 @!p2 $0x200;
	s19 =	sadd.s32 @!p2 s21, s12;
	s8 =	simm.s32 @!p2 $0x0  }
0x107: {  	[tilespmem:s20], [sflag:$0x5] =	stream.linear.gather @!p2 [hbm4b:s19+s8], $0x80, $0x38;
	[tilespmem:$0x1DC80] =	vst v63  }
0x108: {  	s29 =	simm.s32 $0x500;
	p1 =	sne.s32 s9, $0x3580;
	s20 =	simm.s32 $0x1  }
0x109: {  	s14 =	simm.s32 $0x680;
	s11 =	simm.s32 $0x400;
	_ =	swait.ge [sflag:s20], $0x80  }
0x10a: {  	s23 =	simm.s32 $0x80;
	s26 =	simm.s32 $0x480;
	[sflag:s20] =	ssyncset.done $0x0  }
0x10b: {  	s15 =	sand.u32 @!p2 $0x7C00, s10;
	s10 =	sand.u32 @!p2 $0x380, s10;
	[sflag:s20] =	ssyncadd.s32 $0xFFFFFF80  }
0x10c: {  	[tilespmem:s16], [sflag:$0xD] =	stream.indirect.gather [hbm4b:s2+s13], $0x80, s5, s13, $0xb8;
	[tilespmem:$0x1DC80] =	vst v63  }
.Ltmp0:
0x10d: {  	s15 =	sadd.s32 @!p2 s6, s15;
	_ =	swait.ge [sflag:s17], $0x3200;
	(pc) =	sbr.rel @p1 .LBB2_2-.Ltmp0, $4  }
0x10e: {  	s25 =	simm.s32 $0x100;
	s10 =	sor.u32 @!p2 s10, s15;
	[sflag:s17] =	ssyncset.done $0x0  }
0x10f: {  	s30 =	simm.s32 $0x180;
	s10 =	sshrl.u32 @!p2 s10, $0x3;
	[sflag:s17] =	ssyncadd.s32 $0xFFFFCE00  }
0x110: {  	s15 =	sadd.s32 @!p2 s21, s10;
	s12 =	sadd.s32 @!p2 s7, s12;
	_ =	swait.ge [sflag:s1], $0x80  }
0x111: {  	s28 =	simm.s32 $0x580;
	s0 =	simm.s32 $0xC;
	[sflag:s1] =	ssyncset.done $0x0  }
0x112: {  	[sflag:s0] =	ssyncadd.s32 $0xFFFFFF80  }
0x113: {  	s10 =	simm.s32 $0x7000;
	s2 =	rddreg [dreg:$0x3]  }
0x114: {  	[spmem:s2] =	stream.indirect.scatter.add.f32 [tilespmem:s10], [sflag:$0x12], $0x80, s14, s13, $0xb8;
	[tilespmem:$0x1DC80] =	vst v63  }
0x115: {  	_ =	swait.ge [sflag:s31], $0x3200  }
0x116: {  	[sflag:s31] =	ssyncset.done $0x0  }
0x117: {  	s9 =	simm.s32 @!p2 $0x600;
	[sflag:s31] =	ssyncadd.s32 $0xFFFFCE00  }
0x118: {  	[tilespmem:s9], [sflag:$0xB] =	stream.linear.gather @!p2 [hbm4b:s12+s8], $0x80, $0x38;
	[tilespmem:$0x1DC80] =	vst v63  }
0x119: {  	s9 =	simm.s32 @!p2 $0x280  }
0x11a: {  	[tilespmem:s9], [sflag:$0x6] =	stream.linear.gather @!p2 [hbm4b:s15+s8], $0x80, $0x38;
	[tilespmem:$0x1DC80] =	vst v63  }
0x11b: {  	s8 =	simm.s32 $0x2  }
0x11c: {  	_ =	swait.ge [sflag:s8], $0x80  }
0x11d: {  	[sflag:s8] =	ssyncset.done $0x0  }
0x11e: {  	[sflag:s8] =	ssyncadd.s32 $0xFFFFFF80  }
0x11f: {  	s3 =	simm.s32 $0x3C00;
	s1 =	rddreg [dreg:$0x0]  }
0x120: {  	[tilespmem:s3], [sflag:$0xE] =	stream.indirect.gather [hbm4b:s1+s13], $0x80, s23, s13, $0xb8;
	[tilespmem:$0x1DC80] =	vst v63  }
0x121: {  	_ =	swait.ge [sflag:s18], $0x3200  }
0x122: {  	[sflag:s18] =	ssyncset.done $0x0  }
0x123: {  	s9 =	simm.s32 $0x7;
	[sflag:s18] =	ssyncadd.s32 $0xFFFFCE00  }
0x124: {  	_ =	swait.ge [sflag:s9], $0x80  }
0x125: {  	[sflag:s9] =	ssyncset.done $0x0  }
0x126: {  	s12 =	simm.s32 $0x800;
	s15 =	simm.s32 $0x12;
	[sflag:s9] =	ssyncadd.s32 $0xFFFFFF80  }
0x127: {  	[spmem:s2] =	stream.indirect.scatter.add.f32 [tilespmem:s12], [sflag:$0x10], $0x80, s11, s13, $0xb8;
	[tilespmem:$0x1DC80] =	vst v63  }
0x128: {  	_ =	swait.ge [sflag:s15], $0x3200  }
0x129: {  	[sflag:s15] =	ssyncset.done $0x0  }
0x12a: {  	s16 =	simm.s32 $0x3;
	[sflag:s15] =	ssyncadd.s32 $0xFFFFCE00  }
0x12b: {  	_ =	swait.ge [sflag:s16], $0x80  }
0x12c: {  	[sflag:s16] =	ssyncset.done $0x0  }
0x12d: {  	[sflag:s16] =	ssyncadd.s32 $0xFFFFFF80  }
0x12e: {  	[tilespmem:s10], [sflag:$0xF] =	stream.indirect.gather [hbm4b:s1+s13], $0x80, s25, s13, $0xb8;
	[tilespmem:$0x1DC80] =	vst v63  }
0x12f: {  	_ =	swait.ge [sflag:s22], $0x3200  }
0x130: {  	[sflag:s22] =	ssyncset.done $0x0  }
0x131: {  	s19 =	simm.s32 $0x8;
	[sflag:s22] =	ssyncadd.s32 $0xFFFFCE00  }
0x132: {  	_ =	swait.ge [sflag:s19], $0x80  }
0x133: {  	[sflag:s19] =	ssyncset.done $0x0  }
0x134: {  	[sflag:s19] =	ssyncadd.s32 $0xFFFFFF80  }
0x135: {  	[spmem:s2] =	stream.indirect.scatter.add.f32 [tilespmem:s3], [sflag:$0x11], $0x80, s26, s13, $0xb8;
	[tilespmem:$0x1DC80] =	vst v63  }
0x136: {  	_ =	swait.ge [sflag:s24], $0x3200  }
0x137: {  	[sflag:s24] =	ssyncset.done $0x0  }
0x138: {  	s20 =	simm.s32 $0x4;
	[sflag:s24] =	ssyncadd.s32 $0xFFFFCE00  }
0x139: {  	_ =	swait.ge [sflag:s20], $0x80  }
0x13a: {  	[sflag:s20] =	ssyncset.done $0x0  }
0x13b: {  	[sflag:s20] =	ssyncadd.s32 $0xFFFFFF80  }
0x13c: {  	[tilespmem:s12], [sflag:$0xD] =	stream.indirect.gather [hbm4b:s1+s13], $0x80, s30, s13, $0xb8;
	[tilespmem:$0x1DC80] =	vst v63  }
0x13d: {  	_ =	swait.ge [sflag:s17], $0x3200  }
0x13e: {  	[sflag:s17] =	ssyncset.done $0x0  }
0x13f: {  	s23 =	simm.s32 $0x9;
	[sflag:s17] =	ssyncadd.s32 $0xFFFFCE00  }
0x140: {  	_ =	swait.ge [sflag:s23], $0x80  }
0x141: {  	[sflag:s23] =	ssyncset.done $0x0  }
0x142: {  	[sflag:s23] =	ssyncadd.s32 $0xFFFFFF80  }
0x143: {  	[spmem:s2] =	stream.indirect.scatter.add.f32 [tilespmem:s10], [sflag:$0x12], $0x80, s29, s13, $0xb8;
	[tilespmem:$0x1DC80] =	vst v63  }
0x144: {  	_ =	swait.ge [sflag:s31], $0x3200  }
0x145: {  	[sflag:s31] =	ssyncset.done $0x0  }
0x146: {  	[sflag:s31] =	ssyncadd.s32 $0xFFFFCE00  }
0x147: {  	_ =	swait.ge [sflag:s18], $0x3200  }
0x148: {  	[sflag:s18] =	ssyncset.done $0x0  }
0x149: {  	s25 =	simm.s32 $0xA;
	[sflag:s18] =	ssyncadd.s32 $0xFFFFCE00  }
0x14a: {  	_ =	swait.ge [sflag:s25], $0x80  }
0x14b: {  	[sflag:s25] =	ssyncset.done $0x0  }
0x14c: {  	[sflag:s25] =	ssyncadd.s32 $0xFFFFFF80  }
0x14d: {  	[spmem:s2] =	stream.indirect.scatter.add.f32 [tilespmem:s12], [sflag:$0x10], $0x80, s28, s13, $0xb8;
	[tilespmem:$0x1DC80] =	vst v63  }
0x14e: {  	_ =	swait.ge [sflag:s15], $0x3200  }
0x14f: {  	[sflag:s15] =	ssyncset.done $0x0  }
0x150: {  	[sflag:s15] =	ssyncadd.s32 $0xFFFFCE00  }
0x151: {  	_ =	swait.ge [sflag:s24], $0x3200  }
0x152: {  	[sflag:s24] =	ssyncset.done $0x0  }
0x153: {  	[sflag:s24] =	ssyncadd.s32 $0xFFFFCE00  }
0x154: {  	[bflag:$0x0] =	sbarrier.arrive $0xFFFF  }
0x155: {  	s26 =	rddreg [dreg:$0x12]  }
0x156: {  	s0 =	rddreg [dreg:$0x18]  }
0x157: {  	s10 =	simm.s32 $0x13;
	s28 =	rddreg [dreg:$0x19]  }
0x158: {  	[hbm:s26], [sflag:s0] =	dma.local [spmem:s28], $0x2700  }
0x159: {  	_ =	swait.ge [sflag:s10], $0x2700  }
0x15a: {  	[sflag:s10] =	ssyncset.done $0x0;
	s8 =	rddreg [dreg:$0x15]  }
0x15b: {  	s1 =	rddreg [dreg:$0x1a];
	[sflag:s10] =	ssyncadd.s32 $0xFFFFD900  }
0x15c: {  	[hbm:s8], [sflag:s0] =	dma.local @!p0 [spmem:s1], $0x100  }
0x15d: {  	s8 =	simm.s32 @!p0 $0x13  }
0x15e: {  	_ =	swait.ge @!p0 [sflag:s8], $0x100  }
0x15f: {  	s29 =	rddreg [dreg:$0x17]  }
0x160: {  	s30 =	rddreg [dreg:$0x16];
	s2 =	sadd.s32 $0x1, s29  }
0x161: {  	p1 =	sne.s32 s2, s30  }
.Ltmp1:
0x162: {  	_ = 	snop;
	(pc) =	sbr.rel @p1 .LBB2_1-.Ltmp1, $4  }
0x163: {  	_ = 	snop  }
0x164: {  	s3 =	simm.s32 $0x1  }
0x165: {  	s23 =	simm.s32 $0x200;
	s25 =	simm.s32 $0x280;
	[sflag:s8] =	ssyncset.done @!p0 $0x0  }
0x166: {  	s0 =	simm.s32 $0x600;
	s1 =	simm.s32 $0x6;
	[sflag:s8] =	ssyncadd.s32 @!p0 $0xFFFFFF00  }
0x167: {  	_ =	sfence.sel $0x180000  }
0x168: {  	[bflag:$0x0] =	sbarrier.arrive $0xFFFF  }
0x169: {  	_ =	strace $0x90000047  }
0x16a: {  	s0 =	stileid.u32;
	[bflag:$0x2] =	sbarrier.arrive $0xFFFF  }
0x16b: {  	p0 =	sne.s32 s0, $0x0;
	s0 =	rddreg [dreg:$0x4]  }
0x16c: {  	s0 =	sadd.s32 @!p0 $0x100000, s0  }
0x16d: {  	[sflag:s0] =	ssyncadd.tile.s32 @!p0 $0x1;
	_ =	shalt  }
.Lfunc_end2:
_tile_overlayer_lowered:
.L_overlay_start_2:
0x16e: {  	(tag) =	ssettag $0x2  }
0x16f: {  	s0 =	rddreg [dreg:$0x0];
	s2 =	stileid.u32  }
0x170: {  	s1 =	rddreg [dreg:$0x1];
	p0 =	sne.s32 s2, $0x0  }
0x171: {  	s3 =	rddreg [dreg:$0x2];
	[bflag:$0x3] =	sbarrier.arrive $0xFFFF;
	s2 =	simm.s32 @!p0 $0x1C13  }
0x172: {  	[timem:s3], [sflag:s2] =	dma.local @!p0 [hbm:s0], s1  }
0x173: {  	s0 =	simm.s32 @!p0 $0x13  }
0x174: {  	_ =	swait.ge @!p0 [sflag:s0], s1  }
0x175: {  	s1 =	ssub.s32 @!p0 $0x0, s1;
	[sflag:s0] =	ssyncset.done @!p0 $0x0  }
0x176: {  	[sflag:s0] =	ssyncadd.s32 @!p0 s1  }
0x177: {  	[bflag:$0x3] =	sbarrier.arrive $0xFFFF  }
0x178: {  	_ =	shalt  }

// kernel: kernel.9.cloned.1.call-start
scs
__scs_entry_jumppad:
0x0: {  	(pc) =	sbr.rel $0x88, $3  }
0x1: {  	(tag) =	ssettag $0x0;
	lr =	simm.s32 $0x1  }
0x2: {  	[smem:$0x3F9B] =	sst lr;
	_ =	strace $0xD0000000  }
0x3: {  	_ = 	snop  }
0x4: {  	_ = 	snop  }
0x5: {  	_ = 	snop  }
0x6: {  	_ = 	snop  }
0x7: {  	_ = 	snop  }
__scs_overlays_trampoline_lowered:
0x8: {  	[smem:$0x3FAA] =	sst s0  }
0x9: {  	[smem:$0x3FAB] =	sst s1  }
0xa: {  	[smem:$0x3FAC] =	sst s2  }
0xb: {  	[smem:$0x3FAD] =	sst s3  }
0xc: {  	[smem:$0x3FAE] =	sst s4  }
0xd: {  	[smem:$0x3FAF] =	sst s5  }
0xe: {  	[smem:$0x3FB0] =	sst s6  }
0xf: {  	[smem:$0x3FB1] =	sst s7  }
0x10: {  	[smem:$0x3FB2] =	sst s8  }
0x11: {  	[smem:$0x3FB3] =	sst s9;
	s0 =	simm.s32 @!p0 $0x0  }
0x12: {  	s1 =	sld [smem:$0x3F99];
	s0 =	simm.s32 @p0 $0x1  }
0x13: {  	[smem:$0x3FB4] =	sst s0;
	s0 =	simm.s32 @!p1 $0x0  }
0x14: {  	s2 =	sld [smem:$0x3F98];
	s0 =	simm.s32 @p1 $0x1  }
0x15: {  	[smem:$0x3FB5] =	sst s0;
	s0 =	simm.s32 @!p2 $0x0  }
0x16: {  	s3 =	sld [smem:$0x3FDB];
	s0 =	simm.s32 @p2 $0x1  }
0x17: {  	s4 =	simm.s32 $0x1BF5;
	[smem:$0x3FB7] =	sst s0  }
0x18: {  	s0 =	sld [smem:$0x3F9A];
	_ =	swait.ge [sflag:s4], $0x0  }
0x19: {  	s7 =	sld [smem:$0x3F9B]  }
0x1a: {  	s8 =	sadd.s32 $0xFFFFE003, lr  }
0x1b: {  	s9 =	sadd.s32 $0xFFFFFEF7, lr;
	s5 =	simm.s32 $0xFFFFFFFF;
	p2 =	slt.u32 s8, $0xFFFFF086  }
0x1c: {  	p1 =	slt.u32 s9, $0xF7A;
	s5 =	simm.s32 @!p2 $0x0  }
0x1d: {  	s5 =	simm.s32 @p1 $0x1;
	p0 =	seq.s32 s7, s2  }
0x1e: {  	s7 =	smul.u32 @!p0 $0xF7A, s2;
	p2 =	seq.s32 @!p0 s5, $0x0  }
0x1f: {  	s9 =	smul.u32 $0xF7A, s1;
	s8 =	simm.s32 @!p0 $0x1BF5;
	p2 =	por !p2, p0  }
0x20: {  	[sflag:s8] =	ssyncset.s32 @!p0 $0xFFFFF086;
	s6 =	sadd.s32 @!p0 s3, s7;
	s7 =	simm.s32 @!p0 $0x108  }
0x21: {  	s3 =	sadd.s32 s3, s9;
	s6 =	sadd.s32 @!p0 $0x88, s6;
	s7 =	simm.s32 @p2 $0x1082  }
0x22: {  	[simem:s7], [sflag:s8] =	dma.local @!p0 [hbm:s6], $0xF7A  }
0x23: {  	s9 =	sor.u32 $0xD0000000, s2;
	s6 =	simm.s32 $0x108;
	_ =	swait.ge @!p0 [sflag:s8], $0x0  }
0x24: {  	s3 =	sadd.s32 $0x88, s3;
	s6 =	simm.s32 @!p1 $0x1082;
	[sflag:s4] =	ssyncset.s32 $0xFFFFF086  }
0x25: {  	[simem:s6], [sflag:s4] =	dma.local [hbm:s3], $0xF7A  }
0x26: {  	[smem:$0x3F9B] =	sst s1;
	(tag) =	ssettag s2;
	_ =	strace s9  }
0x27: {  	s1 =	sld [smem:$0x3FAB]  }
0x28: {  	s2 =	sld [smem:$0x3FAC]  }
0x29: {  	s4 =	sld [smem:$0x3FAE]  }
0x2a: {  	p0 =	seq.s32 s5, $0x0;
	s5 =	sld [smem:$0x3FAF]  }
0x2b: {  	s6 =	sld [smem:$0x3FB0]  }
0x2c: {  	s7 =	sld [smem:$0x3FB1]  }
0x2d: {  	s3 =	simm.s32 $0x108;
	s8 =	sld [smem:$0x3FB2]  }
0x2e: {  	s3 =	simm.s32 @!p0 $0x1082;
	s9 =	sld [smem:$0x3FB3]  }
0x2f: {  	lr =	sadd.s32 s0, s3;
	s0 =	sld [smem:$0x3FAA]  }
0x30: {  	s3 =	sld [smem:$0x3FAD]  }
0x31: {  	[smem:$0x3FB6] =	sst s10  }
0x32: {  	s10 =	sld [smem:$0x3FB4];
	_ =	sdelay $0x3  }
0x33: {  	p0 =	seq.s32 s10, $0x1;
	s10 =	sld [smem:$0x3FB6];
	_ =	sdelay $0x3  }
0x34: {  	[smem:$0x3FB6] =	sst s10  }
0x35: {  	s10 =	sld [smem:$0x3FB5];
	_ =	sdelay $0x3  }
0x36: {  	p1 =	seq.s32 s10, $0x1;
	s10 =	sld [smem:$0x3FB6];
	_ =	sdelay $0x3  }
0x37: {  	[smem:$0x3FB6] =	sst s10  }
0x38: {  	s10 =	sld [smem:$0x3FB7]  }
0x39: {  	_ = 	snop;
	(pc) =	sbr.ind lr, $3  }
0x3a: {  	_ = 	snop  }
0x3b: {  	_ = 	snop  }
0x3c: {  	p2 =	seq.s32 s10, $0x1;
	s10 =	sld [smem:$0x3FB6]  }
0x3d: {  	_ =	shalt  }
0x3e: {  	_ =	shalt  }
0x3f: {  	_ =	shalt  }
0x40: {  	_ =	shalt  }
0x41: {  	_ =	shalt  }
0x42: {  	_ =	shalt  }
0x43: {  	_ =	shalt  }
0x44: {  	_ =	shalt  }
0x45: {  	_ =	shalt  }
0x46: {  	_ =	shalt  }
0x47: {  	_ =	shalt  }
0x48: {  	_ =	shalt  }
0x49: {  	_ =	shalt  }
0x4a: {  	_ =	shalt  }
0x4b: {  	_ =	shalt  }
0x4c: {  	_ =	shalt  }
0x4d: {  	_ =	shalt  }
0x4e: {  	_ =	shalt  }
0x4f: {  	_ =	shalt  }
0x50: {  	_ =	shalt  }
0x51: {  	_ =	shalt  }
0x52: {  	_ =	shalt  }
0x53: {  	_ =	shalt  }
0x54: {  	_ =	shalt  }
0x55: {  	_ =	shalt  }
0x56: {  	_ =	shalt  }
0x57: {  	_ =	shalt  }
0x58: {  	_ =	shalt  }
0x59: {  	_ =	shalt  }
0x5a: {  	_ =	shalt  }
0x5b: {  	_ =	shalt  }
0x5c: {  	_ =	shalt  }
0x5d: {  	_ =	shalt  }
0x5e: {  	_ =	shalt  }
0x5f: {  	_ =	shalt  }
0x60: {  	_ =	shalt  }
0x61: {  	_ =	shalt  }
0x62: {  	_ =	shalt  }
0x63: {  	_ =	shalt  }
0x64: {  	_ =	shalt  }
0x65: {  	_ =	shalt  }
0x66: {  	_ =	shalt  }
0x67: {  	_ =	shalt  }
0x68: {  	_ =	shalt  }
0x69: {  	_ =	shalt  }
0x6a: {  	_ =	shalt  }
0x6b: {  	_ =	shalt  }
0x6c: {  	_ =	shalt  }
0x6d: {  	_ =	shalt  }
0x6e: {  	_ =	shalt  }
0x6f: {  	_ =	shalt  }
0x70: {  	_ =	shalt  }
0x71: {  	_ =	shalt  }
0x72: {  	_ =	shalt  }
0x73: {  	_ =	shalt  }
0x74: {  	_ =	shalt  }
0x75: {  	_ =	shalt  }
0x76: {  	_ =	shalt  }
0x77: {  	_ =	shalt  }
0x78: {  	_ =	shalt  }
0x79: {  	_ =	shalt  }
0x7a: {  	_ =	shalt  }
0x7b: {  	_ =	shalt  }
0x7c: {  	_ =	shalt  }
0x7d: {  	_ =	shalt  }
0x7e: {  	_ =	shalt  }
0x7f: {  	_ =	shalt  }
0x80: {  	_ =	shalt  }
0x81: {  	_ =	shalt  }
0x82: {  	_ =	shalt  }
0x83: {  	_ =	shalt  }
0x84: {  	_ =	shalt  }
0x85: {  	_ =	shalt  }
0x86: {  	_ =	shalt  }
0x87: {  	_ =	shalt  }
.Lfunc_end0:
.L_simem_size_0:
called_computation.1_lowered:
.L_overlay_start_0:
0x88: {  	s2 =	sld [smem:$0x3FD9]  }
0x89: {  	s3 =	sld [smem:$0x3FFE];
	_ =	sdelay $0x1  }
0x8a: {  	s1 =	srdreg.scid  }
0x8b: {  	s0 =	sand.u32 $0x1, s1  }
0x8c: {  	s17 =	sshll.u32 s0, $0xA;
	s2 =	sadd.s32 s3, s2  }
0x8d: {  	s2 =	sadd.s32 s2, s17  }
0x8e: {  	[smem:$0x3FC2] =	sst s2  }
0x8f: {  	_ = 	snop  }
0x90: {  	s2 =	sld [smem:$0x3FD0];
	(tm) =	ssettm $0x1  }
0x91: {  	s18 =	sld [smem:$0x3FFB];
	_ =	sdelay $0x3  }
0x92: {  	_ =	strace s18  }
0x93: {  	s3 =	sld [smem:$0x3FFC];
	_ =	sdelay $0x3  }
0x94: {  	_ =	strace s3  }
0x95: {  	s3 =	sld [smem:$0x3FFD];
	_ =	sdelay $0x3  }
0x96: {  	_ =	strace s3  }
0x97: {  	_ =	strace $0x8FFFFFFF  }
0x98: {  	s19 =	sld [smem:$0x3FDB];
	_ =	sdelay $0x1  }
0x99: {  	s4 =	simm.s32 $_scs_section_size  }
0x9a: {  	s5 =	simm.s32 $_size__tile_overlayer_lowered;
	s6 =	simm.s32 $_tile_overlayer_lowered  }
0x9b: {  	s22 =	simm.s32 $0x1BFF;
	s21 =	sshll.u32 s6, $0x1;
	s3 =	sadd.s32 s4, s19  }
0x9c: {  	s7 =	simm.s32 $0x0;
	s20 =	sshll.u32 s5, $0x1;
	s5 =	sadd.s32 s21, s3  }
0x9d: {  	[timem:s7], [sflag:s22] =	dma.local [hbm:s5], s20  }
0x9e: {  	_ =	swait.ge [sflag:s22], s20  }
0x9f: {  	s4 =	ssub.s32 $0x0, s20;
	[sflag:s22] =	ssyncset.done $0x0  }
0xa0: {  	[sflag:s22] =	ssyncadd.s32 s4;
	_ =	sdelay $0x1  }
0xa1: {  	s23 =	simm.s32 $0x1B8B  }
0xa2: {  	_ =	swait.ge [sflag:s23], $0x1  }
0xa3: {  	[sflag:s23] =	ssyncset.done $0x0  }
0xa4: {  	s25 =	simm.s32 $0x1B8E;
	s24 =	sld [smem:$0x3FFE];
	[sflag:s23] =	ssyncadd.s32 $0xFFFFFFFF  }
0xa5: {  	s26 =	simm.s32 $execute0_lowered;
	[smem:$0x3FD2] =	sst s25  }
0xa6: {  	s5 =	sshll.u32 s26, $0x1;
	_ =	strace $0x80000049;
	[dreg:$0x1] =	wrdreg $0xFFFFFFFF  }
0xa7: {  	s28 =	simm.s32 $_size_execute0_lowered;
	s3 =	sadd.s32 s3, s5;
	[dreg:$0x0] =	wrdreg $0x0  }
0xa8: {  	s5 =	sshll.u32 s28, $0x1;
	[dreg:$0x2] =	wrdreg s3  }
0xa9: {  	[dreg:$0x3] =	wrdreg s5  }
0xaa: {  	[dreg:$0x4] =	wrdreg $0xC0  }
0xab: {  	_ =	task [dreg:s7], $0x5FFFF  }
0xac: {  	[dreg:$0x1] =	wrdreg $0xFFFFFFFF  }
0xad: {  	[dreg:$0x0] =	wrdreg $0x60  }
0xae: {  	[dreg:$0x2] =	wrdreg s24  }
0xaf: {  	[dreg:$0x3] =	wrdreg s2  }
0xb0: {  	[dreg:$0x4] =	wrdreg $0xA4000  }
0xb1: {  	[dreg:$0x5] =	wrdreg $0x9  }
0xb2: {  	_ =	task.clear_ibuf [dreg:s7], $0x6FFFF;
	_ =	strace $0x90000049  }
0xb3: {  	s29 =	simm.s32 $0x9;
	_ =	strace $0x8000004B  }
0xb4: {  	_ =	swait.ge [sflag:s29], $0x1  }
0xb5: {  	[sflag:s29] =	ssyncadd.s32 $0xFFFFFFFF  }
0xb6: {  	_ =	strace $0x9000004B  }
0xb7: {  	_ =	sfence  }
0xb8: {  	s30 =	sld [smem:$0x0];
	_ =	sdelay $0x2  }
0xb9: {  	s31 =	sshll.u32 s1, $0xD;
	s1 =	sshrl.u32 s1, $0x2  }
0xba: {  	s3 =	sand.u32 $0x4000, s31;
	s1 =	sadd.s32 s1, s30  }
0xbb: {  	s0 =	sor.u32 s3, s0;
	s1 =	sshll.u32 s1, $0x11  }
0xbc: {  	s0 =	sor.u32 s1, s0  }
0xbd: {  	s0 =	sadd.s32 $0x8F2B, s0  }
0xbe: {  	[sflag:s0] =	ssyncadd.remote.s32 $0x1  }
0xbf: {  	_ =	sfence.sel $0xFFFF  }
0xc0: {  	[dreg:$0x0] =	wrdreg $0xFFFFFFFF;
	(pc) =	sbr.abs _section_cstart, $3  }
0xc1: {  	[dreg:$0x1] =	wrdreg $0xFFFFFFFF  }
0xc2: {  	_ =	task.clear_ibuf [dreg:s7], $0x2FFFF;
	_ =	strace $0x9FFFFFFF  }
0xc3: {  	(tm) =	ssettm $0x7FFFFFFF  }
tec
execute0_lowered:
.L_overlay_start_1:
0x0: {  	(tag) =	ssettag $0x1  }
0x1: {  	s0 =	rddreg [dreg:$0x0]  }
0x2: {  	s21 =	rddreg [dreg:$0x1]  }
0x3: {  	s1 =	rddreg [dreg:$0x2]  }
0x4: {  	s4 =	simm.s32 $0x0;
	s18 =	stileid.u32;
	s2 =	srdreg.scid  }
0x5: {  	s31 =	simm.s32 $0x11;
	[smem:$0x7FF] =	sst s4;
	s8 =	smul.u32 $0x13800, s18  }
0x6: {  	s2 =	sand.u32 $0x1, s2;
	s5 =	sshll.u32 s18, $0x1;
	s7 =	sadd.s32 $0xE00, s0  }
0x7: {  	s11 =	sadd.s32 $0x5C200, s0;
	s22 =	smul.u32 $0x4E000, s18;
	s28 =	sadd.s32 $0x138000, s1  }
0x8: {  	p0 =	sne.s32 s18, $0xF;
	s18 =	simm.s32 $0xD;
	_ =	strace $0x8000004A  }
0x9: {  	s6 =	sor.u32 s2, s5;
	s5 =	sadd.s32 $0x35000, s0;
	s10 =	ssub.s32 $0x2, s2  }
0xa: {  	s2 =	smul.u32 $0x138800, s2;
	[dreg:$0x12] =	wrdreg s28;
	s9 =	sshrl.u32 s8, $0x3  }
0xb: {  	s6 =	smul.u32 $0x3400, s6;
	s12 =	sshrl.u32 s10, $0x1;
	s9 =	sadd.s32 s9, s0  }
0xc: {  	s8 =	sadd.s32 s8, s2;
	s2 =	sshrl.u32 s2, $0x3;
	s0 =	sadd.s32 $0x34E00, s0  }
0xd: {  	s13 =	sshrl.u32 s6, $0x3;
	s9 =	sadd.s32 $0xDE00, s9;
	s8 =	sshrl.u32 s8, $0x3  }
0xe: {  	[dreg:$0x13] =	wrdreg s0;
	s17 =	sadd.s32 s21, s13;
	s30 =	sor.u32 $0x10, s13  }
0xf: {  	s3 =	sor.u32 $0x20, s13;
	s15 =	sor.u32 $0x30, s13;
	[dreg:$0x10] =	wrdreg s9  }
0x10: {  	s20 =	sor.u32 $0x40, s13;
	s13 =	sadd.s32 s7, s13;
	[dreg:$0x4] =	wrdreg s17  }
0x11: {  	s2 =	sadd.s32 s11, s2;
	s8 =	sadd.s32 s11, s8;
	[dreg:$0xa] =	wrdreg s13  }
0x12: {  	s25 =	sshrl.u32 s22, $0x2;
	s29 =	sadd.s32 $0x27000, s2;
	[dreg:$0x11] =	wrdreg s8  }
0x13: {  	s22 =	simm.s32 $0xE;
	s14 =	sadd.s32 s21, s30;
	[dreg:$0x14] =	wrdreg s29  }
0x14: {  	s10 =	ssub.s32 s10, s12;
	s16 =	sadd.s32 s21, s3;
	[dreg:$0x5] =	wrdreg s14  }
0x15: {  	s0 =	simm.s32 $0x600;
	s19 =	sadd.s32 s21, s15;
	[dreg:$0x6] =	wrdreg s16  }
0x16: {  	s2 =	simm.s32 $0x1;
	s17 =	sadd.s32 $0x50, s17;
	[dreg:$0x7] =	wrdreg s19  }
0x17: {  	s12 =	sadd.s32 s7, s30;
	s23 =	sadd.s32 s7, s3;
	[dreg:$0x9] =	wrdreg s17  }
0x18: {  	s24 =	sadd.s32 s7, s15;
	s26 =	sadd.s32 s7, s20;
	[dreg:$0xb] =	wrdreg s12  }
0x19: {  	s30 =	smax.u32 s10, $0x1;
	s13 =	simm.s32 $0x64;
	[dreg:$0xc] =	wrdreg s23  }
0x1a: {  	s10 =	simm.s32 $0x13;
	s3 =	simm.s32 $0x0;
	[dreg:$0xd] =	wrdreg s24  }
0x1b: {  	s19 =	sadd.s32 s21, s20;
	[dreg:$0xe] =	wrdreg s26;
	s12 =	sadd.s32 s25, s1  }
0x1c: {  	[dreg:$0x15] =	wrdreg s30;
	s23 =	simm.s32 $0x200;
	s25 =	simm.s32 $0x280  }
0x1d: {  	s14 =	simm.s32 $0x680;
	s24 =	simm.s32 $0x10;
	[dreg:$0x8] =	wrdreg s19  }
0x1e: {  	s17 =	simm.s32 $0xF;
	s1 =	simm.s32 $0x6;
	[dreg:$0xf] =	wrdreg s12  }
.LBB2_1:
0x1f: {  	[dreg:$0x16] =	wrdreg s3  }
0x20: {  	s8 =	rddreg [dreg:$0x4]  }
0x21: {  	[tilespmem:s4], [sflag:$0x1] =	stream.linear.gather [hbm4b:s8+s4], $0x80, $0x38;
	[tilespmem:$0x1DC80] =	vst v63  }
0x22: {  	s19 =	rddreg [dreg:$0x5];
	s15 =	simm.s32 $0x80  }
0x23: {  	[tilespmem:s15], [sflag:$0x2] =	stream.linear.gather [hbm4b:s19+s4], $0x80, $0x38;
	[tilespmem:$0x1DC80] =	vst v63  }
0x24: {  	s20 =	rddreg [dreg:$0x6];
	s19 =	simm.s32 $0x100  }
0x25: {  	[tilespmem:s19], [sflag:$0x3] =	stream.linear.gather [hbm4b:s20+s4], $0x80, $0x38;
	[tilespmem:$0x1DC80] =	vst v63  }
0x26: {  	s26 =	rddreg [dreg:$0x7];
	s20 =	simm.s32 $0x180  }
0x27: {  	[tilespmem:s20], [sflag:$0x4] =	stream.linear.gather [hbm4b:s26+s4], $0x80, $0x38;
	[tilespmem:$0x1DC80] =	vst v63  }
0x28: {  	s28 =	rddreg [dreg:$0x8]  }
0x29: {  	[tilespmem:s23], [sflag:$0x5] =	stream.linear.gather [hbm4b:s28+s4], $0x80, $0x38;
	[tilespmem:$0x1DC80] =	vst v63  }
0x2a: {  	s29 =	rddreg [dreg:$0x9]  }
0x2b: {  	[tilespmem:s25], [sflag:$0x6] =	stream.linear.gather [hbm4b:s29+s4], $0x80, $0x38;
	[tilespmem:$0x1DC80] =	vst v63  }
0x2c: {  	s30 =	rddreg [dreg:$0xa];
	s11 =	simm.s32 $0x400  }
0x2d: {  	[tilespmem:s11], [sflag:$0x7] =	stream.linear.gather [hbm4b:s30+s4], $0x80, $0x38;
	[tilespmem:$0x1DC80] =	vst v63  }
0x2e: {  	s3 =	rddreg [dreg:$0xb];
	s26 =	simm.s32 $0x480  }
0x2f: {  	[tilespmem:s26], [sflag:$0x8] =	stream.linear.gather [hbm4b:s3+s4], $0x80, $0x38;
	[tilespmem:$0x1DC80] =	vst v63  }
0x30: {  	s9 =	rddreg [dreg:$0xc];
	s29 =	simm.s32 $0x500  }
0x31: {  	[tilespmem:s29], [sflag:$0x9] =	stream.linear.gather [hbm4b:s9+s4], $0x80, $0x38;
	[tilespmem:$0x1DC80] =	vst v63  }
0x32: {  	s12 =	rddreg [dreg:$0xd];
	s30 =	simm.s32 $0x580  }
0x33: {  	[tilespmem:s30], [sflag:$0xA] =	stream.linear.gather [hbm4b:s12+s4], $0x80, $0x38;
	[tilespmem:$0x1DC80] =	vst v63  }
0x34: {  	s16 =	rddreg [dreg:$0xe]  }
0x35: {  	[tilespmem:s0], [sflag:$0xB] =	stream.linear.gather [hbm4b:s16+s4], $0x80, $0x38;
	[tilespmem:$0x1DC80] =	vst v63  }
0x36: {  	_ =	swait.ge [sflag:s2], $0x80  }
0x37: {  	[sflag:s2] =	ssyncset.done $0x0  }
0x38: {  	s28 =	simm.s32 $0x2;
	s16 =	simm.s32 $0x800;
	[sflag:s2] =	ssyncadd.s32 $0xFFFFFF80  }
0x39: {  	[tilespmem:s16], [sflag:$0xD] =	stream.indirect.gather [hbm4b:s5+s13], $0x80, s4, s13, $0xb8;
	[tilespmem:$0x1DC80] =	vst v63  }
0x3a: {  	_ =	swait.ge [sflag:s28], $0x80  }
0x3b: {  	s3 =	stileid.u32;
	s9 =	rddreg [dreg:$0xf]  }
0x3c: {  	s8 =	sshll.u32 s3, $0x6;
	[sflag:s28] =	ssyncset.done $0x0;
	s12 =	rddreg [dreg:$0x10]  }
0x3d: {  	[sflag:s28] =	ssyncadd.s32 $0xFFFFFF80;
	s28 =	simm.s32 $0x3C00;
	s9 =	sshrl.u32 s9, $0x3  }
0x3e: {  	[tilespmem:s28], [sflag:$0xE] =	stream.indirect.gather [hbm4b:s5+s13], $0x80, s15, s13, $0xb8;
	[tilespmem:$0x1DC80] =	vst v63  }
0x3f: {  	s3 =	sor.u32 $0x1C13, s8;
	[dreg:$0x18] =	wrdreg s9  }
0x40: {  	[spmem:s9], [sflag:s3] =	dma.local [hbm:s12], $0x2700  }
0x41: {  	_ =	swait.ge [sflag:s10], $0x2700;
	[dreg:$0x17] =	wrdreg s3  }
0x42: {  	s8 =	rddreg [dreg:$0x12]  }
0x43: {  	[sflag:s10] =	ssyncset.done $0x0;
	s9 =	sshrl.u32 @!p0 s8, $0x3;
	s8 =	rddreg [dreg:$0x13]  }
0x44: {  	[sflag:s10] =	ssyncadd.s32 $0xFFFFD900;
	[dreg:$0x19] =	wrdreg s9  }
0x45: {  	[spmem:s9], [sflag:s3] =	dma.local @!p0 [hbm:s8], $0x100  }
0x46: {  	s8 =	simm.s32 @!p0 $0x13  }
0x47: {  	_ =	swait.ge @!p0 [sflag:s8], $0x100  }
0x48: {  	[sflag:s8] =	ssyncset.done @!p0 $0x0  }
0x49: {  	[sflag:s8] =	ssyncadd.s32 @!p0 $0xFFFFFF00  }
0x4a: {  	[bflag:$0x0] =	sbarrier.arrive $0xFFFF  }
0x4b: {  	_ =	swait.ge [sflag:s18], $0x3200  }
0x4c: {  	[sflag:s18] =	ssyncset.done $0x0  }
0x4d: {  	s12 =	simm.s32 $0x7;
	s10 =	simm.s32 $0x280;
	[sflag:s18] =	ssyncadd.s32 $0xFFFFCE00  }
0x4e: {  	p1 =	por $0x1, $0x1;
	s3 =	sand.u32 $0x7C00, s10;
	_ =	swait.ge [sflag:s12], $0x80  }
0x4f: {  	s9 =	sadd.s32 s6, s3;
	s8 =	sand.u32 $0x380, s10;
	[sflag:s12] =	ssyncset.done $0x0  }
0x50: {  	s10 =	simm.s32 $0x300;
	s8 =	sor.u32 s8, s9;
	[sflag:s12] =	ssyncadd.s32 $0xFFFFFF80  }
0x51: {  	s9 =	simm.s32 @!p1 $0x12;
	s12 =	sand.u32 $0x7C00, s10;
	s3 =	rddreg [dreg:$0x2]  }
0x52: {  	[spmem:s3] =	stream.indirect.scatter.add.f32 [tilespmem:s16], [sflag:$0x10], $0x80, s11, s13, $0xb8;
	[tilespmem:$0x1DC80] =	vst v63  }
0x53: {  	s10 =	sand.u32 $0x300, s10;
	s12 =	sadd.s32 s6, s12;
	_ =	swait.ge @!p1 [sflag:s9], $0x3200  }
0x54: {  	s8 =	sshrl.u32 s8, $0x3;
	s10 =	sor.u32 s10, s12;
	[sflag:s9] =	ssyncset.done @!p1 $0x0  }
0x55: {  	s8 =	sadd.s32 s7, s8;
	s10 =	sshrl.u32 s10, $0x3;
	[sflag:s9] =	ssyncadd.s32 @!p1 $0xFFFFCE00  }
0x56: {  	[tilespmem:s14], [sflag:$0xC] =	stream.linear.gather [hbm4b:s8+s4], $0x80, $0x38;
	[tilespmem:$0x1DC80] =	vst v63  }
0x57: {  	s9 =	simm.s32 $0x3;
	s14 =	sadd.s32 s21, s10  }
0x58: {  	[tilespmem:s4], [sflag:$0x1] =	stream.linear.gather [hbm4b:s14+s4], $0x80, $0x38;
	[tilespmem:$0x1DC80] =	vst v63  }
0x59: {  	_ =	swait.ge [sflag:s9], $0x80  }
0x5a: {  	[sflag:s9] =	ssyncset.done $0x0  }
0x5b: {  	s14 =	simm.s32 $0x7000;
	[sflag:s9] =	ssyncadd.s32 $0xFFFFFF80  }
0x5c: {  	[tilespmem:s14], [sflag:$0xF] =	stream.indirect.gather [hbm4b:s5+s13], $0x80, s19, s13, $0xb8;
	[tilespmem:$0x1DC80] =	vst v63  }
0x5d: {  	_ =	swait.ge [sflag:s22], $0x3200  }
0x5e: {  	[sflag:s22] =	ssyncset.done $0x0  }
0x5f: {  	s12 =	simm.s32 $0x8;
	[sflag:s22] =	ssyncadd.s32 $0xFFFFCE00  }
0x60: {  	_ =	swait.ge [sflag:s12], $0x80  }
0x61: {  	s8 =	simm.s32 $0x380;
	[sflag:s12] =	ssyncset.done $0x0  }
0x62: {  	s9 =	sand.u32 $0x7C00, s8;
	[sflag:s12] =	ssyncadd.s32 $0xFFFFFF80  }
0x63: {  	[spmem:s3] =	stream.indirect.scatter.add.f32 [tilespmem:s28], [sflag:$0x11], $0x80, s26, s13, $0xb8;
	[tilespmem:$0x1DC80] =	vst v63  }
0x64: {  	s8 =	sand.u32 $0x380, s8;
	s9 =	sadd.s32 s6, s9;
	_ =	swait.ge [sflag:s24], $0x3200  }
0x65: {  	s8 =	sor.u32 s8, s9;
	[sflag:s24] =	ssyncset.done $0x0  }
0x66: {  	s10 =	sadd.s32 s7, s10;
	s8 =	sshrl.u32 s8, $0x3;
	[sflag:s24] =	ssyncadd.s32 $0xFFFFCE00  }
0x67: {  	[tilespmem:s11], [sflag:$0x7] =	stream.linear.gather [hbm4b:s10+s4], $0x80, $0x38;
	[tilespmem:$0x1DC80] =	vst v63  }
0x68: {  	s12 =	sadd.s32 s21, s8  }
0x69: {  	[tilespmem:s15], [sflag:$0x2] =	stream.linear.gather [hbm4b:s12+s4], $0x80, $0x38;
	[tilespmem:$0x1DC80] =	vst v63  }
0x6a: {  	s15 =	simm.s32 $0x4  }
0x6b: {  	_ =	swait.ge [sflag:s15], $0x80  }
0x6c: {  	[sflag:s15] =	ssyncset.done $0x0  }
0x6d: {  	[sflag:s15] =	ssyncadd.s32 $0xFFFFFF80  }
0x6e: {  	[tilespmem:s16], [sflag:$0xD] =	stream.indirect.gather [hbm4b:s5+s13], $0x80, s20, s13, $0xb8;
	[tilespmem:$0x1DC80] =	vst v63  }
0x6f: {  	_ =	swait.ge [sflag:s17], $0x3200  }
0x70: {  	[sflag:s17] =	ssyncset.done $0x0  }
0x71: {  	s10 =	simm.s32 $0x9;
	[sflag:s17] =	ssyncadd.s32 $0xFFFFCE00  }
0x72: {  	_ =	swait.ge [sflag:s10], $0x80  }
0x73: {  	s12 =	simm.s32 $0x400;
	[sflag:s10] =	ssyncset.done $0x0  }
0x74: {  	s9 =	sand.u32 $0x7C00, s12;
	s15 =	simm.s32 $0x0;
	[sflag:s10] =	ssyncadd.s32 $0xFFFFFF80  }
0x75: {  	[spmem:s3] =	stream.indirect.scatter.add.f32 [tilespmem:s14], [sflag:$0x12], $0x80, s29, s13, $0xb8;
	[tilespmem:$0x1DC80] =	vst v63  }
0x76: {  	s9 =	sadd.s32 s6, s9;
	s10 =	sand.u32 $0x300, s15;
	_ =	swait.ge [sflag:s31], $0x3200  }
0x77: {  	s9 =	sor.u32 s10, s9;
	[sflag:s31] =	ssyncset.done $0x0  }
0x78: {  	s8 =	sadd.s32 s7, s8;
	s9 =	sshrl.u32 s9, $0x3;
	[sflag:s31] =	ssyncadd.s32 $0xFFFFCE00  }
0x79: {  	[tilespmem:s26], [sflag:$0x8] =	stream.linear.gather [hbm4b:s8+s4], $0x80, $0x38;
	[tilespmem:$0x1DC80] =	vst v63  }
0x7a: {  	s11 =	simm.s32 $0x5;
	s10 =	sadd.s32 s21, s9  }
0x7b: {  	[tilespmem:s19], [sflag:$0x3] =	stream.linear.gather [hbm4b:s10+s4], $0x80, $0x38;
	[tilespmem:$0x1DC80] =	vst v63  }
0x7c: {  	_ =	swait.ge [sflag:s11], $0x80  }
0x7d: {  	[sflag:s11] =	ssyncset.done $0x0  }
0x7e: {  	[sflag:s11] =	ssyncadd.s32 $0xFFFFFF80  }
0x7f: {  	[tilespmem:s28], [sflag:$0xE] =	stream.indirect.gather [hbm4b:s5+s13], $0x80, s23, s13, $0xb8;
	[tilespmem:$0x1DC80] =	vst v63  }
0x80: {  	_ =	swait.ge [sflag:s18], $0x3200  }
0x81: {  	[sflag:s18] =	ssyncset.done $0x0  }
0x82: {  	s12 =	simm.s32 $0xA;
	[sflag:s18] =	ssyncadd.s32 $0xFFFFCE00  }
0x83: {  	_ =	swait.ge [sflag:s12], $0x80  }
0x84: {  	s15 =	simm.s32 $0x480;
	[sflag:s12] =	ssyncset.done $0x0  }
0x85: {  	s19 =	sand.u32 $0x7C00, s15;
	s23 =	simm.s32 $0x12;
	[sflag:s12] =	ssyncadd.s32 $0xFFFFFF80  }
0x86: {  	[spmem:s3] =	stream.indirect.scatter.add.f32 [tilespmem:s16], [sflag:$0x10], $0x80, s30, s13, $0xb8;
	[tilespmem:$0x1DC80] =	vst v63  }
0x87: {  	s8 =	sand.u32 $0x380, s15;
	s10 =	sadd.s32 s6, s19;
	_ =	swait.ge [sflag:s23], $0x3200  }
0x88: {  	s8 =	sor.u32 s8, s10;
	[sflag:s23] =	ssyncset.done $0x0  }
0x89: {  	s9 =	sadd.s32 s7, s9;
	s8 =	sshrl.u32 s8, $0x3;
	[sflag:s23] =	ssyncadd.s32 $0xFFFFCE00  }
0x8a: {  	[tilespmem:s29], [sflag:$0x9] =	stream.linear.gather [hbm4b:s9+s4], $0x80, $0x38;
	[tilespmem:$0x1DC80] =	vst v63  }
0x8b: {  	s26 =	sadd.s32 s21, s8  }
0x8c: {  	[tilespmem:s20], [sflag:$0x4] =	stream.linear.gather [hbm4b:s26+s4], $0x80, $0x38;
	[tilespmem:$0x1DC80] =	vst v63  }
0x8d: {  	_ =	swait.ge [sflag:s1], $0x80  }
0x8e: {  	[sflag:s1] =	ssyncset.done $0x0  }
0x8f: {  	[sflag:s1] =	ssyncadd.s32 $0xFFFFFF80  }
0x90: {  	[tilespmem:s14], [sflag:$0xF] =	stream.indirect.gather [hbm4b:s5+s13], $0x80, s25, s13, $0xb8;
	[tilespmem:$0x1DC80] =	vst v63  }
0x91: {  	_ =	swait.ge [sflag:s22], $0x3200  }
0x92: {  	[sflag:s22] =	ssyncset.done $0x0  }
0x93: {  	s29 =	simm.s32 $0xB;
	[sflag:s22] =	ssyncadd.s32 $0xFFFFCE00  }
0x94: {  	p2 =	por $0x0, $0x0;
	_ =	swait.ge [sflag:s29], $0x80  }
0x95: {  	s9 =	simm.s32 @!p2 $0x500;
	[sflag:s29] =	ssyncset.done $0x0  }
0x96: {  	s10 =	sand.u32 @!p2 $0x7C00, s9;
	[sflag:s29] =	ssyncadd.s32 $0xFFFFFF80  }
0x97: {  	[spmem:s3] =	stream.indirect.scatter.add.f32 [tilespmem:s28], [sflag:$0x11], $0x80, s0, s13, $0xb8;
	[tilespmem:$0x1DC80] =	vst v63  }
0x98: {  	s9 =	sand.u32 @!p2 $0x300, s9;
	s10 =	sadd.s32 @!p2 s6, s10;
	_ =	swait.ge [sflag:s24], $0x3200  }
0x99: {  	s9 =	sor.u32 @!p2 s9, s10;
	[sflag:s24] =	ssyncset.done $0x0  }
0x9a: {  	s8 =	sadd.s32 s7, s8;
	s10 =	sshrl.u32 @!p2 s9, $0x3;
	[sflag:s24] =	ssyncadd.s32 $0xFFFFCE00  }
0x9b: {  	[tilespmem:s30], [sflag:$0xA] =	stream.linear.gather [hbm4b:s8+s4], $0x80, $0x38;
	[tilespmem:$0x1DC80] =	vst v63  }
0x9c: {  	s12 =	simm.s32 @!p2 $0x200;
	s9 =	sadd.s32 @!p2 s21, s10;
	s8 =	simm.s32 @!p2 $0x0  }
0x9d: {  	[tilespmem:s12], [sflag:$0x5] =	stream.linear.gather @!p2 [hbm4b:s9+s8], $0x80, $0x38;
	[tilespmem:$0x1DC80] =	vst v63  }
0x9e: {  	_ =	swait.ge [sflag:s2], $0x80  }
0x9f: {  	[sflag:s2] =	ssyncset.done $0x0  }
0xa0: {  	[sflag:s2] =	ssyncadd.s32 $0xFFFFFF80  }
0xa1: {  	[tilespmem:s16], [sflag:$0xD] =	stream.indirect.gather [hbm4b:s5+s13], $0x80, s4, s13, $0xb8;
	[tilespmem:$0x1DC80] =	vst v63  }
0xa2: {  	s9 =	sand.u32 @!p2 $0x7C00, s30;
	_ =	swait.ge [sflag:s17], $0x3200  }
0xa3: {  	s12 =	sand.u32 @!p2 $0x380, s30;
	s9 =	sadd.s32 @!p2 s6, s9;
	[sflag:s17] =	ssyncset.done $0x0  }
0xa4: {  	s30 =	simm.s32 $0xC;
	s12 =	sor.u32 @!p2 s12, s9;
	[sflag:s17] =	ssyncadd.s32 $0xFFFFCE00  }
0xa5: {  	s9 =	simm.s32 $0x880;
	s15 =	sshrl.u32 @!p2 s12, $0x3;
	_ =	swait.ge [sflag:s30], $0x80  }
0xa6: {  	s12 =	sadd.s32 @!p2 s7, s10;
	s15 =	sadd.s32 @!p2 s21, s15;
	[sflag:s30] =	ssyncset.done $0x0  }
.LBB2_2:
0xa7: {  	s1 =	simm.s32 $0xC  }
0xa8: {  	[sflag:s1] =	ssyncadd.s32 $0xFFFFFF80  }
0xa9: {  	s11 =	simm.s32 $0x680;
	s3 =	simm.s32 $0x7000;
	s2 =	rddreg [dreg:$0x2]  }
0xaa: {  	[spmem:s2] =	stream.indirect.scatter.add.f32 [tilespmem:s3], [sflag:$0x12], $0x80, s11, s13, $0xb8;
	[tilespmem:$0x1DC80] =	vst v63  }
0xab: {  	_ =	swait.ge [sflag:s31], $0x3200  }
0xac: {  	[sflag:s31] =	ssyncset.done $0x0  }
0xad: {  	s20 =	simm.s32 @!p2 $0x600;
	[sflag:s31] =	ssyncadd.s32 $0xFFFFCE00  }
0xae: {  	[tilespmem:s20], [sflag:$0xB] =	stream.linear.gather @!p2 [hbm4b:s12+s8], $0x80, $0x38;
	[tilespmem:$0x1DC80] =	vst v63  }
0xaf: {  	s0 =	simm.s32 $0x2;
	s20 =	simm.s32 @!p2 $0x280  }
0xb0: {  	[tilespmem:s20], [sflag:$0x6] =	stream.linear.gather @!p2 [hbm4b:s15+s8], $0x80, $0x38;
	[tilespmem:$0x1DC80] =	vst v63  }
0xb1: {  	s10 =	smov.u32 s9;
	s28 =	simm.s32 $0x3C00;
	_ =	swait.ge [sflag:s0], $0x80  }
0xb2: {  	s26 =	simm.s32 $0x7;
	s19 =	sadd.s32 $0xFFFFFD00, s10;
	[sflag:s0] =	ssyncset.done $0x0  }
0xb3: {  	s16 =	sadd.s32 $0xFFFFFD80, s10;
	s20 =	simm.s32 $0x80;
	[sflag:s0] =	ssyncadd.s32 $0xFFFFFF80  }
0xb4: {  	[tilespmem:s28], [sflag:$0xE] =	stream.indirect.gather [hbm4b:s5+s13], $0x80, s20, s13, $0xb8;
	[tilespmem:$0x1DC80] =	vst v63  }
0xb5: {  	s14 =	sand.u32 $0x7C00, s19;
	s23 =	sand.u32 $0x7C00, s16;
	_ =	swait.ge [sflag:s18], $0x3200  }
0xb6: {  	s25 =	sadd.s32 s6, s23;
	s23 =	simm.s32 $0x400;
	[sflag:s18] =	ssyncset.done $0x0  }
0xb7: {  	s12 =	sadd.s32 s6, s14;
	s15 =	sand.u32 $0x380, s19;
	[sflag:s18] =	ssyncadd.s32 $0xFFFFCE00  }
0xb8: {  	p2 =	seq.s32 s10, $0x580;
	s8 =	sor.u32 s15, s12;
	_ =	swait.ge [sflag:s26], $0x80  }
0xb9: {  	s15 =	sand.u32 $0x300, s16;
	s16 =	simm.s32 $0x800;
	[sflag:s26] =	ssyncset.done $0x0  }
0xba: {  	s12 =	sor.u32 s15, s25;
	s15 =	simm.s32 @!p2 $0x12;
	[sflag:s26] =	ssyncadd.s32 $0xFFFFFF80  }
0xbb: {  	[spmem:s2] =	stream.indirect.scatter.add.f32 [tilespmem:s16], [sflag:$0x10], $0x80, s23, s13, $0xb8;
	[tilespmem:$0x1DC80] =	vst v63  }
0xbc: {  	_ =	swait.ge @!p2 [sflag:s15], $0x3200  }
0xbd: {  	s8 =	sshrl.u32 s8, $0x3;
	[sflag:s15] =	ssyncset.done @!p2 $0x0  }
0xbe: {  	s12 =	sshrl.u32 s12, $0x3;
	s8 =	sadd.s32 s7, s8;
	[sflag:s15] =	ssyncadd.s32 @!p2 $0xFFFFCE00  }
0xbf: {  	[tilespmem:s11], [sflag:$0xC] =	stream.linear.gather [hbm4b:s8+s4], $0x80, $0x38;
	[tilespmem:$0x1DC80] =	vst v63  }
0xc0: {  	s0 =	sadd.s32 s21, s12;
	s8 =	simm.s32 $0x3  }
0xc1: {  	[tilespmem:s4], [sflag:$0x1] =	stream.linear.gather [hbm4b:s0+s4], $0x80, $0x38;
	[tilespmem:$0x1DC80] =	vst v63  }
0xc2: {  	_ =	swait.ge [sflag:s8], $0x80  }
0xc3: {  	[sflag:s8] =	ssyncset.done $0x0  }
0xc4: {  	s19 =	simm.s32 $0x100;
	[sflag:s8] =	ssyncadd.s32 $0xFFFFFF80  }
0xc5: {  	[tilespmem:s3], [sflag:$0xF] =	stream.indirect.gather [hbm4b:s5+s13], $0x80, s19, s13, $0xb8;
	[tilespmem:$0x1DC80] =	vst v63  }
0xc6: {  	_ =	swait.ge [sflag:s22], $0x3200  }
0xc7: {  	[sflag:s22] =	ssyncset.done $0x0  }
0xc8: {  	s26 =	simm.s32 $0x8;
	[sflag:s22] =	ssyncadd.s32 $0xFFFFCE00  }
0xc9: {  	s11 =	sadd.s32 $0xFFFFFE00, s10;
	_ =	swait.ge [sflag:s26], $0x80  }
0xca: {  	s25 =	sand.u32 $0x7C00, s11;
	[sflag:s26] =	ssyncset.done $0x0  }
0xcb: {  	s15 =	sadd.s32 s6, s25;
	s25 =	simm.s32 $0x480;
	[sflag:s26] =	ssyncadd.s32 $0xFFFFFF80  }
0xcc: {  	[spmem:s2] =	stream.indirect.scatter.add.f32 [tilespmem:s28], [sflag:$0x11], $0x80, s25, s13, $0xb8;
	[tilespmem:$0x1DC80] =	vst v63  }
0xcd: {  	s8 =	sand.u32 $0x380, s11;
	_ =	swait.ge [sflag:s24], $0x3200  }
0xce: {  	s8 =	sor.u32 s8, s15;
	[sflag:s24] =	ssyncset.done $0x0  }
0xcf: {  	s12 =	sadd.s32 s7, s12;
	s8 =	sshrl.u32 s8, $0x3;
	[sflag:s24] =	ssyncadd.s32 $0xFFFFCE00  }
0xd0: {  	[tilespmem:s23], [sflag:$0x7] =	stream.linear.gather [hbm4b:s12+s4], $0x80, $0x38;
	[tilespmem:$0x1DC80] =	vst v63  }
0xd1: {  	s0 =	sadd.s32 s21, s8  }
0xd2: {  	[tilespmem:s20], [sflag:$0x2] =	stream.linear.gather [hbm4b:s0+s4], $0x80, $0x38;
	[tilespmem:$0x1DC80] =	vst v63  }
0xd3: {  	s20 =	simm.s32 $0x4  }
0xd4: {  	_ =	swait.ge [sflag:s20], $0x80  }
0xd5: {  	[sflag:s20] =	ssyncset.done $0x0  }
0xd6: {  	[sflag:s20] =	ssyncadd.s32 $0xFFFFFF80;
	s20 =	simm.s32 $0x180  }
0xd7: {  	[tilespmem:s16], [sflag:$0xD] =	stream.indirect.gather [hbm4b:s5+s13], $0x80, s20, s13, $0xb8;
	[tilespmem:$0x1DC80] =	vst v63  }
0xd8: {  	_ =	swait.ge [sflag:s17], $0x3200  }
0xd9: {  	s26 =	sadd.s32 $0xFFFFFE80, s10;
	[sflag:s17] =	ssyncset.done $0x0  }
0xda: {  	s12 =	sand.u32 $0x7C00, s26;
	s26 =	simm.s32 $0x9;
	[sflag:s17] =	ssyncadd.s32 $0xFFFFCE00  }
0xdb: {  	_ =	swait.ge [sflag:s26], $0x80  }
0xdc: {  	[sflag:s26] =	ssyncset.done $0x0  }
0xdd: {  	s30 =	simm.s32 $0x500;
	s0 =	sadd.s32 $0xFFFFFA80, s10;
	[sflag:s26] =	ssyncadd.s32 $0xFFFFFF80  }
0xde: {  	[spmem:s2] =	stream.indirect.scatter.add.f32 [tilespmem:s3], [sflag:$0x12], $0x80, s30, s13, $0xb8;
	[tilespmem:$0x1DC80] =	vst v63  }
0xdf: {  	s12 =	sadd.s32 s6, s12;
	s15 =	sand.u32 $0x300, s0;
	_ =	swait.ge [sflag:s31], $0x3200  }
0xe0: {  	s12 =	sor.u32 s15, s12;
	[sflag:s31] =	ssyncset.done $0x0  }
0xe1: {  	s8 =	sadd.s32 s7, s8;
	s12 =	sshrl.u32 s12, $0x3;
	[sflag:s31] =	ssyncadd.s32 $0xFFFFCE00  }
0xe2: {  	[tilespmem:s25], [sflag:$0x8] =	stream.linear.gather [hbm4b:s8+s4], $0x80, $0x38;
	[tilespmem:$0x1DC80] =	vst v63  }
0xe3: {  	s0 =	sadd.s32 s21, s12;
	s8 =	simm.s32 $0x5  }
0xe4: {  	[tilespmem:s19], [sflag:$0x3] =	stream.linear.gather [hbm4b:s0+s4], $0x80, $0x38;
	[tilespmem:$0x1DC80] =	vst v63  }
0xe5: {  	_ =	swait.ge [sflag:s8], $0x80  }
0xe6: {  	[sflag:s8] =	ssyncset.done $0x0  }
0xe7: {  	s15 =	simm.s32 $0x200;
	[sflag:s8] =	ssyncadd.s32 $0xFFFFFF80  }
0xe8: {  	[tilespmem:s28], [sflag:$0xE] =	stream.indirect.gather [hbm4b:s5+s13], $0x80, s15, s13, $0xb8;
	[tilespmem:$0x1DC80] =	vst v63  }
0xe9: {  	s19 =	sadd.s32 $0xFFFFFF00, s10;
	_ =	swait.ge [sflag:s18], $0x3200  }
0xea: {  	s0 =	sand.u32 $0x7C00, s19;
	[sflag:s18] =	ssyncset.done $0x0  }
0xeb: {  	s8 =	sand.u32 $0x380, s19;
	s19 =	simm.s32 $0xA;
	[sflag:s18] =	ssyncadd.s32 $0xFFFFCE00  }
0xec: {  	_ =	swait.ge [sflag:s19], $0x80  }
0xed: {  	s15 =	sadd.s32 s6, s0;
	[sflag:s19] =	ssyncset.done $0x0  }
0xee: {  	s0 =	simm.s32 $0x580;
	[sflag:s19] =	ssyncadd.s32 $0xFFFFFF80;
	s19 =	simm.s32 $0x12  }
0xef: {  	[spmem:s2] =	stream.indirect.scatter.add.f32 [tilespmem:s16], [sflag:$0x10], $0x80, s0, s13, $0xb8;
	[tilespmem:$0x1DC80] =	vst v63  }
0xf0: {  	_ =	swait.ge [sflag:s19], $0x3200  }
0xf1: {  	s8 =	sor.u32 s8, s15;
	[sflag:s19] =	ssyncset.done $0x0  }
0xf2: {  	s12 =	sadd.s32 s7, s12;
	s8 =	sshrl.u32 s8, $0x3;
	[sflag:s19] =	ssyncadd.s32 $0xFFFFCE00  }
0xf3: {  	[tilespmem:s30], [sflag:$0x9] =	stream.linear.gather [hbm4b:s12+s4], $0x80, $0x38;
	[tilespmem:$0x1DC80] =	vst v63  }
0xf4: {  	s15 =	simm.s32 $0x6;
	s19 =	sadd.s32 s21, s8  }
0xf5: {  	[tilespmem:s20], [sflag:$0x4] =	stream.linear.gather [hbm4b:s19+s4], $0x80, $0x38;
	[tilespmem:$0x1DC80] =	vst v63  }
0xf6: {  	_ =	swait.ge [sflag:s15], $0x80  }
0xf7: {  	[sflag:s15] =	ssyncset.done $0x0  }
0xf8: {  	s19 =	simm.s32 $0x280;
	[sflag:s15] =	ssyncadd.s32 $0xFFFFFF80  }
0xf9: {  	[tilespmem:s3], [sflag:$0xF] =	stream.indirect.gather [hbm4b:s5+s13], $0x80, s19, s13, $0xb8;
	[tilespmem:$0x1DC80] =	vst v63  }
0xfa: {  	_ =	swait.ge [sflag:s22], $0x3200  }
0xfb: {  	p2 =	seq.s32 s10, $0x3280;
	[sflag:s22] =	ssyncset.done $0x0  }
0xfc: {  	s12 =	sadd.s32 @!p2 $0xFFFFFF80, s10;
	s20 =	simm.s32 $0xB;
	[sflag:s22] =	ssyncadd.s32 $0xFFFFCE00  }
0xfd: {  	s19 =	sand.u32 @!p2 $0x7C00, s12;
	_ =	swait.ge [sflag:s20], $0x80  }
0xfe: {  	s12 =	sand.u32 @!p2 $0x300, s12;
	s19 =	sadd.s32 @!p2 s6, s19;
	[sflag:s20] =	ssyncset.done $0x0  }
0xff: {  	s12 =	sor.u32 @!p2 s12, s19;
	s19 =	simm.s32 $0x600;
	[sflag:s20] =	ssyncadd.s32 $0xFFFFFF80  }
0x100: {  	[spmem:s2] =	stream.indirect.scatter.add.f32 [tilespmem:s28], [sflag:$0x11], $0x80, s19, s13, $0xb8;
	[tilespmem:$0x1DC80] =	vst v63  }
0x101: {  	_ =	swait.ge [sflag:s24], $0x3200  }
0x102: {  	s9 =	sadd.s32 $0x300, s9;
	[sflag:s24] =	ssyncset.done $0x0  }
0x103: {  	s8 =	sadd.s32 s7, s8;
	s12 =	sshrl.u32 @!p2 s12, $0x3;
	[sflag:s24] =	ssyncadd.s32 $0xFFFFCE00  }
0x104: {  	[tilespmem:s0], [sflag:$0xA] =	stream.linear.gather [hbm4b:s8+s4], $0x80, $0x38;
	[tilespmem:$0x1DC80] =	vst v63  }
0x105: {  	s20 =	simm.s32 @!p2 $0x200;
	s19 =	sadd.s32 @!p2 s21, s12;
	s8 =	simm.s32 @!p2 $0x0  }
0x106: {  	[tilespmem:s20], [sflag:$0x5] =	stream.linear.gather @!p2 [hbm4b:s19+s8], $0x80, $0x38;
	[tilespmem:$0x1DC80] =	vst v63  }
0x107: {  	s29 =	simm.s32 $0x500;
	p1 =	sne.s32 s9, $0x3580;
	s20 =	simm.s32 $0x1  }
0x108: {  	s14 =	simm.s32 $0x680;
	s11 =	simm.s32 $0x400;
	_ =	swait.ge [sflag:s20], $0x80  }
0x109: {  	s23 =	simm.s32 $0x80;
	s26 =	simm.s32 $0x480;
	[sflag:s20] =	ssyncset.done $0x0  }
0x10a: {  	s15 =	sand.u32 @!p2 $0x7C00, s10;
	s10 =	sand.u32 @!p2 $0x380, s10;
	[sflag:s20] =	ssyncadd.s32 $0xFFFFFF80  }
0x10b: {  	[tilespmem:s16], [sflag:$0xD] =	stream.indirect.gather [hbm4b:s5+s13], $0x80, s4, s13, $0xb8;
	[tilespmem:$0x1DC80] =	vst v63  }
.Ltmp0:
0x10c: {  	s15 =	sadd.s32 @!p2 s6, s15;
	_ =	swait.ge [sflag:s17], $0x3200;
	(pc) =	sbr.rel @p1 .LBB2_2-.Ltmp0, $4  }
0x10d: {  	s25 =	simm.s32 $0x100;
	s10 =	sor.u32 @!p2 s10, s15;
	[sflag:s17] =	ssyncset.done $0x0  }
0x10e: {  	s30 =	simm.s32 $0x180;
	s10 =	sshrl.u32 @!p2 s10, $0x3;
	[sflag:s17] =	ssyncadd.s32 $0xFFFFCE00  }
0x10f: {  	s15 =	sadd.s32 @!p2 s21, s10;
	s12 =	sadd.s32 @!p2 s7, s12;
	_ =	swait.ge [sflag:s1], $0x80  }
0x110: {  	s28 =	simm.s32 $0x580;
	s0 =	simm.s32 $0xC;
	[sflag:s1] =	ssyncset.done $0x0  }
0x111: {  	[sflag:s0] =	ssyncadd.s32 $0xFFFFFF80  }
0x112: {  	s10 =	simm.s32 $0x7000;
	s1 =	rddreg [dreg:$0x2]  }
0x113: {  	[spmem:s1] =	stream.indirect.scatter.add.f32 [tilespmem:s10], [sflag:$0x12], $0x80, s14, s13, $0xb8;
	[tilespmem:$0x1DC80] =	vst v63  }
0x114: {  	_ =	swait.ge [sflag:s31], $0x3200  }
0x115: {  	[sflag:s31] =	ssyncset.done $0x0  }
0x116: {  	s9 =	simm.s32 @!p2 $0x600;
	[sflag:s31] =	ssyncadd.s32 $0xFFFFCE00  }
0x117: {  	[tilespmem:s9], [sflag:$0xB] =	stream.linear.gather @!p2 [hbm4b:s12+s8], $0x80, $0x38;
	[tilespmem:$0x1DC80] =	vst v63  }
0x118: {  	s9 =	simm.s32 @!p2 $0x280  }
0x119: {  	[tilespmem:s9], [sflag:$0x6] =	stream.linear.gather @!p2 [hbm4b:s15+s8], $0x80, $0x38;
	[tilespmem:$0x1DC80] =	vst v63  }
0x11a: {  	s9 =	simm.s32 $0x2  }
0x11b: {  	_ =	swait.ge [sflag:s9], $0x80  }
0x11c: {  	[sflag:s9] =	ssyncset.done $0x0  }
0x11d: {  	s2 =	simm.s32 $0x3C00;
	[sflag:s9] =	ssyncadd.s32 $0xFFFFFF80  }
0x11e: {  	[tilespmem:s2], [sflag:$0xE] =	stream.indirect.gather [hbm4b:s5+s13], $0x80, s23, s13, $0xb8;
	[tilespmem:$0x1DC80] =	vst v63  }
0x11f: {  	_ =	swait.ge [sflag:s18], $0x3200  }
0x120: {  	[sflag:s18] =	ssyncset.done $0x0  }
0x121: {  	s12 =	simm.s32 $0x7;
	[sflag:s18] =	ssyncadd.s32 $0xFFFFCE00  }
0x122: {  	_ =	swait.ge [sflag:s12], $0x80  }
0x123: {  	[sflag:s12] =	ssyncset.done $0x0  }
0x124: {  	s16 =	simm.s32 $0x12;
	s15 =	simm.s32 $0x800;
	[sflag:s12] =	ssyncadd.s32 $0xFFFFFF80  }
0x125: {  	[spmem:s1] =	stream.indirect.scatter.add.f32 [tilespmem:s15], [sflag:$0x10], $0x80, s11, s13, $0xb8;
	[tilespmem:$0x1DC80] =	vst v63  }
0x126: {  	_ =	swait.ge [sflag:s16], $0x3200  }
0x127: {  	[sflag:s16] =	ssyncset.done $0x0  }
0x128: {  	s19 =	simm.s32 $0x3;
	[sflag:s16] =	ssyncadd.s32 $0xFFFFCE00  }
0x129: {  	_ =	swait.ge [sflag:s19], $0x80  }
0x12a: {  	[sflag:s19] =	ssyncset.done $0x0  }
0x12b: {  	[sflag:s19] =	ssyncadd.s32 $0xFFFFFF80  }
0x12c: {  	[tilespmem:s10], [sflag:$0xF] =	stream.indirect.gather [hbm4b:s5+s13], $0x80, s25, s13, $0xb8;
	[tilespmem:$0x1DC80] =	vst v63  }
0x12d: {  	_ =	swait.ge [sflag:s22], $0x3200  }
0x12e: {  	[sflag:s22] =	ssyncset.done $0x0  }
0x12f: {  	s20 =	simm.s32 $0x8;
	[sflag:s22] =	ssyncadd.s32 $0xFFFFCE00  }
0x130: {  	_ =	swait.ge [sflag:s20], $0x80  }
0x131: {  	[sflag:s20] =	ssyncset.done $0x0  }
0x132: {  	[sflag:s20] =	ssyncadd.s32 $0xFFFFFF80  }
0x133: {  	[spmem:s1] =	stream.indirect.scatter.add.f32 [tilespmem:s2], [sflag:$0x11], $0x80, s26, s13, $0xb8;
	[tilespmem:$0x1DC80] =	vst v63  }
0x134: {  	_ =	swait.ge [sflag:s24], $0x3200  }
0x135: {  	[sflag:s24] =	ssyncset.done $0x0  }
0x136: {  	s23 =	simm.s32 $0x4;
	[sflag:s24] =	ssyncadd.s32 $0xFFFFCE00  }
0x137: {  	_ =	swait.ge [sflag:s23], $0x80  }
0x138: {  	[sflag:s23] =	ssyncset.done $0x0  }
0x139: {  	[sflag:s23] =	ssyncadd.s32 $0xFFFFFF80  }
0x13a: {  	[tilespmem:s15], [sflag:$0xD] =	stream.indirect.gather [hbm4b:s5+s13], $0x80, s30, s13, $0xb8;
	[tilespmem:$0x1DC80] =	vst v63  }
0x13b: {  	_ =	swait.ge [sflag:s17], $0x3200  }
0x13c: {  	[sflag:s17] =	ssyncset.done $0x0  }
0x13d: {  	s25 =	simm.s32 $0x9;
	[sflag:s17] =	ssyncadd.s32 $0xFFFFCE00  }
0x13e: {  	_ =	swait.ge [sflag:s25], $0x80  }
0x13f: {  	[sflag:s25] =	ssyncset.done $0x0  }
0x140: {  	[sflag:s25] =	ssyncadd.s32 $0xFFFFFF80  }
0x141: {  	[spmem:s1] =	stream.indirect.scatter.add.f32 [tilespmem:s10], [sflag:$0x12], $0x80, s29, s13, $0xb8;
	[tilespmem:$0x1DC80] =	vst v63  }
0x142: {  	_ =	swait.ge [sflag:s31], $0x3200  }
0x143: {  	[sflag:s31] =	ssyncset.done $0x0  }
0x144: {  	[sflag:s31] =	ssyncadd.s32 $0xFFFFCE00  }
0x145: {  	_ =	swait.ge [sflag:s18], $0x3200  }
0x146: {  	[sflag:s18] =	ssyncset.done $0x0  }
0x147: {  	s26 =	simm.s32 $0xA;
	[sflag:s18] =	ssyncadd.s32 $0xFFFFCE00  }
0x148: {  	_ =	swait.ge [sflag:s26], $0x80  }
0x149: {  	[sflag:s26] =	ssyncset.done $0x0  }
0x14a: {  	[sflag:s26] =	ssyncadd.s32 $0xFFFFFF80  }
0x14b: {  	[spmem:s1] =	stream.indirect.scatter.add.f32 [tilespmem:s15], [sflag:$0x10], $0x80, s28, s13, $0xb8;
	[tilespmem:$0x1DC80] =	vst v63  }
0x14c: {  	_ =	swait.ge [sflag:s16], $0x3200  }
0x14d: {  	[sflag:s16] =	ssyncset.done $0x0  }
0x14e: {  	[sflag:s16] =	ssyncadd.s32 $0xFFFFCE00  }
0x14f: {  	_ =	swait.ge [sflag:s24], $0x3200  }
0x150: {  	[sflag:s24] =	ssyncset.done $0x0  }
0x151: {  	[sflag:s24] =	ssyncadd.s32 $0xFFFFCE00  }
0x152: {  	[bflag:$0x0] =	sbarrier.arrive $0xFFFF  }
0x153: {  	s28 =	rddreg [dreg:$0x11]  }
0x154: {  	s0 =	rddreg [dreg:$0x17]  }
0x155: {  	s10 =	simm.s32 $0x13;
	s29 =	rddreg [dreg:$0x18]  }
0x156: {  	[hbm:s28], [sflag:s0] =	dma.local [spmem:s29], $0x2700  }
0x157: {  	_ =	swait.ge [sflag:s10], $0x2700  }
0x158: {  	[sflag:s10] =	ssyncset.done $0x0;
	s8 =	rddreg [dreg:$0x14]  }
0x159: {  	s1 =	rddreg [dreg:$0x19];
	[sflag:s10] =	ssyncadd.s32 $0xFFFFD900  }
0x15a: {  	[hbm:s8], [sflag:s0] =	dma.local @!p0 [spmem:s1], $0x100  }
0x15b: {  	s8 =	simm.s32 @!p0 $0x13  }
0x15c: {  	_ =	swait.ge @!p0 [sflag:s8], $0x100  }
0x15d: {  	s3 =	rddreg [dreg:$0x16]  }
0x15e: {  	s30 =	rddreg [dreg:$0x15];
	s3 =	sadd.s32 $0x1, s3  }
0x15f: {  	p1 =	sne.s32 s3, s30  }
.Ltmp1:
0x160: {  	_ = 	snop;
	(pc) =	sbr.rel @p1 .LBB2_1-.Ltmp1, $4  }
0x161: {  	_ = 	snop  }
0x162: {  	s2 =	simm.s32 $0x1  }
0x163: {  	s23 =	simm.s32 $0x200;
	s25 =	simm.s32 $0x280;
	[sflag:s8] =	ssyncset.done @!p0 $0x0  }
0x164: {  	s0 =	simm.s32 $0x600;
	s1 =	simm.s32 $0x6;
	[sflag:s8] =	ssyncadd.s32 @!p0 $0xFFFFFF00  }
0x165: {  	_ =	sfence.sel $0x180000  }
0x166: {  	[bflag:$0x0] =	sbarrier.arrive $0xFFFF  }
0x167: {  	_ =	strace $0x9000004A  }
0x168: {  	s0 =	stileid.u32;
	[bflag:$0x2] =	sbarrier.arrive $0xFFFF  }
0x169: {  	p0 =	sne.s32 s0, $0x0;
	s0 =	rddreg [dreg:$0x3]  }
0x16a: {  	s0 =	sadd.s32 @!p0 $0x100000, s0  }
0x16b: {  	[sflag:s0] =	ssyncadd.tile.s32 @!p0 $0x1;
	_ =	shalt  }
.Lfunc_end2:
_tile_overlayer_lowered:
.L_overlay_start_2:
0x16c: {  	(tag) =	ssettag $0x2  }
0x16d: {  	s0 =	rddreg [dreg:$0x0];
	s2 =	stileid.u32  }
0x16e: {  	s1 =	rddreg [dreg:$0x1];
	p0 =	sne.s32 s2, $0x0  }
0x16f: {  	s3 =	rddreg [dreg:$0x2];
	[bflag:$0x3] =	sbarrier.arrive $0xFFFF;
	s2 =	simm.s32 @!p0 $0x1C13  }
0x170: {  	[timem:s3], [sflag:s2] =	dma.local @!p0 [hbm:s0], s1  }
0x171: {  	s0 =	simm.s32 @!p0 $0x13  }
0x172: {  	_ =	swait.ge @!p0 [sflag:s0], s1  }
0x173: {  	s1 =	ssub.s32 @!p0 $0x0, s1;
	[sflag:s0] =	ssyncset.done @!p0 $0x0  }
0x174: {  	[sflag:s0] =	ssyncadd.s32 @!p0 s1  }
0x175: {  	[bflag:$0x3] =	sbarrier.arrive $0xFFFF  }
0x176: {  	_ =	shalt  }

</sc_bundles>
